<compile_context>
chip_gen: v7x
topology: tpu7x:2x2x1
jax: 0.10.2.dev20260603
libtpu: 0.0.44.dev20260713+nightly
codegen_flags: <defaults>
</compile_context>

<pallas_src>
import functools

import jax
import jax.numpy as jnp
import numpy as np
from jax import lax
from jax.experimental import pallas as pl
from jax.experimental.pallas import tpu as pltpu
from jax.experimental.pallas import tpu_sc as plsc

N = 50000
E = 800000
HID = 64
H = 4
DK = 16
NC = 2
NS = 16
NW = NC * NS

C = 128
NCHUNK = E // C
GITER = (NCHUNK + NW - 1) // NW
SITER = (NCHUNK + NS - 1) // NS
CS = 64
NCHS = E // CS
KS = 3
SITER_S = (NCHS + NS - 1) // NS
SSTEP = (SITER_S + KS - 1) // KS
NZ = 4
ZR = 12512
NACC = NZ * ZR
TROWS = 12544
ZITER = TROWS // C // NS + 1
WITER = ZR // C // NS + 1



def _encode_body(x0, we, be, wa, ba, wq, bq, wkv, bkv, x_out, q_out, kv_out):
    h = jnp.maximum(x0[...] @ we[...] + be[...], 0.0)
    x = jnp.tanh(h @ wa[...] + ba[...])
    x_out[...] = x
    q_out[...] = x @ wq[...] + bq[...]
    kv_out[...] = x @ wkv[...] + bkv[...]


def _edge_body(gq, gkv, sp, b8, w_out):
    qk = gq[:, :64] * gkv[:, :64]
    att = jnp.minimum(qk @ sp[...], 75.0)
    e8 = jnp.exp(att)
    vext = jnp.concatenate(
        [gkv[:, 64:], jnp.ones((gkv.shape[0], 64), jnp.float32)], axis=1)
    w_out[...] = (e8 @ b8[...]) * vext


def _post_body(acc, x, b4, wa, ba, oma, g, b, x_out):
    rec4 = 1.0 / (acc[:, 64:68] + 1e-16)
    rec8 = jnp.concatenate(
        [rec4, jnp.zeros((acc.shape[0], 4), jnp.float32)], axis=1)
    aggr = acc[:, :64] * (rec8 @ b4[...])
    out = jax.nn.gelu(aggr)
    res = out @ wa[...] + ba[...] + x[...] * oma[...]
    mu = jnp.mean(res, axis=-1, keepdims=True)
    var = jnp.mean((res - mu) ** 2, axis=-1, keepdims=True)
    x_out[...] = (res - mu) / jnp.sqrt(var + 1e-5) * g[...] + b[...]


def _post_qkv_body(acc, x, b4, wa, ba, oma, g, b, wq, bq, wkv, bkv,
                   x_out, q_out, kv_out):
    rec4 = 1.0 / (acc[:, 64:68] + 1e-16)
    rec8 = jnp.concatenate(
        [rec4, jnp.zeros((acc.shape[0], 4), jnp.float32)], axis=1)
    aggr = acc[:, :64] * (rec8 @ b4[...])
    out = jax.nn.gelu(aggr)
    res = out @ wa[...] + ba[...] + x[...] * oma[...]
    mu = jnp.mean(res, axis=-1, keepdims=True)
    var = jnp.mean((res - mu) ** 2, axis=-1, keepdims=True)
    y = (res - mu) / jnp.sqrt(var + 1e-5) * g[...] + b[...]
    x_out[...] = y
    q_out[...] = y @ wq[...] + bq[...]
    kv_out[...] = y @ wkv[...] + bkv[...]


def _row_spec(bs, w):
    return pl.BlockSpec((bs, w), lambda i: (i, 0))


def _full_spec(r, c):
    return pl.BlockSpec((r, c), lambda i: (0, 0))


def _encode_call(x0, we, be, wa, ba, wq, bq, wkv, bkv):
    bs = 2000
    return pl.pallas_call(
        _encode_body,
        grid=(N // bs,),
        in_specs=[_row_spec(bs, 128), _full_spec(128, 256), _full_spec(1, 256),
                  _full_spec(256, 64), _full_spec(1, 64), _full_spec(64, 128),
                  _full_spec(1, 128), _full_spec(64, 128), _full_spec(1, 128)],
        out_specs=(_row_spec(bs, 64), _row_spec(bs, 128), _row_spec(bs, 128)),
        out_shape=(jax.ShapeDtypeStruct((N, 64), jnp.float32),
                   jax.ShapeDtypeStruct((N, 128), jnp.float32),
                   jax.ShapeDtypeStruct((N, 128), jnp.float32)),
    )(x0, we, be, wa, ba, wq, bq, wkv, bkv)


def _edge_call(gq, gkv, sp, b8):
    bs = 4000
    return pl.pallas_call(
        _edge_body,
        grid=(E // bs,),
        in_specs=[_row_spec(bs, 128), _row_spec(bs, 128), _full_spec(64, 8),
                  _full_spec(8, 128)],
        out_specs=_row_spec(bs, 128),
        out_shape=jax.ShapeDtypeStruct((E, 128), jnp.float32),
    )(gq, gkv, sp, b8)


def _post_call(acc, x, b4, wa, ba, oma, g, b):
    bs = 2000
    return pl.pallas_call(
        _post_body,
        grid=(N // bs,),
        in_specs=[_row_spec(bs, 128), _row_spec(bs, 64), _full_spec(8, 64),
                  _full_spec(64, 64), _full_spec(1, 64), _full_spec(1, 64),
                  _full_spec(1, 64), _full_spec(1, 64)],
        out_specs=_row_spec(bs, 64),
        out_shape=jax.ShapeDtypeStruct((N, 64), jnp.float32),
    )(acc, x, b4, wa, ba, oma, g, b)


def _post_qkv_call(acc, x, b4, wa, ba, oma, g, b, wq, bq, wkv, bkv):
    bs = 2000
    return pl.pallas_call(
        _post_qkv_body,
        grid=(N // bs,),
        in_specs=[_row_spec(bs, 128), _row_spec(bs, 64), _full_spec(8, 64),
                  _full_spec(64, 64), _full_spec(1, 64), _full_spec(1, 64),
                  _full_spec(1, 64), _full_spec(1, 64), _full_spec(64, 128),
                  _full_spec(1, 128), _full_spec(64, 128), _full_spec(1, 128)],
        out_specs=(_row_spec(bs, 64), _row_spec(bs, 128), _row_spec(bs, 128)),
        out_shape=(jax.ShapeDtypeStruct((N, 64), jnp.float32),
                   jax.ShapeDtypeStruct((N, 128), jnp.float32),
                   jax.ShapeDtypeStruct((N, 128), jnp.float32)),
    )(acc, x, b4, wa, ba, oma, g, b, wq, bq, wkv, bkv)



_MESH = plsc.VectorSubcoreMesh(
    core_axis_name="c", subcore_axis_name="s", num_cores=NC, num_subcores=NS)


KG = 3
GSTEP = (GITER + KG - 1) // KG


@functools.partial(
    pl.kernel,
    out_type=(jax.ShapeDtypeStruct((E, 128), jnp.float32),
              jax.ShapeDtypeStruct((E, 128), jnp.float32)),
    mesh=_MESH,
    scratch_types=[
        [pltpu.VMEM((C,), jnp.int32)] * KG,
        [pltpu.VMEM((C,), jnp.int32)] * KG,
        [pltpu.VMEM((C, 128), jnp.float32)] * KG,
        [pltpu.VMEM((C, 128), jnp.float32)] * KG,
        [pltpu.SemaphoreType.DMA] * KG,
        [pltpu.SemaphoreType.DMA] * KG,
        [pltpu.SemaphoreType.DMA] * KG,
    ],
)
def _gather_kernel(qtab, kvtab, src, dst, gq_out, gkv_out,
                   dsti, srci, qrows, kvrows, semi, semq, semk):
    wid = lax.axis_index("s") * NC + lax.axis_index("c")

    def body(s, carry):
        cids = [(s * KG + b) * NW + wid for b in range(KG)]
        for b in range(KG):
            @pl.when(cids[b] < NCHUNK)
            def _(b=b):
                off = cids[b] * C
                pltpu.async_copy(dst.at[pl.ds(off, C)], dsti[b], semi[b])
                pltpu.async_copy(src.at[pl.ds(off, C)], srci[b], semi[b])
        for b in range(KG):
            @pl.when(cids[b] < NCHUNK)
            def _(b=b):
                off = cids[b] * C
                pltpu.make_async_copy(dst.at[pl.ds(off, C)], dsti[b],
                                      semi[b]).wait()
                pltpu.make_async_copy(src.at[pl.ds(off, C)], srci[b],
                                      semi[b]).wait()
                pltpu.async_copy(qtab.at[dsti[b]], qrows[b], semq[b])
                pltpu.async_copy(kvtab.at[srci[b]], kvrows[b], semk[b])
        for b in range(KG):
            @pl.when(cids[b] < NCHUNK)
            def _(b=b):
                off = cids[b] * C
                pltpu.make_async_copy(qtab.at[dsti[b]], qrows[b],
                                      semq[b]).wait()
                pltpu.make_async_copy(kvtab.at[srci[b]], kvrows[b],
                                      semk[b]).wait()
                pltpu.sync_copy(qrows[b], gq_out.at[pl.ds(off, C)])
                pltpu.sync_copy(kvrows[b], gkv_out.at[pl.ds(off, C)])

        return carry

    lax.fori_loop(0, GSTEP, body, 0)


@functools.partial(
    pl.kernel,
    out_type=jax.ShapeDtypeStruct((NACC, 128), jnp.float32),
    mesh=_MESH,
    scratch_types=[
        pltpu.VMEM((C,), jnp.int32),
        pltpu.VMEM((C,), jnp.int32),
        pltpu.VMEM((C, 128), jnp.float32),
        pltpu.VMEM_SHARED((TROWS, 128), jnp.float32),
        pltpu.SemaphoreType.DMA,
    ],
)
def _scatter_kernel(wmsg, dst, zin, acc_out, dsti, idxb, wrows, table, semw):
    cidx = lax.axis_index("c")
    tid = lax.axis_index("s")

    for zi in range(NZ // NC):
        zone = cidx * (NZ // NC) + zi
        base_n = zone * ZR

        pltpu.sync_copy(zin, wrows)

        def zbody(j, carry):
            rcid = j * NS + tid

            @pl.when(rcid < TROWS // C)
            def _():
                pltpu.sync_copy(wrows, table.at[pl.ds(rcid * C, C)])

            return carry

        lax.fori_loop(0, ZITER, zbody, 0)
        plsc.subcore_barrier()

        def sbody(i, carry):
            cid = i * NS + tid

            @pl.when(cid < NCHUNK)
            def _():
                off = cid * C
                pltpu.async_copy(wmsg.at[pl.ds(off, C)], wrows, semw)
                pltpu.sync_copy(dst.at[pl.ds(off, C)], dsti)
                for kk in range(C // 16):
                    v = dsti[pl.ds(kk * 16, 16)]
                    rel = v - base_n
                    valid = (rel >= 0) & (rel < ZR)
                    idxb[pl.ds(kk * 16, 16)] = jnp.where(valid, rel, ZR)
                pltpu.make_async_copy(wmsg.at[pl.ds(off, C)], wrows,
                                      semw).wait()
                pltpu.sync_copy(wrows, table.at[idxb], add=True)

            return carry

        lax.fori_loop(0, SITER, sbody, 0)
        plsc.subcore_barrier()

        def wbody(j, carry):
            rcid = j * NS + tid

            @pl.when(rcid < ZR // C)
            def _():
                r = rcid * C
                pltpu.sync_copy(table.at[pl.ds(r, C)], wrows)
                pltpu.sync_copy(wrows, acc_out.at[pl.ds(base_n + r, C)])

            return carry

        lax.fori_loop(0, WITER, wbody, 0)

        tail = ZR - (ZR // C) * C
        if tail:
            @pl.when(tid == 0)
            def _():
                r = (ZR // C) * C
                pltpu.sync_copy(table.at[pl.ds(r, tail)],
                                wrows.at[pl.ds(0, tail)])
                pltpu.sync_copy(wrows.at[pl.ds(0, tail)],
                                acc_out.at[pl.ds(base_n + r, tail)])

        plsc.subcore_barrier()



def kernel(node_feature, node_type, edge_index, edge_type, W_emb, b_emb,
           W_ad, b_ad, Wq, bq, Wk, bk, Wv, bv, Wa, ba, rel_att, rel_msg,
           rel_pri, skip, ln_g, ln_b):
    f32 = jnp.float32
    x0 = node_feature[0]
    src = edge_index[0]
    dst = edge_index[1]

    b8 = np.zeros((8, 128), np.float32)
    b4 = np.zeros((8, 64), np.float32)
    for h in range(4):
        b8[h, h * 16:(h + 1) * 16] = 1.0
        b8[h, 64 + h] = 1.0
        b4[h, h * 16:(h + 1) * 16] = 1.0
    b8 = jnp.asarray(b8)
    b4 = jnp.asarray(b4)
    seg = (np.arange(64)[:, None] // 16 == np.arange(8)[None, :]).astype(
        np.float32)
    seg = jnp.asarray(seg)

    def fold(l):
        wkr = jnp.einsum('chd,hdf->chf', Wk[l].reshape(64, H, DK),
                         rel_att[l]).reshape(64, 64)
        bkr = jnp.einsum('hd,hdf->hf', bk[l].reshape(H, DK),
                         rel_att[l]).reshape(1, 64)
        wvr = jnp.einsum('chd,hdf->chf', Wv[l].reshape(64, H, DK),
                         rel_msg[l]).reshape(64, 64)
        bvr = jnp.einsum('hd,hdf->hf', bv[l].reshape(H, DK),
                         rel_msg[l]).reshape(1, 64)
        wkv = jnp.concatenate([wkr, wvr], axis=1)
        bkv = jnp.concatenate([bkr, bvr], axis=1)
        sp = seg * jnp.pad(rel_pri[l], (0, 4))[None, :] * 0.25
        alpha = jax.nn.sigmoid(skip[l])
        return (wkv, bkv, sp, Wa[l] * alpha, (ba[l] * alpha).reshape(1, 64),
                ((1.0 - alpha) * jnp.ones((64,))).reshape(1, 64).astype(f32),
                ln_g[l].reshape(1, 64), ln_b[l].reshape(1, 64))

    wkv0, bkv0, sp0, wa0, ba0, oma0, g0, be0 = fold(0)
    wkv1, bkv1, sp1, wa1, ba1, oma1, g1, be1 = fold(1)

    wq0 = jnp.pad(Wq[0], ((0, 0), (0, 64)))
    wq1 = jnp.pad(Wq[1], ((0, 0), (0, 64)))
    bq0 = jnp.pad(bq[0], (0, 64)).reshape(1, 128)
    bq1 = jnp.pad(bq[1], (0, 64)).reshape(1, 128)
    zin = jnp.zeros((C, 128), f32)

    x, q, kv = _encode_call(x0, W_emb, b_emb.reshape(1, 256), W_ad,
                            b_ad.reshape(1, 64), wq0, bq0, wkv0, bkv0)

    gq, gkv = _gather_kernel(q, kv, src, dst)
    w68 = _edge_call(gq, gkv, sp0, b8)
    acc = _scatter_kernel(w68, dst, zin)[:N]
    x, q, kv = _post_qkv_call(acc, x, b4, wa0, ba0, oma0, g0, be0,
                              wq1, bq1, wkv1, bkv1)

    gq, gkv = _gather_kernel(q, kv, src, dst)
    w68 = _edge_call(gq, gkv, sp1, b8)
    acc = _scatter_kernel(w68, dst, zin)[:N]
    x = _post_call(acc, x, b4, wa1, ba1, oma1, g1, be1)
    return x

# --- scband reference (transcript-rebuilt; emitter-appended) ---
"""Pipeline reference for scband-gnn-from-raw-23149873725976 (READ-ONLY COPY).

The authoritative reference and input builder live on the scoring server;
editing this copy changes nothing except your own understanding.
"""

import jax, jax.numpy as jnp
import numpy as np

N = 50000
E = 800000
IN_DIM = 128
HID = 64
H = 4
DK = HID // H
L = 2


def setup_inputs(seed: int = 0):
    key = jax.random.key(seed)
    ks = jax.random.split(key, 16)
    inp = {}
    inp["node_feature"] = jax.random.normal(ks[0], (1, N, IN_DIM), dtype=jnp.float32)
    inp["node_type"] = jnp.zeros((N,), dtype=jnp.int32)
    inp["edge_index"] = jax.random.randint(ks[1], (2, E), 0, N, dtype=jnp.int32)
    inp["edge_type"] = jnp.zeros((E,), dtype=jnp.int32)
    inp["W_emb"] = jax.random.normal(ks[2], (IN_DIM, 256), dtype=jnp.float32) * 0.05
    inp["b_emb"] = jnp.zeros((256,), dtype=jnp.float32)
    inp["W_ad"] = jax.random.normal(ks[3], (256, HID), dtype=jnp.float32) * 0.05
    inp["b_ad"] = jnp.zeros((HID,), dtype=jnp.float32)
    inp["Wq"] = jax.random.normal(ks[4], (L, HID, HID), dtype=jnp.float32) * 0.05
    inp["bq"] = jnp.zeros((L, HID), dtype=jnp.float32)
    inp["Wk"] = jax.random.normal(ks[5], (L, HID, HID), dtype=jnp.float32) * 0.05
    inp["bk"] = jnp.zeros((L, HID), dtype=jnp.float32)
    inp["Wv"] = jax.random.normal(ks[6], (L, HID, HID), dtype=jnp.float32) * 0.05
    inp["bv"] = jnp.zeros((L, HID), dtype=jnp.float32)
    inp["Wa"] = jax.random.normal(ks[7], (L, HID, HID), dtype=jnp.float32) * 0.05
    inp["ba"] = jnp.zeros((L, HID), dtype=jnp.float32)
    inp["rel_att"] = jax.random.normal(ks[8], (L, H, DK, DK), dtype=jnp.float32) * 0.1
    inp["rel_msg"] = jax.random.normal(ks[9], (L, H, DK, DK), dtype=jnp.float32) * 0.1
    inp["rel_pri"] = jnp.ones((L, H), dtype=jnp.float32)
    inp["skip"] = jnp.ones((L,), dtype=jnp.float32)
    inp["ln_g"] = jnp.ones((L, HID), dtype=jnp.float32)
    inp["ln_b"] = jnp.zeros((L, HID), dtype=jnp.float32)
    return inp


def _segment_softmax(att, dst, n):
    m = jax.ops.segment_max(att, dst, num_segments=n)
    m = jnp.where(jnp.isfinite(m), m, 0.0)
    m = jax.lax.stop_gradient(m)
    e = jnp.exp(att - m[dst])
    s = jax.ops.segment_sum(e, dst, num_segments=n)
    return e / (s[dst] + 1e-16)


def _hgt_layer(x, src, dst, Wq, bq, Wk, bk, Wv, bv, Wa, ba, rel_att, rel_msg, rel_pri, skip, ln_g, ln_b):
    n = x.shape[0]
    q = (x @ Wq + bq).reshape(n, H, DK)
    k = (x @ Wk + bk).reshape(n, H, DK)
    v = (x @ Wv + bv).reshape(n, H, DK)
    k_e = jnp.einsum('ehd,hdf->ehf', k[src], rel_att)
    att = (q[dst] * k_e).sum(-1) * rel_pri / np.sqrt(DK)
    att = _segment_softmax(att, dst, n)
    msg = jnp.einsum('ehd,hdf->ehf', v[src], rel_msg)
    aggr = jax.ops.segment_sum(msg * att[:, :, None], dst, num_segments=n).reshape(n, HID)
    out = jax.nn.gelu(aggr)
    trans = out @ Wa + ba
    alpha = jax.nn.sigmoid(skip)
    res = trans * alpha + x * (1.0 - alpha)
    mu = res.mean(-1, keepdims=True)
    var = ((res - mu) ** 2).mean(-1, keepdims=True)
    return (res - mu) / jnp.sqrt(var + 1e-5) * ln_g + ln_b


def reference(node_feature, node_type, edge_index, edge_type, W_emb, b_emb, W_ad, b_ad, Wq, bq, Wk, bk, Wv, bv, Wa, ba, rel_att, rel_msg, rel_pri, skip, ln_g, ln_b):
    # num_types=1, num_relations=1: node_type and edge_type are all zeros, so the
    # per-type loops in the original module collapse to single linears.
    x0 = node_feature[0]
    h = jax.nn.relu(x0 @ W_emb + b_emb)          # encode (embedding1[0])
    x = jnp.tanh(h @ W_ad + b_ad)                # adapt_ws[0]
    src = edge_index[0]
    dst = edge_index[1]
    for l in range(L):
        x = _hgt_layer(x, src, dst, Wq[l], bq[l], Wk[l], bk[l], Wv[l], bv[l], Wa[l], ba[l], rel_att[l], rel_msg[l], rel_pri[l], skip[l], ln_g[l], ln_b[l])
    return x

if __name__ == "__main__":
    import jax
    _d = setup_inputs()
    print(jax.jit(kernel)(*tuple(_d.values())))

</pallas_src>

<mosaic_0001>
#map = affine_map<(d0, d1) -> (0, 0)>
#map1 = affine_map<(d0, d1) -> (0)>
module attributes {stable_mosaic.version = 14 : i64} {
  func.func @_scatter_kernel(%arg0: i32, %arg1: i32, %arg2: memref<800000x128xf32, #tpu.memory_space<hbm>>, %arg3: memref<800000xi32, #tpu.memory_space<hbm>>, %arg4: memref<128x128xf32, #tpu.memory_space<hbm>>, %arg5: memref<50048x128xf32, #tpu.memory_space<hbm>>, %arg6: memref<128xi32, #tpu.memory_space<vmem>>, %arg7: memref<128xi32, #tpu.memory_space<vmem>>, %arg8: memref<128x128xf32, #tpu.memory_space<vmem>>, %arg9: memref<12544x128xf32, #tpu.memory_space<vmem_shared>>, %arg10: memref<!tpu.dma_semaphore, #tpu.memory_space<semaphore_mem>>) attributes {dimension_semantics = [#tpu.dimension_semantics<core_parallel>, #tpu.dimension_semantics<subcore_parallel>], iteration_bounds = array<i64: 2, 16>, scalar_prefetch = 0 : i64, scratch_operands = 5 : i64, tpu.core_type = #tpu.core_type<sc_vector_subcore>, window_params = [{transform_indices = #map}, {transform_indices = #map1}, {transform_indices = #map}, {transform_indices = #map}]} {
    %mul3A = arith.constant 2 : i32
    %mul3A_0 = arith.muli %arg0, %mul3A : i32
    %add3A = arith.constant 0 : i32
    %add3A_1 = arith.addi %mul3A_0, %add3A : i32
    %mul3A_2 = arith.constant 12512 : i32
    %mul3A_3 = arith.muli %add3A_1, %mul3A_2 : i32
    "tpu.region"() ({
      %run_scoped3A = tpu.sem_alloc : memref<!tpu.dma_semaphore, #tpu.memory_space<semaphore_mem>>
      tpu.enqueue_dma source(%arg4 : memref<128x128xf32, #tpu.memory_space<hbm>>) target(%arg8 : memref<128x128xf32, #tpu.memory_space<vmem>>) target_semaphore(%run_scoped3A : memref<!tpu.dma_semaphore, #tpu.memory_space<semaphore_mem>>)
      tpu.wait_dma2 semaphore(%run_scoped3A : memref<!tpu.dma_semaphore, #tpu.memory_space<semaphore_mem>>) src(%arg4 : memref<128x128xf32, #tpu.memory_space<hbm>>) dst(%arg8 : memref<128x128xf32, #tpu.memory_space<vmem>>)
      tpu.yield
    }) : () -> ()
    %scan3A = arith.constant 0 : i32
    %scan3A_4 = arith.constant 0 : i32
    %scan3A_5 = arith.constant 7 : i32
    %scan3A_6 = arith.addi %scan3A_4, %scan3A_5 : i32
    %scan3A_7 = arith.constant 1 : i32
    scf.for %scan3A_57 = %scan3A_4 to %scan3A_6 step %scan3A_7  : i32 {
      %mul3A_58 = arith.constant 16 : i32
      %mul3A_59 = arith.muli %scan3A_57, %mul3A_58 : i32
      %add3A_60 = arith.addi %mul3A_59, %arg1 : i32
      %lt3A = arith.constant 98 : i32
      %lt3A_61 = arith.cmpi slt, %add3A_60, %lt3A : i32
      %convert_element_type3A_62 = arith.extui %lt3A_61 : i1 to i32
      %cond3A_63 = arith.constant 0 : i32
      %cond3A_64 = arith.cmpi ne, %convert_element_type3A_62, %cond3A_63 : i32
      scf.if %cond3A_64 {
        %mul3A_65 = arith.constant 128 : i32
        %mul3A_66 = arith.muli %add3A_60, %mul3A_65 : i32
        "tpu.region"() ({
          %run_scoped3A = tpu.sem_alloc : memref<!tpu.dma_semaphore, #tpu.memory_space<semaphore_mem>>
          %dma_start3A = arith.constant 0 : i32
          %dma_start3A_67 = tpu.memref_slice %arg9[%mul3A_66, %dma_start3A] : memref<12544x128xf32, #tpu.memory_space<vmem_shared>> -> memref<128x128xf32, #tpu.memory_space<vmem_shared>>
          %dma_start3A_68 = arith.constant 0 : i32
          %dma_start3A_69 = tpu.memref_slice %arg9[%mul3A_66, %dma_start3A_68] : memref<12544x128xf32, #tpu.memory_space<vmem_shared>> -> memref<128x128xf32, #tpu.memory_space<vmem_shared>>
          tpu.enqueue_dma source(%arg8 : memref<128x128xf32, #tpu.memory_space<vmem>>) target(%dma_start3A_69 : memref<128x128xf32, #tpu.memory_space<vmem_shared>>) target_semaphore(%run_scoped3A : memref<!tpu.dma_semaphore, #tpu.memory_space<semaphore_mem>>)
          %dma_wait3A = arith.constant 0 : i32
          %dma_wait3A_70 = tpu.memref_slice %arg9[%mul3A_66, %dma_wait3A] : memref<12544x128xf32, #tpu.memory_space<vmem_shared>> -> memref<128x128xf32, #tpu.memory_space<vmem_shared>>
          %dma_wait3A_71 = arith.constant 0 : i32
          %dma_wait3A_72 = tpu.memref_slice %arg9[%mul3A_66, %dma_wait3A_71] : memref<12544x128xf32, #tpu.memory_space<vmem_shared>> -> memref<128x128xf32, #tpu.memory_space<vmem_shared>>
          tpu.wait_dma2 semaphore(%run_scoped3A : memref<!tpu.dma_semaphore, #tpu.memory_space<semaphore_mem>>) src(%arg8 : memref<128x128xf32, #tpu.memory_space<vmem>>) dst(%dma_wait3A_72 : memref<128x128xf32, #tpu.memory_space<vmem_shared>>)
          tpu.yield
        }) : () -> ()
      } else {
      }
    }
    %scan3A_8 = arith.constant 7 : i32
    %barrier3A = arith.constant 0 : index
    tpu.barrier barrier_id(%barrier3A)
    %scan3A_9 = arith.constant 0 : i32
    %scan3A_10 = arith.constant 0 : i32
    %scan3A_11 = arith.constant 391 : i32
    %scan3A_12 = arith.addi %scan3A_10, %scan3A_11 : i32
    %scan3A_13 = arith.constant 1 : i32
    scf.for %scan3A_57 = %scan3A_10 to %scan3A_12 step %scan3A_13  : i32 {
      %mul3A_58 = arith.constant 16 : i32
      %mul3A_59 = arith.muli %scan3A_57, %mul3A_58 : i32
      %add3A_60 = arith.addi %mul3A_59, %arg1 : i32
      %lt3A = arith.constant 6250 : i32
      %lt3A_61 = arith.cmpi slt, %add3A_60, %lt3A : i32
      %convert_element_type3A_62 = arith.extui %lt3A_61 : i1 to i32
      %cond3A_63 = arith.constant 0 : i32
      %cond3A_64 = arith.cmpi ne, %convert_element_type3A_62, %cond3A_63 : i32
      scf.if %cond3A_64 {
        %mul3A_65 = arith.constant 128 : i32
        %mul3A_66 = arith.muli %add3A_60, %mul3A_65 : i32
        %dma_start3A = arith.constant 0 : i32
        %dma_start3A_67 = tpu.memref_slice %arg2[%mul3A_66, %dma_start3A] : memref<800000x128xf32, #tpu.memory_space<hbm>> -> memref<128x128xf32, #tpu.memory_space<hbm>>
        %dma_start3A_68 = arith.constant 0 : i32
        %dma_start3A_69 = tpu.memref_slice %arg2[%mul3A_66, %dma_start3A_68] : memref<800000x128xf32, #tpu.memory_space<hbm>> -> memref<128x128xf32, #tpu.memory_space<hbm>>
        tpu.enqueue_dma source(%dma_start3A_69 : memref<128x128xf32, #tpu.memory_space<hbm>>) target(%arg8 : memref<128x128xf32, #tpu.memory_space<vmem>>) target_semaphore(%arg10 : memref<!tpu.dma_semaphore, #tpu.memory_space<semaphore_mem>>)
        "tpu.region"() ({
          %run_scoped3A = tpu.sem_alloc : memref<!tpu.dma_semaphore, #tpu.memory_space<semaphore_mem>>
          %dma_start3A_217 = tpu.memref_slice %arg3[%mul3A_66] : memref<800000xi32, #tpu.memory_space<hbm>> -> memref<128xi32, #tpu.memory_space<hbm>>
          %dma_start3A_218 = tpu.memref_slice %arg3[%mul3A_66] : memref<800000xi32, #tpu.memory_space<hbm>> -> memref<128xi32, #tpu.memory_space<hbm>>
          tpu.enqueue_dma source(%dma_start3A_218 : memref<128xi32, #tpu.memory_space<hbm>>) target(%arg6 : memref<128xi32, #tpu.memory_space<vmem>>) target_semaphore(%run_scoped3A : memref<!tpu.dma_semaphore, #tpu.memory_space<semaphore_mem>>)
          %dma_wait3A_219 = tpu.memref_slice %arg3[%mul3A_66] : memref<800000xi32, #tpu.memory_space<hbm>> -> memref<128xi32, #tpu.memory_space<hbm>>
          %dma_wait3A_220 = tpu.memref_slice %arg3[%mul3A_66] : memref<800000xi32, #tpu.memory_space<hbm>> -> memref<128xi32, #tpu.memory_space<hbm>>
          tpu.wait_dma2 semaphore(%run_scoped3A : memref<!tpu.dma_semaphore, #tpu.memory_space<semaphore_mem>>) src(%dma_wait3A_220 : memref<128xi32, #tpu.memory_space<hbm>>) dst(%arg6 : memref<128xi32, #tpu.memory_space<vmem>>)
          tpu.yield
        }) : () -> ()
        %get3A = arith.constant 0 : index
        %get3A_70 = tpu.vector_load %arg6[%get3A] {strides = array<i32>} : memref<128xi32, #tpu.memory_space<vmem>>, vector<16xi32>,
        %get3A_71 = vector.shape_cast %get3A_70 : vector<16xi32> to vector<16xi32>
        %sub3A = vector.broadcast %mul3A_3 : i32 to vector<16xi32>
        %sub3A_72 = arith.subi %get3A_71, %sub3A : vector<16xi32>
        %ge3A = arith.constant 0 : i32
        %ge3A_73 = vector.broadcast %ge3A : i32 to vector<16xi32>
        %ge3A_74 = arith.cmpi sge, %sub3A_72, %ge3A_73 : vector<16xi32>
        %lt3A_75 = arith.constant 12512 : i32
        %lt3A_76 = vector.broadcast %lt3A_75 : i32 to vector<16xi32>
        %lt3A_77 = arith.cmpi slt, %sub3A_72, %lt3A_76 : vector<16xi32>
        %and3A = arith.andi %ge3A_74, %lt3A_77 : vector<16xi1>
        %jit3A = arith.constant 12512 : i32
        %broadcast_in_dim3A = vector.broadcast %jit3A : i32 to vector<16xi32>
        %select_n3A = arith.select %and3A, %sub3A_72, %broadcast_in_dim3A : vector<16xi1>, vector<16xi32>
        %swap3A = arith.constant 0 : index
        %swap3A_78 = tpu.vector_load %arg7[%swap3A] {strides = array<i32>} : memref<128xi32, #tpu.memory_space<vmem>>, vector<16xi32>,
        %swap3A_79 = vector.shape_cast %swap3A_78 : vector<16xi32> to vector<16xi32>
        %swap3A_80 = vector.shape_cast %select_n3A : vector<16xi32> to vector<16xi32>
        tpu.vector_store %arg7[%swap3A], %swap3A_80 {strides = array<i32>} : memref<128xi32, #tpu.memory_space<vmem>>, vector<16xi32>,
        %get3A_81 = arith.constant 16 : index
        %get3A_82 = tpu.vector_load %arg6[%get3A_81] {strides = array<i32>} : memref<128xi32, #tpu.memory_space<vmem>>, vector<16xi32>,
        %get3A_83 = vector.shape_cast %get3A_82 : vector<16xi32> to vector<16xi32>
        %sub3A_84 = vector.broadcast %mul3A_3 : i32 to vector<16xi32>
        %sub3A_85 = arith.subi %get3A_83, %sub3A_84 : vector<16xi32>
        %ge3A_86 = arith.constant 0 : i32
        %ge3A_87 = vector.broadcast %ge3A_86 : i32 to vector<16xi32>
        %ge3A_88 = arith.cmpi sge, %sub3A_85, %ge3A_87 : vector<16xi32>
        %lt3A_89 = arith.constant 12512 : i32
        %lt3A_90 = vector.broadcast %lt3A_89 : i32 to vector<16xi32>
        %lt3A_91 = arith.cmpi slt, %sub3A_85, %lt3A_90 : vector<16xi32>
        %and3A_92 = arith.andi %ge3A_88, %lt3A_91 : vector<16xi1>
        %jit3A_93 = arith.constant 12512 : i32
        %broadcast_in_dim3A_94 = vector.broadcast %jit3A_93 : i32 to vector<16xi32>
        %select_n3A_95 = arith.select %and3A_92, %sub3A_85, %broadcast_in_dim3A_94 : vector<16xi1>, vector<16xi32>
        %swap3A_96 = arith.constant 16 : index
        %swap3A_97 = tpu.vector_load %arg7[%swap3A_96] {strides = array<i32>} : memref<128xi32, #tpu.memory_space<vmem>>, vector<16xi32>,
        %swap3A_98 = vector.shape_cast %swap3A_97 : vector<16xi32> to vector<16xi32>
        %swap3A_99 = vector.shape_cast %select_n3A_95 : vector<16xi32> to vector<16xi32>
        tpu.vector_store %arg7[%swap3A_96], %swap3A_99 {strides = array<i32>} : memref<128xi32, #tpu.memory_space<vmem>>, vector<16xi32>,
        %get3A_100 = arith.constant 32 : index
        %get3A_101 = tpu.vector_load %arg6[%get3A_100] {strides = array<i32>} : memref<128xi32, #tpu.memory_space<vmem>>, vector<16xi32>,
        %get3A_102 = vector.shape_cast %get3A_101 : vector<16xi32> to vector<16xi32>
        %sub3A_103 = vector.broadcast %mul3A_3 : i32 to vector<16xi32>
        %sub3A_104 = arith.subi %get3A_102, %sub3A_103 : vector<16xi32>
        %ge3A_105 = arith.constant 0 : i32
        %ge3A_106 = vector.broadcast %ge3A_105 : i32 to vector<16xi32>
        %ge3A_107 = arith.cmpi sge, %sub3A_104, %ge3A_106 : vector<16xi32>
        %lt3A_108 = arith.constant 12512 : i32
        %lt3A_109 = vector.broadcast %lt3A_108 : i32 to vector<16xi32>
        %lt3A_110 = arith.cmpi slt, %sub3A_104, %lt3A_109 : vector<16xi32>
        %and3A_111 = arith.andi %ge3A_107, %lt3A_110 : vector<16xi1>
        %jit3A_112 = arith.constant 12512 : i32
        %broadcast_in_dim3A_113 = vector.broadcast %jit3A_112 : i32 to vector<16xi32>
        %select_n3A_114 = arith.select %and3A_111, %sub3A_104, %broadcast_in_dim3A_113 : vector<16xi1>, vector<16xi32>
        %swap3A_115 = arith.constant 32 : index
        %swap3A_116 = tpu.vector_load %arg7[%swap3A_115] {strides = array<i32>} : memref<128xi32, #tpu.memory_space<vmem>>, vector<16xi32>,
        %swap3A_117 = vector.shape_cast %swap3A_116 : vector<16xi32> to vector<16xi32>
        %swap3A_118 = vector.shape_cast %select_n3A_114 : vector<16xi32> to vector<16xi32>
        tpu.vector_store %arg7[%swap3A_115], %swap3A_118 {strides = array<i32>} : memref<128xi32, #tpu.memory_space<vmem>>, vector<16xi32>,
        %get3A_119 = arith.constant 48 : index
        %get3A_120 = tpu.vector_load %arg6[%get3A_119] {strides = array<i32>} : memref<128xi32, #tpu.memory_space<vmem>>, vector<16xi32>,
        %get3A_121 = vector.shape_cast %get3A_120 : vector<16xi32> to vector<16xi32>
        %sub3A_122 = vector.broadcast %mul3A_3 : i32 to vector<16xi32>
        %sub3A_123 = arith.subi %get3A_121, %sub3A_122 : vector<16xi32>
        %ge3A_124 = arith.constant 0 : i32
        %ge3A_125 = vector.broadcast %ge3A_124 : i32 to vector<16xi32>
        %ge3A_126 = arith.cmpi sge, %sub3A_123, %ge3A_125 : vector<16xi32>
        %lt3A_127 = arith.constant 12512 : i32
        %lt3A_128 = vector.broadcast %lt3A_127 : i32 to vector<16xi32>
        %lt3A_129 = arith.cmpi slt, %sub3A_123, %lt3A_128 : vector<16xi32>
        %and3A_130 = arith.andi %ge3A_126, %lt3A_129 : vector<16xi1>
        %jit3A_131 = arith.constant 12512 : i32
        %broadcast_in_dim3A_132 = vector.broadcast %jit3A_131 : i32 to vector<16xi32>
        %select_n3A_133 = arith.select %and3A_130, %sub3A_123, %broadcast_in_dim3A_132 : vector<16xi1>, vector<16xi32>
        %swap3A_134 = arith.constant 48 : index
        %swap3A_135 = tpu.vector_load %arg7[%swap3A_134] {strides = array<i32>} : memref<128xi32, #tpu.memory_space<vmem>>, vector<16xi32>,
        %swap3A_136 = vector.shape_cast %swap3A_135 : vector<16xi32> to vector<16xi32>
        %swap3A_137 = vector.shape_cast %select_n3A_133 : vector<16xi32> to vector<16xi32>
        tpu.vector_store %arg7[%swap3A_134], %swap3A_137 {strides = array<i32>} : memref<128xi32, #tpu.memory_space<vmem>>, vector<16xi32>,
        %get3A_138 = arith.constant 64 : index
        %get3A_139 = tpu.vector_load %arg6[%get3A_138] {strides = array<i32>} : memref<128xi32, #tpu.memory_space<vmem>>, vector<16xi32>,
        %get3A_140 = vector.shape_cast %get3A_139 : vector<16xi32> to vector<16xi32>
        %sub3A_141 = vector.broadcast %mul3A_3 : i32 to vector<16xi32>
        %sub3A_142 = arith.subi %get3A_140, %sub3A_141 : vector<16xi32>
        %ge3A_143 = arith.constant 0 : i32
        %ge3A_144 = vector.broadcast %ge3A_143 : i32 to vector<16xi32>
        %ge3A_145 = arith.cmpi sge, %sub3A_142, %ge3A_144 : vector<16xi32>
        %lt3A_146 = arith.constant 12512 : i32
        %lt3A_147 = vector.broadcast %lt3A_146 : i32 to vector<16xi32>
        %lt3A_148 = arith.cmpi slt, %sub3A_142, %lt3A_147 : vector<16xi32>
        %and3A_149 = arith.andi %ge3A_145, %lt3A_148 : vector<16xi1>
        %jit3A_150 = arith.constant 12512 : i32
        %broadcast_in_dim3A_151 = vector.broadcast %jit3A_150 : i32 to vector<16xi32>
        %select_n3A_152 = arith.select %and3A_149, %sub3A_142, %broadcast_in_dim3A_151 : vector<16xi1>, vector<16xi32>
        %swap3A_153 = arith.constant 64 : index
        %swap3A_154 = tpu.vector_load %arg7[%swap3A_153] {strides = array<i32>} : memref<128xi32, #tpu.memory_space<vmem>>, vector<16xi32>,
        %swap3A_155 = vector.shape_cast %swap3A_154 : vector<16xi32> to vector<16xi32>
        %swap3A_156 = vector.shape_cast %select_n3A_152 : vector<16xi32> to vector<16xi32>
        tpu.vector_store %arg7[%swap3A_153], %swap3A_156 {strides = array<i32>} : memref<128xi32, #tpu.memory_space<vmem>>, vector<16xi32>,
        %get3A_157 = arith.constant 80 : index
        %get3A_158 = tpu.vector_load %arg6[%get3A_157] {strides = array<i32>} : memref<128xi32, #tpu.memory_space<vmem>>, vector<16xi32>,
        %get3A_159 = vector.shape_cast %get3A_158 : vector<16xi32> to vector<16xi32>
        %sub3A_160 = vector.broadcast %mul3A_3 : i32 to vector<16xi32>
        %sub3A_161 = arith.subi %get3A_159, %sub3A_160 : vector<16xi32>
        %ge3A_162 = arith.constant 0 : i32
        %ge3A_163 = vector.broadcast %ge3A_162 : i32 to vector<16xi32>
        %ge3A_164 = arith.cmpi sge, %sub3A_161, %ge3A_163 : vector<16xi32>
        %lt3A_165 = arith.constant 12512 : i32
        %lt3A_166 = vector.broadcast %lt3A_165 : i32 to vector<16xi32>
        %lt3A_167 = arith.cmpi slt, %sub3A_161, %lt3A_166 : vector<16xi32>
        %and3A_168 = arith.andi %ge3A_164, %lt3A_167 : vector<16xi1>
        %jit3A_169 = arith.constant 12512 : i32
        %broadcast_in_dim3A_170 = vector.broadcast %jit3A_169 : i32 to vector<16xi32>
        %select_n3A_171 = arith.select %and3A_168, %sub3A_161, %broadcast_in_dim3A_170 : vector<16xi1>, vector<16xi32>
        %swap3A_172 = arith.constant 80 : index
        %swap3A_173 = tpu.vector_load %arg7[%swap3A_172] {strides = array<i32>} : memref<128xi32, #tpu.memory_space<vmem>>, vector<16xi32>,
        %swap3A_174 = vector.shape_cast %swap3A_173 : vector<16xi32> to vector<16xi32>
        %swap3A_175 = vector.shape_cast %select_n3A_171 : vector<16xi32> to vector<16xi32>
        tpu.vector_store %arg7[%swap3A_172], %swap3A_175 {strides = array<i32>} : memref<128xi32, #tpu.memory_space<vmem>>, vector<16xi32>,
        %get3A_176 = arith.constant 96 : index
        %get3A_177 = tpu.vector_load %arg6[%get3A_176] {strides = array<i32>} : memref<128xi32, #tpu.memory_space<vmem>>, vector<16xi32>,
        %get3A_178 = vector.shape_cast %get3A_177 : vector<16xi32> to vector<16xi32>
        %sub3A_179 = vector.broadcast %mul3A_3 : i32 to vector<16xi32>
        %sub3A_180 = arith.subi %get3A_178, %sub3A_179 : vector<16xi32>
        %ge3A_181 = arith.constant 0 : i32
        %ge3A_182 = vector.broadcast %ge3A_181 : i32 to vector<16xi32>
        %ge3A_183 = arith.cmpi sge, %sub3A_180, %ge3A_182 : vector<16xi32>
        %lt3A_184 = arith.constant 12512 : i32
        %lt3A_185 = vector.broadcast %lt3A_184 : i32 to vector<16xi32>
        %lt3A_186 = arith.cmpi slt, %sub3A_180, %lt3A_185 : vector<16xi32>
        %and3A_187 = arith.andi %ge3A_183, %lt3A_186 : vector<16xi1>
        %jit3A_188 = arith.constant 12512 : i32
        %broadcast_in_dim3A_189 = vector.broadcast %jit3A_188 : i32 to vector<16xi32>
        %select_n3A_190 = arith.select %and3A_187, %sub3A_180, %broadcast_in_dim3A_189 : vector<16xi1>, vector<16xi32>
        %swap3A_191 = arith.constant 96 : index
        %swap3A_192 = tpu.vector_load %arg7[%swap3A_191] {strides = array<i32>} : memref<128xi32, #tpu.memory_space<vmem>>, vector<16xi32>,
        %swap3A_193 = vector.shape_cast %swap3A_192 : vector<16xi32> to vector<16xi32>
        %swap3A_194 = vector.shape_cast %select_n3A_190 : vector<16xi32> to vector<16xi32>
        tpu.vector_store %arg7[%swap3A_191], %swap3A_194 {strides = array<i32>} : memref<128xi32, #tpu.memory_space<vmem>>, vector<16xi32>,
        %get3A_195 = arith.constant 112 : index
        %get3A_196 = tpu.vector_load %arg6[%get3A_195] {strides = array<i32>} : memref<128xi32, #tpu.memory_space<vmem>>, vector<16xi32>,
        %get3A_197 = vector.shape_cast %get3A_196 : vector<16xi32> to vector<16xi32>
        %sub3A_198 = vector.broadcast %mul3A_3 : i32 to vector<16xi32>
        %sub3A_199 = arith.subi %get3A_197, %sub3A_198 : vector<16xi32>
        %ge3A_200 = arith.constant 0 : i32
        %ge3A_201 = vector.broadcast %ge3A_200 : i32 to vector<16xi32>
        %ge3A_202 = arith.cmpi sge, %sub3A_199, %ge3A_201 : vector<16xi32>
        %lt3A_203 = arith.constant 12512 : i32
        %lt3A_204 = vector.broadcast %lt3A_203 : i32 to vector<16xi32>
        %lt3A_205 = arith.cmpi slt, %sub3A_199, %lt3A_204 : vector<16xi32>
        %and3A_206 = arith.andi %ge3A_202, %lt3A_205 : vector<16xi1>
        %jit3A_207 = arith.constant 12512 : i32
        %broadcast_in_dim3A_208 = vector.broadcast %jit3A_207 : i32 to vector<16xi32>
        %select_n3A_209 = arith.select %and3A_206, %sub3A_199, %broadcast_in_dim3A_208 : vector<16xi1>, vector<16xi32>
        %swap3A_210 = arith.constant 112 : index
        %swap3A_211 = tpu.vector_load %arg7[%swap3A_210] {strides = array<i32>} : memref<128xi32, #tpu.memory_space<vmem>>, vector<16xi32>,
        %swap3A_212 = vector.shape_cast %swap3A_211 : vector<16xi32> to vector<16xi32>
        %swap3A_213 = vector.shape_cast %select_n3A_209 : vector<16xi32> to vector<16xi32>
        tpu.vector_store %arg7[%swap3A_210], %swap3A_213 {strides = array<i32>} : memref<128xi32, #tpu.memory_space<vmem>>, vector<16xi32>,
        %dma_wait3A = arith.constant 0 : i32
        %dma_wait3A_214 = tpu.memref_slice %arg2[%mul3A_66, %dma_wait3A] : memref<800000x128xf32, #tpu.memory_space<hbm>> -> memref<128x128xf32, #tpu.memory_space<hbm>>
        %dma_wait3A_215 = arith.constant 0 : i32
        %dma_wait3A_216 = tpu.memref_slice %arg2[%mul3A_66, %dma_wait3A_215] : memref<800000x128xf32, #tpu.memory_space<hbm>> -> memref<128x128xf32, #tpu.memory_space<hbm>>
        tpu.wait_dma2 semaphore(%arg10 : memref<!tpu.dma_semaphore, #tpu.memory_space<semaphore_mem>>) src(%dma_wait3A_216 : memref<128x128xf32, #tpu.memory_space<hbm>>) dst(%arg8 : memref<128x128xf32, #tpu.memory_space<vmem>>)
        "tpu.region"() ({
          %run_scoped3A = tpu.sem_alloc : memref<!tpu.dma_semaphore, #tpu.memory_space<semaphore_mem>>
          %dma_start3A_217 = arith.constant 0 : i32
          %dma_start3A_218 = arith.constant 0 : i32
          %dma_start3A_219 = tpu.memref_slice %arg9[%dma_start3A_217, %dma_start3A_218] : memref<12544x128xf32, #tpu.memory_space<vmem_shared>> -> memref<12544x128xf32, #tpu.memory_space<vmem_shared>>
          tpu.enqueue_indirect_dma source(%arg8 : memref<128x128xf32, #tpu.memory_space<vmem>>) target(%dma_start3A_219 : memref<12544x128xf32, #tpu.memory_space<vmem_shared>>) offsets(%arg7 : memref<128xi32, #tpu.memory_space<vmem>>) semaphore(%run_scoped3A : memref<!tpu.dma_semaphore, #tpu.memory_space<semaphore_mem>>) {add = true}
          %dma_wait3A_220 = arith.constant 0 : i32
          %dma_wait3A_221 = arith.constant 0 : i32
          %dma_wait3A_222 = tpu.memref_slice %arg9[%dma_wait3A_220, %dma_wait3A_221] : memref<12544x128xf32, #tpu.memory_space<vmem_shared>> -> memref<12544x128xf32, #tpu.memory_space<vmem_shared>>
          tpu.wait_indirect_dma semaphore(%run_scoped3A : memref<!tpu.dma_semaphore, #tpu.memory_space<semaphore_mem>>) src(%arg8 : memref<128x128xf32, #tpu.memory_space<vmem>>) dst(%dma_wait3A_222 : memref<12544x128xf32, #tpu.memory_space<vmem_shared>>)
          tpu.yield
        }) : () -> ()
      } else {
      }
    }
    %scan3A_14 = arith.constant 391 : i32
    %barrier3A_15 = arith.constant 0 : index
    tpu.barrier barrier_id(%barrier3A_15)
    %scan3A_16 = arith.constant 0 : i32
    %scan3A_17 = arith.constant 0 : i32
    %scan3A_18 = arith.constant 7 : i32
    %scan3A_19 = arith.addi %scan3A_17, %scan3A_18 : i32
    %scan3A_20 = arith.constant 1 : i32
    scf.for %scan3A_57 = %scan3A_17 to %scan3A_19 step %scan3A_20  : i32 {
      %mul3A_58 = arith.constant 16 : i32
      %mul3A_59 = arith.muli %scan3A_57, %mul3A_58 : i32
      %add3A_60 = arith.addi %mul3A_59, %arg1 : i32
      %lt3A = arith.constant 97 : i32
      %lt3A_61 = arith.cmpi slt, %add3A_60, %lt3A : i32
      %convert_element_type3A_62 = arith.extui %lt3A_61 : i1 to i32
      %cond3A_63 = arith.constant 0 : i32
      %cond3A_64 = arith.cmpi ne, %convert_element_type3A_62, %cond3A_63 : i32
      scf.if %cond3A_64 {
        %mul3A_65 = arith.constant 128 : i32
        %mul3A_66 = arith.muli %add3A_60, %mul3A_65 : i32
        "tpu.region"() ({
          %run_scoped3A = tpu.sem_alloc : memref<!tpu.dma_semaphore, #tpu.memory_space<semaphore_mem>>
          %dma_start3A = arith.constant 0 : i32
          %dma_start3A_68 = tpu.memref_slice %arg9[%mul3A_66, %dma_start3A] : memref<12544x128xf32, #tpu.memory_space<vmem_shared>> -> memref<128x128xf32, #tpu.memory_space<vmem_shared>>
          %dma_start3A_69 = arith.constant 0 : i32
          %dma_start3A_70 = tpu.memref_slice %arg9[%mul3A_66, %dma_start3A_69] : memref<12544x128xf32, #tpu.memory_space<vmem_shared>> -> memref<128x128xf32, #tpu.memory_space<vmem_shared>>
          tpu.enqueue_dma source(%dma_start3A_70 : memref<128x128xf32, #tpu.memory_space<vmem_shared>>) target(%arg8 : memref<128x128xf32, #tpu.memory_space<vmem>>) target_semaphore(%run_scoped3A : memref<!tpu.dma_semaphore, #tpu.memory_space<semaphore_mem>>)
          %dma_wait3A = arith.constant 0 : i32
          %dma_wait3A_71 = tpu.memref_slice %arg9[%mul3A_66, %dma_wait3A] : memref<12544x128xf32, #tpu.memory_space<vmem_shared>> -> memref<128x128xf32, #tpu.memory_space<vmem_shared>>
          %dma_wait3A_72 = arith.constant 0 : i32
          %dma_wait3A_73 = tpu.memref_slice %arg9[%mul3A_66, %dma_wait3A_72] : memref<12544x128xf32, #tpu.memory_space<vmem_shared>> -> memref<128x128xf32, #tpu.memory_space<vmem_shared>>
          tpu.wait_dma2 semaphore(%run_scoped3A : memref<!tpu.dma_semaphore, #tpu.memory_space<semaphore_mem>>) src(%dma_wait3A_73 : memref<128x128xf32, #tpu.memory_space<vmem_shared>>) dst(%arg8 : memref<128x128xf32, #tpu.memory_space<vmem>>)
          tpu.yield
        }) : () -> ()
        %add3A_67 = arith.addi %mul3A_3, %mul3A_66 : i32
        "tpu.region"() ({
          %run_scoped3A = tpu.sem_alloc : memref<!tpu.dma_semaphore, #tpu.memory_space<semaphore_mem>>
          %dma_start3A = arith.constant 0 : i32
          %dma_start3A_68 = tpu.memref_slice %arg5[%add3A_67, %dma_start3A] : memref<50048x128xf32, #tpu.memory_space<hbm>> -> memref<128x128xf32, #tpu.memory_space<hbm>>
          %dma_start3A_69 = arith.constant 0 : i32
          %dma_start3A_70 = tpu.memref_slice %arg5[%add3A_67, %dma_start3A_69] : memref<50048x128xf32, #tpu.memory_space<hbm>> -> memref<128x128xf32, #tpu.memory_space<hbm>>
          tpu.enqueue_dma source(%arg8 : memref<128x128xf32, #tpu.memory_space<vmem>>) target(%dma_start3A_70 : memref<128x128xf32, #tpu.memory_space<hbm>>) target_semaphore(%run_scoped3A : memref<!tpu.dma_semaphore, #tpu.memory_space<semaphore_mem>>)
          %dma_wait3A = arith.constant 0 : i32
          %dma_wait3A_71 = tpu.memref_slice %arg5[%add3A_67, %dma_wait3A] : memref<50048x128xf32, #tpu.memory_space<hbm>> -> memref<128x128xf32, #tpu.memory_space<hbm>>
          %dma_wait3A_72 = arith.constant 0 : i32
          %dma_wait3A_73 = tpu.memref_slice %arg5[%add3A_67, %dma_wait3A_72] : memref<50048x128xf32, #tpu.memory_space<hbm>> -> memref<128x128xf32, #tpu.memory_space<hbm>>
          tpu.wait_dma2 semaphore(%run_scoped3A : memref<!tpu.dma_semaphore, #tpu.memory_space<semaphore_mem>>) src(%arg8 : memref<128x128xf32, #tpu.memory_space<vmem>>) dst(%dma_wait3A_73 : memref<128x128xf32, #tpu.memory_space<hbm>>)
          tpu.yield
        }) : () -> ()
      } else {
      }
    }
    %scan3A_21 = arith.constant 7 : i32
    %eq3A = arith.constant 0 : i32
    %eq3A_22 = arith.cmpi eq, %arg1, %eq3A : i32
    %convert_element_type3A = arith.extui %eq3A_22 : i1 to i32
    %cond3A = arith.constant 0 : i32
    %cond3A_23 = arith.cmpi ne, %convert_element_type3A, %cond3A : i32
    scf.if %cond3A_23 {
      "tpu.region"() ({
        %run_scoped3A = tpu.sem_alloc : memref<!tpu.dma_semaphore, #tpu.memory_space<semaphore_mem>>
        %dma_start3A = arith.constant 0 : i32
        %dma_start3A_59 = arith.constant 0 : i32
        %dma_start3A_60 = tpu.memref_slice %arg8[%dma_start3A, %dma_start3A_59] : memref<128x128xf32, #tpu.memory_space<vmem>> -> memref<96x128xf32, #tpu.memory_space<vmem>>
        %dma_start3A_61 = arith.constant 12416 : i32
        %dma_start3A_62 = arith.constant 0 : i32
        %dma_start3A_63 = tpu.memref_slice %arg9[%dma_start3A_61, %dma_start3A_62] : memref<12544x128xf32, #tpu.memory_space<vmem_shared>> -> memref<96x128xf32, #tpu.memory_space<vmem_shared>>
        %dma_start3A_64 = arith.constant 0 : i32
        %dma_start3A_65 = arith.constant 0 : i32
        %dma_start3A_66 = tpu.memref_slice %arg8[%dma_start3A_64, %dma_start3A_65] : memref<128x128xf32, #tpu.memory_space<vmem>> -> memref<96x128xf32, #tpu.memory_space<vmem>>
        %dma_start3A_67 = arith.constant 12416 : i32
        %dma_start3A_68 = arith.constant 0 : i32
        %dma_start3A_69 = tpu.memref_slice %arg9[%dma_start3A_67, %dma_start3A_68] : memref<12544x128xf32, #tpu.memory_space<vmem_shared>> -> memref<96x128xf32, #tpu.memory_space<vmem_shared>>
        tpu.enqueue_dma source(%dma_start3A_69 : memref<96x128xf32, #tpu.memory_space<vmem_shared>>) target(%dma_start3A_66 : memref<96x128xf32, #tpu.memory_space<vmem>>) target_semaphore(%run_scoped3A : memref<!tpu.dma_semaphore, #tpu.memory_space<semaphore_mem>>)
        %dma_wait3A = arith.constant 0 : i32
        %dma_wait3A_70 = arith.constant 0 : i32
        %dma_wait3A_71 = tpu.memref_slice %arg8[%dma_wait3A, %dma_wait3A_70] : memref<128x128xf32, #tpu.memory_space<vmem>> -> memref<96x128xf32, #tpu.memory_space<vmem>>
        %dma_wait3A_72 = arith.constant 12416 : i32
        %dma_wait3A_73 = arith.constant 0 : i32
        %dma_wait3A_74 = tpu.memref_slice %arg9[%dma_wait3A_72, %dma_wait3A_73] : memref<12544x128xf32, #tpu.memory_space<vmem_shared>> -> memref<96x128xf32, #tpu.memory_space<vmem_shared>>
        %dma_wait3A_75 = arith.constant 0 : i32
        %dma_wait3A_76 = arith.constant 0 : i32
        %dma_wait3A_77 = tpu.memref_slice %arg8[%dma_wait3A_75, %dma_wait3A_76] : memref<128x128xf32, #tpu.memory_space<vmem>> -> memref<96x128xf32, #tpu.memory_space<vmem>>
        %dma_wait3A_78 = arith.constant 12416 : i32
        %dma_wait3A_79 = arith.constant 0 : i32
        %dma_wait3A_80 = tpu.memref_slice %arg9[%dma_wait3A_78, %dma_wait3A_79] : memref<12544x128xf32, #tpu.memory_space<vmem_shared>> -> memref<96x128xf32, #tpu.memory_space<vmem_shared>>
        tpu.wait_dma2 semaphore(%run_scoped3A : memref<!tpu.dma_semaphore, #tpu.memory_space<semaphore_mem>>) src(%dma_wait3A_80 : memref<96x128xf32, #tpu.memory_space<vmem_shared>>) dst(%dma_wait3A_77 : memref<96x128xf32, #tpu.memory_space<vmem>>)
        tpu.yield
      }) : () -> ()
      %add3A_57 = arith.constant 12416 : i32
      %add3A_58 = arith.addi %mul3A_3, %add3A_57 : i32
      "tpu.region"() ({
        %run_scoped3A = tpu.sem_alloc : memref<!tpu.dma_semaphore, #tpu.memory_space<semaphore_mem>>
        %dma_start3A = arith.constant 0 : i32
        %dma_start3A_59 = arith.constant 0 : i32
        %dma_start3A_60 = tpu.memref_slice %arg8[%dma_start3A, %dma_start3A_59] : memref<128x128xf32, #tpu.memory_space<vmem>> -> memref<96x128xf32, #tpu.memory_space<vmem>>
        %dma_start3A_61 = arith.constant 0 : i32
        %dma_start3A_62 = tpu.memref_slice %arg5[%add3A_58, %dma_start3A_61] : memref<50048x128xf32, #tpu.memory_space<hbm>> -> memref<96x128xf32, #tpu.memory_space<hbm>>
        %dma_start3A_63 = arith.constant 0 : i32
        %dma_start3A_64 = tpu.memref_slice %arg5[%add3A_58, %dma_start3A_63] : memref<50048x128xf32, #tpu.memory_space<hbm>> -> memref<96x128xf32, #tpu.memory_space<hbm>>
        %dma_start3A_65 = arith.constant 0 : i32
        %dma_start3A_66 = arith.constant 0 : i32
        %dma_start3A_67 = tpu.memref_slice %arg8[%dma_start3A_65, %dma_start3A_66] : memref<128x128xf32, #tpu.memory_space<vmem>> -> memref<96x128xf32, #tpu.memory_space<vmem>>
        tpu.enqueue_dma source(%dma_start3A_67 : memref<96x128xf32, #tpu.memory_space<vmem>>) target(%dma_start3A_64 : memref<96x128xf32, #tpu.memory_space<hbm>>) target_semaphore(%run_scoped3A : memref<!tpu.dma_semaphore, #tpu.memory_space<semaphore_mem>>)
        %dma_wait3A = arith.constant 0 : i32
        %dma_wait3A_68 = arith.constant 0 : i32
        %dma_wait3A_69 = tpu.memref_slice %arg8[%dma_wait3A, %dma_wait3A_68] : memref<128x128xf32, #tpu.memory_space<vmem>> -> memref<96x128xf32, #tpu.memory_space<vmem>>
        %dma_wait3A_70 = arith.constant 0 : i32
        %dma_wait3A_71 = tpu.memref_slice %arg5[%add3A_58, %dma_wait3A_70] : memref<50048x128xf32, #tpu.memory_space<hbm>> -> memref<96x128xf32, #tpu.memory_space<hbm>>
        %dma_wait3A_72 = arith.constant 0 : i32
        %dma_wait3A_73 = tpu.memref_slice %arg5[%add3A_58, %dma_wait3A_72] : memref<50048x128xf32, #tpu.memory_space<hbm>> -> memref<96x128xf32, #tpu.memory_space<hbm>>
        %dma_wait3A_74 = arith.constant 0 : i32
        %dma_wait3A_75 = arith.constant 0 : i32
        %dma_wait3A_76 = tpu.memref_slice %arg8[%dma_wait3A_74, %dma_wait3A_75] : memref<128x128xf32, #tpu.memory_space<vmem>> -> memref<96x128xf32, #tpu.memory_space<vmem>>
        tpu.wait_dma2 semaphore(%run_scoped3A : memref<!tpu.dma_semaphore, #tpu.memory_space<semaphore_mem>>) src(%dma_wait3A_76 : memref<96x128xf32, #tpu.memory_space<vmem>>) dst(%dma_wait3A_73 : memref<96x128xf32, #tpu.memory_space<hbm>>)
        tpu.yield
      }) : () -> ()
    } else {
    }
    %barrier3A_24 = arith.constant 0 : index
    tpu.barrier barrier_id(%barrier3A_24)
    %mul3A_25 = arith.constant 2 : i32
    %mul3A_26 = arith.muli %arg0, %mul3A_25 : i32
    %add3A_27 = arith.constant 1 : i32
    %add3A_28 = arith.addi %mul3A_26, %add3A_27 : i32
    %mul3A_29 = arith.constant 12512 : i32
    %mul3A_30 = arith.muli %add3A_28, %mul3A_29 : i32
    "tpu.region"() ({
      %run_scoped3A = tpu.sem_alloc : memref<!tpu.dma_semaphore, #tpu.memory_space<semaphore_mem>>
      tpu.enqueue_dma source(%arg4 : memref<128x128xf32, #tpu.memory_space<hbm>>) target(%arg8 : memref<128x128xf32, #tpu.memory_space<vmem>>) target_semaphore(%run_scoped3A : memref<!tpu.dma_semaphore, #tpu.memory_space<semaphore_mem>>)
      tpu.wait_dma2 semaphore(%run_scoped3A : memref<!tpu.dma_semaphore, #tpu.memory_space<semaphore_mem>>) src(%arg4 : memref<128x128xf32, #tpu.memory_space<hbm>>) dst(%arg8 : memref<128x128xf32, #tpu.memory_space<vmem>>)
      tpu.yield
    }) : () -> ()
    %scan3A_31 = arith.constant 0 : i32
    %scan3A_32 = arith.constant 0 : i32
    %scan3A_33 = arith.constant 7 : i32
    %scan3A_34 = arith.addi %scan3A_32, %scan3A_33 : i32
    %scan3A_35 = arith.constant 1 : i32
    scf.for %scan3A_57 = %scan3A_32 to %scan3A_34 step %scan3A_35  : i32 {
      %mul3A_58 = arith.constant 16 : i32
      %mul3A_59 = arith.muli %scan3A_57, %mul3A_58 : i32
      %add3A_60 = arith.addi %mul3A_59, %arg1 : i32
      %lt3A = arith.constant 98 : i32
      %lt3A_61 = arith.cmpi slt, %add3A_60, %lt3A : i32
      %convert_element_type3A_62 = arith.extui %lt3A_61 : i1 to i32
      %cond3A_63 = arith.constant 0 : i32
      %cond3A_64 = arith.cmpi ne, %convert_element_type3A_62, %cond3A_63 : i32
      scf.if %cond3A_64 {
        %mul3A_65 = arith.constant 128 : i32
        %mul3A_66 = arith.muli %add3A_60, %mul3A_65 : i32
        "tpu.region"() ({
          %run_scoped3A = tpu.sem_alloc : memref<!tpu.dma_semaphore, #tpu.memory_space<semaphore_mem>>
          %dma_start3A = arith.constant 0 : i32
          %dma_start3A_67 = tpu.memref_slice %arg9[%mul3A_66, %dma_start3A] : memref<12544x128xf32, #tpu.memory_space<vmem_shared>> -> memref<128x128xf32, #tpu.memory_space<vmem_shared>>
          %dma_start3A_68 = arith.constant 0 : i32
          %dma_start3A_69 = tpu.memref_slice %arg9[%mul3A_66, %dma_start3A_68] : memref<12544x128xf32, #tpu.memory_space<vmem_shared>> -> memref<128x128xf32, #tpu.memory_space<vmem_shared>>
          tpu.enqueue_dma source(%arg8 : memref<128x128xf32, #tpu.memory_space<vmem>>) target(%dma_start3A_69 : memref<128x128xf32, #tpu.memory_space<vmem_shared>>) target_semaphore(%run_scoped3A : memref<!tpu.dma_semaphore, #tpu.memory_space<semaphore_mem>>)
          %dma_wait3A = arith.constant 0 : i32
          %dma_wait3A_70 = tpu.memref_slice %arg9[%mul3A_66, %dma_wait3A] : memref<12544x128xf32, #tpu.memory_space<vmem_shared>> -> memref<128x128xf32, #tpu.memory_space<vmem_shared>>
          %dma_wait3A_71 = arith.constant 0 : i32
          %dma_wait3A_72 = tpu.memref_slice %arg9[%mul3A_66, %dma_wait3A_71] : memref<12544x128xf32, #tpu.memory_space<vmem_shared>> -> memref<128x128xf32, #tpu.memory_space<vmem_shared>>
          tpu.wait_dma2 semaphore(%run_scoped3A : memref<!tpu.dma_semaphore, #tpu.memory_space<semaphore_mem>>) src(%arg8 : memref<128x128xf32, #tpu.memory_space<vmem>>) dst(%dma_wait3A_72 : memref<128x128xf32, #tpu.memory_space<vmem_shared>>)
          tpu.yield
        }) : () -> ()
      } else {
      }
    }
    %scan3A_36 = arith.constant 7 : i32
    %barrier3A_37 = arith.constant 0 : index
    tpu.barrier barrier_id(%barrier3A_37)
    %scan3A_38 = arith.constant 0 : i32
    %scan3A_39 = arith.constant 0 : i32
    %scan3A_40 = arith.constant 391 : i32
    %scan3A_41 = arith.addi %scan3A_39, %scan3A_40 : i32
    %scan3A_42 = arith.constant 1 : i32
    scf.for %scan3A_57 = %scan3A_39 to %scan3A_41 step %scan3A_42  : i32 {
      %mul3A_58 = arith.constant 16 : i32
      %mul3A_59 = arith.muli %scan3A_57, %mul3A_58 : i32
      %add3A_60 = arith.addi %mul3A_59, %arg1 : i32
      %lt3A = arith.constant 6250 : i32
      %lt3A_61 = arith.cmpi slt, %add3A_60, %lt3A : i32
      %convert_element_type3A_62 = arith.extui %lt3A_61 : i1 to i32
      %cond3A_63 = arith.constant 0 : i32
      %cond3A_64 = arith.cmpi ne, %convert_element_type3A_62, %cond3A_63 : i32
      scf.if %cond3A_64 {
        %mul3A_65 = arith.constant 128 : i32
        %mul3A_66 = arith.muli %add3A_60, %mul3A_65 : i32
        %dma_start3A = arith.constant 0 : i32
        %dma_start3A_67 = tpu.memref_slice %arg2[%mul3A_66, %dma_start3A] : memref<800000x128xf32, #tpu.memory_space<hbm>> -> memref<128x128xf32, #tpu.memory_space<hbm>>
        %dma_start3A_68 = arith.constant 0 : i32
        %dma_start3A_69 = tpu.memref_slice %arg2[%mul3A_66, %dma_start3A_68] : memref<800000x128xf32, #tpu.memory_space<hbm>> -> memref<128x128xf32, #tpu.memory_space<hbm>>
        tpu.enqueue_dma source(%dma_start3A_69 : memref<128x128xf32, #tpu.memory_space<hbm>>) target(%arg8 : memref<128x128xf32, #tpu.memory_space<vmem>>) target_semaphore(%arg10 : memref<!tpu.dma_semaphore, #tpu.memory_space<semaphore_mem>>)
        "tpu.region"() ({
          %run_scoped3A = tpu.sem_alloc : memref<!tpu.dma_semaphore, #tpu.memory_space<semaphore_mem>>
          %dma_start3A_217 = tpu.memref_slice %arg3[%mul3A_66] : memref<800000xi32, #tpu.memory_space<hbm>> -> memref<128xi32, #tpu.memory_space<hbm>>
          %dma_start3A_218 = tpu.memref_slice %arg3[%mul3A_66] : memref<800000xi32, #tpu.memory_space<hbm>> -> memref<128xi32, #tpu.memory_space<hbm>>
          tpu.enqueue_dma source(%dma_start3A_218 : memref<128xi32, #tpu.memory_space<hbm>>) target(%arg6 : memref<128xi32, #tpu.memory_space<vmem>>) target_semaphore(%run_scoped3A : memref<!tpu.dma_semaphore, #tpu.memory_space<semaphore_mem>>)
          %dma_wait3A_219 = tpu.memref_slice %arg3[%mul3A_66] : memref<800000xi32, #tpu.memory_space<hbm>> -> memref<128xi32, #tpu.memory_space<hbm>>
          %dma_wait3A_220 = tpu.memref_slice %arg3[%mul3A_66] : memref<800000xi32, #tpu.memory_space<hbm>> -> memref<128xi32, #tpu.memory_space<hbm>>
          tpu.wait_dma2 semaphore(%run_scoped3A : memref<!tpu.dma_semaphore, #tpu.memory_space<semaphore_mem>>) src(%dma_wait3A_220 : memref<128xi32, #tpu.memory_space<hbm>>) dst(%arg6 : memref<128xi32, #tpu.memory_space<vmem>>)
          tpu.yield
        }) : () -> ()
        %get3A = arith.constant 0 : index
        %get3A_70 = tpu.vector_load %arg6[%get3A] {strides = array<i32>} : memref<128xi32, #tpu.memory_space<vmem>>, vector<16xi32>,
        %get3A_71 = vector.shape_cast %get3A_70 : vector<16xi32> to vector<16xi32>
        %sub3A = vector.broadcast %mul3A_30 : i32 to vector<16xi32>
        %sub3A_72 = arith.subi %get3A_71, %sub3A : vector<16xi32>
        %ge3A = arith.constant 0 : i32
        %ge3A_73 = vector.broadcast %ge3A : i32 to vector<16xi32>
        %ge3A_74 = arith.cmpi sge, %sub3A_72, %ge3A_73 : vector<16xi32>
        %lt3A_75 = arith.constant 12512 : i32
        %lt3A_76 = vector.broadcast %lt3A_75 : i32 to vector<16xi32>
        %lt3A_77 = arith.cmpi slt, %sub3A_72, %lt3A_76 : vector<16xi32>
        %and3A = arith.andi %ge3A_74, %lt3A_77 : vector<16xi1>
        %jit3A = arith.constant 12512 : i32
        %broadcast_in_dim3A = vector.broadcast %jit3A : i32 to vector<16xi32>
        %select_n3A = arith.select %and3A, %sub3A_72, %broadcast_in_dim3A : vector<16xi1>, vector<16xi32>
        %swap3A = arith.constant 0 : index
        %swap3A_78 = tpu.vector_load %arg7[%swap3A] {strides = array<i32>} : memref<128xi32, #tpu.memory_space<vmem>>, vector<16xi32>,
        %swap3A_79 = vector.shape_cast %swap3A_78 : vector<16xi32> to vector<16xi32>
        %swap3A_80 = vector.shape_cast %select_n3A : vector<16xi32> to vector<16xi32>
        tpu.vector_store %arg7[%swap3A], %swap3A_80 {strides = array<i32>} : memref<128xi32, #tpu.memory_space<vmem>>, vector<16xi32>,
        %get3A_81 = arith.constant 16 : index
        %get3A_82 = tpu.vector_load %arg6[%get3A_81] {strides = array<i32>} : memref<128xi32, #tpu.memory_space<vmem>>, vector<16xi32>,
        %get3A_83 = vector.shape_cast %get3A_82 : vector<16xi32> to vector<16xi32>
        %sub3A_84 = vector.broadcast %mul3A_30 : i32 to vector<16xi32>
        %sub3A_85 = arith.subi %get3A_83, %sub3A_84 : vector<16xi32>
        %ge3A_86 = arith.constant 0 : i32
        %ge3A_87 = vector.broadcast %ge3A_86 : i32 to vector<16xi32>
        %ge3A_88 = arith.cmpi sge, %sub3A_85, %ge3A_87 : vector<16xi32>
        %lt3A_89 = arith.constant 12512 : i32
        %lt3A_90 = vector.broadcast %lt3A_89 : i32 to vector<16xi32>
        %lt3A_91 = arith.cmpi slt, %sub3A_85, %lt3A_90 : vector<16xi32>
        %and3A_92 = arith.andi %ge3A_88, %lt3A_91 : vector<16xi1>
        %jit3A_93 = arith.constant 12512 : i32
        %broadcast_in_dim3A_94 = vector.broadcast %jit3A_93 : i32 to vector<16xi32>
        %select_n3A_95 = arith.select %and3A_92, %sub3A_85, %broadcast_in_dim3A_94 : vector<16xi1>, vector<16xi32>
        %swap3A_96 = arith.constant 16 : index
        %swap3A_97 = tpu.vector_load %arg7[%swap3A_96] {strides = array<i32>} : memref<128xi32, #tpu.memory_space<vmem>>, vector<16xi32>,
        %swap3A_98 = vector.shape_cast %swap3A_97 : vector<16xi32> to vector<16xi32>
        %swap3A_99 = vector.shape_cast %select_n3A_95 : vector<16xi32> to vector<16xi32>
        tpu.vector_store %arg7[%swap3A_96], %swap3A_99 {strides = array<i32>} : memref<128xi32, #tpu.memory_space<vmem>>, vector<16xi32>,
        %get3A_100 = arith.constant 32 : index
        %get3A_101 = tpu.vector_load %arg6[%get3A_100] {strides = array<i32>} : memref<128xi32, #tpu.memory_space<vmem>>, vector<16xi32>,
        %get3A_102 = vector.shape_cast %get3A_101 : vector<16xi32> to vector<16xi32>
        %sub3A_103 = vector.broadcast %mul3A_30 : i32 to vector<16xi32>
        %sub3A_104 = arith.subi %get3A_102, %sub3A_103 : vector<16xi32>
        %ge3A_105 = arith.constant 0 : i32
        %ge3A_106 = vector.broadcast %ge3A_105 : i32 to vector<16xi32>
        %ge3A_107 = arith.cmpi sge, %sub3A_104, %ge3A_106 : vector<16xi32>
        %lt3A_108 = arith.constant 12512 : i32
        %lt3A_109 = vector.broadcast %lt3A_108 : i32 to vector<16xi32>
        %lt3A_110 = arith.cmpi slt, %sub3A_104, %lt3A_109 : vector<16xi32>
        %and3A_111 = arith.andi %ge3A_107, %lt3A_110 : vector<16xi1>
        %jit3A_112 = arith.constant 12512 : i32
        %broadcast_in_dim3A_113 = vector.broadcast %jit3A_112 : i32 to vector<16xi32>
        %select_n3A_114 = arith.select %and3A_111, %sub3A_104, %broadcast_in_dim3A_113 : vector<16xi1>, vector<16xi32>
        %swap3A_115 = arith.constant 32 : index
        %swap3A_116 = tpu.vector_load %arg7[%swap3A_115] {strides = array<i32>} : memref<128xi32, #tpu.memory_space<vmem>>, vector<16xi32>,
        %swap3A_117 = vector.shape_cast %swap3A_116 : vector<16xi32> to vector<16xi32>
        %swap3A_118 = vector.shape_cast %select_n3A_114 : vector<16xi32> to vector<16xi32>
        tpu.vector_store %arg7[%swap3A_115], %swap3A_118 {strides = array<i32>} : memref<128xi32, #tpu.memory_space<vmem>>, vector<16xi32>,
        %get3A_119 = arith.constant 48 : index
        %get3A_120 = tpu.vector_load %arg6[%get3A_119] {strides = array<i32>} : memref<128xi32, #tpu.memory_space<vmem>>, vector<16xi32>,
        %get3A_121 = vector.shape_cast %get3A_120 : vector<16xi32> to vector<16xi32>
        %sub3A_122 = vector.broadcast %mul3A_30 : i32 to vector<16xi32>
        %sub3A_123 = arith.subi %get3A_121, %sub3A_122 : vector<16xi32>
        %ge3A_124 = arith.constant 0 : i32
        %ge3A_125 = vector.broadcast %ge3A_124 : i32 to vector<16xi32>
        %ge3A_126 = arith.cmpi sge, %sub3A_123, %ge3A_125 : vector<16xi32>
        %lt3A_127 = arith.constant 12512 : i32
        %lt3A_128 = vector.broadcast %lt3A_127 : i32 to vector<16xi32>
        %lt3A_129 = arith.cmpi slt, %sub3A_123, %lt3A_128 : vector<16xi32>
        %and3A_130 = arith.andi %ge3A_126, %lt3A_129 : vector<16xi1>
        %jit3A_131 = arith.constant 12512 : i32
        %broadcast_in_dim3A_132 = vector.broadcast %jit3A_131 : i32 to vector<16xi32>
        %select_n3A_133 = arith.select %and3A_130, %sub3A_123, %broadcast_in_dim3A_132 : vector<16xi1>, vector<16xi32>
        %swap3A_134 = arith.constant 48 : index
        %swap3A_135 = tpu.vector_load %arg7[%swap3A_134] {strides = array<i32>} : memref<128xi32, #tpu.memory_space<vmem>>, vector<16xi32>,
        %swap3A_136 = vector.shape_cast %swap3A_135 : vector<16xi32> to vector<16xi32>
        %swap3A_137 = vector.shape_cast %select_n3A_133 : vector<16xi32> to vector<16xi32>
        tpu.vector_store %arg7[%swap3A_134], %swap3A_137 {strides = array<i32>} : memref<128xi32, #tpu.memory_space<vmem>>, vector<16xi32>,
        %get3A_138 = arith.constant 64 : index
        %get3A_139 = tpu.vector_load %arg6[%get3A_138] {strides = array<i32>} : memref<128xi32, #tpu.memory_space<vmem>>, vector<16xi32>,
        %get3A_140 = vector.shape_cast %get3A_139 : vector<16xi32> to vector<16xi32>
        %sub3A_141 = vector.broadcast %mul3A_30 : i32 to vector<16xi32>
        %sub3A_142 = arith.subi %get3A_140, %sub3A_141 : vector<16xi32>
        %ge3A_143 = arith.constant 0 : i32
        %ge3A_144 = vector.broadcast %ge3A_143 : i32 to vector<16xi32>
        %ge3A_145 = arith.cmpi sge, %sub3A_142, %ge3A_144 : vector<16xi32>
        %lt3A_146 = arith.constant 12512 : i32
        %lt3A_147 = vector.broadcast %lt3A_146 : i32 to vector<16xi32>
        %lt3A_148 = arith.cmpi slt, %sub3A_142, %lt3A_147 : vector<16xi32>
        %and3A_149 = arith.andi %ge3A_145, %lt3A_148 : vector<16xi1>
        %jit3A_150 = arith.constant 12512 : i32
        %broadcast_in_dim3A_151 = vector.broadcast %jit3A_150 : i32 to vector<16xi32>
        %select_n3A_152 = arith.select %and3A_149, %sub3A_142, %broadcast_in_dim3A_151 : vector<16xi1>, vector<16xi32>
        %swap3A_153 = arith.constant 64 : index
        %swap3A_154 = tpu.vector_load %arg7[%swap3A_153] {strides = array<i32>} : memref<128xi32, #tpu.memory_space<vmem>>, vector<16xi32>,
        %swap3A_155 = vector.shape_cast %swap3A_154 : vector<16xi32> to vector<16xi32>
        %swap3A_156 = vector.shape_cast %select_n3A_152 : vector<16xi32> to vector<16xi32>
        tpu.vector_store %arg7[%swap3A_153], %swap3A_156 {strides = array<i32>} : memref<128xi32, #tpu.memory_space<vmem>>, vector<16xi32>,
        %get3A_157 = arith.constant 80 : index
        %get3A_158 = tpu.vector_load %arg6[%get3A_157] {strides = array<i32>} : memref<128xi32, #tpu.memory_space<vmem>>, vector<16xi32>,
        %get3A_159 = vector.shape_cast %get3A_158 : vector<16xi32> to vector<16xi32>
        %sub3A_160 = vector.broadcast %mul3A_30 : i32 to vector<16xi32>
        %sub3A_161 = arith.subi %get3A_159, %sub3A_160 : vector<16xi32>
        %ge3A_162 = arith.constant 0 : i32
        %ge3A_163 = vector.broadcast %ge3A_162 : i32 to vector<16xi32>
        %ge3A_164 = arith.cmpi sge, %sub3A_161, %ge3A_163 : vector<16xi32>
        %lt3A_165 = arith.constant 12512 : i32
        %lt3A_166 = vector.broadcast %lt3A_165 : i32 to vector<16xi32>
        %lt3A_167 = arith.cmpi slt, %sub3A_161, %lt3A_166 : vector<16xi32>
        %and3A_168 = arith.andi %ge3A_164, %lt3A_167 : vector<16xi1>
        %jit3A_169 = arith.constant 12512 : i32
        %broadcast_in_dim3A_170 = vector.broadcast %jit3A_169 : i32 to vector<16xi32>
        %select_n3A_171 = arith.select %and3A_168, %sub3A_161, %broadcast_in_dim3A_170 : vector<16xi1>, vector<16xi32>
        %swap3A_172 = arith.constant 80 : index
        %swap3A_173 = tpu.vector_load %arg7[%swap3A_172] {strides = array<i32>} : memref<128xi32, #tpu.memory_space<vmem>>, vector<16xi32>,
        %swap3A_174 = vector.shape_cast %swap3A_173 : vector<16xi32> to vector<16xi32>
        %swap3A_175 = vector.shape_cast %select_n3A_171 : vector<16xi32> to vector<16xi32>
        tpu.vector_store %arg7[%swap3A_172], %swap3A_175 {strides = array<i32>} : memref<128xi32, #tpu.memory_space<vmem>>, vector<16xi32>,
        %get3A_176 = arith.constant 96 : index
        %get3A_177 = tpu.vector_load %arg6[%get3A_176] {strides = array<i32>} : memref<128xi32, #tpu.memory_space<vmem>>, vector<16xi32>,
        %get3A_178 = vector.shape_cast %get3A_177 : vector<16xi32> to vector<16xi32>
        %sub3A_179 = vector.broadcast %mul3A_30 : i32 to vector<16xi32>
        %sub3A_180 = arith.subi %get3A_178, %sub3A_179 : vector<16xi32>
        %ge3A_181 = arith.constant 0 : i32
        %ge3A_182 = vector.broadcast %ge3A_181 : i32 to vector<16xi32>
        %ge3A_183 = arith.cmpi sge, %sub3A_180, %ge3A_182 : vector<16xi32>
        %lt3A_184 = arith.constant 12512 : i32
        %lt3A_185 = vector.broadcast %lt3A_184 : i32 to vector<16xi32>
        %lt3A_186 = arith.cmpi slt, %sub3A_180, %lt3A_185 : vector<16xi32>
        %and3A_187 = arith.andi %ge3A_183, %lt3A_186 : vector<16xi1>
        %jit3A_188 = arith.constant 12512 : i32
        %broadcast_in_dim3A_189 = vector.broadcast %jit3A_188 : i32 to vector<16xi32>
        %select_n3A_190 = arith.select %and3A_187, %sub3A_180, %broadcast_in_dim3A_189 : vector<16xi1>, vector<16xi32>
        %swap3A_191 = arith.constant 96 : index
        %swap3A_192 = tpu.vector_load %arg7[%swap3A_191] {strides = array<i32>} : memref<128xi32, #tpu.memory_space<vmem>>, vector<16xi32>,
        %swap3A_193 = vector.shape_cast %swap3A_192 : vector<16xi32> to vector<16xi32>
        %swap3A_194 = vector.shape_cast %select_n3A_190 : vector<16xi32> to vector<16xi32>
        tpu.vector_store %arg7[%swap3A_191], %swap3A_194 {strides = array<i32>} : memref<128xi32, #tpu.memory_space<vmem>>, vector<16xi32>,
        %get3A_195 = arith.constant 112 : index
        %get3A_196 = tpu.vector_load %arg6[%get3A_195] {strides = array<i32>} : memref<128xi32, #tpu.memory_space<vmem>>, vector<16xi32>,
        %get3A_197 = vector.shape_cast %get3A_196 : vector<16xi32> to vector<16xi32>
        %sub3A_198 = vector.broadcast %mul3A_30 : i32 to vector<16xi32>
        %sub3A_199 = arith.subi %get3A_197, %sub3A_198 : vector<16xi32>
        %ge3A_200 = arith.constant 0 : i32
        %ge3A_201 = vector.broadcast %ge3A_200 : i32 to vector<16xi32>
        %ge3A_202 = arith.cmpi sge, %sub3A_199, %ge3A_201 : vector<16xi32>
        %lt3A_203 = arith.constant 12512 : i32
        %lt3A_204 = vector.broadcast %lt3A_203 : i32 to vector<16xi32>
        %lt3A_205 = arith.cmpi slt, %sub3A_199, %lt3A_204 : vector<16xi32>
        %and3A_206 = arith.andi %ge3A_202, %lt3A_205 : vector<16xi1>
        %jit3A_207 = arith.constant 12512 : i32
        %broadcast_in_dim3A_208 = vector.broadcast %jit3A_207 : i32 to vector<16xi32>
        %select_n3A_209 = arith.select %and3A_206, %sub3A_199, %broadcast_in_dim3A_208 : vector<16xi1>, vector<16xi32>
        %swap3A_210 = arith.constant 112 : index
        %swap3A_211 = tpu.vector_load %arg7[%swap3A_210] {strides = array<i32>} : memref<128xi32, #tpu.memory_space<vmem>>, vector<16xi32>,
        %swap3A_212 = vector.shape_cast %swap3A_211 : vector<16xi32> to vector<16xi32>
        %swap3A_213 = vector.shape_cast %select_n3A_209 : vector<16xi32> to vector<16xi32>
        tpu.vector_store %arg7[%swap3A_210], %swap3A_213 {strides = array<i32>} : memref<128xi32, #tpu.memory_space<vmem>>, vector<16xi32>,
        %dma_wait3A = arith.constant 0 : i32
        %dma_wait3A_214 = tpu.memref_slice %arg2[%mul3A_66, %dma_wait3A] : memref<800000x128xf32, #tpu.memory_space<hbm>> -> memref<128x128xf32, #tpu.memory_space<hbm>>
        %dma_wait3A_215 = arith.constant 0 : i32
        %dma_wait3A_216 = tpu.memref_slice %arg2[%mul3A_66, %dma_wait3A_215] : memref<800000x128xf32, #tpu.memory_space<hbm>> -> memref<128x128xf32, #tpu.memory_space<hbm>>
        tpu.wait_dma2 semaphore(%arg10 : memref<!tpu.dma_semaphore, #tpu.memory_space<semaphore_mem>>) src(%dma_wait3A_216 : memref<128x128xf32, #tpu.memory_space<hbm>>) dst(%arg8 : memref<128x128xf32, #tpu.memory_space<vmem>>)
        "tpu.region"() ({
          %run_scoped3A = tpu.sem_alloc : memref<!tpu.dma_semaphore, #tpu.memory_space<semaphore_mem>>
          %dma_start3A_217 = arith.constant 0 : i32
          %dma_start3A_218 = arith.constant 0 : i32
          %dma_start3A_219 = tpu.memref_slice %arg9[%dma_start3A_217, %dma_start3A_218] : memref<12544x128xf32, #tpu.memory_space<vmem_shared>> -> memref<12544x128xf32, #tpu.memory_space<vmem_shared>>
          tpu.enqueue_indirect_dma source(%arg8 : memref<128x128xf32, #tpu.memory_space<vmem>>) target(%dma_start3A_219 : memref<12544x128xf32, #tpu.memory_space<vmem_shared>>) offsets(%arg7 : memref<128xi32, #tpu.memory_space<vmem>>) semaphore(%run_scoped3A : memref<!tpu.dma_semaphore, #tpu.memory_space<semaphore_mem>>) {add = true}
          %dma_wait3A_220 = arith.constant 0 : i32
          %dma_wait3A_221 = arith.constant 0 : i32
          %dma_wait3A_222 = tpu.memref_slice %arg9[%dma_wait3A_220, %dma_wait3A_221] : memref<12544x128xf32, #tpu.memory_space<vmem_shared>> -> memref<12544x128xf32, #tpu.memory_space<vmem_shared>>
          tpu.wait_indirect_dma semaphore(%run_scoped3A : memref<!tpu.dma_semaphore, #tpu.memory_space<semaphore_mem>>) src(%arg8 : memref<128x128xf32, #tpu.memory_space<vmem>>) dst(%dma_wait3A_222 : memref<12544x128xf32, #tpu.memory_space<vmem_shared>>)
          tpu.yield
        }) : () -> ()
      } else {
      }
    }
    %scan3A_43 = arith.constant 391 : i32
    %barrier3A_44 = arith.constant 0 : index
    tpu.barrier barrier_id(%barrier3A_44)
    %scan3A_45 = arith.constant 0 : i32
    %scan3A_46 = arith.constant 0 : i32
    %scan3A_47 = arith.constant 7 : i32
    %scan3A_48 = arith.addi %scan3A_46, %scan3A_47 : i32
    %scan3A_49 = arith.constant 1 : i32
    scf.for %scan3A_57 = %scan3A_46 to %scan3A_48 step %scan3A_49  : i32 {
      %mul3A_58 = arith.constant 16 : i32
      %mul3A_59 = arith.muli %scan3A_57, %mul3A_58 : i32
      %add3A_60 = arith.addi %mul3A_59, %arg1 : i32
      %lt3A = arith.constant 97 : i32
      %lt3A_61 = arith.cmpi slt, %add3A_60, %lt3A : i32
      %convert_element_type3A_62 = arith.extui %lt3A_61 : i1 to i32
      %cond3A_63 = arith.constant 0 : i32
      %cond3A_64 = arith.cmpi ne, %convert_element_type3A_62, %cond3A_63 : i32
      scf.if %cond3A_64 {
        %mul3A_65 = arith.constant 128 : i32
        %mul3A_66 = arith.muli %add3A_60, %mul3A_65 : i32
        "tpu.region"() ({
          %run_scoped3A = tpu.sem_alloc : memref<!tpu.dma_semaphore, #tpu.memory_space<semaphore_mem>>
          %dma_start3A = arith.constant 0 : i32
          %dma_start3A_68 = tpu.memref_slice %arg9[%mul3A_66, %dma_start3A] : memref<12544x128xf32, #tpu.memory_space<vmem_shared>> -> memref<128x128xf32, #tpu.memory_space<vmem_shared>>
          %dma_start3A_69 = arith.constant 0 : i32
          %dma_start3A_70 = tpu.memref_slice %arg9[%mul3A_66, %dma_start3A_69] : memref<12544x128xf32, #tpu.memory_space<vmem_shared>> -> memref<128x128xf32, #tpu.memory_space<vmem_shared>>
          tpu.enqueue_dma source(%dma_start3A_70 : memref<128x128xf32, #tpu.memory_space<vmem_shared>>) target(%arg8 : memref<128x128xf32, #tpu.memory_space<vmem>>) target_semaphore(%run_scoped3A : memref<!tpu.dma_semaphore, #tpu.memory_space<semaphore_mem>>)
          %dma_wait3A = arith.constant 0 : i32
          %dma_wait3A_71 = tpu.memref_slice %arg9[%mul3A_66, %dma_wait3A] : memref<12544x128xf32, #tpu.memory_space<vmem_shared>> -> memref<128x128xf32, #tpu.memory_space<vmem_shared>>
          %dma_wait3A_72 = arith.constant 0 : i32
          %dma_wait3A_73 = tpu.memref_slice %arg9[%mul3A_66, %dma_wait3A_72] : memref<12544x128xf32, #tpu.memory_space<vmem_shared>> -> memref<128x128xf32, #tpu.memory_space<vmem_shared>>
          tpu.wait_dma2 semaphore(%run_scoped3A : memref<!tpu.dma_semaphore, #tpu.memory_space<semaphore_mem>>) src(%dma_wait3A_73 : memref<128x128xf32, #tpu.memory_space<vmem_shared>>) dst(%arg8 : memref<128x128xf32, #tpu.memory_space<vmem>>)
          tpu.yield
        }) : () -> ()
        %add3A_67 = arith.addi %mul3A_30, %mul3A_66 : i32
        "tpu.region"() ({
          %run_scoped3A = tpu.sem_alloc : memref<!tpu.dma_semaphore, #tpu.memory_space<semaphore_mem>>
          %dma_start3A = arith.constant 0 : i32
          %dma_start3A_68 = tpu.memref_slice %arg5[%add3A_67, %dma_start3A] : memref<50048x128xf32, #tpu.memory_space<hbm>> -> memref<128x128xf32, #tpu.memory_space<hbm>>
          %dma_start3A_69 = arith.constant 0 : i32
          %dma_start3A_70 = tpu.memref_slice %arg5[%add3A_67, %dma_start3A_69] : memref<50048x128xf32, #tpu.memory_space<hbm>> -> memref<128x128xf32, #tpu.memory_space<hbm>>
          tpu.enqueue_dma source(%arg8 : memref<128x128xf32, #tpu.memory_space<vmem>>) target(%dma_start3A_70 : memref<128x128xf32, #tpu.memory_space<hbm>>) target_semaphore(%run_scoped3A : memref<!tpu.dma_semaphore, #tpu.memory_space<semaphore_mem>>)
          %dma_wait3A = arith.constant 0 : i32
          %dma_wait3A_71 = tpu.memref_slice %arg5[%add3A_67, %dma_wait3A] : memref<50048x128xf32, #tpu.memory_space<hbm>> -> memref<128x128xf32, #tpu.memory_space<hbm>>
          %dma_wait3A_72 = arith.constant 0 : i32
          %dma_wait3A_73 = tpu.memref_slice %arg5[%add3A_67, %dma_wait3A_72] : memref<50048x128xf32, #tpu.memory_space<hbm>> -> memref<128x128xf32, #tpu.memory_space<hbm>>
          tpu.wait_dma2 semaphore(%run_scoped3A : memref<!tpu.dma_semaphore, #tpu.memory_space<semaphore_mem>>) src(%arg8 : memref<128x128xf32, #tpu.memory_space<vmem>>) dst(%dma_wait3A_73 : memref<128x128xf32, #tpu.memory_space<hbm>>)
          tpu.yield
        }) : () -> ()
      } else {
      }
    }
    %scan3A_50 = arith.constant 7 : i32
    %eq3A_51 = arith.constant 0 : i32
    %eq3A_52 = arith.cmpi eq, %arg1, %eq3A_51 : i32
    %convert_element_type3A_53 = arith.extui %eq3A_52 : i1 to i32
    %cond3A_54 = arith.constant 0 : i32
    %cond3A_55 = arith.cmpi ne, %convert_element_type3A_53, %cond3A_54 : i32
    scf.if %cond3A_55 {
      "tpu.region"() ({
        %run_scoped3A = tpu.sem_alloc : memref<!tpu.dma_semaphore, #tpu.memory_space<semaphore_mem>>
        %dma_start3A = arith.constant 0 : i32
        %dma_start3A_59 = arith.constant 0 : i32
        %dma_start3A_60 = tpu.memref_slice %arg8[%dma_start3A, %dma_start3A_59] : memref<128x128xf32, #tpu.memory_space<vmem>> -> memref<96x128xf32, #tpu.memory_space<vmem>>
        %dma_start3A_61 = arith.constant 12416 : i32
        %dma_start3A_62 = arith.constant 0 : i32
        %dma_start3A_63 = tpu.memref_slice %arg9[%dma_start3A_61, %dma_start3A_62] : memref<12544x128xf32, #tpu.memory_space<vmem_shared>> -> memref<96x128xf32, #tpu.memory_space<vmem_shared>>
        %dma_start3A_64 = arith.constant 0 : i32
        %dma_start3A_65 = arith.constant 0 : i32
        %dma_start3A_66 = tpu.memref_slice %arg8[%dma_start3A_64, %dma_start3A_65] : memref<128x128xf32, #tpu.memory_space<vmem>> -> memref<96x128xf32, #tpu.memory_space<vmem>>
        %dma_start3A_67 = arith.constant 12416 : i32
        %dma_start3A_68 = arith.constant 0 : i32
        %dma_start3A_69 = tpu.memref_slice %arg9[%dma_start3A_67, %dma_start3A_68] : memref<12544x128xf32, #tpu.memory_space<vmem_shared>> -> memref<96x128xf32, #tpu.memory_space<vmem_shared>>
        tpu.enqueue_dma source(%dma_start3A_69 : memref<96x128xf32, #tpu.memory_space<vmem_shared>>) target(%dma_start3A_66 : memref<96x128xf32, #tpu.memory_space<vmem>>) target_semaphore(%run_scoped3A : memref<!tpu.dma_semaphore, #tpu.memory_space<semaphore_mem>>)
        %dma_wait3A = arith.constant 0 : i32
        %dma_wait3A_70 = arith.constant 0 : i32
        %dma_wait3A_71 = tpu.memref_slice %arg8[%dma_wait3A, %dma_wait3A_70] : memref<128x128xf32, #tpu.memory_space<vmem>> -> memref<96x128xf32, #tpu.memory_space<vmem>>
        %dma_wait3A_72 = arith.constant 12416 : i32
        %dma_wait3A_73 = arith.constant 0 : i32
        %dma_wait3A_74 = tpu.memref_slice %arg9[%dma_wait3A_72, %dma_wait3A_73] : memref<12544x128xf32, #tpu.memory_space<vmem_shared>> -> memref<96x128xf32, #tpu.memory_space<vmem_shared>>
        %dma_wait3A_75 = arith.constant 0 : i32
        %dma_wait3A_76 = arith.constant 0 : i32
        %dma_wait3A_77 = tpu.memref_slice %arg8[%dma_wait3A_75, %dma_wait3A_76] : memref<128x128xf32, #tpu.memory_space<vmem>> -> memref<96x128xf32, #tpu.memory_space<vmem>>
        %dma_wait3A_78 = arith.constant 12416 : i32
        %dma_wait3A_79 = arith.constant 0 : i32
        %dma_wait3A_80 = tpu.memref_slice %arg9[%dma_wait3A_78, %dma_wait3A_79] : memref<12544x128xf32, #tpu.memory_space<vmem_shared>> -> memref<96x128xf32, #tpu.memory_space<vmem_shared>>
        tpu.wait_dma2 semaphore(%run_scoped3A : memref<!tpu.dma_semaphore, #tpu.memory_space<semaphore_mem>>) src(%dma_wait3A_80 : memref<96x128xf32, #tpu.memory_space<vmem_shared>>) dst(%dma_wait3A_77 : memref<96x128xf32, #tpu.memory_space<vmem>>)
        tpu.yield
      }) : () -> ()
      %add3A_57 = arith.constant 12416 : i32
      %add3A_58 = arith.addi %mul3A_30, %add3A_57 : i32
      "tpu.region"() ({
        %run_scoped3A = tpu.sem_alloc : memref<!tpu.dma_semaphore, #tpu.memory_space<semaphore_mem>>
        %dma_start3A = arith.constant 0 : i32
        %dma_start3A_59 = arith.constant 0 : i32
        %dma_start3A_60 = tpu.memref_slice %arg8[%dma_start3A, %dma_start3A_59] : memref<128x128xf32, #tpu.memory_space<vmem>> -> memref<96x128xf32, #tpu.memory_space<vmem>>
        %dma_start3A_61 = arith.constant 0 : i32
        %dma_start3A_62 = tpu.memref_slice %arg5[%add3A_58, %dma_start3A_61] : memref<50048x128xf32, #tpu.memory_space<hbm>> -> memref<96x128xf32, #tpu.memory_space<hbm>>
        %dma_start3A_63 = arith.constant 0 : i32
        %dma_start3A_64 = tpu.memref_slice %arg5[%add3A_58, %dma_start3A_63] : memref<50048x128xf32, #tpu.memory_space<hbm>> -> memref<96x128xf32, #tpu.memory_space<hbm>>
        %dma_start3A_65 = arith.constant 0 : i32
        %dma_start3A_66 = arith.constant 0 : i32
        %dma_start3A_67 = tpu.memref_slice %arg8[%dma_start3A_65, %dma_start3A_66] : memref<128x128xf32, #tpu.memory_space<vmem>> -> memref<96x128xf32, #tpu.memory_space<vmem>>
        tpu.enqueue_dma source(%dma_start3A_67 : memref<96x128xf32, #tpu.memory_space<vmem>>) target(%dma_start3A_64 : memref<96x128xf32, #tpu.memory_space<hbm>>) target_semaphore(%run_scoped3A : memref<!tpu.dma_semaphore, #tpu.memory_space<semaphore_mem>>)
        %dma_wait3A = arith.constant 0 : i32
        %dma_wait3A_68 = arith.constant 0 : i32
        %dma_wait3A_69 = tpu.memref_slice %arg8[%dma_wait3A, %dma_wait3A_68] : memref<128x128xf32, #tpu.memory_space<vmem>> -> memref<96x128xf32, #tpu.memory_space<vmem>>
        %dma_wait3A_70 = arith.constant 0 : i32
        %dma_wait3A_71 = tpu.memref_slice %arg5[%add3A_58, %dma_wait3A_70] : memref<50048x128xf32, #tpu.memory_space<hbm>> -> memref<96x128xf32, #tpu.memory_space<hbm>>
        %dma_wait3A_72 = arith.constant 0 : i32
        %dma_wait3A_73 = tpu.memref_slice %arg5[%add3A_58, %dma_wait3A_72] : memref<50048x128xf32, #tpu.memory_space<hbm>> -> memref<96x128xf32, #tpu.memory_space<hbm>>
        %dma_wait3A_74 = arith.constant 0 : i32
        %dma_wait3A_75 = arith.constant 0 : i32
        %dma_wait3A_76 = tpu.memref_slice %arg8[%dma_wait3A_74, %dma_wait3A_75] : memref<128x128xf32, #tpu.memory_space<vmem>> -> memref<96x128xf32, #tpu.memory_space<vmem>>
        tpu.wait_dma2 semaphore(%run_scoped3A : memref<!tpu.dma_semaphore, #tpu.memory_space<semaphore_mem>>) src(%dma_wait3A_76 : memref<96x128xf32, #tpu.memory_space<vmem>>) dst(%dma_wait3A_73 : memref<96x128xf32, #tpu.memory_space<hbm>>)
        tpu.yield
      }) : () -> ()
    } else {
    }
    %barrier3A_56 = arith.constant 0 : index
    tpu.barrier barrier_id(%barrier3A_56)
    return
  }
}

#map = affine_map<(d0, d1) -> (0, 0)>
#map1 = affine_map<(d0, d1) -> (0)>
module attributes {stable_mosaic.version = 14 : i64} {
  func.func @_gather_kernel(%arg0: i32, %arg1: i32, %arg2: memref<50000x128xf32, #tpu.memory_space<hbm>>, %arg3: memref<50000x128xf32, #tpu.memory_space<hbm>>, %arg4: memref<800000xi32, #tpu.memory_space<hbm>>, %arg5: memref<800000xi32, #tpu.memory_space<hbm>>, %arg6: memref<800000x128xf32, #tpu.memory_space<hbm>>, %arg7: memref<800000x128xf32, #tpu.memory_space<hbm>>, %arg8: memref<128xi32, #tpu.memory_space<vmem>>, %arg9: memref<128xi32, #tpu.memory_space<vmem>>, %arg10: memref<128xi32, #tpu.memory_space<vmem>>, %arg11: memref<128xi32, #tpu.memory_space<vmem>>, %arg12: memref<128xi32, #tpu.memory_space<vmem>>, %arg13: memref<128xi32, #tpu.memory_space<vmem>>, %arg14: memref<128x128xf32, #tpu.memory_space<vmem>>, %arg15: memref<128x128xf32, #tpu.memory_space<vmem>>, %arg16: memref<128x128xf32, #tpu.memory_space<vmem>>, %arg17: memref<128x128xf32, #tpu.memory_space<vmem>>, %arg18: memref<128x128xf32, #tpu.memory_space<vmem>>, %arg19: memref<128x128xf32, #tpu.memory_space<vmem>>, %arg20: memref<!tpu.dma_semaphore, #tpu.memory_space<semaphore_mem>>, %arg21: memref<!tpu.dma_semaphore, #tpu.memory_space<semaphore_mem>>, %arg22: memref<!tpu.dma_semaphore, #tpu.memory_space<semaphore_mem>>, %arg23: memref<!tpu.dma_semaphore, #tpu.memory_space<semaphore_mem>>, %arg24: memref<!tpu.dma_semaphore, #tpu.memory_space<semaphore_mem>>, %arg25: memref<!tpu.dma_semaphore, #tpu.memory_space<semaphore_mem>>, %arg26: memref<!tpu.dma_semaphore, #tpu.memory_space<semaphore_mem>>, %arg27: memref<!tpu.dma_semaphore, #tpu.memory_space<semaphore_mem>>, %arg28: memref<!tpu.dma_semaphore, #tpu.memory_space<semaphore_mem>>) attributes {dimension_semantics = [#tpu.dimension_semantics<core_parallel>, #tpu.dimension_semantics<subcore_parallel>], iteration_bounds = array<i64: 2, 16>, scalar_prefetch = 0 : i64, scratch_operands = 21 : i64, tpu.core_type = #tpu.core_type<sc_vector_subcore>, window_params = [{transform_indices = #map}, {transform_indices = #map}, {transform_indices = #map1}, {transform_indices = #map1}, {transform_indices = #map}, {transform_indices = #map}]} {
    %mul3A = arith.constant 2 : i32
    %mul3A_0 = arith.muli %arg1, %mul3A : i32
    %add3A = arith.addi %mul3A_0, %arg0 : i32
    %scan3A = arith.constant 0 : i32
    %scan3A_1 = arith.constant 0 : i32
    %scan3A_2 = arith.constant 66 : i32
    %scan3A_3 = arith.addi %scan3A_1, %scan3A_2 : i32
    %scan3A_4 = arith.constant 1 : i32
    scf.for %scan3A_6 = %scan3A_1 to %scan3A_3 step %scan3A_4  : i32 {
      %mul3A_7 = arith.constant 3 : i32
      %mul3A_8 = arith.muli %scan3A_6, %mul3A_7 : i32
      %add3A_9 = arith.constant 0 : i32
      %add3A_10 = arith.addi %mul3A_8, %add3A_9 : i32
      %mul3A_11 = arith.constant 32 : i32
      %mul3A_12 = arith.muli %add3A_10, %mul3A_11 : i32
      %add3A_13 = arith.addi %mul3A_12, %add3A : i32
      %mul3A_14 = arith.constant 3 : i32
      %mul3A_15 = arith.muli %scan3A_6, %mul3A_14 : i32
      %add3A_16 = arith.constant 1 : i32
      %add3A_17 = arith.addi %mul3A_15, %add3A_16 : i32
      %mul3A_18 = arith.constant 32 : i32
      %mul3A_19 = arith.muli %add3A_17, %mul3A_18 : i32
      %add3A_20 = arith.addi %mul3A_19, %add3A : i32
      %mul3A_21 = arith.constant 3 : i32
      %mul3A_22 = arith.muli %scan3A_6, %mul3A_21 : i32
      %add3A_23 = arith.constant 2 : i32
      %add3A_24 = arith.addi %mul3A_22, %add3A_23 : i32
      %mul3A_25 = arith.constant 32 : i32
      %mul3A_26 = arith.muli %add3A_24, %mul3A_25 : i32
      %add3A_27 = arith.addi %mul3A_26, %add3A : i32
      %lt3A = arith.constant 6250 : i32
      %lt3A_28 = arith.cmpi slt, %add3A_13, %lt3A : i32
      %convert_element_type3A = arith.extui %lt3A_28 : i1 to i32
      %cond3A = arith.constant 0 : i32
      %cond3A_29 = arith.cmpi ne, %convert_element_type3A, %cond3A : i32
      scf.if %cond3A_29 {
        %mul3A_70 = arith.constant 128 : i32
        %mul3A_71 = arith.muli %add3A_13, %mul3A_70 : i32
        %dma_start3A = tpu.memref_slice %arg5[%mul3A_71] : memref<800000xi32, #tpu.memory_space<hbm>> -> memref<128xi32, #tpu.memory_space<hbm>>
        %dma_start3A_72 = tpu.memref_slice %arg5[%mul3A_71] : memref<800000xi32, #tpu.memory_space<hbm>> -> memref<128xi32, #tpu.memory_space<hbm>>
        tpu.enqueue_dma source(%dma_start3A_72 : memref<128xi32, #tpu.memory_space<hbm>>) target(%arg8 : memref<128xi32, #tpu.memory_space<vmem>>) target_semaphore(%arg20 : memref<!tpu.dma_semaphore, #tpu.memory_space<semaphore_mem>>)
        %dma_start3A_73 = tpu.memref_slice %arg4[%mul3A_71] : memref<800000xi32, #tpu.memory_space<hbm>> -> memref<128xi32, #tpu.memory_space<hbm>>
        %dma_start3A_74 = tpu.memref_slice %arg4[%mul3A_71] : memref<800000xi32, #tpu.memory_space<hbm>> -> memref<128xi32, #tpu.memory_space<hbm>>
        tpu.enqueue_dma source(%dma_start3A_74 : memref<128xi32, #tpu.memory_space<hbm>>) target(%arg11 : memref<128xi32, #tpu.memory_space<vmem>>) target_semaphore(%arg20 : memref<!tpu.dma_semaphore, #tpu.memory_space<semaphore_mem>>)
      } else {
      }
      %lt3A_30 = arith.constant 6250 : i32
      %lt3A_31 = arith.cmpi slt, %add3A_20, %lt3A_30 : i32
      %convert_element_type3A_32 = arith.extui %lt3A_31 : i1 to i32
      %cond3A_33 = arith.constant 0 : i32
      %cond3A_34 = arith.cmpi ne, %convert_element_type3A_32, %cond3A_33 : i32
      scf.if %cond3A_34 {
        %mul3A_70 = arith.constant 128 : i32
        %mul3A_71 = arith.muli %add3A_20, %mul3A_70 : i32
        %dma_start3A = tpu.memref_slice %arg5[%mul3A_71] : memref<800000xi32, #tpu.memory_space<hbm>> -> memref<128xi32, #tpu.memory_space<hbm>>
        %dma_start3A_72 = tpu.memref_slice %arg5[%mul3A_71] : memref<800000xi32, #tpu.memory_space<hbm>> -> memref<128xi32, #tpu.memory_space<hbm>>
        tpu.enqueue_dma source(%dma_start3A_72 : memref<128xi32, #tpu.memory_space<hbm>>) target(%arg9 : memref<128xi32, #tpu.memory_space<vmem>>) target_semaphore(%arg21 : memref<!tpu.dma_semaphore, #tpu.memory_space<semaphore_mem>>)
        %dma_start3A_73 = tpu.memref_slice %arg4[%mul3A_71] : memref<800000xi32, #tpu.memory_space<hbm>> -> memref<128xi32, #tpu.memory_space<hbm>>
        %dma_start3A_74 = tpu.memref_slice %arg4[%mul3A_71] : memref<800000xi32, #tpu.memory_space<hbm>> -> memref<128xi32, #tpu.memory_space<hbm>>
        tpu.enqueue_dma source(%dma_start3A_74 : memref<128xi32, #tpu.memory_space<hbm>>) target(%arg12 : memref<128xi32, #tpu.memory_space<vmem>>) target_semaphore(%arg21 : memref<!tpu.dma_semaphore, #tpu.memory_space<semaphore_mem>>)
      } else {
      }
      %lt3A_35 = arith.constant 6250 : i32
      %lt3A_36 = arith.cmpi slt, %add3A_27, %lt3A_35 : i32
      %convert_element_type3A_37 = arith.extui %lt3A_36 : i1 to i32
      %cond3A_38 = arith.constant 0 : i32
      %cond3A_39 = arith.cmpi ne, %convert_element_type3A_37, %cond3A_38 : i32
      scf.if %cond3A_39 {
        %mul3A_70 = arith.constant 128 : i32
        %mul3A_71 = arith.muli %add3A_27, %mul3A_70 : i32
        %dma_start3A = tpu.memref_slice %arg5[%mul3A_71] : memref<800000xi32, #tpu.memory_space<hbm>> -> memref<128xi32, #tpu.memory_space<hbm>>
        %dma_start3A_72 = tpu.memref_slice %arg5[%mul3A_71] : memref<800000xi32, #tpu.memory_space<hbm>> -> memref<128xi32, #tpu.memory_space<hbm>>
        tpu.enqueue_dma source(%dma_start3A_72 : memref<128xi32, #tpu.memory_space<hbm>>) target(%arg10 : memref<128xi32, #tpu.memory_space<vmem>>) target_semaphore(%arg22 : memref<!tpu.dma_semaphore, #tpu.memory_space<semaphore_mem>>)
        %dma_start3A_73 = tpu.memref_slice %arg4[%mul3A_71] : memref<800000xi32, #tpu.memory_space<hbm>> -> memref<128xi32, #tpu.memory_space<hbm>>
        %dma_start3A_74 = tpu.memref_slice %arg4[%mul3A_71] : memref<800000xi32, #tpu.memory_space<hbm>> -> memref<128xi32, #tpu.memory_space<hbm>>
        tpu.enqueue_dma source(%dma_start3A_74 : memref<128xi32, #tpu.memory_space<hbm>>) target(%arg13 : memref<128xi32, #tpu.memory_space<vmem>>) target_semaphore(%arg22 : memref<!tpu.dma_semaphore, #tpu.memory_space<semaphore_mem>>)
      } else {
      }
      %lt3A_40 = arith.constant 6250 : i32
      %lt3A_41 = arith.cmpi slt, %add3A_13, %lt3A_40 : i32
      %convert_element_type3A_42 = arith.extui %lt3A_41 : i1 to i32
      %cond3A_43 = arith.constant 0 : i32
      %cond3A_44 = arith.cmpi ne, %convert_element_type3A_42, %cond3A_43 : i32
      scf.if %cond3A_44 {
        %mul3A_70 = arith.constant 128 : i32
        %mul3A_71 = arith.muli %add3A_13, %mul3A_70 : i32
        %dma_wait3A = tpu.memref_slice %arg5[%mul3A_71] : memref<800000xi32, #tpu.memory_space<hbm>> -> memref<128xi32, #tpu.memory_space<hbm>>
        %dma_wait3A_72 = tpu.memref_slice %arg5[%mul3A_71] : memref<800000xi32, #tpu.memory_space<hbm>> -> memref<128xi32, #tpu.memory_space<hbm>>
        tpu.wait_dma2 semaphore(%arg20 : memref<!tpu.dma_semaphore, #tpu.memory_space<semaphore_mem>>) src(%dma_wait3A_72 : memref<128xi32, #tpu.memory_space<hbm>>) dst(%arg8 : memref<128xi32, #tpu.memory_space<vmem>>)
        %dma_wait3A_73 = tpu.memref_slice %arg4[%mul3A_71] : memref<800000xi32, #tpu.memory_space<hbm>> -> memref<128xi32, #tpu.memory_space<hbm>>
        %dma_wait3A_74 = tpu.memref_slice %arg4[%mul3A_71] : memref<800000xi32, #tpu.memory_space<hbm>> -> memref<128xi32, #tpu.memory_space<hbm>>
        tpu.wait_dma2 semaphore(%arg20 : memref<!tpu.dma_semaphore, #tpu.memory_space<semaphore_mem>>) src(%dma_wait3A_74 : memref<128xi32, #tpu.memory_space<hbm>>) dst(%arg11 : memref<128xi32, #tpu.memory_space<vmem>>)
        %dma_start3A = arith.constant 0 : i32
        %dma_start3A_75 = arith.constant 0 : i32
        %dma_start3A_76 = tpu.memref_slice %arg2[%dma_start3A, %dma_start3A_75] : memref<50000x128xf32, #tpu.memory_space<hbm>> -> memref<50000x128xf32, #tpu.memory_space<hbm>>
        tpu.enqueue_indirect_dma source(%dma_start3A_76 : memref<50000x128xf32, #tpu.memory_space<hbm>>) target(%arg14 : memref<128x128xf32, #tpu.memory_space<vmem>>) offsets(%arg8 : memref<128xi32, #tpu.memory_space<vmem>>) semaphore(%arg23 : memref<!tpu.dma_semaphore, #tpu.memory_space<semaphore_mem>>)
        %dma_start3A_77 = arith.constant 0 : i32
        %dma_start3A_78 = arith.constant 0 : i32
        %dma_start3A_79 = tpu.memref_slice %arg3[%dma_start3A_77, %dma_start3A_78] : memref<50000x128xf32, #tpu.memory_space<hbm>> -> memref<50000x128xf32, #tpu.memory_space<hbm>>
        tpu.enqueue_indirect_dma source(%dma_start3A_79 : memref<50000x128xf32, #tpu.memory_space<hbm>>) target(%arg17 : memref<128x128xf32, #tpu.memory_space<vmem>>) offsets(%arg11 : memref<128xi32, #tpu.memory_space<vmem>>) semaphore(%arg26 : memref<!tpu.dma_semaphore, #tpu.memory_space<semaphore_mem>>)
      } else {
      }
      %lt3A_45 = arith.constant 6250 : i32
      %lt3A_46 = arith.cmpi slt, %add3A_20, %lt3A_45 : i32
      %convert_element_type3A_47 = arith.extui %lt3A_46 : i1 to i32
      %cond3A_48 = arith.constant 0 : i32
      %cond3A_49 = arith.cmpi ne, %convert_element_type3A_47, %cond3A_48 : i32
      scf.if %cond3A_49 {
        %mul3A_70 = arith.constant 128 : i32
        %mul3A_71 = arith.muli %add3A_20, %mul3A_70 : i32
        %dma_wait3A = tpu.memref_slice %arg5[%mul3A_71] : memref<800000xi32, #tpu.memory_space<hbm>> -> memref<128xi32, #tpu.memory_space<hbm>>
        %dma_wait3A_72 = tpu.memref_slice %arg5[%mul3A_71] : memref<800000xi32, #tpu.memory_space<hbm>> -> memref<128xi32, #tpu.memory_space<hbm>>
        tpu.wait_dma2 semaphore(%arg21 : memref<!tpu.dma_semaphore, #tpu.memory_space<semaphore_mem>>) src(%dma_wait3A_72 : memref<128xi32, #tpu.memory_space<hbm>>) dst(%arg9 : memref<128xi32, #tpu.memory_space<vmem>>)
        %dma_wait3A_73 = tpu.memref_slice %arg4[%mul3A_71] : memref<800000xi32, #tpu.memory_space<hbm>> -> memref<128xi32, #tpu.memory_space<hbm>>
        %dma_wait3A_74 = tpu.memref_slice %arg4[%mul3A_71] : memref<800000xi32, #tpu.memory_space<hbm>> -> memref<128xi32, #tpu.memory_space<hbm>>
        tpu.wait_dma2 semaphore(%arg21 : memref<!tpu.dma_semaphore, #tpu.memory_space<semaphore_mem>>) src(%dma_wait3A_74 : memref<128xi32, #tpu.memory_space<hbm>>) dst(%arg12 : memref<128xi32, #tpu.memory_space<vmem>>)
        %dma_start3A = arith.constant 0 : i32
        %dma_start3A_75 = arith.constant 0 : i32
        %dma_start3A_76 = tpu.memref_slice %arg2[%dma_start3A, %dma_start3A_75] : memref<50000x128xf32, #tpu.memory_space<hbm>> -> memref<50000x128xf32, #tpu.memory_space<hbm>>
        tpu.enqueue_indirect_dma source(%dma_start3A_76 : memref<50000x128xf32, #tpu.memory_space<hbm>>) target(%arg15 : memref<128x128xf32, #tpu.memory_space<vmem>>) offsets(%arg9 : memref<128xi32, #tpu.memory_space<vmem>>) semaphore(%arg24 : memref<!tpu.dma_semaphore, #tpu.memory_space<semaphore_mem>>)
        %dma_start3A_77 = arith.constant 0 : i32
        %dma_start3A_78 = arith.constant 0 : i32
        %dma_start3A_79 = tpu.memref_slice %arg3[%dma_start3A_77, %dma_start3A_78] : memref<50000x128xf32, #tpu.memory_space<hbm>> -> memref<50000x128xf32, #tpu.memory_space<hbm>>
        tpu.enqueue_indirect_dma source(%dma_start3A_79 : memref<50000x128xf32, #tpu.memory_space<hbm>>) target(%arg18 : memref<128x128xf32, #tpu.memory_space<vmem>>) offsets(%arg12 : memref<128xi32, #tpu.memory_space<vmem>>) semaphore(%arg27 : memref<!tpu.dma_semaphore, #tpu.memory_space<semaphore_mem>>)
      } else {
      }
      %lt3A_50 = arith.constant 6250 : i32
      %lt3A_51 = arith.cmpi slt, %add3A_27, %lt3A_50 : i32
      %convert_element_type3A_52 = arith.extui %lt3A_51 : i1 to i32
      %cond3A_53 = arith.constant 0 : i32
      %cond3A_54 = arith.cmpi ne, %convert_element_type3A_52, %cond3A_53 : i32
      scf.if %cond3A_54 {
        %mul3A_70 = arith.constant 128 : i32
        %mul3A_71 = arith.muli %add3A_27, %mul3A_70 : i32
        %dma_wait3A = tpu.memref_slice %arg5[%mul3A_71] : memref<800000xi32, #tpu.memory_space<hbm>> -> memref<128xi32, #tpu.memory_space<hbm>>
        %dma_wait3A_72 = tpu.memref_slice %arg5[%mul3A_71] : memref<800000xi32, #tpu.memory_space<hbm>> -> memref<128xi32, #tpu.memory_space<hbm>>
        tpu.wait_dma2 semaphore(%arg22 : memref<!tpu.dma_semaphore, #tpu.memory_space<semaphore_mem>>) src(%dma_wait3A_72 : memref<128xi32, #tpu.memory_space<hbm>>) dst(%arg10 : memref<128xi32, #tpu.memory_space<vmem>>)
        %dma_wait3A_73 = tpu.memref_slice %arg4[%mul3A_71] : memref<800000xi32, #tpu.memory_space<hbm>> -> memref<128xi32, #tpu.memory_space<hbm>>
        %dma_wait3A_74 = tpu.memref_slice %arg4[%mul3A_71] : memref<800000xi32, #tpu.memory_space<hbm>> -> memref<128xi32, #tpu.memory_space<hbm>>
        tpu.wait_dma2 semaphore(%arg22 : memref<!tpu.dma_semaphore, #tpu.memory_space<semaphore_mem>>) src(%dma_wait3A_74 : memref<128xi32, #tpu.memory_space<hbm>>) dst(%arg13 : memref<128xi32, #tpu.memory_space<vmem>>)
        %dma_start3A = arith.constant 0 : i32
        %dma_start3A_75 = arith.constant 0 : i32
        %dma_start3A_76 = tpu.memref_slice %arg2[%dma_start3A, %dma_start3A_75] : memref<50000x128xf32, #tpu.memory_space<hbm>> -> memref<50000x128xf32, #tpu.memory_space<hbm>>
        tpu.enqueue_indirect_dma source(%dma_start3A_76 : memref<50000x128xf32, #tpu.memory_space<hbm>>) target(%arg16 : memref<128x128xf32, #tpu.memory_space<vmem>>) offsets(%arg10 : memref<128xi32, #tpu.memory_space<vmem>>) semaphore(%arg25 : memref<!tpu.dma_semaphore, #tpu.memory_space<semaphore_mem>>)
        %dma_start3A_77 = arith.constant 0 : i32
        %dma_start3A_78 = arith.constant 0 : i32
        %dma_start3A_79 = tpu.memref_slice %arg3[%dma_start3A_77, %dma_start3A_78] : memref<50000x128xf32, #tpu.memory_space<hbm>> -> memref<50000x128xf32, #tpu.memory_space<hbm>>
        tpu.enqueue_indirect_dma source(%dma_start3A_79 : memref<50000x128xf32, #tpu.memory_space<hbm>>) target(%arg19 : memref<128x128xf32, #tpu.memory_space<vmem>>) offsets(%arg13 : memref<128xi32, #tpu.memory_space<vmem>>) semaphore(%arg28 : memref<!tpu.dma_semaphore, #tpu.memory_space<semaphore_mem>>)
      } else {
      }
      %lt3A_55 = arith.constant 6250 : i32
      %lt3A_56 = arith.cmpi slt, %add3A_13, %lt3A_55 : i32
      %convert_element_type3A_57 = arith.extui %lt3A_56 : i1 to i32
      %cond3A_58 = arith.constant 0 : i32
      %cond3A_59 = arith.cmpi ne, %convert_element_type3A_57, %cond3A_58 : i32
      scf.if %cond3A_59 {
        %mul3A_70 = arith.constant 128 : i32
        %mul3A_71 = arith.muli %add3A_13, %mul3A_70 : i32
        %dma_wait3A = arith.constant 0 : i32
        %dma_wait3A_72 = arith.constant 0 : i32
        %dma_wait3A_73 = tpu.memref_slice %arg2[%dma_wait3A, %dma_wait3A_72] : memref<50000x128xf32, #tpu.memory_space<hbm>> -> memref<50000x128xf32, #tpu.memory_space<hbm>>
        tpu.wait_indirect_dma semaphore(%arg23 : memref<!tpu.dma_semaphore, #tpu.memory_space<semaphore_mem>>) src(%dma_wait3A_73 : memref<50000x128xf32, #tpu.memory_space<hbm>>) dst(%arg14 : memref<128x128xf32, #tpu.memory_space<vmem>>)
        %dma_wait3A_74 = arith.constant 0 : i32
        %dma_wait3A_75 = arith.constant 0 : i32
        %dma_wait3A_76 = tpu.memref_slice %arg3[%dma_wait3A_74, %dma_wait3A_75] : memref<50000x128xf32, #tpu.memory_space<hbm>> -> memref<50000x128xf32, #tpu.memory_space<hbm>>
        tpu.wait_indirect_dma semaphore(%arg26 : memref<!tpu.dma_semaphore, #tpu.memory_space<semaphore_mem>>) src(%dma_wait3A_76 : memref<50000x128xf32, #tpu.memory_space<hbm>>) dst(%arg17 : memref<128x128xf32, #tpu.memory_space<vmem>>)
        "tpu.region"() ({
          %run_scoped3A = tpu.sem_alloc : memref<!tpu.dma_semaphore, #tpu.memory_space<semaphore_mem>>
          %dma_start3A = arith.constant 0 : i32
          %dma_start3A_77 = tpu.memref_slice %arg6[%mul3A_71, %dma_start3A] : memref<800000x128xf32, #tpu.memory_space<hbm>> -> memref<128x128xf32, #tpu.memory_space<hbm>>
          %dma_start3A_78 = arith.constant 0 : i32
          %dma_start3A_79 = tpu.memref_slice %arg6[%mul3A_71, %dma_start3A_78] : memref<800000x128xf32, #tpu.memory_space<hbm>> -> memref<128x128xf32, #tpu.memory_space<hbm>>
          tpu.enqueue_dma source(%arg14 : memref<128x128xf32, #tpu.memory_space<vmem>>) target(%dma_start3A_79 : memref<128x128xf32, #tpu.memory_space<hbm>>) target_semaphore(%run_scoped3A : memref<!tpu.dma_semaphore, #tpu.memory_space<semaphore_mem>>)
          %dma_wait3A_80 = arith.constant 0 : i32
          %dma_wait3A_81 = tpu.memref_slice %arg6[%mul3A_71, %dma_wait3A_80] : memref<800000x128xf32, #tpu.memory_space<hbm>> -> memref<128x128xf32, #tpu.memory_space<hbm>>
          %dma_wait3A_82 = arith.constant 0 : i32
          %dma_wait3A_83 = tpu.memref_slice %arg6[%mul3A_71, %dma_wait3A_82] : memref<800000x128xf32, #tpu.memory_space<hbm>> -> memref<128x128xf32, #tpu.memory_space<hbm>>
          tpu.wait_dma2 semaphore(%run_scoped3A : memref<!tpu.dma_semaphore, #tpu.memory_space<semaphore_mem>>) src(%arg14 : memref<128x128xf32, #tpu.memory_space<vmem>>) dst(%dma_wait3A_83 : memref<128x128xf32, #tpu.memory_space<hbm>>)
          tpu.yield
        }) : () -> ()
        "tpu.region"() ({
          %run_scoped3A = tpu.sem_alloc : memref<!tpu.dma_semaphore, #tpu.memory_space<semaphore_mem>>
          %dma_start3A = arith.constant 0 : i32
          %dma_start3A_77 = tpu.memref_slice %arg7[%mul3A_71, %dma_start3A] : memref<800000x128xf32, #tpu.memory_space<hbm>> -> memref<128x128xf32, #tpu.memory_space<hbm>>
          %dma_start3A_78 = arith.constant 0 : i32
          %dma_start3A_79 = tpu.memref_slice %arg7[%mul3A_71, %dma_start3A_78] : memref<800000x128xf32, #tpu.memory_space<hbm>> -> memref<128x128xf32, #tpu.memory_space<hbm>>
          tpu.enqueue_dma source(%arg17 : memref<128x128xf32, #tpu.memory_space<vmem>>) target(%dma_start3A_79 : memref<128x128xf32, #tpu.memory_space<hbm>>) target_semaphore(%run_scoped3A : memref<!tpu.dma_semaphore, #tpu.memory_space<semaphore_mem>>)
          %dma_wait3A_80 = arith.constant 0 : i32
          %dma_wait3A_81 = tpu.memref_slice %arg7[%mul3A_71, %dma_wait3A_80] : memref<800000x128xf32, #tpu.memory_space<hbm>> -> memref<128x128xf32, #tpu.memory_space<hbm>>
          %dma_wait3A_82 = arith.constant 0 : i32
          %dma_wait3A_83 = tpu.memref_slice %arg7[%mul3A_71, %dma_wait3A_82] : memref<800000x128xf32, #tpu.memory_space<hbm>> -> memref<128x128xf32, #tpu.memory_space<hbm>>
          tpu.wait_dma2 semaphore(%run_scoped3A : memref<!tpu.dma_semaphore, #tpu.memory_space<semaphore_mem>>) src(%arg17 : memref<128x128xf32, #tpu.memory_space<vmem>>) dst(%dma_wait3A_83 : memref<128x128xf32, #tpu.memory_space<hbm>>)
          tpu.yield
        }) : () -> ()
      } else {
      }
      %lt3A_60 = arith.constant 6250 : i32
      %lt3A_61 = arith.cmpi slt, %add3A_20, %lt3A_60 : i32
      %convert_element_type3A_62 = arith.extui %lt3A_61 : i1 to i32
      %cond3A_63 = arith.constant 0 : i32
      %cond3A_64 = arith.cmpi ne, %convert_element_type3A_62, %cond3A_63 : i32
      scf.if %cond3A_64 {
        %mul3A_70 = arith.constant 128 : i32
        %mul3A_71 = arith.muli %add3A_20, %mul3A_70 : i32
        %dma_wait3A = arith.constant 0 : i32
        %dma_wait3A_72 = arith.constant 0 : i32
        %dma_wait3A_73 = tpu.memref_slice %arg2[%dma_wait3A, %dma_wait3A_72] : memref<50000x128xf32, #tpu.memory_space<hbm>> -> memref<50000x128xf32, #tpu.memory_space<hbm>>
        tpu.wait_indirect_dma semaphore(%arg24 : memref<!tpu.dma_semaphore, #tpu.memory_space<semaphore_mem>>) src(%dma_wait3A_73 : memref<50000x128xf32, #tpu.memory_space<hbm>>) dst(%arg15 : memref<128x128xf32, #tpu.memory_space<vmem>>)
        %dma_wait3A_74 = arith.constant 0 : i32
        %dma_wait3A_75 = arith.constant 0 : i32
        %dma_wait3A_76 = tpu.memref_slice %arg3[%dma_wait3A_74, %dma_wait3A_75] : memref<50000x128xf32, #tpu.memory_space<hbm>> -> memref<50000x128xf32, #tpu.memory_space<hbm>>
        tpu.wait_indirect_dma semaphore(%arg27 : memref<!tpu.dma_semaphore, #tpu.memory_space<semaphore_mem>>) src(%dma_wait3A_76 : memref<50000x128xf32, #tpu.memory_space<hbm>>) dst(%arg18 : memref<128x128xf32, #tpu.memory_space<vmem>>)
        "tpu.region"() ({
          %run_scoped3A = tpu.sem_alloc : memref<!tpu.dma_semaphore, #tpu.memory_space<semaphore_mem>>
          %dma_start3A = arith.constant 0 : i32
          %dma_start3A_77 = tpu.memref_slice %arg6[%mul3A_71, %dma_start3A] : memref<800000x128xf32, #tpu.memory_space<hbm>> -> memref<128x128xf32, #tpu.memory_space<hbm>>
          %dma_start3A_78 = arith.constant 0 : i32
          %dma_start3A_79 = tpu.memref_slice %arg6[%mul3A_71, %dma_start3A_78] : memref<800000x128xf32, #tpu.memory_space<hbm>> -> memref<128x128xf32, #tpu.memory_space<hbm>>
          tpu.enqueue_dma source(%arg15 : memref<128x128xf32, #tpu.memory_space<vmem>>) target(%dma_start3A_79 : memref<128x128xf32, #tpu.memory_space<hbm>>) target_semaphore(%run_scoped3A : memref<!tpu.dma_semaphore, #tpu.memory_space<semaphore_mem>>)
          %dma_wait3A_80 = arith.constant 0 : i32
          %dma_wait3A_81 = tpu.memref_slice %arg6[%mul3A_71, %dma_wait3A_80] : memref<800000x128xf32, #tpu.memory_space<hbm>> -> memref<128x128xf32, #tpu.memory_space<hbm>>
          %dma_wait3A_82 = arith.constant 0 : i32
          %dma_wait3A_83 = tpu.memref_slice %arg6[%mul3A_71, %dma_wait3A_82] : memref<800000x128xf32, #tpu.memory_space<hbm>> -> memref<128x128xf32, #tpu.memory_space<hbm>>
          tpu.wait_dma2 semaphore(%run_scoped3A : memref<!tpu.dma_semaphore, #tpu.memory_space<semaphore_mem>>) src(%arg15 : memref<128x128xf32, #tpu.memory_space<vmem>>) dst(%dma_wait3A_83 : memref<128x128xf32, #tpu.memory_space<hbm>>)
          tpu.yield
        }) : () -> ()
        "tpu.region"() ({
          %run_scoped3A = tpu.sem_alloc : memref<!tpu.dma_semaphore, #tpu.memory_space<semaphore_mem>>
          %dma_start3A = arith.constant 0 : i32
          %dma_start3A_77 = tpu.memref_slice %arg7[%mul3A_71, %dma_start3A] : memref<800000x128xf32, #tpu.memory_space<hbm>> -> memref<128x128xf32, #tpu.memory_space<hbm>>
          %dma_start3A_78 = arith.constant 0 : i32
          %dma_start3A_79 = tpu.memref_slice %arg7[%mul3A_71, %dma_start3A_78] : memref<800000x128xf32, #tpu.memory_space<hbm>> -> memref<128x128xf32, #tpu.memory_space<hbm>>
          tpu.enqueue_dma source(%arg18 : memref<128x128xf32, #tpu.memory_space<vmem>>) target(%dma_start3A_79 : memref<128x128xf32, #tpu.memory_space<hbm>>) target_semaphore(%run_scoped3A : memref<!tpu.dma_semaphore, #tpu.memory_space<semaphore_mem>>)
          %dma_wait3A_80 = arith.constant 0 : i32
          %dma_wait3A_81 = tpu.memref_slice %arg7[%mul3A_71, %dma_wait3A_80] : memref<800000x128xf32, #tpu.memory_space<hbm>> -> memref<128x128xf32, #tpu.memory_space<hbm>>
          %dma_wait3A_82 = arith.constant 0 : i32
          %dma_wait3A_83 = tpu.memref_slice %arg7[%mul3A_71, %dma_wait3A_82] : memref<800000x128xf32, #tpu.memory_space<hbm>> -> memref<128x128xf32, #tpu.memory_space<hbm>>
          tpu.wait_dma2 semaphore(%run_scoped3A : memref<!tpu.dma_semaphore, #tpu.memory_space<semaphore_mem>>) src(%arg18 : memref<128x128xf32, #tpu.memory_space<vmem>>) dst(%dma_wait3A_83 : memref<128x128xf32, #tpu.memory_space<hbm>>)
          tpu.yield
        }) : () -> ()
      } else {
      }
      %lt3A_65 = arith.constant 6250 : i32
      %lt3A_66 = arith.cmpi slt, %add3A_27, %lt3A_65 : i32
      %convert_element_type3A_67 = arith.extui %lt3A_66 : i1 to i32
      %cond3A_68 = arith.constant 0 : i32
      %cond3A_69 = arith.cmpi ne, %convert_element_type3A_67, %cond3A_68 : i32
      scf.if %cond3A_69 {
        %mul3A_70 = arith.constant 128 : i32
        %mul3A_71 = arith.muli %add3A_27, %mul3A_70 : i32
        %dma_wait3A = arith.constant 0 : i32
        %dma_wait3A_72 = arith.constant 0 : i32
        %dma_wait3A_73 = tpu.memref_slice %arg2[%dma_wait3A, %dma_wait3A_72] : memref<50000x128xf32, #tpu.memory_space<hbm>> -> memref<50000x128xf32, #tpu.memory_space<hbm>>
        tpu.wait_indirect_dma semaphore(%arg25 : memref<!tpu.dma_semaphore, #tpu.memory_space<semaphore_mem>>) src(%dma_wait3A_73 : memref<50000x128xf32, #tpu.memory_space<hbm>>) dst(%arg16 : memref<128x128xf32, #tpu.memory_space<vmem>>)
        %dma_wait3A_74 = arith.constant 0 : i32
        %dma_wait3A_75 = arith.constant 0 : i32
        %dma_wait3A_76 = tpu.memref_slice %arg3[%dma_wait3A_74, %dma_wait3A_75] : memref<50000x128xf32, #tpu.memory_space<hbm>> -> memref<50000x128xf32, #tpu.memory_space<hbm>>
        tpu.wait_indirect_dma semaphore(%arg28 : memref<!tpu.dma_semaphore, #tpu.memory_space<semaphore_mem>>) src(%dma_wait3A_76 : memref<50000x128xf32, #tpu.memory_space<hbm>>) dst(%arg19 : memref<128x128xf32, #tpu.memory_space<vmem>>)
        "tpu.region"() ({
          %run_scoped3A = tpu.sem_alloc : memref<!tpu.dma_semaphore, #tpu.memory_space<semaphore_mem>>
          %dma_start3A = arith.constant 0 : i32
          %dma_start3A_77 = tpu.memref_slice %arg6[%mul3A_71, %dma_start3A] : memref<800000x128xf32, #tpu.memory_space<hbm>> -> memref<128x128xf32, #tpu.memory_space<hbm>>
          %dma_start3A_78 = arith.constant 0 : i32
          %dma_start3A_79 = tpu.memref_slice %arg6[%mul3A_71, %dma_start3A_78] : memref<800000x128xf32, #tpu.memory_space<hbm>> -> memref<128x128xf32, #tpu.memory_space<hbm>>
          tpu.enqueue_dma source(%arg16 : memref<128x128xf32, #tpu.memory_space<vmem>>) target(%dma_start3A_79 : memref<128x128xf32, #tpu.memory_space<hbm>>) target_semaphore(%run_scoped3A : memref<!tpu.dma_semaphore, #tpu.memory_space<semaphore_mem>>)
          %dma_wait3A_80 = arith.constant 0 : i32
          %dma_wait3A_81 = tpu.memref_slice %arg6[%mul3A_71, %dma_wait3A_80] : memref<800000x128xf32, #tpu.memory_space<hbm>> -> memref<128x128xf32, #tpu.memory_space<hbm>>
          %dma_wait3A_82 = arith.constant 0 : i32
          %dma_wait3A_83 = tpu.memref_slice %arg6[%mul3A_71, %dma_wait3A_82] : memref<800000x128xf32, #tpu.memory_space<hbm>> -> memref<128x128xf32, #tpu.memory_space<hbm>>
          tpu.wait_dma2 semaphore(%run_scoped3A : memref<!tpu.dma_semaphore, #tpu.memory_space<semaphore_mem>>) src(%arg16 : memref<128x128xf32, #tpu.memory_space<vmem>>) dst(%dma_wait3A_83 : memref<128x128xf32, #tpu.memory_space<hbm>>)
          tpu.yield
        }) : () -> ()
        "tpu.region"() ({
          %run_scoped3A = tpu.sem_alloc : memref<!tpu.dma_semaphore, #tpu.memory_space<semaphore_mem>>
          %dma_start3A = arith.constant 0 : i32
          %dma_start3A_77 = tpu.memref_slice %arg7[%mul3A_71, %dma_start3A] : memref<800000x128xf32, #tpu.memory_space<hbm>> -> memref<128x128xf32, #tpu.memory_space<hbm>>
          %dma_start3A_78 = arith.constant 0 : i32
          %dma_start3A_79 = tpu.memref_slice %arg7[%mul3A_71, %dma_start3A_78] : memref<800000x128xf32, #tpu.memory_space<hbm>> -> memref<128x128xf32, #tpu.memory_space<hbm>>
          tpu.enqueue_dma source(%arg19 : memref<128x128xf32, #tpu.memory_space<vmem>>) target(%dma_start3A_79 : memref<128x128xf32, #tpu.memory_space<hbm>>) target_semaphore(%run_scoped3A : memref<!tpu.dma_semaphore, #tpu.memory_space<semaphore_mem>>)
          %dma_wait3A_80 = arith.constant 0 : i32
          %dma_wait3A_81 = tpu.memref_slice %arg7[%mul3A_71, %dma_wait3A_80] : memref<800000x128xf32, #tpu.memory_space<hbm>> -> memref<128x128xf32, #tpu.memory_space<hbm>>
          %dma_wait3A_82 = arith.constant 0 : i32
          %dma_wait3A_83 = tpu.memref_slice %arg7[%mul3A_71, %dma_wait3A_82] : memref<800000x128xf32, #tpu.memory_space<hbm>> -> memref<128x128xf32, #tpu.memory_space<hbm>>
          tpu.wait_dma2 semaphore(%run_scoped3A : memref<!tpu.dma_semaphore, #tpu.memory_space<semaphore_mem>>) src(%arg19 : memref<128x128xf32, #tpu.memory_space<vmem>>) dst(%dma_wait3A_83 : memref<128x128xf32, #tpu.memory_space<hbm>>)
          tpu.yield
        }) : () -> ()
      } else {
      }
    }
    %scan3A_5 = arith.constant 66 : i32
    return
  }
}

#map = affine_map<(d0, d1) -> (0, 0)>
#map1 = affine_map<(d0, d1) -> (0)>
module attributes {stable_mosaic.version = 14 : i64} {
  func.func @_gather_kernel(%arg0: i32, %arg1: i32, %arg2: memref<50000x128xf32, #tpu.memory_space<hbm>>, %arg3: memref<50000x128xf32, #tpu.memory_space<hbm>>, %arg4: memref<800000xi32, #tpu.memory_space<hbm>>, %arg5: memref<800000xi32, #tpu.memory_space<hbm>>, %arg6: memref<800000x128xf32, #tpu.memory_space<hbm>>, %arg7: memref<800000x128xf32, #tpu.memory_space<hbm>>, %arg8: memref<128xi32, #tpu.memory_space<vmem>>, %arg9: memref<128xi32, #tpu.memory_space<vmem>>, %arg10: memref<128xi32, #tpu.memory_space<vmem>>, %arg11: memref<128xi32, #tpu.memory_space<vmem>>, %arg12: memref<128xi32, #tpu.memory_space<vmem>>, %arg13: memref<128xi32, #tpu.memory_space<vmem>>, %arg14: memref<128x128xf32, #tpu.memory_space<vmem>>, %arg15: memref<128x128xf32, #tpu.memory_space<vmem>>, %arg16: memref<128x128xf32, #tpu.memory_space<vmem>>, %arg17: memref<128x128xf32, #tpu.memory_space<vmem>>, %arg18: memref<128x128xf32, #tpu.memory_space<vmem>>, %arg19: memref<128x128xf32, #tpu.memory_space<vmem>>, %arg20: memref<!tpu.dma_semaphore, #tpu.memory_space<semaphore_mem>>, %arg21: memref<!tpu.dma_semaphore, #tpu.memory_space<semaphore_mem>>, %arg22: memref<!tpu.dma_semaphore, #tpu.memory_space<semaphore_mem>>, %arg23: memref<!tpu.dma_semaphore, #tpu.memory_space<semaphore_mem>>, %arg24: memref<!tpu.dma_semaphore, #tpu.memory_space<semaphore_mem>>, %arg25: memref<!tpu.dma_semaphore, #tpu.memory_space<semaphore_mem>>, %arg26: memref<!tpu.dma_semaphore, #tpu.memory_space<semaphore_mem>>, %arg27: memref<!tpu.dma_semaphore, #tpu.memory_space<semaphore_mem>>, %arg28: memref<!tpu.dma_semaphore, #tpu.memory_space<semaphore_mem>>) attributes {dimension_semantics = [#tpu.dimension_semantics<core_parallel>, #tpu.dimension_semantics<subcore_parallel>], iteration_bounds = array<i64: 2, 16>, scalar_prefetch = 0 : i64, scratch_operands = 21 : i64, tpu.core_type = #tpu.core_type<sc_vector_subcore>, window_params = [{transform_indices = #map}, {transform_indices = #map}, {transform_indices = #map1}, {transform_indices = #map1}, {transform_indices = #map}, {transform_indices = #map}]} {
    %mul3A = arith.constant 2 : i32
    %mul3A_0 = arith.muli %arg1, %mul3A : i32
    %add3A = arith.addi %mul3A_0, %arg0 : i32
    %scan3A = arith.constant 0 : i32
    %scan3A_1 = arith.constant 0 : i32
    %scan3A_2 = arith.constant 66 : i32
    %scan3A_3 = arith.addi %scan3A_1, %scan3A_2 : i32
    %scan3A_4 = arith.constant 1 : i32
    scf.for %scan3A_6 = %scan3A_1 to %scan3A_3 step %scan3A_4  : i32 {
      %mul3A_7 = arith.constant 3 : i32
      %mul3A_8 = arith.muli %scan3A_6, %mul3A_7 : i32
      %add3A_9 = arith.constant 0 : i32
      %add3A_10 = arith.addi %mul3A_8, %add3A_9 : i32
      %mul3A_11 = arith.constant 32 : i32
      %mul3A_12 = arith.muli %add3A_10, %mul3A_11 : i32
      %add3A_13 = arith.addi %mul3A_12, %add3A : i32
      %mul3A_14 = arith.constant 3 : i32
      %mul3A_15 = arith.muli %scan3A_6, %mul3A_14 : i32
      %add3A_16 = arith.constant 1 : i32
      %add3A_17 = arith.addi %mul3A_15, %add3A_16 : i32
      %mul3A_18 = arith.constant 32 : i32
      %mul3A_19 = arith.muli %add3A_17, %mul3A_18 : i32
      %add3A_20 = arith.addi %mul3A_19, %add3A : i32
      %mul3A_21 = arith.constant 3 : i32
      %mul3A_22 = arith.muli %scan3A_6, %mul3A_21 : i32
      %add3A_23 = arith.constant 2 : i32
      %add3A_24 = arith.addi %mul3A_22, %add3A_23 : i32
      %mul3A_25 = arith.constant 32 : i32
      %mul3A_26 = arith.muli %add3A_24, %mul3A_25 : i32
      %add3A_27 = arith.addi %mul3A_26, %add3A : i32
      %lt3A = arith.constant 6250 : i32
      %lt3A_28 = arith.cmpi slt, %add3A_13, %lt3A : i32
      %convert_element_type3A = arith.extui %lt3A_28 : i1 to i32
      %cond3A = arith.constant 0 : i32
      %cond3A_29 = arith.cmpi ne, %convert_element_type3A, %cond3A : i32
      scf.if %cond3A_29 {
        %mul3A_70 = arith.constant 128 : i32
        %mul3A_71 = arith.muli %add3A_13, %mul3A_70 : i32
        %dma_start3A = tpu.memref_slice %arg5[%mul3A_71] : memref<800000xi32, #tpu.memory_space<hbm>> -> memref<128xi32, #tpu.memory_space<hbm>>
        %dma_start3A_72 = tpu.memref_slice %arg5[%mul3A_71] : memref<800000xi32, #tpu.memory_space<hbm>> -> memref<128xi32, #tpu.memory_space<hbm>>
        tpu.enqueue_dma source(%dma_start3A_72 : memref<128xi32, #tpu.memory_space<hbm>>) target(%arg8 : memref<128xi32, #tpu.memory_space<vmem>>) target_semaphore(%arg20 : memref<!tpu.dma_semaphore, #tpu.memory_space<semaphore_mem>>)
        %dma_start3A_73 = tpu.memref_slice %arg4[%mul3A_71] : memref<800000xi32, #tpu.memory_space<hbm>> -> memref<128xi32, #tpu.memory_space<hbm>>
        %dma_start3A_74 = tpu.memref_slice %arg4[%mul3A_71] : memref<800000xi32, #tpu.memory_space<hbm>> -> memref<128xi32, #tpu.memory_space<hbm>>
        tpu.enqueue_dma source(%dma_start3A_74 : memref<128xi32, #tpu.memory_space<hbm>>) target(%arg11 : memref<128xi32, #tpu.memory_space<vmem>>) target_semaphore(%arg20 : memref<!tpu.dma_semaphore, #tpu.memory_space<semaphore_mem>>)
      } else {
      }
      %lt3A_30 = arith.constant 6250 : i32
      %lt3A_31 = arith.cmpi slt, %add3A_20, %lt3A_30 : i32
      %convert_element_type3A_32 = arith.extui %lt3A_31 : i1 to i32
      %cond3A_33 = arith.constant 0 : i32
      %cond3A_34 = arith.cmpi ne, %convert_element_type3A_32, %cond3A_33 : i32
      scf.if %cond3A_34 {
        %mul3A_70 = arith.constant 128 : i32
        %mul3A_71 = arith.muli %add3A_20, %mul3A_70 : i32
        %dma_start3A = tpu.memref_slice %arg5[%mul3A_71] : memref<800000xi32, #tpu.memory_space<hbm>> -> memref<128xi32, #tpu.memory_space<hbm>>
        %dma_start3A_72 = tpu.memref_slice %arg5[%mul3A_71] : memref<800000xi32, #tpu.memory_space<hbm>> -> memref<128xi32, #tpu.memory_space<hbm>>
        tpu.enqueue_dma source(%dma_start3A_72 : memref<128xi32, #tpu.memory_space<hbm>>) target(%arg9 : memref<128xi32, #tpu.memory_space<vmem>>) target_semaphore(%arg21 : memref<!tpu.dma_semaphore, #tpu.memory_space<semaphore_mem>>)
        %dma_start3A_73 = tpu.memref_slice %arg4[%mul3A_71] : memref<800000xi32, #tpu.memory_space<hbm>> -> memref<128xi32, #tpu.memory_space<hbm>>
        %dma_start3A_74 = tpu.memref_slice %arg4[%mul3A_71] : memref<800000xi32, #tpu.memory_space<hbm>> -> memref<128xi32, #tpu.memory_space<hbm>>
        tpu.enqueue_dma source(%dma_start3A_74 : memref<128xi32, #tpu.memory_space<hbm>>) target(%arg12 : memref<128xi32, #tpu.memory_space<vmem>>) target_semaphore(%arg21 : memref<!tpu.dma_semaphore, #tpu.memory_space<semaphore_mem>>)
      } else {
      }
      %lt3A_35 = arith.constant 6250 : i32
      %lt3A_36 = arith.cmpi slt, %add3A_27, %lt3A_35 : i32
      %convert_element_type3A_37 = arith.extui %lt3A_36 : i1 to i32
      %cond3A_38 = arith.constant 0 : i32
      %cond3A_39 = arith.cmpi ne, %convert_element_type3A_37, %cond3A_38 : i32
      scf.if %cond3A_39 {
        %mul3A_70 = arith.constant 128 : i32
        %mul3A_71 = arith.muli %add3A_27, %mul3A_70 : i32
        %dma_start3A = tpu.memref_slice %arg5[%mul3A_71] : memref<800000xi32, #tpu.memory_space<hbm>> -> memref<128xi32, #tpu.memory_space<hbm>>
        %dma_start3A_72 = tpu.memref_slice %arg5[%mul3A_71] : memref<800000xi32, #tpu.memory_space<hbm>> -> memref<128xi32, #tpu.memory_space<hbm>>
        tpu.enqueue_dma source(%dma_start3A_72 : memref<128xi32, #tpu.memory_space<hbm>>) target(%arg10 : memref<128xi32, #tpu.memory_space<vmem>>) target_semaphore(%arg22 : memref<!tpu.dma_semaphore, #tpu.memory_space<semaphore_mem>>)
        %dma_start3A_73 = tpu.memref_slice %arg4[%mul3A_71] : memref<800000xi32, #tpu.memory_space<hbm>> -> memref<128xi32, #tpu.memory_space<hbm>>
        %dma_start3A_74 = tpu.memref_slice %arg4[%mul3A_71] : memref<800000xi32, #tpu.memory_space<hbm>> -> memref<128xi32, #tpu.memory_space<hbm>>
        tpu.enqueue_dma source(%dma_start3A_74 : memref<128xi32, #tpu.memory_space<hbm>>) target(%arg13 : memref<128xi32, #tpu.memory_space<vmem>>) target_semaphore(%arg22 : memref<!tpu.dma_semaphore, #tpu.memory_space<semaphore_mem>>)
      } else {
      }
      %lt3A_40 = arith.constant 6250 : i32
      %lt3A_41 = arith.cmpi slt, %add3A_13, %lt3A_40 : i32
      %convert_element_type3A_42 = arith.extui %lt3A_41 : i1 to i32
      %cond3A_43 = arith.constant 0 : i32
      %cond3A_44 = arith.cmpi ne, %convert_element_type3A_42, %cond3A_43 : i32
      scf.if %cond3A_44 {
        %mul3A_70 = arith.constant 128 : i32
        %mul3A_71 = arith.muli %add3A_13, %mul3A_70 : i32
        %dma_wait3A = tpu.memref_slice %arg5[%mul3A_71] : memref<800000xi32, #tpu.memory_space<hbm>> -> memref<128xi32, #tpu.memory_space<hbm>>
        %dma_wait3A_72 = tpu.memref_slice %arg5[%mul3A_71] : memref<800000xi32, #tpu.memory_space<hbm>> -> memref<128xi32, #tpu.memory_space<hbm>>
        tpu.wait_dma2 semaphore(%arg20 : memref<!tpu.dma_semaphore, #tpu.memory_space<semaphore_mem>>) src(%dma_wait3A_72 : memref<128xi32, #tpu.memory_space<hbm>>) dst(%arg8 : memref<128xi32, #tpu.memory_space<vmem>>)
        %dma_wait3A_73 = tpu.memref_slice %arg4[%mul3A_71] : memref<800000xi32, #tpu.memory_space<hbm>> -> memref<128xi32, #tpu.memory_space<hbm>>
        %dma_wait3A_74 = tpu.memref_slice %arg4[%mul3A_71] : memref<800000xi32, #tpu.memory_space<hbm>> -> memref<128xi32, #tpu.memory_space<hbm>>
        tpu.wait_dma2 semaphore(%arg20 : memref<!tpu.dma_semaphore, #tpu.memory_space<semaphore_mem>>) src(%dma_wait3A_74 : memref<128xi32, #tpu.memory_space<hbm>>) dst(%arg11 : memref<128xi32, #tpu.memory_space<vmem>>)
        %dma_start3A = arith.constant 0 : i32
        %dma_start3A_75 = arith.constant 0 : i32
        %dma_start3A_76 = tpu.memref_slice %arg2[%dma_start3A, %dma_start3A_75] : memref<50000x128xf32, #tpu.memory_space<hbm>> -> memref<50000x128xf32, #tpu.memory_space<hbm>>
        tpu.enqueue_indirect_dma source(%dma_start3A_76 : memref<50000x128xf32, #tpu.memory_space<hbm>>) target(%arg14 : memref<128x128xf32, #tpu.memory_space<vmem>>) offsets(%arg8 : memref<128xi32, #tpu.memory_space<vmem>>) semaphore(%arg23 : memref<!tpu.dma_semaphore, #tpu.memory_space<semaphore_mem>>)
        %dma_start3A_77 = arith.constant 0 : i32
        %dma_start3A_78 = arith.constant 0 : i32
        %dma_start3A_79 = tpu.memref_slice %arg3[%dma_start3A_77, %dma_start3A_78] : memref<50000x128xf32, #tpu.memory_space<hbm>> -> memref<50000x128xf32, #tpu.memory_space<hbm>>
        tpu.enqueue_indirect_dma source(%dma_start3A_79 : memref<50000x128xf32, #tpu.memory_space<hbm>>) target(%arg17 : memref<128x128xf32, #tpu.memory_space<vmem>>) offsets(%arg11 : memref<128xi32, #tpu.memory_space<vmem>>) semaphore(%arg26 : memref<!tpu.dma_semaphore, #tpu.memory_space<semaphore_mem>>)
      } else {
      }
      %lt3A_45 = arith.constant 6250 : i32
      %lt3A_46 = arith.cmpi slt, %add3A_20, %lt3A_45 : i32
      %convert_element_type3A_47 = arith.extui %lt3A_46 : i1 to i32
      %cond3A_48 = arith.constant 0 : i32
      %cond3A_49 = arith.cmpi ne, %convert_element_type3A_47, %cond3A_48 : i32
      scf.if %cond3A_49 {
        %mul3A_70 = arith.constant 128 : i32
        %mul3A_71 = arith.muli %add3A_20, %mul3A_70 : i32
        %dma_wait3A = tpu.memref_slice %arg5[%mul3A_71] : memref<800000xi32, #tpu.memory_space<hbm>> -> memref<128xi32, #tpu.memory_space<hbm>>
        %dma_wait3A_72 = tpu.memref_slice %arg5[%mul3A_71] : memref<800000xi32, #tpu.memory_space<hbm>> -> memref<128xi32, #tpu.memory_space<hbm>>
        tpu.wait_dma2 semaphore(%arg21 : memref<!tpu.dma_semaphore, #tpu.memory_space<semaphore_mem>>) src(%dma_wait3A_72 : memref<128xi32, #tpu.memory_space<hbm>>) dst(%arg9 : memref<128xi32, #tpu.memory_space<vmem>>)
        %dma_wait3A_73 = tpu.memref_slice %arg4[%mul3A_71] : memref<800000xi32, #tpu.memory_space<hbm>> -> memref<128xi32, #tpu.memory_space<hbm>>
        %dma_wait3A_74 = tpu.memref_slice %arg4[%mul3A_71] : memref<800000xi32, #tpu.memory_space<hbm>> -> memref<128xi32, #tpu.memory_space<hbm>>
        tpu.wait_dma2 semaphore(%arg21 : memref<!tpu.dma_semaphore, #tpu.memory_space<semaphore_mem>>) src(%dma_wait3A_74 : memref<128xi32, #tpu.memory_space<hbm>>) dst(%arg12 : memref<128xi32, #tpu.memory_space<vmem>>)
        %dma_start3A = arith.constant 0 : i32
        %dma_start3A_75 = arith.constant 0 : i32
        %dma_start3A_76 = tpu.memref_slice %arg2[%dma_start3A, %dma_start3A_75] : memref<50000x128xf32, #tpu.memory_space<hbm>> -> memref<50000x128xf32, #tpu.memory_space<hbm>>
        tpu.enqueue_indirect_dma source(%dma_start3A_76 : memref<50000x128xf32, #tpu.memory_space<hbm>>) target(%arg15 : memref<128x128xf32, #tpu.memory_space<vmem>>) offsets(%arg9 : memref<128xi32, #tpu.memory_space<vmem>>) semaphore(%arg24 : memref<!tpu.dma_semaphore, #tpu.memory_space<semaphore_mem>>)
        %dma_start3A_77 = arith.constant 0 : i32
        %dma_start3A_78 = arith.constant 0 : i32
        %dma_start3A_79 = tpu.memref_slice %arg3[%dma_start3A_77, %dma_start3A_78] : memref<50000x128xf32, #tpu.memory_space<hbm>> -> memref<50000x128xf32, #tpu.memory_space<hbm>>
        tpu.enqueue_indirect_dma source(%dma_start3A_79 : memref<50000x128xf32, #tpu.memory_space<hbm>>) target(%arg18 : memref<128x128xf32, #tpu.memory_space<vmem>>) offsets(%arg12 : memref<128xi32, #tpu.memory_space<vmem>>) semaphore(%arg27 : memref<!tpu.dma_semaphore, #tpu.memory_space<semaphore_mem>>)
      } else {
      }
      %lt3A_50 = arith.constant 6250 : i32
      %lt3A_51 = arith.cmpi slt, %add3A_27, %lt3A_50 : i32
      %convert_element_type3A_52 = arith.extui %lt3A_51 : i1 to i32
      %cond3A_53 = arith.constant 0 : i32
      %cond3A_54 = arith.cmpi ne, %convert_element_type3A_52, %cond3A_53 : i32
      scf.if %cond3A_54 {
        %mul3A_70 = arith.constant 128 : i32
        %mul3A_71 = arith.muli %add3A_27, %mul3A_70 : i32
        %dma_wait3A = tpu.memref_slice %arg5[%mul3A_71] : memref<800000xi32, #tpu.memory_space<hbm>> -> memref<128xi32, #tpu.memory_space<hbm>>
        %dma_wait3A_72 = tpu.memref_slice %arg5[%mul3A_71] : memref<800000xi32, #tpu.memory_space<hbm>> -> memref<128xi32, #tpu.memory_space<hbm>>
        tpu.wait_dma2 semaphore(%arg22 : memref<!tpu.dma_semaphore, #tpu.memory_space<semaphore_mem>>) src(%dma_wait3A_72 : memref<128xi32, #tpu.memory_space<hbm>>) dst(%arg10 : memref<128xi32, #tpu.memory_space<vmem>>)
        %dma_wait3A_73 = tpu.memref_slice %arg4[%mul3A_71] : memref<800000xi32, #tpu.memory_space<hbm>> -> memref<128xi32, #tpu.memory_space<hbm>>
        %dma_wait3A_74 = tpu.memref_slice %arg4[%mul3A_71] : memref<800000xi32, #tpu.memory_space<hbm>> -> memref<128xi32, #tpu.memory_space<hbm>>
        tpu.wait_dma2 semaphore(%arg22 : memref<!tpu.dma_semaphore, #tpu.memory_space<semaphore_mem>>) src(%dma_wait3A_74 : memref<128xi32, #tpu.memory_space<hbm>>) dst(%arg13 : memref<128xi32, #tpu.memory_space<vmem>>)
        %dma_start3A = arith.constant 0 : i32
        %dma_start3A_75 = arith.constant 0 : i32
        %dma_start3A_76 = tpu.memref_slice %arg2[%dma_start3A, %dma_start3A_75] : memref<50000x128xf32, #tpu.memory_space<hbm>> -> memref<50000x128xf32, #tpu.memory_space<hbm>>
        tpu.enqueue_indirect_dma source(%dma_start3A_76 : memref<50000x128xf32, #tpu.memory_space<hbm>>) target(%arg16 : memref<128x128xf32, #tpu.memory_space<vmem>>) offsets(%arg10 : memref<128xi32, #tpu.memory_space<vmem>>) semaphore(%arg25 : memref<!tpu.dma_semaphore, #tpu.memory_space<semaphore_mem>>)
        %dma_start3A_77 = arith.constant 0 : i32
        %dma_start3A_78 = arith.constant 0 : i32
        %dma_start3A_79 = tpu.memref_slice %arg3[%dma_start3A_77, %dma_start3A_78] : memref<50000x128xf32, #tpu.memory_space<hbm>> -> memref<50000x128xf32, #tpu.memory_space<hbm>>
        tpu.enqueue_indirect_dma source(%dma_start3A_79 : memref<50000x128xf32, #tpu.memory_space<hbm>>) target(%arg19 : memref<128x128xf32, #tpu.memory_space<vmem>>) offsets(%arg13 : memref<128xi32, #tpu.memory_space<vmem>>) semaphore(%arg28 : memref<!tpu.dma_semaphore, #tpu.memory_space<semaphore_mem>>)
      } else {
      }
      %lt3A_55 = arith.constant 6250 : i32
      %lt3A_56 = arith.cmpi slt, %add3A_13, %lt3A_55 : i32
      %convert_element_type3A_57 = arith.extui %lt3A_56 : i1 to i32
      %cond3A_58 = arith.constant 0 : i32
      %cond3A_59 = arith.cmpi ne, %convert_element_type3A_57, %cond3A_58 : i32
      scf.if %cond3A_59 {
        %mul3A_70 = arith.constant 128 : i32
        %mul3A_71 = arith.muli %add3A_13, %mul3A_70 : i32
        %dma_wait3A = arith.constant 0 : i32
        %dma_wait3A_72 = arith.constant 0 : i32
        %dma_wait3A_73 = tpu.memref_slice %arg2[%dma_wait3A, %dma_wait3A_72] : memref<50000x128xf32, #tpu.memory_space<hbm>> -> memref<50000x128xf32, #tpu.memory_space<hbm>>
        tpu.wait_indirect_dma semaphore(%arg23 : memref<!tpu.dma_semaphore, #tpu.memory_space<semaphore_mem>>) src(%dma_wait3A_73 : memref<50000x128xf32, #tpu.memory_space<hbm>>) dst(%arg14 : memref<128x128xf32, #tpu.memory_space<vmem>>)
        %dma_wait3A_74 = arith.constant 0 : i32
        %dma_wait3A_75 = arith.constant 0 : i32
        %dma_wait3A_76 = tpu.memref_slice %arg3[%dma_wait3A_74, %dma_wait3A_75] : memref<50000x128xf32, #tpu.memory_space<hbm>> -> memref<50000x128xf32, #tpu.memory_space<hbm>>
        tpu.wait_indirect_dma semaphore(%arg26 : memref<!tpu.dma_semaphore, #tpu.memory_space<semaphore_mem>>) src(%dma_wait3A_76 : memref<50000x128xf32, #tpu.memory_space<hbm>>) dst(%arg17 : memref<128x128xf32, #tpu.memory_space<vmem>>)
        "tpu.region"() ({
          %run_scoped3A = tpu.sem_alloc : memref<!tpu.dma_semaphore, #tpu.memory_space<semaphore_mem>>
          %dma_start3A = arith.constant 0 : i32
          %dma_start3A_77 = tpu.memref_slice %arg6[%mul3A_71, %dma_start3A] : memref<800000x128xf32, #tpu.memory_space<hbm>> -> memref<128x128xf32, #tpu.memory_space<hbm>>
          %dma_start3A_78 = arith.constant 0 : i32
          %dma_start3A_79 = tpu.memref_slice %arg6[%mul3A_71, %dma_start3A_78] : memref<800000x128xf32, #tpu.memory_space<hbm>> -> memref<128x128xf32, #tpu.memory_space<hbm>>
          tpu.enqueue_dma source(%arg14 : memref<128x128xf32, #tpu.memory_space<vmem>>) target(%dma_start3A_79 : memref<128x128xf32, #tpu.memory_space<hbm>>) target_semaphore(%run_scoped3A : memref<!tpu.dma_semaphore, #tpu.memory_space<semaphore_mem>>)
          %dma_wait3A_80 = arith.constant 0 : i32
          %dma_wait3A_81 = tpu.memref_slice %arg6[%mul3A_71, %dma_wait3A_80] : memref<800000x128xf32, #tpu.memory_space<hbm>> -> memref<128x128xf32, #tpu.memory_space<hbm>>
          %dma_wait3A_82 = arith.constant 0 : i32
          %dma_wait3A_83 = tpu.memref_slice %arg6[%mul3A_71, %dma_wait3A_82] : memref<800000x128xf32, #tpu.memory_space<hbm>> -> memref<128x128xf32, #tpu.memory_space<hbm>>
          tpu.wait_dma2 semaphore(%run_scoped3A : memref<!tpu.dma_semaphore, #tpu.memory_space<semaphore_mem>>) src(%arg14 : memref<128x128xf32, #tpu.memory_space<vmem>>) dst(%dma_wait3A_83 : memref<128x128xf32, #tpu.memory_space<hbm>>)
          tpu.yield
        }) : () -> ()
        "tpu.region"() ({
          %run_scoped3A = tpu.sem_alloc : memref<!tpu.dma_semaphore, #tpu.memory_space<semaphore_mem>>
          %dma_start3A = arith.constant 0 : i32
          %dma_start3A_77 = tpu.memref_slice %arg7[%mul3A_71, %dma_start3A] : memref<800000x128xf32, #tpu.memory_space<hbm>> -> memref<128x128xf32, #tpu.memory_space<hbm>>
          %dma_start3A_78 = arith.constant 0 : i32
          %dma_start3A_79 = tpu.memref_slice %arg7[%mul3A_71, %dma_start3A_78] : memref<800000x128xf32, #tpu.memory_space<hbm>> -> memref<128x128xf32, #tpu.memory_space<hbm>>
          tpu.enqueue_dma source(%arg17 : memref<128x128xf32, #tpu.memory_space<vmem>>) target(%dma_start3A_79 : memref<128x128xf32, #tpu.memory_space<hbm>>) target_semaphore(%run_scoped3A : memref<!tpu.dma_semaphore, #tpu.memory_space<semaphore_mem>>)
          %dma_wait3A_80 = arith.constant 0 : i32
          %dma_wait3A_81 = tpu.memref_slice %arg7[%mul3A_71, %dma_wait3A_80] : memref<800000x128xf32, #tpu.memory_space<hbm>> -> memref<128x128xf32, #tpu.memory_space<hbm>>
          %dma_wait3A_82 = arith.constant 0 : i32
          %dma_wait3A_83 = tpu.memref_slice %arg7[%mul3A_71, %dma_wait3A_82] : memref<800000x128xf32, #tpu.memory_space<hbm>> -> memref<128x128xf32, #tpu.memory_space<hbm>>
          tpu.wait_dma2 semaphore(%run_scoped3A : memref<!tpu.dma_semaphore, #tpu.memory_space<semaphore_mem>>) src(%arg17 : memref<128x128xf32, #tpu.memory_space<vmem>>) dst(%dma_wait3A_83 : memref<128x128xf32, #tpu.memory_space<hbm>>)
          tpu.yield
        }) : () -> ()
      } else {
      }
      %lt3A_60 = arith.constant 6250 : i32
      %lt3A_61 = arith.cmpi slt, %add3A_20, %lt3A_60 : i32
      %convert_element_type3A_62 = arith.extui %lt3A_61 : i1 to i32
      %cond3A_63 = arith.constant 0 : i32
      %cond3A_64 = arith.cmpi ne, %convert_element_type3A_62, %cond3A_63 : i32
      scf.if %cond3A_64 {
        %mul3A_70 = arith.constant 128 : i32
        %mul3A_71 = arith.muli %add3A_20, %mul3A_70 : i32
        %dma_wait3A = arith.constant 0 : i32
        %dma_wait3A_72 = arith.constant 0 : i32
        %dma_wait3A_73 = tpu.memref_slice %arg2[%dma_wait3A, %dma_wait3A_72] : memref<50000x128xf32, #tpu.memory_space<hbm>> -> memref<50000x128xf32, #tpu.memory_space<hbm>>
        tpu.wait_indirect_dma semaphore(%arg24 : memref<!tpu.dma_semaphore, #tpu.memory_space<semaphore_mem>>) src(%dma_wait3A_73 : memref<50000x128xf32, #tpu.memory_space<hbm>>) dst(%arg15 : memref<128x128xf32, #tpu.memory_space<vmem>>)
        %dma_wait3A_74 = arith.constant 0 : i32
        %dma_wait3A_75 = arith.constant 0 : i32
        %dma_wait3A_76 = tpu.memref_slice %arg3[%dma_wait3A_74, %dma_wait3A_75] : memref<50000x128xf32, #tpu.memory_space<hbm>> -> memref<50000x128xf32, #tpu.memory_space<hbm>>
        tpu.wait_indirect_dma semaphore(%arg27 : memref<!tpu.dma_semaphore, #tpu.memory_space<semaphore_mem>>) src(%dma_wait3A_76 : memref<50000x128xf32, #tpu.memory_space<hbm>>) dst(%arg18 : memref<128x128xf32, #tpu.memory_space<vmem>>)
        "tpu.region"() ({
          %run_scoped3A = tpu.sem_alloc : memref<!tpu.dma_semaphore, #tpu.memory_space<semaphore_mem>>
          %dma_start3A = arith.constant 0 : i32
          %dma_start3A_77 = tpu.memref_slice %arg6[%mul3A_71, %dma_start3A] : memref<800000x128xf32, #tpu.memory_space<hbm>> -> memref<128x128xf32, #tpu.memory_space<hbm>>
          %dma_start3A_78 = arith.constant 0 : i32
          %dma_start3A_79 = tpu.memref_slice %arg6[%mul3A_71, %dma_start3A_78] : memref<800000x128xf32, #tpu.memory_space<hbm>> -> memref<128x128xf32, #tpu.memory_space<hbm>>
          tpu.enqueue_dma source(%arg15 : memref<128x128xf32, #tpu.memory_space<vmem>>) target(%dma_start3A_79 : memref<128x128xf32, #tpu.memory_space<hbm>>) target_semaphore(%run_scoped3A : memref<!tpu.dma_semaphore, #tpu.memory_space<semaphore_mem>>)
          %dma_wait3A_80 = arith.constant 0 : i32
          %dma_wait3A_81 = tpu.memref_slice %arg6[%mul3A_71, %dma_wait3A_80] : memref<800000x128xf32, #tpu.memory_space<hbm>> -> memref<128x128xf32, #tpu.memory_space<hbm>>
          %dma_wait3A_82 = arith.constant 0 : i32
          %dma_wait3A_83 = tpu.memref_slice %arg6[%mul3A_71, %dma_wait3A_82] : memref<800000x128xf32, #tpu.memory_space<hbm>> -> memref<128x128xf32, #tpu.memory_space<hbm>>
          tpu.wait_dma2 semaphore(%run_scoped3A : memref<!tpu.dma_semaphore, #tpu.memory_space<semaphore_mem>>) src(%arg15 : memref<128x128xf32, #tpu.memory_space<vmem>>) dst(%dma_wait3A_83 : memref<128x128xf32, #tpu.memory_space<hbm>>)
          tpu.yield
        }) : () -> ()
        "tpu.region"() ({
          %run_scoped3A = tpu.sem_alloc : memref<!tpu.dma_semaphore, #tpu.memory_space<semaphore_mem>>
          %dma_start3A = arith.constant 0 : i32
          %dma_start3A_77 = tpu.memref_slice %arg7[%mul3A_71, %dma_start3A] : memref<800000x128xf32, #tpu.memory_space<hbm>> -> memref<128x128xf32, #tpu.memory_space<hbm>>
          %dma_start3A_78 = arith.constant 0 : i32
          %dma_start3A_79 = tpu.memref_slice %arg7[%mul3A_71, %dma_start3A_78] : memref<800000x128xf32, #tpu.memory_space<hbm>> -> memref<128x128xf32, #tpu.memory_space<hbm>>
          tpu.enqueue_dma source(%arg18 : memref<128x128xf32, #tpu.memory_space<vmem>>) target(%dma_start3A_79 : memref<128x128xf32, #tpu.memory_space<hbm>>) target_semaphore(%run_scoped3A : memref<!tpu.dma_semaphore, #tpu.memory_space<semaphore_mem>>)
          %dma_wait3A_80 = arith.constant 0 : i32
          %dma_wait3A_81 = tpu.memref_slice %arg7[%mul3A_71, %dma_wait3A_80] : memref<800000x128xf32, #tpu.memory_space<hbm>> -> memref<128x128xf32, #tpu.memory_space<hbm>>
          %dma_wait3A_82 = arith.constant 0 : i32
          %dma_wait3A_83 = tpu.memref_slice %arg7[%mul3A_71, %dma_wait3A_82] : memref<800000x128xf32, #tpu.memory_space<hbm>> -> memref<128x128xf32, #tpu.memory_space<hbm>>
          tpu.wait_dma2 semaphore(%run_scoped3A : memref<!tpu.dma_semaphore, #tpu.memory_space<semaphore_mem>>) src(%arg18 : memref<128x128xf32, #tpu.memory_space<vmem>>) dst(%dma_wait3A_83 : memref<128x128xf32, #tpu.memory_space<hbm>>)
          tpu.yield
        }) : () -> ()
      } else {
      }
      %lt3A_65 = arith.constant 6250 : i32
      %lt3A_66 = arith.cmpi slt, %add3A_27, %lt3A_65 : i32
      %convert_element_type3A_67 = arith.extui %lt3A_66 : i1 to i32
      %cond3A_68 = arith.constant 0 : i32
      %cond3A_69 = arith.cmpi ne, %convert_element_type3A_67, %cond3A_68 : i32
      scf.if %cond3A_69 {
        %mul3A_70 = arith.constant 128 : i32
        %mul3A_71 = arith.muli %add3A_27, %mul3A_70 : i32
        %dma_wait3A = arith.constant 0 : i32
        %dma_wait3A_72 = arith.constant 0 : i32
        %dma_wait3A_73 = tpu.memref_slice %arg2[%dma_wait3A, %dma_wait3A_72] : memref<50000x128xf32, #tpu.memory_space<hbm>> -> memref<50000x128xf32, #tpu.memory_space<hbm>>
        tpu.wait_indirect_dma semaphore(%arg25 : memref<!tpu.dma_semaphore, #tpu.memory_space<semaphore_mem>>) src(%dma_wait3A_73 : memref<50000x128xf32, #tpu.memory_space<hbm>>) dst(%arg16 : memref<128x128xf32, #tpu.memory_space<vmem>>)
        %dma_wait3A_74 = arith.constant 0 : i32
        %dma_wait3A_75 = arith.constant 0 : i32
        %dma_wait3A_76 = tpu.memref_slice %arg3[%dma_wait3A_74, %dma_wait3A_75] : memref<50000x128xf32, #tpu.memory_space<hbm>> -> memref<50000x128xf32, #tpu.memory_space<hbm>>
        tpu.wait_indirect_dma semaphore(%arg28 : memref<!tpu.dma_semaphore, #tpu.memory_space<semaphore_mem>>) src(%dma_wait3A_76 : memref<50000x128xf32, #tpu.memory_space<hbm>>) dst(%arg19 : memref<128x128xf32, #tpu.memory_space<vmem>>)
        "tpu.region"() ({
          %run_scoped3A = tpu.sem_alloc : memref<!tpu.dma_semaphore, #tpu.memory_space<semaphore_mem>>
          %dma_start3A = arith.constant 0 : i32
          %dma_start3A_77 = tpu.memref_slice %arg6[%mul3A_71, %dma_start3A] : memref<800000x128xf32, #tpu.memory_space<hbm>> -> memref<128x128xf32, #tpu.memory_space<hbm>>
          %dma_start3A_78 = arith.constant 0 : i32
          %dma_start3A_79 = tpu.memref_slice %arg6[%mul3A_71, %dma_start3A_78] : memref<800000x128xf32, #tpu.memory_space<hbm>> -> memref<128x128xf32, #tpu.memory_space<hbm>>
          tpu.enqueue_dma source(%arg16 : memref<128x128xf32, #tpu.memory_space<vmem>>) target(%dma_start3A_79 : memref<128x128xf32, #tpu.memory_space<hbm>>) target_semaphore(%run_scoped3A : memref<!tpu.dma_semaphore, #tpu.memory_space<semaphore_mem>>)
          %dma_wait3A_80 = arith.constant 0 : i32
          %dma_wait3A_81 = tpu.memref_slice %arg6[%mul3A_71, %dma_wait3A_80] : memref<800000x128xf32, #tpu.memory_space<hbm>> -> memref<128x128xf32, #tpu.memory_space<hbm>>
          %dma_wait3A_82 = arith.constant 0 : i32
          %dma_wait3A_83 = tpu.memref_slice %arg6[%mul3A_71, %dma_wait3A_82] : memref<800000x128xf32, #tpu.memory_space<hbm>> -> memref<128x128xf32, #tpu.memory_space<hbm>>
          tpu.wait_dma2 semaphore(%run_scoped3A : memref<!tpu.dma_semaphore, #tpu.memory_space<semaphore_mem>>) src(%arg16 : memref<128x128xf32, #tpu.memory_space<vmem>>) dst(%dma_wait3A_83 : memref<128x128xf32, #tpu.memory_space<hbm>>)
          tpu.yield
        }) : () -> ()
        "tpu.region"() ({
          %run_scoped3A = tpu.sem_alloc : memref<!tpu.dma_semaphore, #tpu.memory_space<semaphore_mem>>
          %dma_start3A = arith.constant 0 : i32
          %dma_start3A_77 = tpu.memref_slice %arg7[%mul3A_71, %dma_start3A] : memref<800000x128xf32, #tpu.memory_space<hbm>> -> memref<128x128xf32, #tpu.memory_space<hbm>>
          %dma_start3A_78 = arith.constant 0 : i32
          %dma_start3A_79 = tpu.memref_slice %arg7[%mul3A_71, %dma_start3A_78] : memref<800000x128xf32, #tpu.memory_space<hbm>> -> memref<128x128xf32, #tpu.memory_space<hbm>>
          tpu.enqueue_dma source(%arg19 : memref<128x128xf32, #tpu.memory_space<vmem>>) target(%dma_start3A_79 : memref<128x128xf32, #tpu.memory_space<hbm>>) target_semaphore(%run_scoped3A : memref<!tpu.dma_semaphore, #tpu.memory_space<semaphore_mem>>)
          %dma_wait3A_80 = arith.constant 0 : i32
          %dma_wait3A_81 = tpu.memref_slice %arg7[%mul3A_71, %dma_wait3A_80] : memref<800000x128xf32, #tpu.memory_space<hbm>> -> memref<128x128xf32, #tpu.memory_space<hbm>>
          %dma_wait3A_82 = arith.constant 0 : i32
          %dma_wait3A_83 = tpu.memref_slice %arg7[%mul3A_71, %dma_wait3A_82] : memref<800000x128xf32, #tpu.memory_space<hbm>> -> memref<128x128xf32, #tpu.memory_space<hbm>>
          tpu.wait_dma2 semaphore(%run_scoped3A : memref<!tpu.dma_semaphore, #tpu.memory_space<semaphore_mem>>) src(%arg19 : memref<128x128xf32, #tpu.memory_space<vmem>>) dst(%dma_wait3A_83 : memref<128x128xf32, #tpu.memory_space<hbm>>)
          tpu.yield
        }) : () -> ()
      } else {
      }
    }
    %scan3A_5 = arith.constant 66 : i32
    return
  }
}

#map = affine_map<(d0, d1) -> (0, 0)>
#map1 = affine_map<(d0, d1) -> (0)>
module attributes {stable_mosaic.version = 14 : i64} {
  func.func @_scatter_kernel(%arg0: i32, %arg1: i32, %arg2: memref<800000x128xf32, #tpu.memory_space<hbm>>, %arg3: memref<800000xi32, #tpu.memory_space<hbm>>, %arg4: memref<128x128xf32, #tpu.memory_space<hbm>>, %arg5: memref<50048x128xf32, #tpu.memory_space<hbm>>, %arg6: memref<128xi32, #tpu.memory_space<vmem>>, %arg7: memref<128xi32, #tpu.memory_space<vmem>>, %arg8: memref<128x128xf32, #tpu.memory_space<vmem>>, %arg9: memref<12544x128xf32, #tpu.memory_space<vmem_shared>>, %arg10: memref<!tpu.dma_semaphore, #tpu.memory_space<semaphore_mem>>) attributes {dimension_semantics = [#tpu.dimension_semantics<core_parallel>, #tpu.dimension_semantics<subcore_parallel>], iteration_bounds = array<i64: 2, 16>, scalar_prefetch = 0 : i64, scratch_operands = 5 : i64, tpu.core_type = #tpu.core_type<sc_vector_subcore>, window_params = [{transform_indices = #map}, {transform_indices = #map1}, {transform_indices = #map}, {transform_indices = #map}]} {
    %mul3A = arith.constant 2 : i32
    %mul3A_0 = arith.muli %arg0, %mul3A : i32
    %add3A = arith.constant 0 : i32
    %add3A_1 = arith.addi %mul3A_0, %add3A : i32
    %mul3A_2 = arith.constant 12512 : i32
    %mul3A_3 = arith.muli %add3A_1, %mul3A_2 : i32
    "tpu.region"() ({
      %run_scoped3A = tpu.sem_alloc : memref<!tpu.dma_semaphore, #tpu.memory_space<semaphore_mem>>
      tpu.enqueue_dma source(%arg4 : memref<128x128xf32, #tpu.memory_space<hbm>>) target(%arg8 : memref<128x128xf32, #tpu.memory_space<vmem>>) target_semaphore(%run_scoped3A : memref<!tpu.dma_semaphore, #tpu.memory_space<semaphore_mem>>)
      tpu.wait_dma2 semaphore(%run_scoped3A : memref<!tpu.dma_semaphore, #tpu.memory_space<semaphore_mem>>) src(%arg4 : memref<128x128xf32, #tpu.memory_space<hbm>>) dst(%arg8 : memref<128x128xf32, #tpu.memory_space<vmem>>)
      tpu.yield
    }) : () -> ()
    %scan3A = arith.constant 0 : i32
    %scan3A_4 = arith.constant 0 : i32
    %scan3A_5 = arith.constant 7 : i32
    %scan3A_6 = arith.addi %scan3A_4, %scan3A_5 : i32
    %scan3A_7 = arith.constant 1 : i32
    scf.for %scan3A_57 = %scan3A_4 to %scan3A_6 step %scan3A_7  : i32 {
      %mul3A_58 = arith.constant 16 : i32
      %mul3A_59 = arith.muli %scan3A_57, %mul3A_58 : i32
      %add3A_60 = arith.addi %mul3A_59, %arg1 : i32
      %lt3A = arith.constant 98 : i32
      %lt3A_61 = arith.cmpi slt, %add3A_60, %lt3A : i32
      %convert_element_type3A_62 = arith.extui %lt3A_61 : i1 to i32
      %cond3A_63 = arith.constant 0 : i32
      %cond3A_64 = arith.cmpi ne, %convert_element_type3A_62, %cond3A_63 : i32
      scf.if %cond3A_64 {
        %mul3A_65 = arith.constant 128 : i32
        %mul3A_66 = arith.muli %add3A_60, %mul3A_65 : i32
        "tpu.region"() ({
          %run_scoped3A = tpu.sem_alloc : memref<!tpu.dma_semaphore, #tpu.memory_space<semaphore_mem>>
          %dma_start3A = arith.constant 0 : i32
          %dma_start3A_67 = tpu.memref_slice %arg9[%mul3A_66, %dma_start3A] : memref<12544x128xf32, #tpu.memory_space<vmem_shared>> -> memref<128x128xf32, #tpu.memory_space<vmem_shared>>
          %dma_start3A_68 = arith.constant 0 : i32
          %dma_start3A_69 = tpu.memref_slice %arg9[%mul3A_66, %dma_start3A_68] : memref<12544x128xf32, #tpu.memory_space<vmem_shared>> -> memref<128x128xf32, #tpu.memory_space<vmem_shared>>
          tpu.enqueue_dma source(%arg8 : memref<128x128xf32, #tpu.memory_space<vmem>>) target(%dma_start3A_69 : memref<128x128xf32, #tpu.memory_space<vmem_shared>>) target_semaphore(%run_scoped3A : memref<!tpu.dma_semaphore, #tpu.memory_space<semaphore_mem>>)
          %dma_wait3A = arith.constant 0 : i32
          %dma_wait3A_70 = tpu.memref_slice %arg9[%mul3A_66, %dma_wait3A] : memref<12544x128xf32, #tpu.memory_space<vmem_shared>> -> memref<128x128xf32, #tpu.memory_space<vmem_shared>>
          %dma_wait3A_71 = arith.constant 0 : i32
          %dma_wait3A_72 = tpu.memref_slice %arg9[%mul3A_66, %dma_wait3A_71] : memref<12544x128xf32, #tpu.memory_space<vmem_shared>> -> memref<128x128xf32, #tpu.memory_space<vmem_shared>>
          tpu.wait_dma2 semaphore(%run_scoped3A : memref<!tpu.dma_semaphore, #tpu.memory_space<semaphore_mem>>) src(%arg8 : memref<128x128xf32, #tpu.memory_space<vmem>>) dst(%dma_wait3A_72 : memref<128x128xf32, #tpu.memory_space<vmem_shared>>)
          tpu.yield
        }) : () -> ()
      } else {
      }
    }
    %scan3A_8 = arith.constant 7 : i32
    %barrier3A = arith.constant 0 : index
    tpu.barrier barrier_id(%barrier3A)
    %scan3A_9 = arith.constant 0 : i32
    %scan3A_10 = arith.constant 0 : i32
    %scan3A_11 = arith.constant 391 : i32
    %scan3A_12 = arith.addi %scan3A_10, %scan3A_11 : i32
    %scan3A_13 = arith.constant 1 : i32
    scf.for %scan3A_57 = %scan3A_10 to %scan3A_12 step %scan3A_13  : i32 {
      %mul3A_58 = arith.constant 16 : i32
      %mul3A_59 = arith.muli %scan3A_57, %mul3A_58 : i32
      %add3A_60 = arith.addi %mul3A_59, %arg1 : i32
      %lt3A = arith.constant 6250 : i32
      %lt3A_61 = arith.cmpi slt, %add3A_60, %lt3A : i32
      %convert_element_type3A_62 = arith.extui %lt3A_61 : i1 to i32
      %cond3A_63 = arith.constant 0 : i32
      %cond3A_64 = arith.cmpi ne, %convert_element_type3A_62, %cond3A_63 : i32
      scf.if %cond3A_64 {
        %mul3A_65 = arith.constant 128 : i32
        %mul3A_66 = arith.muli %add3A_60, %mul3A_65 : i32
        %dma_start3A = arith.constant 0 : i32
        %dma_start3A_67 = tpu.memref_slice %arg2[%mul3A_66, %dma_start3A] : memref<800000x128xf32, #tpu.memory_space<hbm>> -> memref<128x128xf32, #tpu.memory_space<hbm>>
        %dma_start3A_68 = arith.constant 0 : i32
        %dma_start3A_69 = tpu.memref_slice %arg2[%mul3A_66, %dma_start3A_68] : memref<800000x128xf32, #tpu.memory_space<hbm>> -> memref<128x128xf32, #tpu.memory_space<hbm>>
        tpu.enqueue_dma source(%dma_start3A_69 : memref<128x128xf32, #tpu.memory_space<hbm>>) target(%arg8 : memref<128x128xf32, #tpu.memory_space<vmem>>) target_semaphore(%arg10 : memref<!tpu.dma_semaphore, #tpu.memory_space<semaphore_mem>>)
        "tpu.region"() ({
          %run_scoped3A = tpu.sem_alloc : memref<!tpu.dma_semaphore, #tpu.memory_space<semaphore_mem>>
          %dma_start3A_217 = tpu.memref_slice %arg3[%mul3A_66] : memref<800000xi32, #tpu.memory_space<hbm>> -> memref<128xi32, #tpu.memory_space<hbm>>
          %dma_start3A_218 = tpu.memref_slice %arg3[%mul3A_66] : memref<800000xi32, #tpu.memory_space<hbm>> -> memref<128xi32, #tpu.memory_space<hbm>>
          tpu.enqueue_dma source(%dma_start3A_218 : memref<128xi32, #tpu.memory_space<hbm>>) target(%arg6 : memref<128xi32, #tpu.memory_space<vmem>>) target_semaphore(%run_scoped3A : memref<!tpu.dma_semaphore, #tpu.memory_space<semaphore_mem>>)
          %dma_wait3A_219 = tpu.memref_slice %arg3[%mul3A_66] : memref<800000xi32, #tpu.memory_space<hbm>> -> memref<128xi32, #tpu.memory_space<hbm>>
          %dma_wait3A_220 = tpu.memref_slice %arg3[%mul3A_66] : memref<800000xi32, #tpu.memory_space<hbm>> -> memref<128xi32, #tpu.memory_space<hbm>>
          tpu.wait_dma2 semaphore(%run_scoped3A : memref<!tpu.dma_semaphore, #tpu.memory_space<semaphore_mem>>) src(%dma_wait3A_220 : memref<128xi32, #tpu.memory_space<hbm>>) dst(%arg6 : memref<128xi32, #tpu.memory_space<vmem>>)
          tpu.yield
        }) : () -> ()
        %get3A = arith.constant 0 : index
        %get3A_70 = tpu.vector_load %arg6[%get3A] {strides = array<i32>} : memref<128xi32, #tpu.memory_space<vmem>>, vector<16xi32>,
        %get3A_71 = vector.shape_cast %get3A_70 : vector<16xi32> to vector<16xi32>
        %sub3A = vector.broadcast %mul3A_3 : i32 to vector<16xi32>
        %sub3A_72 = arith.subi %get3A_71, %sub3A : vector<16xi32>
        %ge3A = arith.constant 0 : i32
        %ge3A_73 = vector.broadcast %ge3A : i32 to vector<16xi32>
        %ge3A_74 = arith.cmpi sge, %sub3A_72, %ge3A_73 : vector<16xi32>
        %lt3A_75 = arith.constant 12512 : i32
        %lt3A_76 = vector.broadcast %lt3A_75 : i32 to vector<16xi32>
        %lt3A_77 = arith.cmpi slt, %sub3A_72, %lt3A_76 : vector<16xi32>
        %and3A = arith.andi %ge3A_74, %lt3A_77 : vector<16xi1>
        %jit3A = arith.constant 12512 : i32
        %broadcast_in_dim3A = vector.broadcast %jit3A : i32 to vector<16xi32>
        %select_n3A = arith.select %and3A, %sub3A_72, %broadcast_in_dim3A : vector<16xi1>, vector<16xi32>
        %swap3A = arith.constant 0 : index
        %swap3A_78 = tpu.vector_load %arg7[%swap3A] {strides = array<i32>} : memref<128xi32, #tpu.memory_space<vmem>>, vector<16xi32>,
        %swap3A_79 = vector.shape_cast %swap3A_78 : vector<16xi32> to vector<16xi32>
        %swap3A_80 = vector.shape_cast %select_n3A : vector<16xi32> to vector<16xi32>
        tpu.vector_store %arg7[%swap3A], %swap3A_80 {strides = array<i32>} : memref<128xi32, #tpu.memory_space<vmem>>, vector<16xi32>,
        %get3A_81 = arith.constant 16 : index
        %get3A_82 = tpu.vector_load %arg6[%get3A_81] {strides = array<i32>} : memref<128xi32, #tpu.memory_space<vmem>>, vector<16xi32>,
        %get3A_83 = vector.shape_cast %get3A_82 : vector<16xi32> to vector<16xi32>
        %sub3A_84 = vector.broadcast %mul3A_3 : i32 to vector<16xi32>
        %sub3A_85 = arith.subi %get3A_83, %sub3A_84 : vector<16xi32>
        %ge3A_86 = arith.constant 0 : i32
        %ge3A_87 = vector.broadcast %ge3A_86 : i32 to vector<16xi32>
        %ge3A_88 = arith.cmpi sge, %sub3A_85, %ge3A_87 : vector<16xi32>
        %lt3A_89 = arith.constant 12512 : i32
        %lt3A_90 = vector.broadcast %lt3A_89 : i32 to vector<16xi32>
        %lt3A_91 = arith.cmpi slt, %sub3A_85, %lt3A_90 : vector<16xi32>
        %and3A_92 = arith.andi %ge3A_88, %lt3A_91 : vector<16xi1>
        %jit3A_93 = arith.constant 12512 : i32
        %broadcast_in_dim3A_94 = vector.broadcast %jit3A_93 : i32 to vector<16xi32>
        %select_n3A_95 = arith.select %and3A_92, %sub3A_85, %broadcast_in_dim3A_94 : vector<16xi1>, vector<16xi32>
        %swap3A_96 = arith.constant 16 : index
        %swap3A_97 = tpu.vector_load %arg7[%swap3A_96] {strides = array<i32>} : memref<128xi32, #tpu.memory_space<vmem>>, vector<16xi32>,
        %swap3A_98 = vector.shape_cast %swap3A_97 : vector<16xi32> to vector<16xi32>
        %swap3A_99 = vector.shape_cast %select_n3A_95 : vector<16xi32> to vector<16xi32>
        tpu.vector_store %arg7[%swap3A_96], %swap3A_99 {strides = array<i32>} : memref<128xi32, #tpu.memory_space<vmem>>, vector<16xi32>,
        %get3A_100 = arith.constant 32 : index
        %get3A_101 = tpu.vector_load %arg6[%get3A_100] {strides = array<i32>} : memref<128xi32, #tpu.memory_space<vmem>>, vector<16xi32>,
        %get3A_102 = vector.shape_cast %get3A_101 : vector<16xi32> to vector<16xi32>
        %sub3A_103 = vector.broadcast %mul3A_3 : i32 to vector<16xi32>
        %sub3A_104 = arith.subi %get3A_102, %sub3A_103 : vector<16xi32>
        %ge3A_105 = arith.constant 0 : i32
        %ge3A_106 = vector.broadcast %ge3A_105 : i32 to vector<16xi32>
        %ge3A_107 = arith.cmpi sge, %sub3A_104, %ge3A_106 : vector<16xi32>
        %lt3A_108 = arith.constant 12512 : i32
        %lt3A_109 = vector.broadcast %lt3A_108 : i32 to vector<16xi32>
        %lt3A_110 = arith.cmpi slt, %sub3A_104, %lt3A_109 : vector<16xi32>
        %and3A_111 = arith.andi %ge3A_107, %lt3A_110 : vector<16xi1>
        %jit3A_112 = arith.constant 12512 : i32
        %broadcast_in_dim3A_113 = vector.broadcast %jit3A_112 : i32 to vector<16xi32>
        %select_n3A_114 = arith.select %and3A_111, %sub3A_104, %broadcast_in_dim3A_113 : vector<16xi1>, vector<16xi32>
        %swap3A_115 = arith.constant 32 : index
        %swap3A_116 = tpu.vector_load %arg7[%swap3A_115] {strides = array<i32>} : memref<128xi32, #tpu.memory_space<vmem>>, vector<16xi32>,
        %swap3A_117 = vector.shape_cast %swap3A_116 : vector<16xi32> to vector<16xi32>
        %swap3A_118 = vector.shape_cast %select_n3A_114 : vector<16xi32> to vector<16xi32>
        tpu.vector_store %arg7[%swap3A_115], %swap3A_118 {strides = array<i32>} : memref<128xi32, #tpu.memory_space<vmem>>, vector<16xi32>,
        %get3A_119 = arith.constant 48 : index
        %get3A_120 = tpu.vector_load %arg6[%get3A_119] {strides = array<i32>} : memref<128xi32, #tpu.memory_space<vmem>>, vector<16xi32>,
        %get3A_121 = vector.shape_cast %get3A_120 : vector<16xi32> to vector<16xi32>
        %sub3A_122 = vector.broadcast %mul3A_3 : i32 to vector<16xi32>
        %sub3A_123 = arith.subi %get3A_121, %sub3A_122 : vector<16xi32>
        %ge3A_124 = arith.constant 0 : i32
        %ge3A_125 = vector.broadcast %ge3A_124 : i32 to vector<16xi32>
        %ge3A_126 = arith.cmpi sge, %sub3A_123, %ge3A_125 : vector<16xi32>
        %lt3A_127 = arith.constant 12512 : i32
        %lt3A_128 = vector.broadcast %lt3A_127 : i32 to vector<16xi32>
        %lt3A_129 = arith.cmpi slt, %sub3A_123, %lt3A_128 : vector<16xi32>
        %and3A_130 = arith.andi %ge3A_126, %lt3A_129 : vector<16xi1>
        %jit3A_131 = arith.constant 12512 : i32
        %broadcast_in_dim3A_132 = vector.broadcast %jit3A_131 : i32 to vector<16xi32>
        %select_n3A_133 = arith.select %and3A_130, %sub3A_123, %broadcast_in_dim3A_132 : vector<16xi1>, vector<16xi32>
        %swap3A_134 = arith.constant 48 : index
        %swap3A_135 = tpu.vector_load %arg7[%swap3A_134] {strides = array<i32>} : memref<128xi32, #tpu.memory_space<vmem>>, vector<16xi32>,
        %swap3A_136 = vector.shape_cast %swap3A_135 : vector<16xi32> to vector<16xi32>
        %swap3A_137 = vector.shape_cast %select_n3A_133 : vector<16xi32> to vector<16xi32>
        tpu.vector_store %arg7[%swap3A_134], %swap3A_137 {strides = array<i32>} : memref<128xi32, #tpu.memory_space<vmem>>, vector<16xi32>,
        %get3A_138 = arith.constant 64 : index
        %get3A_139 = tpu.vector_load %arg6[%get3A_138] {strides = array<i32>} : memref<128xi32, #tpu.memory_space<vmem>>, vector<16xi32>,
        %get3A_140 = vector.shape_cast %get3A_139 : vector<16xi32> to vector<16xi32>
        %sub3A_141 = vector.broadcast %mul3A_3 : i32 to vector<16xi32>
        %sub3A_142 = arith.subi %get3A_140, %sub3A_141 : vector<16xi32>
        %ge3A_143 = arith.constant 0 : i32
        %ge3A_144 = vector.broadcast %ge3A_143 : i32 to vector<16xi32>
        %ge3A_145 = arith.cmpi sge, %sub3A_142, %ge3A_144 : vector<16xi32>
        %lt3A_146 = arith.constant 12512 : i32
        %lt3A_147 = vector.broadcast %lt3A_146 : i32 to vector<16xi32>
        %lt3A_148 = arith.cmpi slt, %sub3A_142, %lt3A_147 : vector<16xi32>
        %and3A_149 = arith.andi %ge3A_145, %lt3A_148 : vector<16xi1>
        %jit3A_150 = arith.constant 12512 : i32
        %broadcast_in_dim3A_151 = vector.broadcast %jit3A_150 : i32 to vector<16xi32>
        %select_n3A_152 = arith.select %and3A_149, %sub3A_142, %broadcast_in_dim3A_151 : vector<16xi1>, vector<16xi32>
        %swap3A_153 = arith.constant 64 : index
        %swap3A_154 = tpu.vector_load %arg7[%swap3A_153] {strides = array<i32>} : memref<128xi32, #tpu.memory_space<vmem>>, vector<16xi32>,
        %swap3A_155 = vector.shape_cast %swap3A_154 : vector<16xi32> to vector<16xi32>
        %swap3A_156 = vector.shape_cast %select_n3A_152 : vector<16xi32> to vector<16xi32>
        tpu.vector_store %arg7[%swap3A_153], %swap3A_156 {strides = array<i32>} : memref<128xi32, #tpu.memory_space<vmem>>, vector<16xi32>,
        %get3A_157 = arith.constant 80 : index
        %get3A_158 = tpu.vector_load %arg6[%get3A_157] {strides = array<i32>} : memref<128xi32, #tpu.memory_space<vmem>>, vector<16xi32>,
        %get3A_159 = vector.shape_cast %get3A_158 : vector<16xi32> to vector<16xi32>
        %sub3A_160 = vector.broadcast %mul3A_3 : i32 to vector<16xi32>
        %sub3A_161 = arith.subi %get3A_159, %sub3A_160 : vector<16xi32>
        %ge3A_162 = arith.constant 0 : i32
        %ge3A_163 = vector.broadcast %ge3A_162 : i32 to vector<16xi32>
        %ge3A_164 = arith.cmpi sge, %sub3A_161, %ge3A_163 : vector<16xi32>
        %lt3A_165 = arith.constant 12512 : i32
        %lt3A_166 = vector.broadcast %lt3A_165 : i32 to vector<16xi32>
        %lt3A_167 = arith.cmpi slt, %sub3A_161, %lt3A_166 : vector<16xi32>
        %and3A_168 = arith.andi %ge3A_164, %lt3A_167 : vector<16xi1>
        %jit3A_169 = arith.constant 12512 : i32
        %broadcast_in_dim3A_170 = vector.broadcast %jit3A_169 : i32 to vector<16xi32>
        %select_n3A_171 = arith.select %and3A_168, %sub3A_161, %broadcast_in_dim3A_170 : vector<16xi1>, vector<16xi32>
        %swap3A_172 = arith.constant 80 : index
        %swap3A_173 = tpu.vector_load %arg7[%swap3A_172] {strides = array<i32>} : memref<128xi32, #tpu.memory_space<vmem>>, vector<16xi32>,
        %swap3A_174 = vector.shape_cast %swap3A_173 : vector<16xi32> to vector<16xi32>
        %swap3A_175 = vector.shape_cast %select_n3A_171 : vector<16xi32> to vector<16xi32>
        tpu.vector_store %arg7[%swap3A_172], %swap3A_175 {strides = array<i32>} : memref<128xi32, #tpu.memory_space<vmem>>, vector<16xi32>,
        %get3A_176 = arith.constant 96 : index
        %get3A_177 = tpu.vector_load %arg6[%get3A_176] {strides = array<i32>} : memref<128xi32, #tpu.memory_space<vmem>>, vector<16xi32>,
        %get3A_178 = vector.shape_cast %get3A_177 : vector<16xi32> to vector<16xi32>
        %sub3A_179 = vector.broadcast %mul3A_3 : i32 to vector<16xi32>
        %sub3A_180 = arith.subi %get3A_178, %sub3A_179 : vector<16xi32>
        %ge3A_181 = arith.constant 0 : i32
        %ge3A_182 = vector.broadcast %ge3A_181 : i32 to vector<16xi32>
        %ge3A_183 = arith.cmpi sge, %sub3A_180, %ge3A_182 : vector<16xi32>
        %lt3A_184 = arith.constant 12512 : i32
        %lt3A_185 = vector.broadcast %lt3A_184 : i32 to vector<16xi32>
        %lt3A_186 = arith.cmpi slt, %sub3A_180, %lt3A_185 : vector<16xi32>
        %and3A_187 = arith.andi %ge3A_183, %lt3A_186 : vector<16xi1>
        %jit3A_188 = arith.constant 12512 : i32
        %broadcast_in_dim3A_189 = vector.broadcast %jit3A_188 : i32 to vector<16xi32>
        %select_n3A_190 = arith.select %and3A_187, %sub3A_180, %broadcast_in_dim3A_189 : vector<16xi1>, vector<16xi32>
        %swap3A_191 = arith.constant 96 : index
        %swap3A_192 = tpu.vector_load %arg7[%swap3A_191] {strides = array<i32>} : memref<128xi32, #tpu.memory_space<vmem>>, vector<16xi32>,
        %swap3A_193 = vector.shape_cast %swap3A_192 : vector<16xi32> to vector<16xi32>
        %swap3A_194 = vector.shape_cast %select_n3A_190 : vector<16xi32> to vector<16xi32>
        tpu.vector_store %arg7[%swap3A_191], %swap3A_194 {strides = array<i32>} : memref<128xi32, #tpu.memory_space<vmem>>, vector<16xi32>,
        %get3A_195 = arith.constant 112 : index
        %get3A_196 = tpu.vector_load %arg6[%get3A_195] {strides = array<i32>} : memref<128xi32, #tpu.memory_space<vmem>>, vector<16xi32>,
        %get3A_197 = vector.shape_cast %get3A_196 : vector<16xi32> to vector<16xi32>
        %sub3A_198 = vector.broadcast %mul3A_3 : i32 to vector<16xi32>
        %sub3A_199 = arith.subi %get3A_197, %sub3A_198 : vector<16xi32>
        %ge3A_200 = arith.constant 0 : i32
        %ge3A_201 = vector.broadcast %ge3A_200 : i32 to vector<16xi32>
        %ge3A_202 = arith.cmpi sge, %sub3A_199, %ge3A_201 : vector<16xi32>
        %lt3A_203 = arith.constant 12512 : i32
        %lt3A_204 = vector.broadcast %lt3A_203 : i32 to vector<16xi32>
        %lt3A_205 = arith.cmpi slt, %sub3A_199, %lt3A_204 : vector<16xi32>
        %and3A_206 = arith.andi %ge3A_202, %lt3A_205 : vector<16xi1>
        %jit3A_207 = arith.constant 12512 : i32
        %broadcast_in_dim3A_208 = vector.broadcast %jit3A_207 : i32 to vector<16xi32>
        %select_n3A_209 = arith.select %and3A_206, %sub3A_199, %broadcast_in_dim3A_208 : vector<16xi1>, vector<16xi32>
        %swap3A_210 = arith.constant 112 : index
        %swap3A_211 = tpu.vector_load %arg7[%swap3A_210] {strides = array<i32>} : memref<128xi32, #tpu.memory_space<vmem>>, vector<16xi32>,
        %swap3A_212 = vector.shape_cast %swap3A_211 : vector<16xi32> to vector<16xi32>
        %swap3A_213 = vector.shape_cast %select_n3A_209 : vector<16xi32> to vector<16xi32>
        tpu.vector_store %arg7[%swap3A_210], %swap3A_213 {strides = array<i32>} : memref<128xi32, #tpu.memory_space<vmem>>, vector<16xi32>,
        %dma_wait3A = arith.constant 0 : i32
        %dma_wait3A_214 = tpu.memref_slice %arg2[%mul3A_66, %dma_wait3A] : memref<800000x128xf32, #tpu.memory_space<hbm>> -> memref<128x128xf32, #tpu.memory_space<hbm>>
        %dma_wait3A_215 = arith.constant 0 : i32
        %dma_wait3A_216 = tpu.memref_slice %arg2[%mul3A_66, %dma_wait3A_215] : memref<800000x128xf32, #tpu.memory_space<hbm>> -> memref<128x128xf32, #tpu.memory_space<hbm>>
        tpu.wait_dma2 semaphore(%arg10 : memref<!tpu.dma_semaphore, #tpu.memory_space<semaphore_mem>>) src(%dma_wait3A_216 : memref<128x128xf32, #tpu.memory_space<hbm>>) dst(%arg8 : memref<128x128xf32, #tpu.memory_space<vmem>>)
        "tpu.region"() ({
          %run_scoped3A = tpu.sem_alloc : memref<!tpu.dma_semaphore, #tpu.memory_space<semaphore_mem>>
          %dma_start3A_217 = arith.constant 0 : i32
          %dma_start3A_218 = arith.constant 0 : i32
          %dma_start3A_219 = tpu.memref_slice %arg9[%dma_start3A_217, %dma_start3A_218] : memref<12544x128xf32, #tpu.memory_space<vmem_shared>> -> memref<12544x128xf32, #tpu.memory_space<vmem_shared>>
          tpu.enqueue_indirect_dma source(%arg8 : memref<128x128xf32, #tpu.memory_space<vmem>>) target(%dma_start3A_219 : memref<12544x128xf32, #tpu.memory_space<vmem_shared>>) offsets(%arg7 : memref<128xi32, #tpu.memory_space<vmem>>) semaphore(%run_scoped3A : memref<!tpu.dma_semaphore, #tpu.memory_space<semaphore_mem>>) {add = true}
          %dma_wait3A_220 = arith.constant 0 : i32
          %dma_wait3A_221 = arith.constant 0 : i32
          %dma_wait3A_222 = tpu.memref_slice %arg9[%dma_wait3A_220, %dma_wait3A_221] : memref<12544x128xf32, #tpu.memory_space<vmem_shared>> -> memref<12544x128xf32, #tpu.memory_space<vmem_shared>>
          tpu.wait_indirect_dma semaphore(%run_scoped3A : memref<!tpu.dma_semaphore, #tpu.memory_space<semaphore_mem>>) src(%arg8 : memref<128x128xf32, #tpu.memory_space<vmem>>) dst(%dma_wait3A_222 : memref<12544x128xf32, #tpu.memory_space<vmem_shared>>)
          tpu.yield
        }) : () -> ()
      } else {
      }
    }
    %scan3A_14 = arith.constant 391 : i32
    %barrier3A_15 = arith.constant 0 : index
    tpu.barrier barrier_id(%barrier3A_15)
    %scan3A_16 = arith.constant 0 : i32
    %scan3A_17 = arith.constant 0 : i32
    %scan3A_18 = arith.constant 7 : i32
    %scan3A_19 = arith.addi %scan3A_17, %scan3A_18 : i32
    %scan3A_20 = arith.constant 1 : i32
    scf.for %scan3A_57 = %scan3A_17 to %scan3A_19 step %scan3A_20  : i32 {
      %mul3A_58 = arith.constant 16 : i32
      %mul3A_59 = arith.muli %scan3A_57, %mul3A_58 : i32
      %add3A_60 = arith.addi %mul3A_59, %arg1 : i32
      %lt3A = arith.constant 97 : i32
      %lt3A_61 = arith.cmpi slt, %add3A_60, %lt3A : i32
      %convert_element_type3A_62 = arith.extui %lt3A_61 : i1 to i32
      %cond3A_63 = arith.constant 0 : i32
      %cond3A_64 = arith.cmpi ne, %convert_element_type3A_62, %cond3A_63 : i32
      scf.if %cond3A_64 {
        %mul3A_65 = arith.constant 128 : i32
        %mul3A_66 = arith.muli %add3A_60, %mul3A_65 : i32
        "tpu.region"() ({
          %run_scoped3A = tpu.sem_alloc : memref<!tpu.dma_semaphore, #tpu.memory_space<semaphore_mem>>
          %dma_start3A = arith.constant 0 : i32
          %dma_start3A_68 = tpu.memref_slice %arg9[%mul3A_66, %dma_start3A] : memref<12544x128xf32, #tpu.memory_space<vmem_shared>> -> memref<128x128xf32, #tpu.memory_space<vmem_shared>>
          %dma_start3A_69 = arith.constant 0 : i32
          %dma_start3A_70 = tpu.memref_slice %arg9[%mul3A_66, %dma_start3A_69] : memref<12544x128xf32, #tpu.memory_space<vmem_shared>> -> memref<128x128xf32, #tpu.memory_space<vmem_shared>>
          tpu.enqueue_dma source(%dma_start3A_70 : memref<128x128xf32, #tpu.memory_space<vmem_shared>>) target(%arg8 : memref<128x128xf32, #tpu.memory_space<vmem>>) target_semaphore(%run_scoped3A : memref<!tpu.dma_semaphore, #tpu.memory_space<semaphore_mem>>)
          %dma_wait3A = arith.constant 0 : i32
          %dma_wait3A_71 = tpu.memref_slice %arg9[%mul3A_66, %dma_wait3A] : memref<12544x128xf32, #tpu.memory_space<vmem_shared>> -> memref<128x128xf32, #tpu.memory_space<vmem_shared>>
          %dma_wait3A_72 = arith.constant 0 : i32
          %dma_wait3A_73 = tpu.memref_slice %arg9[%mul3A_66, %dma_wait3A_72] : memref<12544x128xf32, #tpu.memory_space<vmem_shared>> -> memref<128x128xf32, #tpu.memory_space<vmem_shared>>
          tpu.wait_dma2 semaphore(%run_scoped3A : memref<!tpu.dma_semaphore, #tpu.memory_space<semaphore_mem>>) src(%dma_wait3A_73 : memref<128x128xf32, #tpu.memory_space<vmem_shared>>) dst(%arg8 : memref<128x128xf32, #tpu.memory_space<vmem>>)
          tpu.yield
        }) : () -> ()
        %add3A_67 = arith.addi %mul3A_3, %mul3A_66 : i32
        "tpu.region"() ({
          %run_scoped3A = tpu.sem_alloc : memref<!tpu.dma_semaphore, #tpu.memory_space<semaphore_mem>>
          %dma_start3A = arith.constant 0 : i32
          %dma_start3A_68 = tpu.memref_slice %arg5[%add3A_67, %dma_start3A] : memref<50048x128xf32, #tpu.memory_space<hbm>> -> memref<128x128xf32, #tpu.memory_space<hbm>>
          %dma_start3A_69 = arith.constant 0 : i32
          %dma_start3A_70 = tpu.memref_slice %arg5[%add3A_67, %dma_start3A_69] : memref<50048x128xf32, #tpu.memory_space<hbm>> -> memref<128x128xf32, #tpu.memory_space<hbm>>
          tpu.enqueue_dma source(%arg8 : memref<128x128xf32, #tpu.memory_space<vmem>>) target(%dma_start3A_70 : memref<128x128xf32, #tpu.memory_space<hbm>>) target_semaphore(%run_scoped3A : memref<!tpu.dma_semaphore, #tpu.memory_space<semaphore_mem>>)
          %dma_wait3A = arith.constant 0 : i32
          %dma_wait3A_71 = tpu.memref_slice %arg5[%add3A_67, %dma_wait3A] : memref<50048x128xf32, #tpu.memory_space<hbm>> -> memref<128x128xf32, #tpu.memory_space<hbm>>
          %dma_wait3A_72 = arith.constant 0 : i32
          %dma_wait3A_73 = tpu.memref_slice %arg5[%add3A_67, %dma_wait3A_72] : memref<50048x128xf32, #tpu.memory_space<hbm>> -> memref<128x128xf32, #tpu.memory_space<hbm>>
          tpu.wait_dma2 semaphore(%run_scoped3A : memref<!tpu.dma_semaphore, #tpu.memory_space<semaphore_mem>>) src(%arg8 : memref<128x128xf32, #tpu.memory_space<vmem>>) dst(%dma_wait3A_73 : memref<128x128xf32, #tpu.memory_space<hbm>>)
          tpu.yield
        }) : () -> ()
      } else {
      }
    }
    %scan3A_21 = arith.constant 7 : i32
    %eq3A = arith.constant 0 : i32
    %eq3A_22 = arith.cmpi eq, %arg1, %eq3A : i32
    %convert_element_type3A = arith.extui %eq3A_22 : i1 to i32
    %cond3A = arith.constant 0 : i32
    %cond3A_23 = arith.cmpi ne, %convert_element_type3A, %cond3A : i32
    scf.if %cond3A_23 {
      "tpu.region"() ({
        %run_scoped3A = tpu.sem_alloc : memref<!tpu.dma_semaphore, #tpu.memory_space<semaphore_mem>>
        %dma_start3A = arith.constant 0 : i32
        %dma_start3A_59 = arith.constant 0 : i32
        %dma_start3A_60 = tpu.memref_slice %arg8[%dma_start3A, %dma_start3A_59] : memref<128x128xf32, #tpu.memory_space<vmem>> -> memref<96x128xf32, #tpu.memory_space<vmem>>
        %dma_start3A_61 = arith.constant 12416 : i32
        %dma_start3A_62 = arith.constant 0 : i32
        %dma_start3A_63 = tpu.memref_slice %arg9[%dma_start3A_61, %dma_start3A_62] : memref<12544x128xf32, #tpu.memory_space<vmem_shared>> -> memref<96x128xf32, #tpu.memory_space<vmem_shared>>
        %dma_start3A_64 = arith.constant 0 : i32
        %dma_start3A_65 = arith.constant 0 : i32
        %dma_start3A_66 = tpu.memref_slice %arg8[%dma_start3A_64, %dma_start3A_65] : memref<128x128xf32, #tpu.memory_space<vmem>> -> memref<96x128xf32, #tpu.memory_space<vmem>>
        %dma_start3A_67 = arith.constant 12416 : i32
        %dma_start3A_68 = arith.constant 0 : i32
        %dma_start3A_69 = tpu.memref_slice %arg9[%dma_start3A_67, %dma_start3A_68] : memref<12544x128xf32, #tpu.memory_space<vmem_shared>> -> memref<96x128xf32, #tpu.memory_space<vmem_shared>>
        tpu.enqueue_dma source(%dma_start3A_69 : memref<96x128xf32, #tpu.memory_space<vmem_shared>>) target(%dma_start3A_66 : memref<96x128xf32, #tpu.memory_space<vmem>>) target_semaphore(%run_scoped3A : memref<!tpu.dma_semaphore, #tpu.memory_space<semaphore_mem>>)
        %dma_wait3A = arith.constant 0 : i32
        %dma_wait3A_70 = arith.constant 0 : i32
        %dma_wait3A_71 = tpu.memref_slice %arg8[%dma_wait3A, %dma_wait3A_70] : memref<128x128xf32, #tpu.memory_space<vmem>> -> memref<96x128xf32, #tpu.memory_space<vmem>>
        %dma_wait3A_72 = arith.constant 12416 : i32
        %dma_wait3A_73 = arith.constant 0 : i32
        %dma_wait3A_74 = tpu.memref_slice %arg9[%dma_wait3A_72, %dma_wait3A_73] : memref<12544x128xf32, #tpu.memory_space<vmem_shared>> -> memref<96x128xf32, #tpu.memory_space<vmem_shared>>
        %dma_wait3A_75 = arith.constant 0 : i32
        %dma_wait3A_76 = arith.constant 0 : i32
        %dma_wait3A_77 = tpu.memref_slice %arg8[%dma_wait3A_75, %dma_wait3A_76] : memref<128x128xf32, #tpu.memory_space<vmem>> -> memref<96x128xf32, #tpu.memory_space<vmem>>
        %dma_wait3A_78 = arith.constant 12416 : i32
        %dma_wait3A_79 = arith.constant 0 : i32
        %dma_wait3A_80 = tpu.memref_slice %arg9[%dma_wait3A_78, %dma_wait3A_79] : memref<12544x128xf32, #tpu.memory_space<vmem_shared>> -> memref<96x128xf32, #tpu.memory_space<vmem_shared>>
        tpu.wait_dma2 semaphore(%run_scoped3A : memref<!tpu.dma_semaphore, #tpu.memory_space<semaphore_mem>>) src(%dma_wait3A_80 : memref<96x128xf32, #tpu.memory_space<vmem_shared>>) dst(%dma_wait3A_77 : memref<96x128xf32, #tpu.memory_space<vmem>>)
        tpu.yield
      }) : () -> ()
      %add3A_57 = arith.constant 12416 : i32
      %add3A_58 = arith.addi %mul3A_3, %add3A_57 : i32
      "tpu.region"() ({
        %run_scoped3A = tpu.sem_alloc : memref<!tpu.dma_semaphore, #tpu.memory_space<semaphore_mem>>
        %dma_start3A = arith.constant 0 : i32
        %dma_start3A_59 = arith.constant 0 : i32
        %dma_start3A_60 = tpu.memref_slice %arg8[%dma_start3A, %dma_start3A_59] : memref<128x128xf32, #tpu.memory_space<vmem>> -> memref<96x128xf32, #tpu.memory_space<vmem>>
        %dma_start3A_61 = arith.constant 0 : i32
        %dma_start3A_62 = tpu.memref_slice %arg5[%add3A_58, %dma_start3A_61] : memref<50048x128xf32, #tpu.memory_space<hbm>> -> memref<96x128xf32, #tpu.memory_space<hbm>>
        %dma_start3A_63 = arith.constant 0 : i32
        %dma_start3A_64 = tpu.memref_slice %arg5[%add3A_58, %dma_start3A_63] : memref<50048x128xf32, #tpu.memory_space<hbm>> -> memref<96x128xf32, #tpu.memory_space<hbm>>
        %dma_start3A_65 = arith.constant 0 : i32
        %dma_start3A_66 = arith.constant 0 : i32
        %dma_start3A_67 = tpu.memref_slice %arg8[%dma_start3A_65, %dma_start3A_66] : memref<128x128xf32, #tpu.memory_space<vmem>> -> memref<96x128xf32, #tpu.memory_space<vmem>>
        tpu.enqueue_dma source(%dma_start3A_67 : memref<96x128xf32, #tpu.memory_space<vmem>>) target(%dma_start3A_64 : memref<96x128xf32, #tpu.memory_space<hbm>>) target_semaphore(%run_scoped3A : memref<!tpu.dma_semaphore, #tpu.memory_space<semaphore_mem>>)
        %dma_wait3A = arith.constant 0 : i32
        %dma_wait3A_68 = arith.constant 0 : i32
        %dma_wait3A_69 = tpu.memref_slice %arg8[%dma_wait3A, %dma_wait3A_68] : memref<128x128xf32, #tpu.memory_space<vmem>> -> memref<96x128xf32, #tpu.memory_space<vmem>>
        %dma_wait3A_70 = arith.constant 0 : i32
        %dma_wait3A_71 = tpu.memref_slice %arg5[%add3A_58, %dma_wait3A_70] : memref<50048x128xf32, #tpu.memory_space<hbm>> -> memref<96x128xf32, #tpu.memory_space<hbm>>
        %dma_wait3A_72 = arith.constant 0 : i32
        %dma_wait3A_73 = tpu.memref_slice %arg5[%add3A_58, %dma_wait3A_72] : memref<50048x128xf32, #tpu.memory_space<hbm>> -> memref<96x128xf32, #tpu.memory_space<hbm>>
        %dma_wait3A_74 = arith.constant 0 : i32
        %dma_wait3A_75 = arith.constant 0 : i32
        %dma_wait3A_76 = tpu.memref_slice %arg8[%dma_wait3A_74, %dma_wait3A_75] : memref<128x128xf32, #tpu.memory_space<vmem>> -> memref<96x128xf32, #tpu.memory_space<vmem>>
        tpu.wait_dma2 semaphore(%run_scoped3A : memref<!tpu.dma_semaphore, #tpu.memory_space<semaphore_mem>>) src(%dma_wait3A_76 : memref<96x128xf32, #tpu.memory_space<vmem>>) dst(%dma_wait3A_73 : memref<96x128xf32, #tpu.memory_space<hbm>>)
        tpu.yield
      }) : () -> ()
    } else {
    }
    %barrier3A_24 = arith.constant 0 : index
    tpu.barrier barrier_id(%barrier3A_24)
    %mul3A_25 = arith.constant 2 : i32
    %mul3A_26 = arith.muli %arg0, %mul3A_25 : i32
    %add3A_27 = arith.constant 1 : i32
    %add3A_28 = arith.addi %mul3A_26, %add3A_27 : i32
    %mul3A_29 = arith.constant 12512 : i32
    %mul3A_30 = arith.muli %add3A_28, %mul3A_29 : i32
    "tpu.region"() ({
      %run_scoped3A = tpu.sem_alloc : memref<!tpu.dma_semaphore, #tpu.memory_space<semaphore_mem>>
      tpu.enqueue_dma source(%arg4 : memref<128x128xf32, #tpu.memory_space<hbm>>) target(%arg8 : memref<128x128xf32, #tpu.memory_space<vmem>>) target_semaphore(%run_scoped3A : memref<!tpu.dma_semaphore, #tpu.memory_space<semaphore_mem>>)
      tpu.wait_dma2 semaphore(%run_scoped3A : memref<!tpu.dma_semaphore, #tpu.memory_space<semaphore_mem>>) src(%arg4 : memref<128x128xf32, #tpu.memory_space<hbm>>) dst(%arg8 : memref<128x128xf32, #tpu.memory_space<vmem>>)
      tpu.yield
    }) : () -> ()
    %scan3A_31 = arith.constant 0 : i32
    %scan3A_32 = arith.constant 0 : i32
    %scan3A_33 = arith.constant 7 : i32
    %scan3A_34 = arith.addi %scan3A_32, %scan3A_33 : i32
    %scan3A_35 = arith.constant 1 : i32
    scf.for %scan3A_57 = %scan3A_32 to %scan3A_34 step %scan3A_35  : i32 {
      %mul3A_58 = arith.constant 16 : i32
      %mul3A_59 = arith.muli %scan3A_57, %mul3A_58 : i32
      %add3A_60 = arith.addi %mul3A_59, %arg1 : i32
      %lt3A = arith.constant 98 : i32
      %lt3A_61 = arith.cmpi slt, %add3A_60, %lt3A : i32
      %convert_element_type3A_62 = arith.extui %lt3A_61 : i1 to i32
      %cond3A_63 = arith.constant 0 : i32
      %cond3A_64 = arith.cmpi ne, %convert_element_type3A_62, %cond3A_63 : i32
      scf.if %cond3A_64 {
        %mul3A_65 = arith.constant 128 : i32
        %mul3A_66 = arith.muli %add3A_60, %mul3A_65 : i32
        "tpu.region"() ({
          %run_scoped3A = tpu.sem_alloc : memref<!tpu.dma_semaphore, #tpu.memory_space<semaphore_mem>>
          %dma_start3A = arith.constant 0 : i32
          %dma_start3A_67 = tpu.memref_slice %arg9[%mul3A_66, %dma_start3A] : memref<12544x128xf32, #tpu.memory_space<vmem_shared>> -> memref<128x128xf32, #tpu.memory_space<vmem_shared>>
          %dma_start3A_68 = arith.constant 0 : i32
          %dma_start3A_69 = tpu.memref_slice %arg9[%mul3A_66, %dma_start3A_68] : memref<12544x128xf32, #tpu.memory_space<vmem_shared>> -> memref<128x128xf32, #tpu.memory_space<vmem_shared>>
          tpu.enqueue_dma source(%arg8 : memref<128x128xf32, #tpu.memory_space<vmem>>) target(%dma_start3A_69 : memref<128x128xf32, #tpu.memory_space<vmem_shared>>) target_semaphore(%run_scoped3A : memref<!tpu.dma_semaphore, #tpu.memory_space<semaphore_mem>>)
          %dma_wait3A = arith.constant 0 : i32
          %dma_wait3A_70 = tpu.memref_slice %arg9[%mul3A_66, %dma_wait3A] : memref<12544x128xf32, #tpu.memory_space<vmem_shared>> -> memref<128x128xf32, #tpu.memory_space<vmem_shared>>
          %dma_wait3A_71 = arith.constant 0 : i32
          %dma_wait3A_72 = tpu.memref_slice %arg9[%mul3A_66, %dma_wait3A_71] : memref<12544x128xf32, #tpu.memory_space<vmem_shared>> -> memref<128x128xf32, #tpu.memory_space<vmem_shared>>
          tpu.wait_dma2 semaphore(%run_scoped3A : memref<!tpu.dma_semaphore, #tpu.memory_space<semaphore_mem>>) src(%arg8 : memref<128x128xf32, #tpu.memory_space<vmem>>) dst(%dma_wait3A_72 : memref<128x128xf32, #tpu.memory_space<vmem_shared>>)
          tpu.yield
        }) : () -> ()
      } else {
      }
    }
    %scan3A_36 = arith.constant 7 : i32
    %barrier3A_37 = arith.constant 0 : index
    tpu.barrier barrier_id(%barrier3A_37)
    %scan3A_38 = arith.constant 0 : i32
    %scan3A_39 = arith.constant 0 : i32
    %scan3A_40 = arith.constant 391 : i32
    %scan3A_41 = arith.addi %scan3A_39, %scan3A_40 : i32
    %scan3A_42 = arith.constant 1 : i32
    scf.for %scan3A_57 = %scan3A_39 to %scan3A_41 step %scan3A_42  : i32 {
      %mul3A_58 = arith.constant 16 : i32
      %mul3A_59 = arith.muli %scan3A_57, %mul3A_58 : i32
      %add3A_60 = arith.addi %mul3A_59, %arg1 : i32
      %lt3A = arith.constant 6250 : i32
      %lt3A_61 = arith.cmpi slt, %add3A_60, %lt3A : i32
      %convert_element_type3A_62 = arith.extui %lt3A_61 : i1 to i32
      %cond3A_63 = arith.constant 0 : i32
      %cond3A_64 = arith.cmpi ne, %convert_element_type3A_62, %cond3A_63 : i32
      scf.if %cond3A_64 {
        %mul3A_65 = arith.constant 128 : i32
        %mul3A_66 = arith.muli %add3A_60, %mul3A_65 : i32
        %dma_start3A = arith.constant 0 : i32
        %dma_start3A_67 = tpu.memref_slice %arg2[%mul3A_66, %dma_start3A] : memref<800000x128xf32, #tpu.memory_space<hbm>> -> memref<128x128xf32, #tpu.memory_space<hbm>>
        %dma_start3A_68 = arith.constant 0 : i32
        %dma_start3A_69 = tpu.memref_slice %arg2[%mul3A_66, %dma_start3A_68] : memref<800000x128xf32, #tpu.memory_space<hbm>> -> memref<128x128xf32, #tpu.memory_space<hbm>>
        tpu.enqueue_dma source(%dma_start3A_69 : memref<128x128xf32, #tpu.memory_space<hbm>>) target(%arg8 : memref<128x128xf32, #tpu.memory_space<vmem>>) target_semaphore(%arg10 : memref<!tpu.dma_semaphore, #tpu.memory_space<semaphore_mem>>)
        "tpu.region"() ({
          %run_scoped3A = tpu.sem_alloc : memref<!tpu.dma_semaphore, #tpu.memory_space<semaphore_mem>>
          %dma_start3A_217 = tpu.memref_slice %arg3[%mul3A_66] : memref<800000xi32, #tpu.memory_space<hbm>> -> memref<128xi32, #tpu.memory_space<hbm>>
          %dma_start3A_218 = tpu.memref_slice %arg3[%mul3A_66] : memref<800000xi32, #tpu.memory_space<hbm>> -> memref<128xi32, #tpu.memory_space<hbm>>
          tpu.enqueue_dma source(%dma_start3A_218 : memref<128xi32, #tpu.memory_space<hbm>>) target(%arg6 : memref<128xi32, #tpu.memory_space<vmem>>) target_semaphore(%run_scoped3A : memref<!tpu.dma_semaphore, #tpu.memory_space<semaphore_mem>>)
          %dma_wait3A_219 = tpu.memref_slice %arg3[%mul3A_66] : memref<800000xi32, #tpu.memory_space<hbm>> -> memref<128xi32, #tpu.memory_space<hbm>>
          %dma_wait3A_220 = tpu.memref_slice %arg3[%mul3A_66] : memref<800000xi32, #tpu.memory_space<hbm>> -> memref<128xi32, #tpu.memory_space<hbm>>
          tpu.wait_dma2 semaphore(%run_scoped3A : memref<!tpu.dma_semaphore, #tpu.memory_space<semaphore_mem>>) src(%dma_wait3A_220 : memref<128xi32, #tpu.memory_space<hbm>>) dst(%arg6 : memref<128xi32, #tpu.memory_space<vmem>>)
          tpu.yield
        }) : () -> ()
        %get3A = arith.constant 0 : index
        %get3A_70 = tpu.vector_load %arg6[%get3A] {strides = array<i32>} : memref<128xi32, #tpu.memory_space<vmem>>, vector<16xi32>,
        %get3A_71 = vector.shape_cast %get3A_70 : vector<16xi32> to vector<16xi32>
        %sub3A = vector.broadcast %mul3A_30 : i32 to vector<16xi32>
        %sub3A_72 = arith.subi %get3A_71, %sub3A : vector<16xi32>
        %ge3A = arith.constant 0 : i32
        %ge3A_73 = vector.broadcast %ge3A : i32 to vector<16xi32>
        %ge3A_74 = arith.cmpi sge, %sub3A_72, %ge3A_73 : vector<16xi32>
        %lt3A_75 = arith.constant 12512 : i32
        %lt3A_76 = vector.broadcast %lt3A_75 : i32 to vector<16xi32>
        %lt3A_77 = arith.cmpi slt, %sub3A_72, %lt3A_76 : vector<16xi32>
        %and3A = arith.andi %ge3A_74, %lt3A_77 : vector<16xi1>
        %jit3A = arith.constant 12512 : i32
        %broadcast_in_dim3A = vector.broadcast %jit3A : i32 to vector<16xi32>
        %select_n3A = arith.select %and3A, %sub3A_72, %broadcast_in_dim3A : vector<16xi1>, vector<16xi32>
        %swap3A = arith.constant 0 : index
        %swap3A_78 = tpu.vector_load %arg7[%swap3A] {strides = array<i32>} : memref<128xi32, #tpu.memory_space<vmem>>, vector<16xi32>,
        %swap3A_79 = vector.shape_cast %swap3A_78 : vector<16xi32> to vector<16xi32>
        %swap3A_80 = vector.shape_cast %select_n3A : vector<16xi32> to vector<16xi32>
        tpu.vector_store %arg7[%swap3A], %swap3A_80 {strides = array<i32>} : memref<128xi32, #tpu.memory_space<vmem>>, vector<16xi32>,
        %get3A_81 = arith.constant 16 : index
        %get3A_82 = tpu.vector_load %arg6[%get3A_81] {strides = array<i32>} : memref<128xi32, #tpu.memory_space<vmem>>, vector<16xi32>,
        %get3A_83 = vector.shape_cast %get3A_82 : vector<16xi32> to vector<16xi32>
        %sub3A_84 = vector.broadcast %mul3A_30 : i32 to vector<16xi32>
        %sub3A_85 = arith.subi %get3A_83, %sub3A_84 : vector<16xi32>
        %ge3A_86 = arith.constant 0 : i32
        %ge3A_87 = vector.broadcast %ge3A_86 : i32 to vector<16xi32>
        %ge3A_88 = arith.cmpi sge, %sub3A_85, %ge3A_87 : vector<16xi32>
        %lt3A_89 = arith.constant 12512 : i32
        %lt3A_90 = vector.broadcast %lt3A_89 : i32 to vector<16xi32>
        %lt3A_91 = arith.cmpi slt, %sub3A_85, %lt3A_90 : vector<16xi32>
        %and3A_92 = arith.andi %ge3A_88, %lt3A_91 : vector<16xi1>
        %jit3A_93 = arith.constant 12512 : i32
        %broadcast_in_dim3A_94 = vector.broadcast %jit3A_93 : i32 to vector<16xi32>
        %select_n3A_95 = arith.select %and3A_92, %sub3A_85, %broadcast_in_dim3A_94 : vector<16xi1>, vector<16xi32>
        %swap3A_96 = arith.constant 16 : index
        %swap3A_97 = tpu.vector_load %arg7[%swap3A_96] {strides = array<i32>} : memref<128xi32, #tpu.memory_space<vmem>>, vector<16xi32>,
        %swap3A_98 = vector.shape_cast %swap3A_97 : vector<16xi32> to vector<16xi32>
        %swap3A_99 = vector.shape_cast %select_n3A_95 : vector<16xi32> to vector<16xi32>
        tpu.vector_store %arg7[%swap3A_96], %swap3A_99 {strides = array<i32>} : memref<128xi32, #tpu.memory_space<vmem>>, vector<16xi32>,
        %get3A_100 = arith.constant 32 : index
        %get3A_101 = tpu.vector_load %arg6[%get3A_100] {strides = array<i32>} : memref<128xi32, #tpu.memory_space<vmem>>, vector<16xi32>,
        %get3A_102 = vector.shape_cast %get3A_101 : vector<16xi32> to vector<16xi32>
        %sub3A_103 = vector.broadcast %mul3A_30 : i32 to vector<16xi32>
        %sub3A_104 = arith.subi %get3A_102, %sub3A_103 : vector<16xi32>
        %ge3A_105 = arith.constant 0 : i32
        %ge3A_106 = vector.broadcast %ge3A_105 : i32 to vector<16xi32>
        %ge3A_107 = arith.cmpi sge, %sub3A_104, %ge3A_106 : vector<16xi32>
        %lt3A_108 = arith.constant 12512 : i32
        %lt3A_109 = vector.broadcast %lt3A_108 : i32 to vector<16xi32>
        %lt3A_110 = arith.cmpi slt, %sub3A_104, %lt3A_109 : vector<16xi32>
        %and3A_111 = arith.andi %ge3A_107, %lt3A_110 : vector<16xi1>
        %jit3A_112 = arith.constant 12512 : i32
        %broadcast_in_dim3A_113 = vector.broadcast %jit3A_112 : i32 to vector<16xi32>
        %select_n3A_114 = arith.select %and3A_111, %sub3A_104, %broadcast_in_dim3A_113 : vector<16xi1>, vector<16xi32>
        %swap3A_115 = arith.constant 32 : index
        %swap3A_116 = tpu.vector_load %arg7[%swap3A_115] {strides = array<i32>} : memref<128xi32, #tpu.memory_space<vmem>>, vector<16xi32>,
        %swap3A_117 = vector.shape_cast %swap3A_116 : vector<16xi32> to vector<16xi32>
        %swap3A_118 = vector.shape_cast %select_n3A_114 : vector<16xi32> to vector<16xi32>
        tpu.vector_store %arg7[%swap3A_115], %swap3A_118 {strides = array<i32>} : memref<128xi32, #tpu.memory_space<vmem>>, vector<16xi32>,
        %get3A_119 = arith.constant 48 : index
        %get3A_120 = tpu.vector_load %arg6[%get3A_119] {strides = array<i32>} : memref<128xi32, #tpu.memory_space<vmem>>, vector<16xi32>,
        %get3A_121 = vector.shape_cast %get3A_120 : vector<16xi32> to vector<16xi32>
        %sub3A_122 = vector.broadcast %mul3A_30 : i32 to vector<16xi32>
        %sub3A_123 = arith.subi %get3A_121, %sub3A_122 : vector<16xi32>
        %ge3A_124 = arith.constant 0 : i32
        %ge3A_125 = vector.broadcast %ge3A_124 : i32 to vector<16xi32>
        %ge3A_126 = arith.cmpi sge, %sub3A_123, %ge3A_125 : vector<16xi32>
        %lt3A_127 = arith.constant 12512 : i32
        %lt3A_128 = vector.broadcast %lt3A_127 : i32 to vector<16xi32>
        %lt3A_129 = arith.cmpi slt, %sub3A_123, %lt3A_128 : vector<16xi32>
        %and3A_130 = arith.andi %ge3A_126, %lt3A_129 : vector<16xi1>
        %jit3A_131 = arith.constant 12512 : i32
        %broadcast_in_dim3A_132 = vector.broadcast %jit3A_131 : i32 to vector<16xi32>
        %select_n3A_133 = arith.select %and3A_130, %sub3A_123, %broadcast_in_dim3A_132 : vector<16xi1>, vector<16xi32>
        %swap3A_134 = arith.constant 48 : index
        %swap3A_135 = tpu.vector_load %arg7[%swap3A_134] {strides = array<i32>} : memref<128xi32, #tpu.memory_space<vmem>>, vector<16xi32>,
        %swap3A_136 = vector.shape_cast %swap3A_135 : vector<16xi32> to vector<16xi32>
        %swap3A_137 = vector.shape_cast %select_n3A_133 : vector<16xi32> to vector<16xi32>
        tpu.vector_store %arg7[%swap3A_134], %swap3A_137 {strides = array<i32>} : memref<128xi32, #tpu.memory_space<vmem>>, vector<16xi32>,
        %get3A_138 = arith.constant 64 : index
        %get3A_139 = tpu.vector_load %arg6[%get3A_138] {strides = array<i32>} : memref<128xi32, #tpu.memory_space<vmem>>, vector<16xi32>,
        %get3A_140 = vector.shape_cast %get3A_139 : vector<16xi32> to vector<16xi32>
        %sub3A_141 = vector.broadcast %mul3A_30 : i32 to vector<16xi32>
        %sub3A_142 = arith.subi %get3A_140, %sub3A_141 : vector<16xi32>
        %ge3A_143 = arith.constant 0 : i32
        %ge3A_144 = vector.broadcast %ge3A_143 : i32 to vector<16xi32>
        %ge3A_145 = arith.cmpi sge, %sub3A_142, %ge3A_144 : vector<16xi32>
        %lt3A_146 = arith.constant 12512 : i32
        %lt3A_147 = vector.broadcast %lt3A_146 : i32 to vector<16xi32>
        %lt3A_148 = arith.cmpi slt, %sub3A_142, %lt3A_147 : vector<16xi32>
        %and3A_149 = arith.andi %ge3A_145, %lt3A_148 : vector<16xi1>
        %jit3A_150 = arith.constant 12512 : i32
        %broadcast_in_dim3A_151 = vector.broadcast %jit3A_150 : i32 to vector<16xi32>
        %select_n3A_152 = arith.select %and3A_149, %sub3A_142, %broadcast_in_dim3A_151 : vector<16xi1>, vector<16xi32>
        %swap3A_153 = arith.constant 64 : index
        %swap3A_154 = tpu.vector_load %arg7[%swap3A_153] {strides = array<i32>} : memref<128xi32, #tpu.memory_space<vmem>>, vector<16xi32>,
        %swap3A_155 = vector.shape_cast %swap3A_154 : vector<16xi32> to vector<16xi32>
        %swap3A_156 = vector.shape_cast %select_n3A_152 : vector<16xi32> to vector<16xi32>
        tpu.vector_store %arg7[%swap3A_153], %swap3A_156 {strides = array<i32>} : memref<128xi32, #tpu.memory_space<vmem>>, vector<16xi32>,
        %get3A_157 = arith.constant 80 : index
        %get3A_158 = tpu.vector_load %arg6[%get3A_157] {strides = array<i32>} : memref<128xi32, #tpu.memory_space<vmem>>, vector<16xi32>,
        %get3A_159 = vector.shape_cast %get3A_158 : vector<16xi32> to vector<16xi32>
        %sub3A_160 = vector.broadcast %mul3A_30 : i32 to vector<16xi32>
        %sub3A_161 = arith.subi %get3A_159, %sub3A_160 : vector<16xi32>
        %ge3A_162 = arith.constant 0 : i32
        %ge3A_163 = vector.broadcast %ge3A_162 : i32 to vector<16xi32>
        %ge3A_164 = arith.cmpi sge, %sub3A_161, %ge3A_163 : vector<16xi32>
        %lt3A_165 = arith.constant 12512 : i32
        %lt3A_166 = vector.broadcast %lt3A_165 : i32 to vector<16xi32>
        %lt3A_167 = arith.cmpi slt, %sub3A_161, %lt3A_166 : vector<16xi32>
        %and3A_168 = arith.andi %ge3A_164, %lt3A_167 : vector<16xi1>
        %jit3A_169 = arith.constant 12512 : i32
        %broadcast_in_dim3A_170 = vector.broadcast %jit3A_169 : i32 to vector<16xi32>
        %select_n3A_171 = arith.select %and3A_168, %sub3A_161, %broadcast_in_dim3A_170 : vector<16xi1>, vector<16xi32>
        %swap3A_172 = arith.constant 80 : index
        %swap3A_173 = tpu.vector_load %arg7[%swap3A_172] {strides = array<i32>} : memref<128xi32, #tpu.memory_space<vmem>>, vector<16xi32>,
        %swap3A_174 = vector.shape_cast %swap3A_173 : vector<16xi32> to vector<16xi32>
        %swap3A_175 = vector.shape_cast %select_n3A_171 : vector<16xi32> to vector<16xi32>
        tpu.vector_store %arg7[%swap3A_172], %swap3A_175 {strides = array<i32>} : memref<128xi32, #tpu.memory_space<vmem>>, vector<16xi32>,
        %get3A_176 = arith.constant 96 : index
        %get3A_177 = tpu.vector_load %arg6[%get3A_176] {strides = array<i32>} : memref<128xi32, #tpu.memory_space<vmem>>, vector<16xi32>,
        %get3A_178 = vector.shape_cast %get3A_177 : vector<16xi32> to vector<16xi32>
        %sub3A_179 = vector.broadcast %mul3A_30 : i32 to vector<16xi32>
        %sub3A_180 = arith.subi %get3A_178, %sub3A_179 : vector<16xi32>
        %ge3A_181 = arith.constant 0 : i32
        %ge3A_182 = vector.broadcast %ge3A_181 : i32 to vector<16xi32>
        %ge3A_183 = arith.cmpi sge, %sub3A_180, %ge3A_182 : vector<16xi32>
        %lt3A_184 = arith.constant 12512 : i32
        %lt3A_185 = vector.broadcast %lt3A_184 : i32 to vector<16xi32>
        %lt3A_186 = arith.cmpi slt, %sub3A_180, %lt3A_185 : vector<16xi32>
        %and3A_187 = arith.andi %ge3A_183, %lt3A_186 : vector<16xi1>
        %jit3A_188 = arith.constant 12512 : i32
        %broadcast_in_dim3A_189 = vector.broadcast %jit3A_188 : i32 to vector<16xi32>
        %select_n3A_190 = arith.select %and3A_187, %sub3A_180, %broadcast_in_dim3A_189 : vector<16xi1>, vector<16xi32>
        %swap3A_191 = arith.constant 96 : index
        %swap3A_192 = tpu.vector_load %arg7[%swap3A_191] {strides = array<i32>} : memref<128xi32, #tpu.memory_space<vmem>>, vector<16xi32>,
        %swap3A_193 = vector.shape_cast %swap3A_192 : vector<16xi32> to vector<16xi32>
        %swap3A_194 = vector.shape_cast %select_n3A_190 : vector<16xi32> to vector<16xi32>
        tpu.vector_store %arg7[%swap3A_191], %swap3A_194 {strides = array<i32>} : memref<128xi32, #tpu.memory_space<vmem>>, vector<16xi32>,
        %get3A_195 = arith.constant 112 : index
        %get3A_196 = tpu.vector_load %arg6[%get3A_195] {strides = array<i32>} : memref<128xi32, #tpu.memory_space<vmem>>, vector<16xi32>,
        %get3A_197 = vector.shape_cast %get3A_196 : vector<16xi32> to vector<16xi32>
        %sub3A_198 = vector.broadcast %mul3A_30 : i32 to vector<16xi32>
        %sub3A_199 = arith.subi %get3A_197, %sub3A_198 : vector<16xi32>
        %ge3A_200 = arith.constant 0 : i32
        %ge3A_201 = vector.broadcast %ge3A_200 : i32 to vector<16xi32>
        %ge3A_202 = arith.cmpi sge, %sub3A_199, %ge3A_201 : vector<16xi32>
        %lt3A_203 = arith.constant 12512 : i32
        %lt3A_204 = vector.broadcast %lt3A_203 : i32 to vector<16xi32>
        %lt3A_205 = arith.cmpi slt, %sub3A_199, %lt3A_204 : vector<16xi32>
        %and3A_206 = arith.andi %ge3A_202, %lt3A_205 : vector<16xi1>
        %jit3A_207 = arith.constant 12512 : i32
        %broadcast_in_dim3A_208 = vector.broadcast %jit3A_207 : i32 to vector<16xi32>
        %select_n3A_209 = arith.select %and3A_206, %sub3A_199, %broadcast_in_dim3A_208 : vector<16xi1>, vector<16xi32>
        %swap3A_210 = arith.constant 112 : index
        %swap3A_211 = tpu.vector_load %arg7[%swap3A_210] {strides = array<i32>} : memref<128xi32, #tpu.memory_space<vmem>>, vector<16xi32>,
        %swap3A_212 = vector.shape_cast %swap3A_211 : vector<16xi32> to vector<16xi32>
        %swap3A_213 = vector.shape_cast %select_n3A_209 : vector<16xi32> to vector<16xi32>
        tpu.vector_store %arg7[%swap3A_210], %swap3A_213 {strides = array<i32>} : memref<128xi32, #tpu.memory_space<vmem>>, vector<16xi32>,
        %dma_wait3A = arith.constant 0 : i32
        %dma_wait3A_214 = tpu.memref_slice %arg2[%mul3A_66, %dma_wait3A] : memref<800000x128xf32, #tpu.memory_space<hbm>> -> memref<128x128xf32, #tpu.memory_space<hbm>>
        %dma_wait3A_215 = arith.constant 0 : i32
        %dma_wait3A_216 = tpu.memref_slice %arg2[%mul3A_66, %dma_wait3A_215] : memref<800000x128xf32, #tpu.memory_space<hbm>> -> memref<128x128xf32, #tpu.memory_space<hbm>>
        tpu.wait_dma2 semaphore(%arg10 : memref<!tpu.dma_semaphore, #tpu.memory_space<semaphore_mem>>) src(%dma_wait3A_216 : memref<128x128xf32, #tpu.memory_space<hbm>>) dst(%arg8 : memref<128x128xf32, #tpu.memory_space<vmem>>)
        "tpu.region"() ({
          %run_scoped3A = tpu.sem_alloc : memref<!tpu.dma_semaphore, #tpu.memory_space<semaphore_mem>>
          %dma_start3A_217 = arith.constant 0 : i32
          %dma_start3A_218 = arith.constant 0 : i32
          %dma_start3A_219 = tpu.memref_slice %arg9[%dma_start3A_217, %dma_start3A_218] : memref<12544x128xf32, #tpu.memory_space<vmem_shared>> -> memref<12544x128xf32, #tpu.memory_space<vmem_shared>>
          tpu.enqueue_indirect_dma source(%arg8 : memref<128x128xf32, #tpu.memory_space<vmem>>) target(%dma_start3A_219 : memref<12544x128xf32, #tpu.memory_space<vmem_shared>>) offsets(%arg7 : memref<128xi32, #tpu.memory_space<vmem>>) semaphore(%run_scoped3A : memref<!tpu.dma_semaphore, #tpu.memory_space<semaphore_mem>>) {add = true}
          %dma_wait3A_220 = arith.constant 0 : i32
          %dma_wait3A_221 = arith.constant 0 : i32
          %dma_wait3A_222 = tpu.memref_slice %arg9[%dma_wait3A_220, %dma_wait3A_221] : memref<12544x128xf32, #tpu.memory_space<vmem_shared>> -> memref<12544x128xf32, #tpu.memory_space<vmem_shared>>
          tpu.wait_indirect_dma semaphore(%run_scoped3A : memref<!tpu.dma_semaphore, #tpu.memory_space<semaphore_mem>>) src(%arg8 : memref<128x128xf32, #tpu.memory_space<vmem>>) dst(%dma_wait3A_222 : memref<12544x128xf32, #tpu.memory_space<vmem_shared>>)
          tpu.yield
        }) : () -> ()
      } else {
      }
    }
    %scan3A_43 = arith.constant 391 : i32
    %barrier3A_44 = arith.constant 0 : index
    tpu.barrier barrier_id(%barrier3A_44)
    %scan3A_45 = arith.constant 0 : i32
    %scan3A_46 = arith.constant 0 : i32
    %scan3A_47 = arith.constant 7 : i32
    %scan3A_48 = arith.addi %scan3A_46, %scan3A_47 : i32
    %scan3A_49 = arith.constant 1 : i32
    scf.for %scan3A_57 = %scan3A_46 to %scan3A_48 step %scan3A_49  : i32 {
      %mul3A_58 = arith.constant 16 : i32
      %mul3A_59 = arith.muli %scan3A_57, %mul3A_58 : i32
      %add3A_60 = arith.addi %mul3A_59, %arg1 : i32
      %lt3A = arith.constant 97 : i32
      %lt3A_61 = arith.cmpi slt, %add3A_60, %lt3A : i32
      %convert_element_type3A_62 = arith.extui %lt3A_61 : i1 to i32
      %cond3A_63 = arith.constant 0 : i32
      %cond3A_64 = arith.cmpi ne, %convert_element_type3A_62, %cond3A_63 : i32
      scf.if %cond3A_64 {
        %mul3A_65 = arith.constant 128 : i32
        %mul3A_66 = arith.muli %add3A_60, %mul3A_65 : i32
        "tpu.region"() ({
          %run_scoped3A = tpu.sem_alloc : memref<!tpu.dma_semaphore, #tpu.memory_space<semaphore_mem>>
          %dma_start3A = arith.constant 0 : i32
          %dma_start3A_68 = tpu.memref_slice %arg9[%mul3A_66, %dma_start3A] : memref<12544x128xf32, #tpu.memory_space<vmem_shared>> -> memref<128x128xf32, #tpu.memory_space<vmem_shared>>
          %dma_start3A_69 = arith.constant 0 : i32
          %dma_start3A_70 = tpu.memref_slice %arg9[%mul3A_66, %dma_start3A_69] : memref<12544x128xf32, #tpu.memory_space<vmem_shared>> -> memref<128x128xf32, #tpu.memory_space<vmem_shared>>
          tpu.enqueue_dma source(%dma_start3A_70 : memref<128x128xf32, #tpu.memory_space<vmem_shared>>) target(%arg8 : memref<128x128xf32, #tpu.memory_space<vmem>>) target_semaphore(%run_scoped3A : memref<!tpu.dma_semaphore, #tpu.memory_space<semaphore_mem>>)
          %dma_wait3A = arith.constant 0 : i32
          %dma_wait3A_71 = tpu.memref_slice %arg9[%mul3A_66, %dma_wait3A] : memref<12544x128xf32, #tpu.memory_space<vmem_shared>> -> memref<128x128xf32, #tpu.memory_space<vmem_shared>>
          %dma_wait3A_72 = arith.constant 0 : i32
          %dma_wait3A_73 = tpu.memref_slice %arg9[%mul3A_66, %dma_wait3A_72] : memref<12544x128xf32, #tpu.memory_space<vmem_shared>> -> memref<128x128xf32, #tpu.memory_space<vmem_shared>>
          tpu.wait_dma2 semaphore(%run_scoped3A : memref<!tpu.dma_semaphore, #tpu.memory_space<semaphore_mem>>) src(%dma_wait3A_73 : memref<128x128xf32, #tpu.memory_space<vmem_shared>>) dst(%arg8 : memref<128x128xf32, #tpu.memory_space<vmem>>)
          tpu.yield
        }) : () -> ()
        %add3A_67 = arith.addi %mul3A_30, %mul3A_66 : i32
        "tpu.region"() ({
          %run_scoped3A = tpu.sem_alloc : memref<!tpu.dma_semaphore, #tpu.memory_space<semaphore_mem>>
          %dma_start3A = arith.constant 0 : i32
          %dma_start3A_68 = tpu.memref_slice %arg5[%add3A_67, %dma_start3A] : memref<50048x128xf32, #tpu.memory_space<hbm>> -> memref<128x128xf32, #tpu.memory_space<hbm>>
          %dma_start3A_69 = arith.constant 0 : i32
          %dma_start3A_70 = tpu.memref_slice %arg5[%add3A_67, %dma_start3A_69] : memref<50048x128xf32, #tpu.memory_space<hbm>> -> memref<128x128xf32, #tpu.memory_space<hbm>>
          tpu.enqueue_dma source(%arg8 : memref<128x128xf32, #tpu.memory_space<vmem>>) target(%dma_start3A_70 : memref<128x128xf32, #tpu.memory_space<hbm>>) target_semaphore(%run_scoped3A : memref<!tpu.dma_semaphore, #tpu.memory_space<semaphore_mem>>)
          %dma_wait3A = arith.constant 0 : i32
          %dma_wait3A_71 = tpu.memref_slice %arg5[%add3A_67, %dma_wait3A] : memref<50048x128xf32, #tpu.memory_space<hbm>> -> memref<128x128xf32, #tpu.memory_space<hbm>>
          %dma_wait3A_72 = arith.constant 0 : i32
          %dma_wait3A_73 = tpu.memref_slice %arg5[%add3A_67, %dma_wait3A_72] : memref<50048x128xf32, #tpu.memory_space<hbm>> -> memref<128x128xf32, #tpu.memory_space<hbm>>
          tpu.wait_dma2 semaphore(%run_scoped3A : memref<!tpu.dma_semaphore, #tpu.memory_space<semaphore_mem>>) src(%arg8 : memref<128x128xf32, #tpu.memory_space<vmem>>) dst(%dma_wait3A_73 : memref<128x128xf32, #tpu.memory_space<hbm>>)
          tpu.yield
        }) : () -> ()
      } else {
      }
    }
    %scan3A_50 = arith.constant 7 : i32
    %eq3A_51 = arith.constant 0 : i32
    %eq3A_52 = arith.cmpi eq, %arg1, %eq3A_51 : i32
    %convert_element_type3A_53 = arith.extui %eq3A_52 : i1 to i32
    %cond3A_54 = arith.constant 0 : i32
    %cond3A_55 = arith.cmpi ne, %convert_element_type3A_53, %cond3A_54 : i32
    scf.if %cond3A_55 {
      "tpu.region"() ({
        %run_scoped3A = tpu.sem_alloc : memref<!tpu.dma_semaphore, #tpu.memory_space<semaphore_mem>>
        %dma_start3A = arith.constant 0 : i32
        %dma_start3A_59 = arith.constant 0 : i32
        %dma_start3A_60 = tpu.memref_slice %arg8[%dma_start3A, %dma_start3A_59] : memref<128x128xf32, #tpu.memory_space<vmem>> -> memref<96x128xf32, #tpu.memory_space<vmem>>
        %dma_start3A_61 = arith.constant 12416 : i32
        %dma_start3A_62 = arith.constant 0 : i32
        %dma_start3A_63 = tpu.memref_slice %arg9[%dma_start3A_61, %dma_start3A_62] : memref<12544x128xf32, #tpu.memory_space<vmem_shared>> -> memref<96x128xf32, #tpu.memory_space<vmem_shared>>
        %dma_start3A_64 = arith.constant 0 : i32
        %dma_start3A_65 = arith.constant 0 : i32
        %dma_start3A_66 = tpu.memref_slice %arg8[%dma_start3A_64, %dma_start3A_65] : memref<128x128xf32, #tpu.memory_space<vmem>> -> memref<96x128xf32, #tpu.memory_space<vmem>>
        %dma_start3A_67 = arith.constant 12416 : i32
        %dma_start3A_68 = arith.constant 0 : i32
        %dma_start3A_69 = tpu.memref_slice %arg9[%dma_start3A_67, %dma_start3A_68] : memref<12544x128xf32, #tpu.memory_space<vmem_shared>> -> memref<96x128xf32, #tpu.memory_space<vmem_shared>>
        tpu.enqueue_dma source(%dma_start3A_69 : memref<96x128xf32, #tpu.memory_space<vmem_shared>>) target(%dma_start3A_66 : memref<96x128xf32, #tpu.memory_space<vmem>>) target_semaphore(%run_scoped3A : memref<!tpu.dma_semaphore, #tpu.memory_space<semaphore_mem>>)
        %dma_wait3A = arith.constant 0 : i32
        %dma_wait3A_70 = arith.constant 0 : i32
        %dma_wait3A_71 = tpu.memref_slice %arg8[%dma_wait3A, %dma_wait3A_70] : memref<128x128xf32, #tpu.memory_space<vmem>> -> memref<96x128xf32, #tpu.memory_space<vmem>>
        %dma_wait3A_72 = arith.constant 12416 : i32
        %dma_wait3A_73 = arith.constant 0 : i32
        %dma_wait3A_74 = tpu.memref_slice %arg9[%dma_wait3A_72, %dma_wait3A_73] : memref<12544x128xf32, #tpu.memory_space<vmem_shared>> -> memref<96x128xf32, #tpu.memory_space<vmem_shared>>
        %dma_wait3A_75 = arith.constant 0 : i32
        %dma_wait3A_76 = arith.constant 0 : i32
        %dma_wait3A_77 = tpu.memref_slice %arg8[%dma_wait3A_75, %dma_wait3A_76] : memref<128x128xf32, #tpu.memory_space<vmem>> -> memref<96x128xf32, #tpu.memory_space<vmem>>
        %dma_wait3A_78 = arith.constant 12416 : i32
        %dma_wait3A_79 = arith.constant 0 : i32
        %dma_wait3A_80 = tpu.memref_slice %arg9[%dma_wait3A_78, %dma_wait3A_79] : memref<12544x128xf32, #tpu.memory_space<vmem_shared>> -> memref<96x128xf32, #tpu.memory_space<vmem_shared>>
        tpu.wait_dma2 semaphore(%run_scoped3A : memref<!tpu.dma_semaphore, #tpu.memory_space<semaphore_mem>>) src(%dma_wait3A_80 : memref<96x128xf32, #tpu.memory_space<vmem_shared>>) dst(%dma_wait3A_77 : memref<96x128xf32, #tpu.memory_space<vmem>>)
        tpu.yield
      }) : () -> ()
      %add3A_57 = arith.constant 12416 : i32
      %add3A_58 = arith.addi %mul3A_30, %add3A_57 : i32
      "tpu.region"() ({
        %run_scoped3A = tpu.sem_alloc : memref<!tpu.dma_semaphore, #tpu.memory_space<semaphore_mem>>
        %dma_start3A = arith.constant 0 : i32
        %dma_start3A_59 = arith.constant 0 : i32
        %dma_start3A_60 = tpu.memref_slice %arg8[%dma_start3A, %dma_start3A_59] : memref<128x128xf32, #tpu.memory_space<vmem>> -> memref<96x128xf32, #tpu.memory_space<vmem>>
        %dma_start3A_61 = arith.constant 0 : i32
        %dma_start3A_62 = tpu.memref_slice %arg5[%add3A_58, %dma_start3A_61] : memref<50048x128xf32, #tpu.memory_space<hbm>> -> memref<96x128xf32, #tpu.memory_space<hbm>>
        %dma_start3A_63 = arith.constant 0 : i32
        %dma_start3A_64 = tpu.memref_slice %arg5[%add3A_58, %dma_start3A_63] : memref<50048x128xf32, #tpu.memory_space<hbm>> -> memref<96x128xf32, #tpu.memory_space<hbm>>
        %dma_start3A_65 = arith.constant 0 : i32
        %dma_start3A_66 = arith.constant 0 : i32
        %dma_start3A_67 = tpu.memref_slice %arg8[%dma_start3A_65, %dma_start3A_66] : memref<128x128xf32, #tpu.memory_space<vmem>> -> memref<96x128xf32, #tpu.memory_space<vmem>>
        tpu.enqueue_dma source(%dma_start3A_67 : memref<96x128xf32, #tpu.memory_space<vmem>>) target(%dma_start3A_64 : memref<96x128xf32, #tpu.memory_space<hbm>>) target_semaphore(%run_scoped3A : memref<!tpu.dma_semaphore, #tpu.memory_space<semaphore_mem>>)
        %dma_wait3A = arith.constant 0 : i32
        %dma_wait3A_68 = arith.constant 0 : i32
        %dma_wait3A_69 = tpu.memref_slice %arg8[%dma_wait3A, %dma_wait3A_68] : memref<128x128xf32, #tpu.memory_space<vmem>> -> memref<96x128xf32, #tpu.memory_space<vmem>>
        %dma_wait3A_70 = arith.constant 0 : i32
        %dma_wait3A_71 = tpu.memref_slice %arg5[%add3A_58, %dma_wait3A_70] : memref<50048x128xf32, #tpu.memory_space<hbm>> -> memref<96x128xf32, #tpu.memory_space<hbm>>
        %dma_wait3A_72 = arith.constant 0 : i32
        %dma_wait3A_73 = tpu.memref_slice %arg5[%add3A_58, %dma_wait3A_72] : memref<50048x128xf32, #tpu.memory_space<hbm>> -> memref<96x128xf32, #tpu.memory_space<hbm>>
        %dma_wait3A_74 = arith.constant 0 : i32
        %dma_wait3A_75 = arith.constant 0 : i32
        %dma_wait3A_76 = tpu.memref_slice %arg8[%dma_wait3A_74, %dma_wait3A_75] : memref<128x128xf32, #tpu.memory_space<vmem>> -> memref<96x128xf32, #tpu.memory_space<vmem>>
        tpu.wait_dma2 semaphore(%run_scoped3A : memref<!tpu.dma_semaphore, #tpu.memory_space<semaphore_mem>>) src(%dma_wait3A_76 : memref<96x128xf32, #tpu.memory_space<vmem>>) dst(%dma_wait3A_73 : memref<96x128xf32, #tpu.memory_space<hbm>>)
        tpu.yield
      }) : () -> ()
    } else {
    }
    %barrier3A_56 = arith.constant 0 : index
    tpu.barrier barrier_id(%barrier3A_56)
    return
  }
}

module attributes {stable_mosaic.version = 14 : i64} {
  func.func @_edge_body(%arg0: i32, %arg1: memref<4000x128xf32, #tpu.memory_space<vmem>>, %arg2: memref<4000x128xf32, #tpu.memory_space<vmem>>, %arg3: memref<64x8xf32, #tpu.memory_space<vmem>>, %arg4: memref<8x128xf32, #tpu.memory_space<vmem>>, %arg5: memref<4000x128xf32, #tpu.memory_space<vmem>>) attributes {dimension_semantics = [#tpu.dimension_semantics<arbitrary>], iteration_bounds = array<i64: 200>, scalar_prefetch = 0 : i64, scratch_operands = 0 : i64, tpu.core_type = #tpu.core_type<tc>, window_params = [{transform_indices = @transform_0, window_bounds = array<i64: 4000, 128>}, {transform_indices = @transform_1, window_bounds = array<i64: 4000, 128>}, {pipeline_mode = #tpu.pipeline_mode<synchronous>, transform_indices = @transform_2, window_bounds = array<i64: 64, 8>}, {pipeline_mode = #tpu.pipeline_mode<synchronous>, transform_indices = @transform_3, window_bounds = array<i64: 8, 128>}, {transform_indices = @transform_4, window_bounds = array<i64: 4000, 128>}]} {
    %get3A = arith.constant 0 : index
    %get3A_0 = arith.constant 0 : index
    %get3A_1 = vector.load %arg1[%get3A, %get3A_0] : memref<4000x128xf32, #tpu.memory_space<vmem>>, vector<4000x64xf32>
    %get3A_2 = arith.constant 0 : index
    %get3A_3 = arith.constant 0 : index
    %get3A_4 = vector.load %arg2[%get3A_2, %get3A_3] : memref<4000x128xf32, #tpu.memory_space<vmem>>, vector<4000x64xf32>
    %mul3A = arith.mulf %get3A_1, %get3A_4 : vector<4000x64xf32>
    %get3A_5 = arith.constant 0 : index
    %get3A_6 = arith.constant 0 : index
    %get3A_7 = vector.load %arg3[%get3A_5, %get3A_6] : memref<64x8xf32, #tpu.memory_space<vmem>>, vector<64x8xf32>
    %dot_general3A = arith.constant dense<0.000000e+00> : vector<4000x8xf32>
    %dot_general3A_8 = tpu.matmul %mul3A, %get3A_7, %dot_general3A {dimension_numbers = #tpu.dot_dimension_numbers<[1], [0], [0], [1], [0, 0, 1, 1], [], []>, transpose_lhs_hint = false} : vector<4000x64xf32>, vector<64x8xf32>, vector<4000x8xf32> -> vector<4000x8xf32>
    %min3A = arith.constant 7.500000e+01 : f32
    %min3A_9 = vector.broadcast %min3A : f32 to vector<4000x8xf32>
    %min3A_10 = arith.minimumf %dot_general3A_8, %min3A_9 : vector<4000x8xf32>
    %exp3A = math.exp %min3A_10 : vector<4000x8xf32>
    %get3A_11 = arith.constant 0 : index
    %get3A_12 = arith.constant 64 : index
    %get3A_13 = vector.load %arg2[%get3A_11, %get3A_12] : memref<4000x128xf32, #tpu.memory_space<vmem>>, vector<4000x64xf32>
    %broadcast_in_dim3A = arith.constant 1.000000e+00 : f32
    %broadcast_in_dim3A_14 = vector.broadcast %broadcast_in_dim3A : f32 to vector<4000x64xf32>
    %concatenate3A = tpu.concatenate %get3A_13, %broadcast_in_dim3A_14 in 1 : vector<4000x64xf32>, vector<4000x64xf32> -> vector<4000x128xf32>
    %get3A_15 = arith.constant 0 : index
    %get3A_16 = arith.constant 0 : index
    %get3A_17 = vector.load %arg4[%get3A_15, %get3A_16] : memref<8x128xf32, #tpu.memory_space<vmem>>, vector<8x128xf32>
    %dot_general3A_18 = arith.constant dense<0.000000e+00> : vector<4000x128xf32>
    %dot_general3A_19 = tpu.matmul %exp3A, %get3A_17, %dot_general3A_18 {dimension_numbers = #tpu.dot_dimension_numbers<[1], [0], [0], [1], [0, 0, 1, 1], [], []>, transpose_lhs_hint = false} : vector<4000x8xf32>, vector<8x128xf32>, vector<4000x128xf32> -> vector<4000x128xf32>
    %mul3A_20 = arith.mulf %dot_general3A_19, %concatenate3A : vector<4000x128xf32>
    %swap3A = arith.constant 0 : index
    %swap3A_21 = arith.constant 0 : index
    %swap3A_22 = vector.load %arg5[%swap3A, %swap3A_21] : memref<4000x128xf32, #tpu.memory_space<vmem>>, vector<4000x128xf32>
    tpu.vector_store %arg5[%swap3A, %swap3A_21], %mul3A_20 {strides = array<i32>} : memref<4000x128xf32, #tpu.memory_space<vmem>>, vector<4000x128xf32>,
    return
  }
  func.func @transform_0(%arg0: i32) -> (i32, i32) {
    %c0_i32 = arith.constant 0 : i32
    %c0_i32_0 = arith.constant 0 : i32
    return %arg0, %c0_i32 : i32, i32
  }
  func.func @transform_1(%arg0: i32) -> (i32, i32) {
    %c0_i32 = arith.constant 0 : i32
    %c0_i32_0 = arith.constant 0 : i32
    return %arg0, %c0_i32 : i32, i32
  }
  func.func @transform_2(%arg0: i32) -> (i32, i32) {
    %c0_i32 = arith.constant 0 : i32
    %c0_i32_0 = arith.constant 0 : i32
    %c0_i32_1 = arith.constant 0 : i32
    return %c0_i32, %c0_i32_0 : i32, i32
  }
  func.func @transform_3(%arg0: i32) -> (i32, i32) {
    %c0_i32 = arith.constant 0 : i32
    %c0_i32_0 = arith.constant 0 : i32
    %c0_i32_1 = arith.constant 0 : i32
    return %c0_i32, %c0_i32_0 : i32, i32
  }
  func.func @transform_4(%arg0: i32) -> (i32, i32) {
    %c0_i32 = arith.constant 0 : i32
    %c0_i32_0 = arith.constant 0 : i32
    return %arg0, %c0_i32 : i32, i32
  }
}

module attributes {stable_mosaic.version = 14 : i64} {
  func.func @_encode_body(%arg0: i32, %arg1: memref<2000x128xf32, #tpu.memory_space<vmem>>, %arg2: memref<128x256xf32, #tpu.memory_space<vmem>>, %arg3: memref<1x256xf32, #tpu.memory_space<vmem>>, %arg4: memref<256x64xf32, #tpu.memory_space<vmem>>, %arg5: memref<1x64xf32, #tpu.memory_space<vmem>>, %arg6: memref<64x128xf32, #tpu.memory_space<vmem>>, %arg7: memref<1x128xf32, #tpu.memory_space<vmem>>, %arg8: memref<64x128xf32, #tpu.memory_space<vmem>>, %arg9: memref<1x128xf32, #tpu.memory_space<vmem>>, %arg10: memref<2000x64xf32, #tpu.memory_space<vmem>>, %arg11: memref<2000x128xf32, #tpu.memory_space<vmem>>, %arg12: memref<2000x128xf32, #tpu.memory_space<vmem>>) attributes {dimension_semantics = [#tpu.dimension_semantics<arbitrary>], iteration_bounds = array<i64: 25>, scalar_prefetch = 0 : i64, scratch_operands = 0 : i64, tpu.core_type = #tpu.core_type<tc>, window_params = [{transform_indices = @transform_0, window_bounds = array<i64: 2000, 128>}, {pipeline_mode = #tpu.pipeline_mode<synchronous>, transform_indices = @transform_1, window_bounds = array<i64: 128, 256>}, {pipeline_mode = #tpu.pipeline_mode<synchronous>, transform_indices = @transform_2, window_bounds = array<i64: 1, 256>}, {pipeline_mode = #tpu.pipeline_mode<synchronous>, transform_indices = @transform_3, window_bounds = array<i64: 256, 64>}, {pipeline_mode = #tpu.pipeline_mode<synchronous>, transform_indices = @transform_4, window_bounds = array<i64: 1, 64>}, {pipeline_mode = #tpu.pipeline_mode<synchronous>, transform_indices = @transform_5, window_bounds = array<i64: 64, 128>}, {pipeline_mode = #tpu.pipeline_mode<synchronous>, transform_indices = @transform_6, window_bounds = array<i64: 1, 128>}, {pipeline_mode = #tpu.pipeline_mode<synchronous>, transform_indices = @transform_7, window_bounds = array<i64: 64, 128>}, {pipeline_mode = #tpu.pipeline_mode<synchronous>, transform_indices = @transform_8, window_bounds = array<i64: 1, 128>}, {transform_indices = @transform_9, window_bounds = array<i64: 2000, 64>}, {transform_indices = @transform_10, window_bounds = array<i64: 2000, 128>}, {transform_indices = @transform_11, window_bounds = array<i64: 2000, 128>}]} {
    %get3A = arith.constant 0 : index
    %get3A_0 = arith.constant 0 : index
    %get3A_1 = vector.load %arg1[%get3A, %get3A_0] : memref<2000x128xf32, #tpu.memory_space<vmem>>, vector<2000x128xf32>
    %get3A_2 = arith.constant 0 : index
    %get3A_3 = arith.constant 0 : index
    %get3A_4 = vector.load %arg2[%get3A_2, %get3A_3] : memref<128x256xf32, #tpu.memory_space<vmem>>, vector<128x256xf32>
    %dot_general3A = arith.constant dense<0.000000e+00> : vector<2000x256xf32>
    %dot_general3A_5 = tpu.matmul %get3A_1, %get3A_4, %dot_general3A {dimension_numbers = #tpu.dot_dimension_numbers<[1], [0], [0], [1], [0, 0, 1, 1], [], []>, transpose_lhs_hint = false} : vector<2000x128xf32>, vector<128x256xf32>, vector<2000x256xf32> -> vector<2000x256xf32>
    %get3A_6 = arith.constant 0 : index
    %get3A_7 = arith.constant 0 : index
    %get3A_8 = vector.load %arg3[%get3A_6, %get3A_7] : memref<1x256xf32, #tpu.memory_space<vmem>>, vector<1x256xf32>
    %add3A = vector.broadcast %get3A_8 : vector<1x256xf32> to vector<2000x256xf32>
    %add3A_9 = arith.addf %dot_general3A_5, %add3A : vector<2000x256xf32>
    %max3A = arith.constant 0.000000e+00 : f32
    %max3A_10 = vector.broadcast %max3A : f32 to vector<2000x256xf32>
    %max3A_11 = arith.maximumf %add3A_9, %max3A_10 : vector<2000x256xf32>
    %get3A_12 = arith.constant 0 : index
    %get3A_13 = arith.constant 0 : index
    %get3A_14 = vector.load %arg4[%get3A_12, %get3A_13] : memref<256x64xf32, #tpu.memory_space<vmem>>, vector<256x64xf32>
    %dot_general3A_15 = arith.constant dense<0.000000e+00> : vector<2000x64xf32>
    %dot_general3A_16 = tpu.matmul %max3A_11, %get3A_14, %dot_general3A_15 {dimension_numbers = #tpu.dot_dimension_numbers<[1], [0], [0], [1], [0, 0, 1, 1], [], []>, transpose_lhs_hint = false} : vector<2000x256xf32>, vector<256x64xf32>, vector<2000x64xf32> -> vector<2000x64xf32>
    %get3A_17 = arith.constant 0 : index
    %get3A_18 = arith.constant 0 : index
    %get3A_19 = vector.load %arg5[%get3A_17, %get3A_18] : memref<1x64xf32, #tpu.memory_space<vmem>>, vector<1x64xf32>
    %add3A_20 = vector.broadcast %get3A_19 : vector<1x64xf32> to vector<2000x64xf32>
    %add3A_21 = arith.addf %dot_general3A_16, %add3A_20 : vector<2000x64xf32>
    %tanh3A = math.tanh %add3A_21 : vector<2000x64xf32>
    %swap3A = arith.constant 0 : index
    %swap3A_22 = arith.constant 0 : index
    %swap3A_23 = vector.load %arg10[%swap3A, %swap3A_22] : memref<2000x64xf32, #tpu.memory_space<vmem>>, vector<2000x64xf32>
    tpu.vector_store %arg10[%swap3A, %swap3A_22], %tanh3A {strides = array<i32>} : memref<2000x64xf32, #tpu.memory_space<vmem>>, vector<2000x64xf32>,
    %get3A_24 = arith.constant 0 : index
    %get3A_25 = arith.constant 0 : index
    %get3A_26 = vector.load %arg6[%get3A_24, %get3A_25] : memref<64x128xf32, #tpu.memory_space<vmem>>, vector<64x128xf32>
    %dot_general3A_27 = arith.constant dense<0.000000e+00> : vector<2000x128xf32>
    %dot_general3A_28 = tpu.matmul %tanh3A, %get3A_26, %dot_general3A_27 {dimension_numbers = #tpu.dot_dimension_numbers<[1], [0], [0], [1], [0, 0, 1, 1], [], []>, transpose_lhs_hint = false} : vector<2000x64xf32>, vector<64x128xf32>, vector<2000x128xf32> -> vector<2000x128xf32>
    %get3A_29 = arith.constant 0 : index
    %get3A_30 = arith.constant 0 : index
    %get3A_31 = vector.load %arg7[%get3A_29, %get3A_30] : memref<1x128xf32, #tpu.memory_space<vmem>>, vector<1x128xf32>
    %add3A_32 = vector.broadcast %get3A_31 : vector<1x128xf32> to vector<2000x128xf32>
    %add3A_33 = arith.addf %dot_general3A_28, %add3A_32 : vector<2000x128xf32>
    %swap3A_34 = arith.constant 0 : index
    %swap3A_35 = arith.constant 0 : index
    %swap3A_36 = vector.load %arg11[%swap3A_34, %swap3A_35] : memref<2000x128xf32, #tpu.memory_space<vmem>>, vector<2000x128xf32>
    tpu.vector_store %arg11[%swap3A_34, %swap3A_35], %add3A_33 {strides = array<i32>} : memref<2000x128xf32, #tpu.memory_space<vmem>>, vector<2000x128xf32>,
    %get3A_37 = arith.constant 0 : index
    %get3A_38 = arith.constant 0 : index
    %get3A_39 = vector.load %arg8[%get3A_37, %get3A_38] : memref<64x128xf32, #tpu.memory_space<vmem>>, vector<64x128xf32>
    %dot_general3A_40 = arith.constant dense<0.000000e+00> : vector<2000x128xf32>
    %dot_general3A_41 = tpu.matmul %tanh3A, %get3A_39, %dot_general3A_40 {dimension_numbers = #tpu.dot_dimension_numbers<[1], [0], [0], [1], [0, 0, 1, 1], [], []>, transpose_lhs_hint = false} : vector<2000x64xf32>, vector<64x128xf32>, vector<2000x128xf32> -> vector<2000x128xf32>
    %get3A_42 = arith.constant 0 : index
    %get3A_43 = arith.constant 0 : index
    %get3A_44 = vector.load %arg9[%get3A_42, %get3A_43] : memref<1x128xf32, #tpu.memory_space<vmem>>, vector<1x128xf32>
    %add3A_45 = vector.broadcast %get3A_44 : vector<1x128xf32> to vector<2000x128xf32>
    %add3A_46 = arith.addf %dot_general3A_41, %add3A_45 : vector<2000x128xf32>
    %swap3A_47 = arith.constant 0 : index
    %swap3A_48 = arith.constant 0 : index
    %swap3A_49 = vector.load %arg12[%swap3A_47, %swap3A_48] : memref<2000x128xf32, #tpu.memory_space<vmem>>, vector<2000x128xf32>
    tpu.vector_store %arg12[%swap3A_47, %swap3A_48], %add3A_46 {strides = array<i32>} : memref<2000x128xf32, #tpu.memory_space<vmem>>, vector<2000x128xf32>,
    return
  }
  func.func @transform_0(%arg0: i32) -> (i32, i32) {
    %c0_i32 = arith.constant 0 : i32
    %c0_i32_0 = arith.constant 0 : i32
    return %arg0, %c0_i32 : i32, i32
  }
  func.func @transform_1(%arg0: i32) -> (i32, i32) {
    %c0_i32 = arith.constant 0 : i32
    %c0_i32_0 = arith.constant 0 : i32
    %c0_i32_1 = arith.constant 0 : i32
    return %c0_i32, %c0_i32_0 : i32, i32
  }
  func.func @transform_2(%arg0: i32) -> (i32, i32) {
    %c0_i32 = arith.constant 0 : i32
    %c0_i32_0 = arith.constant 0 : i32
    %c0_i32_1 = arith.constant 0 : i32
    return %c0_i32, %c0_i32_0 : i32, i32
  }
  func.func @transform_3(%arg0: i32) -> (i32, i32) {
    %c0_i32 = arith.constant 0 : i32
    %c0_i32_0 = arith.constant 0 : i32
    %c0_i32_1 = arith.constant 0 : i32
    return %c0_i32, %c0_i32_0 : i32, i32
  }
  func.func @transform_4(%arg0: i32) -> (i32, i32) {
    %c0_i32 = arith.constant 0 : i32
    %c0_i32_0 = arith.constant 0 : i32
    %c0_i32_1 = arith.constant 0 : i32
    return %c0_i32, %c0_i32_0 : i32, i32
  }
  func.func @transform_5(%arg0: i32) -> (i32, i32) {
    %c0_i32 = arith.constant 0 : i32
    %c0_i32_0 = arith.constant 0 : i32
    %c0_i32_1 = arith.constant 0 : i32
    return %c0_i32, %c0_i32_0 : i32, i32
  }
  func.func @transform_6(%arg0: i32) -> (i32, i32) {
    %c0_i32 = arith.constant 0 : i32
    %c0_i32_0 = arith.constant 0 : i32
    %c0_i32_1 = arith.constant 0 : i32
    return %c0_i32, %c0_i32_0 : i32, i32
  }
  func.func @transform_7(%arg0: i32) -> (i32, i32) {
    %c0_i32 = arith.constant 0 : i32
    %c0_i32_0 = arith.constant 0 : i32
    %c0_i32_1 = arith.constant 0 : i32
    return %c0_i32, %c0_i32_0 : i32, i32
  }
  func.func @transform_8(%arg0: i32) -> (i32, i32) {
    %c0_i32 = arith.constant 0 : i32
    %c0_i32_0 = arith.constant 0 : i32
    %c0_i32_1 = arith.constant 0 : i32
    return %c0_i32, %c0_i32_0 : i32, i32
  }
  func.func @transform_9(%arg0: i32) -> (i32, i32) {
    %c0_i32 = arith.constant 0 : i32
    %c0_i32_0 = arith.constant 0 : i32
    return %arg0, %c0_i32 : i32, i32
  }
  func.func @transform_10(%arg0: i32) -> (i32, i32) {
    %c0_i32 = arith.constant 0 : i32
    %c0_i32_0 = arith.constant 0 : i32
    return %arg0, %c0_i32 : i32, i32
  }
  func.func @transform_11(%arg0: i32) -> (i32, i32) {
    %c0_i32 = arith.constant 0 : i32
    %c0_i32_0 = arith.constant 0 : i32
    return %arg0, %c0_i32 : i32, i32
  }
}

module attributes {stable_mosaic.version = 14 : i64} {
  func.func @_post_qkv_body(%arg0: i32, %arg1: memref<2000x128xf32, #tpu.memory_space<vmem>>, %arg2: memref<2000x64xf32, #tpu.memory_space<vmem>>, %arg3: memref<8x64xf32, #tpu.memory_space<vmem>>, %arg4: memref<64x64xf32, #tpu.memory_space<vmem>>, %arg5: memref<1x64xf32, #tpu.memory_space<vmem>>, %arg6: memref<1x64xf32, #tpu.memory_space<vmem>>, %arg7: memref<1x64xf32, #tpu.memory_space<vmem>>, %arg8: memref<1x64xf32, #tpu.memory_space<vmem>>, %arg9: memref<64x128xf32, #tpu.memory_space<vmem>>, %arg10: memref<1x128xf32, #tpu.memory_space<vmem>>, %arg11: memref<64x128xf32, #tpu.memory_space<vmem>>, %arg12: memref<1x128xf32, #tpu.memory_space<vmem>>, %arg13: memref<2000x64xf32, #tpu.memory_space<vmem>>, %arg14: memref<2000x128xf32, #tpu.memory_space<vmem>>, %arg15: memref<2000x128xf32, #tpu.memory_space<vmem>>) attributes {dimension_semantics = [#tpu.dimension_semantics<arbitrary>], iteration_bounds = array<i64: 25>, scalar_prefetch = 0 : i64, scratch_operands = 0 : i64, tpu.core_type = #tpu.core_type<tc>, window_params = [{transform_indices = @transform_0, window_bounds = array<i64: 2000, 128>}, {transform_indices = @transform_1, window_bounds = array<i64: 2000, 64>}, {pipeline_mode = #tpu.pipeline_mode<synchronous>, transform_indices = @transform_2, window_bounds = array<i64: 8, 64>}, {pipeline_mode = #tpu.pipeline_mode<synchronous>, transform_indices = @transform_3, window_bounds = array<i64: 64, 64>}, {pipeline_mode = #tpu.pipeline_mode<synchronous>, transform_indices = @transform_4, window_bounds = array<i64: 1, 64>}, {pipeline_mode = #tpu.pipeline_mode<synchronous>, transform_indices = @transform_5, window_bounds = array<i64: 1, 64>}, {pipeline_mode = #tpu.pipeline_mode<synchronous>, transform_indices = @transform_6, window_bounds = array<i64: 1, 64>}, {pipeline_mode = #tpu.pipeline_mode<synchronous>, transform_indices = @transform_7, window_bounds = array<i64: 1, 64>}, {pipeline_mode = #tpu.pipeline_mode<synchronous>, transform_indices = @transform_8, window_bounds = array<i64: 64, 128>}, {pipeline_mode = #tpu.pipeline_mode<synchronous>, transform_indices = @transform_9, window_bounds = array<i64: 1, 128>}, {pipeline_mode = #tpu.pipeline_mode<synchronous>, transform_indices = @transform_10, window_bounds = array<i64: 64, 128>}, {pipeline_mode = #tpu.pipeline_mode<synchronous>, transform_indices = @transform_11, window_bounds = array<i64: 1, 128>}, {transform_indices = @transform_12, window_bounds = array<i64: 2000, 64>}, {transform_indices = @transform_13, window_bounds = array<i64: 2000, 128>}, {transform_indices = @transform_14, window_bounds = array<i64: 2000, 128>}]} {
    %get3A = arith.constant 0 : index
    %get3A_0 = arith.constant 64 : index
    %get3A_1 = vector.load %arg1[%get3A, %get3A_0] : memref<2000x128xf32, #tpu.memory_space<vmem>>, vector<2000x4xf32>
    %add3A = arith.constant 1.000000e-16 : f32
    %add3A_2 = vector.broadcast %add3A : f32 to vector<2000x4xf32>
    %add3A_3 = arith.addf %get3A_1, %add3A_2 : vector<2000x4xf32>
    %div3A = arith.constant 1.000000e+00 : f32
    %div3A_4 = vector.broadcast %div3A : f32 to vector<2000x4xf32>
    %div3A_5 = arith.divf %div3A_4, %add3A_3 : vector<2000x4xf32>
    %broadcast_in_dim3A = arith.constant 0.000000e+00 : f32
    %broadcast_in_dim3A_6 = vector.broadcast %broadcast_in_dim3A : f32 to vector<2000x4xf32>
    %concatenate3A = tpu.concatenate %div3A_5, %broadcast_in_dim3A_6 in 1 : vector<2000x4xf32>, vector<2000x4xf32> -> vector<2000x8xf32>
    %get3A_7 = arith.constant 0 : index
    %get3A_8 = arith.constant 0 : index
    %get3A_9 = vector.load %arg1[%get3A_7, %get3A_8] : memref<2000x128xf32, #tpu.memory_space<vmem>>, vector<2000x64xf32>
    %get3A_10 = arith.constant 0 : index
    %get3A_11 = arith.constant 0 : index
    %get3A_12 = vector.load %arg3[%get3A_10, %get3A_11] : memref<8x64xf32, #tpu.memory_space<vmem>>, vector<8x64xf32>
    %dot_general3A = arith.constant dense<0.000000e+00> : vector<2000x64xf32>
    %dot_general3A_13 = tpu.matmul %concatenate3A, %get3A_12, %dot_general3A {dimension_numbers = #tpu.dot_dimension_numbers<[1], [0], [0], [1], [0, 0, 1, 1], [], []>, transpose_lhs_hint = false} : vector<2000x8xf32>, vector<8x64xf32>, vector<2000x64xf32> -> vector<2000x64xf32>
    %mul3A = arith.mulf %get3A_9, %dot_general3A_13 : vector<2000x64xf32>
    %integer_pow3A = arith.mulf %mul3A, %mul3A : vector<2000x64xf32>
    %integer_pow3A_14 = arith.mulf %mul3A, %integer_pow3A : vector<2000x64xf32>
    %mul3A_15 = arith.constant 4.471500e-02 : f32
    %mul3A_16 = vector.broadcast %mul3A_15 : f32 to vector<2000x64xf32>
    %mul3A_17 = arith.mulf %mul3A_16, %integer_pow3A_14 : vector<2000x64xf32>
    %add3A_18 = arith.addf %mul3A, %mul3A_17 : vector<2000x64xf32>
    %mul3A_19 = arith.constant 0.797884583 : f32
    %mul3A_20 = vector.broadcast %mul3A_19 : f32 to vector<2000x64xf32>
    %mul3A_21 = arith.mulf %mul3A_20, %add3A_18 : vector<2000x64xf32>
    %tanh3A = math.tanh %mul3A_21 : vector<2000x64xf32>
    %add3A_22 = arith.constant 1.000000e+00 : f32
    %add3A_23 = vector.broadcast %add3A_22 : f32 to vector<2000x64xf32>
    %add3A_24 = arith.addf %add3A_23, %tanh3A : vector<2000x64xf32>
    %mul3A_25 = arith.constant 5.000000e-01 : f32
    %mul3A_26 = vector.broadcast %mul3A_25 : f32 to vector<2000x64xf32>
    %mul3A_27 = arith.mulf %mul3A_26, %add3A_24 : vector<2000x64xf32>
    %mul3A_28 = arith.mulf %mul3A, %mul3A_27 : vector<2000x64xf32>
    %get3A_29 = arith.constant 0 : index
    %get3A_30 = arith.constant 0 : index
    %get3A_31 = vector.load %arg4[%get3A_29, %get3A_30] : memref<64x64xf32, #tpu.memory_space<vmem>>, vector<64x64xf32>
    %dot_general3A_32 = arith.constant dense<0.000000e+00> : vector<2000x64xf32>
    %dot_general3A_33 = tpu.matmul %mul3A_28, %get3A_31, %dot_general3A_32 {dimension_numbers = #tpu.dot_dimension_numbers<[1], [0], [0], [1], [0, 0, 1, 1], [], []>, transpose_lhs_hint = false} : vector<2000x64xf32>, vector<64x64xf32>, vector<2000x64xf32> -> vector<2000x64xf32>
    %get3A_34 = arith.constant 0 : index
    %get3A_35 = arith.constant 0 : index
    %get3A_36 = vector.load %arg5[%get3A_34, %get3A_35] : memref<1x64xf32, #tpu.memory_space<vmem>>, vector<1x64xf32>
    %add3A_37 = vector.broadcast %get3A_36 : vector<1x64xf32> to vector<2000x64xf32>
    %add3A_38 = arith.addf %dot_general3A_33, %add3A_37 : vector<2000x64xf32>
    %get3A_39 = arith.constant 0 : index
    %get3A_40 = arith.constant 0 : index
    %get3A_41 = vector.load %arg2[%get3A_39, %get3A_40] : memref<2000x64xf32, #tpu.memory_space<vmem>>, vector<2000x64xf32>
    %get3A_42 = arith.constant 0 : index
    %get3A_43 = arith.constant 0 : index
    %get3A_44 = vector.load %arg6[%get3A_42, %get3A_43] : memref<1x64xf32, #tpu.memory_space<vmem>>, vector<1x64xf32>
    %mul3A_45 = vector.broadcast %get3A_44 : vector<1x64xf32> to vector<2000x64xf32>
    %mul3A_46 = arith.mulf %get3A_41, %mul3A_45 : vector<2000x64xf32>
    %add3A_47 = arith.addf %add3A_38, %mul3A_46 : vector<2000x64xf32>
    %reduce_sum3A = arith.constant dense<0.000000e+00> : vector<2000xf32>
    %reduce_sum3A_48 = vector.multi_reduction <add>, %add3A_47, %reduce_sum3A [1] : vector<2000x64xf32> to vector<2000xf32>
    %broadcast_in_dim3A_49 = vector.shape_cast %reduce_sum3A_48 : vector<2000xf32> to vector<2000x1xf32>
    %div3A_50 = arith.constant 6.400000e+01 : f32
    %div3A_51 = vector.broadcast %div3A_50 : f32 to vector<2000x1xf32>
    %div3A_52 = arith.divf %broadcast_in_dim3A_49, %div3A_51 : vector<2000x1xf32>
    %sub3A = vector.broadcast %div3A_52 : vector<2000x1xf32> to vector<2000x64xf32>
    %sub3A_53 = arith.subf %add3A_47, %sub3A : vector<2000x64xf32>
    %integer_pow3A_54 = arith.mulf %sub3A_53, %sub3A_53 : vector<2000x64xf32>
    %reduce_sum3A_55 = arith.constant dense<0.000000e+00> : vector<2000xf32>
    %reduce_sum3A_56 = vector.multi_reduction <add>, %integer_pow3A_54, %reduce_sum3A_55 [1] : vector<2000x64xf32> to vector<2000xf32>
    %broadcast_in_dim3A_57 = vector.shape_cast %reduce_sum3A_56 : vector<2000xf32> to vector<2000x1xf32>
    %div3A_58 = arith.constant 6.400000e+01 : f32
    %div3A_59 = vector.broadcast %div3A_58 : f32 to vector<2000x1xf32>
    %div3A_60 = arith.divf %broadcast_in_dim3A_57, %div3A_59 : vector<2000x1xf32>
    %sub3A_61 = vector.broadcast %div3A_52 : vector<2000x1xf32> to vector<2000x64xf32>
    %sub3A_62 = arith.subf %add3A_47, %sub3A_61 : vector<2000x64xf32>
    %add3A_63 = arith.constant 9.99999974E-6 : f32
    %add3A_64 = vector.broadcast %add3A_63 : f32 to vector<2000x1xf32>
    %add3A_65 = arith.addf %div3A_60, %add3A_64 : vector<2000x1xf32>
    %sqrt3A = math.sqrt %add3A_65 : vector<2000x1xf32>
    %div3A_66 = vector.broadcast %sqrt3A : vector<2000x1xf32> to vector<2000x64xf32>
    %div3A_67 = arith.divf %sub3A_62, %div3A_66 : vector<2000x64xf32>
    %get3A_68 = arith.constant 0 : index
    %get3A_69 = arith.constant 0 : index
    %get3A_70 = vector.load %arg7[%get3A_68, %get3A_69] : memref<1x64xf32, #tpu.memory_space<vmem>>, vector<1x64xf32>
    %mul3A_71 = vector.broadcast %get3A_70 : vector<1x64xf32> to vector<2000x64xf32>
    %mul3A_72 = arith.mulf %div3A_67, %mul3A_71 : vector<2000x64xf32>
    %get3A_73 = arith.constant 0 : index
    %get3A_74 = arith.constant 0 : index
    %get3A_75 = vector.load %arg8[%get3A_73, %get3A_74] : memref<1x64xf32, #tpu.memory_space<vmem>>, vector<1x64xf32>
    %add3A_76 = vector.broadcast %get3A_75 : vector<1x64xf32> to vector<2000x64xf32>
    %add3A_77 = arith.addf %mul3A_72, %add3A_76 : vector<2000x64xf32>
    %swap3A = arith.constant 0 : index
    %swap3A_78 = arith.constant 0 : index
    %swap3A_79 = vector.load %arg13[%swap3A, %swap3A_78] : memref<2000x64xf32, #tpu.memory_space<vmem>>, vector<2000x64xf32>
    tpu.vector_store %arg13[%swap3A, %swap3A_78], %add3A_77 {strides = array<i32>} : memref<2000x64xf32, #tpu.memory_space<vmem>>, vector<2000x64xf32>,
    %get3A_80 = arith.constant 0 : index
    %get3A_81 = arith.constant 0 : index
    %get3A_82 = vector.load %arg9[%get3A_80, %get3A_81] : memref<64x128xf32, #tpu.memory_space<vmem>>, vector<64x128xf32>
    %dot_general3A_83 = arith.constant dense<0.000000e+00> : vector<2000x128xf32>
    %dot_general3A_84 = tpu.matmul %add3A_77, %get3A_82, %dot_general3A_83 {dimension_numbers = #tpu.dot_dimension_numbers<[1], [0], [0], [1], [0, 0, 1, 1], [], []>, transpose_lhs_hint = false} : vector<2000x64xf32>, vector<64x128xf32>, vector<2000x128xf32> -> vector<2000x128xf32>
    %get3A_85 = arith.constant 0 : index
    %get3A_86 = arith.constant 0 : index
    %get3A_87 = vector.load %arg10[%get3A_85, %get3A_86] : memref<1x128xf32, #tpu.memory_space<vmem>>, vector<1x128xf32>
    %add3A_88 = vector.broadcast %get3A_87 : vector<1x128xf32> to vector<2000x128xf32>
    %add3A_89 = arith.addf %dot_general3A_84, %add3A_88 : vector<2000x128xf32>
    %swap3A_90 = arith.constant 0 : index
    %swap3A_91 = arith.constant 0 : index
    %swap3A_92 = vector.load %arg14[%swap3A_90, %swap3A_91] : memref<2000x128xf32, #tpu.memory_space<vmem>>, vector<2000x128xf32>
    tpu.vector_store %arg14[%swap3A_90, %swap3A_91], %add3A_89 {strides = array<i32>} : memref<2000x128xf32, #tpu.memory_space<vmem>>, vector<2000x128xf32>,
    %get3A_93 = arith.constant 0 : index
    %get3A_94 = arith.constant 0 : index
    %get3A_95 = vector.load %arg11[%get3A_93, %get3A_94] : memref<64x128xf32, #tpu.memory_space<vmem>>, vector<64x128xf32>
    %dot_general3A_96 = arith.constant dense<0.000000e+00> : vector<2000x128xf32>
    %dot_general3A_97 = tpu.matmul %add3A_77, %get3A_95, %dot_general3A_96 {dimension_numbers = #tpu.dot_dimension_numbers<[1], [0], [0], [1], [0, 0, 1, 1], [], []>, transpose_lhs_hint = false} : vector<2000x64xf32>, vector<64x128xf32>, vector<2000x128xf32> -> vector<2000x128xf32>
    %get3A_98 = arith.constant 0 : index
    %get3A_99 = arith.constant 0 : index
    %get3A_100 = vector.load %arg12[%get3A_98, %get3A_99] : memref<1x128xf32, #tpu.memory_space<vmem>>, vector<1x128xf32>
    %add3A_101 = vector.broadcast %get3A_100 : vector<1x128xf32> to vector<2000x128xf32>
    %add3A_102 = arith.addf %dot_general3A_97, %add3A_101 : vector<2000x128xf32>
    %swap3A_103 = arith.constant 0 : index
    %swap3A_104 = arith.constant 0 : index
    %swap3A_105 = vector.load %arg15[%swap3A_103, %swap3A_104] : memref<2000x128xf32, #tpu.memory_space<vmem>>, vector<2000x128xf32>
    tpu.vector_store %arg15[%swap3A_103, %swap3A_104], %add3A_102 {strides = array<i32>} : memref<2000x128xf32, #tpu.memory_space<vmem>>, vector<2000x128xf32>,
    return
  }
  func.func @transform_0(%arg0: i32) -> (i32, i32) {
    %c0_i32 = arith.constant 0 : i32
    %c0_i32_0 = arith.constant 0 : i32
    return %arg0, %c0_i32 : i32, i32
  }
  func.func @transform_1(%arg0: i32) -> (i32, i32) {
    %c0_i32 = arith.constant 0 : i32
    %c0_i32_0 = arith.constant 0 : i32
    return %arg0, %c0_i32 : i32, i32
  }
  func.func @transform_2(%arg0: i32) -> (i32, i32) {
    %c0_i32 = arith.constant 0 : i32
    %c0_i32_0 = arith.constant 0 : i32
    %c0_i32_1 = arith.constant 0 : i32
    return %c0_i32, %c0_i32_0 : i32, i32
  }
  func.func @transform_3(%arg0: i32) -> (i32, i32) {
    %c0_i32 = arith.constant 0 : i32
    %c0_i32_0 = arith.constant 0 : i32
    %c0_i32_1 = arith.constant 0 : i32
    return %c0_i32, %c0_i32_0 : i32, i32
  }
  func.func @transform_4(%arg0: i32) -> (i32, i32) {
    %c0_i32 = arith.constant 0 : i32
    %c0_i32_0 = arith.constant 0 : i32
    %c0_i32_1 = arith.constant 0 : i32
    return %c0_i32, %c0_i32_0 : i32, i32
  }
  func.func @transform_5(%arg0: i32) -> (i32, i32) {
    %c0_i32 = arith.constant 0 : i32
    %c0_i32_0 = arith.constant 0 : i32
    %c0_i32_1 = arith.constant 0 : i32
    return %c0_i32, %c0_i32_0 : i32, i32
  }
  func.func @transform_6(%arg0: i32) -> (i32, i32) {
    %c0_i32 = arith.constant 0 : i32
    %c0_i32_0 = arith.constant 0 : i32
    %c0_i32_1 = arith.constant 0 : i32
    return %c0_i32, %c0_i32_0 : i32, i32
  }
  func.func @transform_7(%arg0: i32) -> (i32, i32) {
    %c0_i32 = arith.constant 0 : i32
    %c0_i32_0 = arith.constant 0 : i32
    %c0_i32_1 = arith.constant 0 : i32
    return %c0_i32, %c0_i32_0 : i32, i32
  }
  func.func @transform_8(%arg0: i32) -> (i32, i32) {
    %c0_i32 = arith.constant 0 : i32
    %c0_i32_0 = arith.constant 0 : i32
    %c0_i32_1 = arith.constant 0 : i32
    return %c0_i32, %c0_i32_0 : i32, i32
  }
  func.func @transform_9(%arg0: i32) -> (i32, i32) {
    %c0_i32 = arith.constant 0 : i32
    %c0_i32_0 = arith.constant 0 : i32
    %c0_i32_1 = arith.constant 0 : i32
    return %c0_i32, %c0_i32_0 : i32, i32
  }
  func.func @transform_10(%arg0: i32) -> (i32, i32) {
    %c0_i32 = arith.constant 0 : i32
    %c0_i32_0 = arith.constant 0 : i32
    %c0_i32_1 = arith.constant 0 : i32
    return %c0_i32, %c0_i32_0 : i32, i32
  }
  func.func @transform_11(%arg0: i32) -> (i32, i32) {
    %c0_i32 = arith.constant 0 : i32
    %c0_i32_0 = arith.constant 0 : i32
    %c0_i32_1 = arith.constant 0 : i32
    return %c0_i32, %c0_i32_0 : i32, i32
  }
  func.func @transform_12(%arg0: i32) -> (i32, i32) {
    %c0_i32 = arith.constant 0 : i32
    %c0_i32_0 = arith.constant 0 : i32
    return %arg0, %c0_i32 : i32, i32
  }
  func.func @transform_13(%arg0: i32) -> (i32, i32) {
    %c0_i32 = arith.constant 0 : i32
    %c0_i32_0 = arith.constant 0 : i32
    return %arg0, %c0_i32 : i32, i32
  }
  func.func @transform_14(%arg0: i32) -> (i32, i32) {
    %c0_i32 = arith.constant 0 : i32
    %c0_i32_0 = arith.constant 0 : i32
    return %arg0, %c0_i32 : i32, i32
  }
}

module attributes {stable_mosaic.version = 14 : i64} {
  func.func @_post_body(%arg0: i32, %arg1: memref<2000x128xf32, #tpu.memory_space<vmem>>, %arg2: memref<2000x64xf32, #tpu.memory_space<vmem>>, %arg3: memref<8x64xf32, #tpu.memory_space<vmem>>, %arg4: memref<64x64xf32, #tpu.memory_space<vmem>>, %arg5: memref<1x64xf32, #tpu.memory_space<vmem>>, %arg6: memref<1x64xf32, #tpu.memory_space<vmem>>, %arg7: memref<1x64xf32, #tpu.memory_space<vmem>>, %arg8: memref<1x64xf32, #tpu.memory_space<vmem>>, %arg9: memref<2000x64xf32, #tpu.memory_space<vmem>>) attributes {dimension_semantics = [#tpu.dimension_semantics<arbitrary>], iteration_bounds = array<i64: 25>, scalar_prefetch = 0 : i64, scratch_operands = 0 : i64, tpu.core_type = #tpu.core_type<tc>, window_params = [{transform_indices = @transform_0, window_bounds = array<i64: 2000, 128>}, {transform_indices = @transform_1, window_bounds = array<i64: 2000, 64>}, {pipeline_mode = #tpu.pipeline_mode<synchronous>, transform_indices = @transform_2, window_bounds = array<i64: 8, 64>}, {pipeline_mode = #tpu.pipeline_mode<synchronous>, transform_indices = @transform_3, window_bounds = array<i64: 64, 64>}, {pipeline_mode = #tpu.pipeline_mode<synchronous>, transform_indices = @transform_4, window_bounds = array<i64: 1, 64>}, {pipeline_mode = #tpu.pipeline_mode<synchronous>, transform_indices = @transform_5, window_bounds = array<i64: 1, 64>}, {pipeline_mode = #tpu.pipeline_mode<synchronous>, transform_indices = @transform_6, window_bounds = array<i64: 1, 64>}, {pipeline_mode = #tpu.pipeline_mode<synchronous>, transform_indices = @transform_7, window_bounds = array<i64: 1, 64>}, {transform_indices = @transform_8, window_bounds = array<i64: 2000, 64>}]} {
    %get3A = arith.constant 0 : index
    %get3A_0 = arith.constant 64 : index
    %get3A_1 = vector.load %arg1[%get3A, %get3A_0] : memref<2000x128xf32, #tpu.memory_space<vmem>>, vector<2000x4xf32>
    %add3A = arith.constant 1.000000e-16 : f32
    %add3A_2 = vector.broadcast %add3A : f32 to vector<2000x4xf32>
    %add3A_3 = arith.addf %get3A_1, %add3A_2 : vector<2000x4xf32>
    %div3A = arith.constant 1.000000e+00 : f32
    %div3A_4 = vector.broadcast %div3A : f32 to vector<2000x4xf32>
    %div3A_5 = arith.divf %div3A_4, %add3A_3 : vector<2000x4xf32>
    %broadcast_in_dim3A = arith.constant 0.000000e+00 : f32
    %broadcast_in_dim3A_6 = vector.broadcast %broadcast_in_dim3A : f32 to vector<2000x4xf32>
    %concatenate3A = tpu.concatenate %div3A_5, %broadcast_in_dim3A_6 in 1 : vector<2000x4xf32>, vector<2000x4xf32> -> vector<2000x8xf32>
    %get3A_7 = arith.constant 0 : index
    %get3A_8 = arith.constant 0 : index
    %get3A_9 = vector.load %arg1[%get3A_7, %get3A_8] : memref<2000x128xf32, #tpu.memory_space<vmem>>, vector<2000x64xf32>
    %get3A_10 = arith.constant 0 : index
    %get3A_11 = arith.constant 0 : index
    %get3A_12 = vector.load %arg3[%get3A_10, %get3A_11] : memref<8x64xf32, #tpu.memory_space<vmem>>, vector<8x64xf32>
    %dot_general3A = arith.constant dense<0.000000e+00> : vector<2000x64xf32>
    %dot_general3A_13 = tpu.matmul %concatenate3A, %get3A_12, %dot_general3A {dimension_numbers = #tpu.dot_dimension_numbers<[1], [0], [0], [1], [0, 0, 1, 1], [], []>, transpose_lhs_hint = false} : vector<2000x8xf32>, vector<8x64xf32>, vector<2000x64xf32> -> vector<2000x64xf32>
    %mul3A = arith.mulf %get3A_9, %dot_general3A_13 : vector<2000x64xf32>
    %integer_pow3A = arith.mulf %mul3A, %mul3A : vector<2000x64xf32>
    %integer_pow3A_14 = arith.mulf %mul3A, %integer_pow3A : vector<2000x64xf32>
    %mul3A_15 = arith.constant 4.471500e-02 : f32
    %mul3A_16 = vector.broadcast %mul3A_15 : f32 to vector<2000x64xf32>
    %mul3A_17 = arith.mulf %mul3A_16, %integer_pow3A_14 : vector<2000x64xf32>
    %add3A_18 = arith.addf %mul3A, %mul3A_17 : vector<2000x64xf32>
    %mul3A_19 = arith.constant 0.797884583 : f32
    %mul3A_20 = vector.broadcast %mul3A_19 : f32 to vector<2000x64xf32>
    %mul3A_21 = arith.mulf %mul3A_20, %add3A_18 : vector<2000x64xf32>
    %tanh3A = math.tanh %mul3A_21 : vector<2000x64xf32>
    %add3A_22 = arith.constant 1.000000e+00 : f32
    %add3A_23 = vector.broadcast %add3A_22 : f32 to vector<2000x64xf32>
    %add3A_24 = arith.addf %add3A_23, %tanh3A : vector<2000x64xf32>
    %mul3A_25 = arith.constant 5.000000e-01 : f32
    %mul3A_26 = vector.broadcast %mul3A_25 : f32 to vector<2000x64xf32>
    %mul3A_27 = arith.mulf %mul3A_26, %add3A_24 : vector<2000x64xf32>
    %mul3A_28 = arith.mulf %mul3A, %mul3A_27 : vector<2000x64xf32>
    %get3A_29 = arith.constant 0 : index
    %get3A_30 = arith.constant 0 : index
    %get3A_31 = vector.load %arg4[%get3A_29, %get3A_30] : memref<64x64xf32, #tpu.memory_space<vmem>>, vector<64x64xf32>
    %dot_general3A_32 = arith.constant dense<0.000000e+00> : vector<2000x64xf32>
    %dot_general3A_33 = tpu.matmul %mul3A_28, %get3A_31, %dot_general3A_32 {dimension_numbers = #tpu.dot_dimension_numbers<[1], [0], [0], [1], [0, 0, 1, 1], [], []>, transpose_lhs_hint = false} : vector<2000x64xf32>, vector<64x64xf32>, vector<2000x64xf32> -> vector<2000x64xf32>
    %get3A_34 = arith.constant 0 : index
    %get3A_35 = arith.constant 0 : index
    %get3A_36 = vector.load %arg5[%get3A_34, %get3A_35] : memref<1x64xf32, #tpu.memory_space<vmem>>, vector<1x64xf32>
    %add3A_37 = vector.broadcast %get3A_36 : vector<1x64xf32> to vector<2000x64xf32>
    %add3A_38 = arith.addf %dot_general3A_33, %add3A_37 : vector<2000x64xf32>
    %get3A_39 = arith.constant 0 : index
    %get3A_40 = arith.constant 0 : index
    %get3A_41 = vector.load %arg2[%get3A_39, %get3A_40] : memref<2000x64xf32, #tpu.memory_space<vmem>>, vector<2000x64xf32>
    %get3A_42 = arith.constant 0 : index
    %get3A_43 = arith.constant 0 : index
    %get3A_44 = vector.load %arg6[%get3A_42, %get3A_43] : memref<1x64xf32, #tpu.memory_space<vmem>>, vector<1x64xf32>
    %mul3A_45 = vector.broadcast %get3A_44 : vector<1x64xf32> to vector<2000x64xf32>
    %mul3A_46 = arith.mulf %get3A_41, %mul3A_45 : vector<2000x64xf32>
    %add3A_47 = arith.addf %add3A_38, %mul3A_46 : vector<2000x64xf32>
    %reduce_sum3A = arith.constant dense<0.000000e+00> : vector<2000xf32>
    %reduce_sum3A_48 = vector.multi_reduction <add>, %add3A_47, %reduce_sum3A [1] : vector<2000x64xf32> to vector<2000xf32>
    %broadcast_in_dim3A_49 = vector.shape_cast %reduce_sum3A_48 : vector<2000xf32> to vector<2000x1xf32>
    %div3A_50 = arith.constant 6.400000e+01 : f32
    %div3A_51 = vector.broadcast %div3A_50 : f32 to vector<2000x1xf32>
    %div3A_52 = arith.divf %broadcast_in_dim3A_49, %div3A_51 : vector<2000x1xf32>
    %sub3A = vector.broadcast %div3A_52 : vector<2000x1xf32> to vector<2000x64xf32>
    %sub3A_53 = arith.subf %add3A_47, %sub3A : vector<2000x64xf32>
    %integer_pow3A_54 = arith.mulf %sub3A_53, %sub3A_53 : vector<2000x64xf32>
    %reduce_sum3A_55 = arith.constant dense<0.000000e+00> : vector<2000xf32>
    %reduce_sum3A_56 = vector.multi_reduction <add>, %integer_pow3A_54, %reduce_sum3A_55 [1] : vector<2000x64xf32> to vector<2000xf32>
    %broadcast_in_dim3A_57 = vector.shape_cast %reduce_sum3A_56 : vector<2000xf32> to vector<2000x1xf32>
    %div3A_58 = arith.constant 6.400000e+01 : f32
    %div3A_59 = vector.broadcast %div3A_58 : f32 to vector<2000x1xf32>
    %div3A_60 = arith.divf %broadcast_in_dim3A_57, %div3A_59 : vector<2000x1xf32>
    %sub3A_61 = vector.broadcast %div3A_52 : vector<2000x1xf32> to vector<2000x64xf32>
    %sub3A_62 = arith.subf %add3A_47, %sub3A_61 : vector<2000x64xf32>
    %add3A_63 = arith.constant 9.99999974E-6 : f32
    %add3A_64 = vector.broadcast %add3A_63 : f32 to vector<2000x1xf32>
    %add3A_65 = arith.addf %div3A_60, %add3A_64 : vector<2000x1xf32>
    %sqrt3A = math.sqrt %add3A_65 : vector<2000x1xf32>
    %div3A_66 = vector.broadcast %sqrt3A : vector<2000x1xf32> to vector<2000x64xf32>
    %div3A_67 = arith.divf %sub3A_62, %div3A_66 : vector<2000x64xf32>
    %get3A_68 = arith.constant 0 : index
    %get3A_69 = arith.constant 0 : index
    %get3A_70 = vector.load %arg7[%get3A_68, %get3A_69] : memref<1x64xf32, #tpu.memory_space<vmem>>, vector<1x64xf32>
    %mul3A_71 = vector.broadcast %get3A_70 : vector<1x64xf32> to vector<2000x64xf32>
    %mul3A_72 = arith.mulf %div3A_67, %mul3A_71 : vector<2000x64xf32>
    %get3A_73 = arith.constant 0 : index
    %get3A_74 = arith.constant 0 : index
    %get3A_75 = vector.load %arg8[%get3A_73, %get3A_74] : memref<1x64xf32, #tpu.memory_space<vmem>>, vector<1x64xf32>
    %add3A_76 = vector.broadcast %get3A_75 : vector<1x64xf32> to vector<2000x64xf32>
    %add3A_77 = arith.addf %mul3A_72, %add3A_76 : vector<2000x64xf32>
    %swap3A = arith.constant 0 : index
    %swap3A_78 = arith.constant 0 : index
    %swap3A_79 = vector.load %arg9[%swap3A, %swap3A_78] : memref<2000x64xf32, #tpu.memory_space<vmem>>, vector<2000x64xf32>
    tpu.vector_store %arg9[%swap3A, %swap3A_78], %add3A_77 {strides = array<i32>} : memref<2000x64xf32, #tpu.memory_space<vmem>>, vector<2000x64xf32>,
    return
  }
  func.func @transform_0(%arg0: i32) -> (i32, i32) {
    %c0_i32 = arith.constant 0 : i32
    %c0_i32_0 = arith.constant 0 : i32
    return %arg0, %c0_i32 : i32, i32
  }
  func.func @transform_1(%arg0: i32) -> (i32, i32) {
    %c0_i32 = arith.constant 0 : i32
    %c0_i32_0 = arith.constant 0 : i32
    return %arg0, %c0_i32 : i32, i32
  }
  func.func @transform_2(%arg0: i32) -> (i32, i32) {
    %c0_i32 = arith.constant 0 : i32
    %c0_i32_0 = arith.constant 0 : i32
    %c0_i32_1 = arith.constant 0 : i32
    return %c0_i32, %c0_i32_0 : i32, i32
  }
  func.func @transform_3(%arg0: i32) -> (i32, i32) {
    %c0_i32 = arith.constant 0 : i32
    %c0_i32_0 = arith.constant 0 : i32
    %c0_i32_1 = arith.constant 0 : i32
    return %c0_i32, %c0_i32_0 : i32, i32
  }
  func.func @transform_4(%arg0: i32) -> (i32, i32) {
    %c0_i32 = arith.constant 0 : i32
    %c0_i32_0 = arith.constant 0 : i32
    %c0_i32_1 = arith.constant 0 : i32
    return %c0_i32, %c0_i32_0 : i32, i32
  }
  func.func @transform_5(%arg0: i32) -> (i32, i32) {
    %c0_i32 = arith.constant 0 : i32
    %c0_i32_0 = arith.constant 0 : i32
    %c0_i32_1 = arith.constant 0 : i32
    return %c0_i32, %c0_i32_0 : i32, i32
  }
  func.func @transform_6(%arg0: i32) -> (i32, i32) {
    %c0_i32 = arith.constant 0 : i32
    %c0_i32_0 = arith.constant 0 : i32
    %c0_i32_1 = arith.constant 0 : i32
    return %c0_i32, %c0_i32_0 : i32, i32
  }
  func.func @transform_7(%arg0: i32) -> (i32, i32) {
    %c0_i32 = arith.constant 0 : i32
    %c0_i32_0 = arith.constant 0 : i32
    %c0_i32_1 = arith.constant 0 : i32
    return %c0_i32, %c0_i32_0 : i32, i32
  }
  func.func @transform_8(%arg0: i32) -> (i32, i32) {
    %c0_i32 = arith.constant 0 : i32
    %c0_i32_0 = arith.constant 0 : i32
    return %arg0, %c0_i32 : i32, i32
  }
}

</mosaic_0001>

<sc_bundles>
// kernel: kernel.11.cloned.1.call-start
scs
__scs_entry_jumppad:
0x0: {  	(pc) =	sbr.rel $0x88, $3  }
0x1: {  	(tag) =	ssettag $0x0;
	lr =	simm.s32 $0x1  }
0x2: {  	[smem:$0x3F8D] =	sst lr;
	_ =	strace $0xD0000000  }
0x3: {  	_ = 	snop  }
0x4: {  	_ = 	snop  }
0x5: {  	_ = 	snop  }
0x6: {  	_ = 	snop  }
0x7: {  	_ = 	snop  }
__scs_overlays_trampoline_lowered:
0x8: {  	[smem:$0x3F9C] =	sst s0  }
0x9: {  	[smem:$0x3F9D] =	sst s1  }
0xa: {  	[smem:$0x3F9E] =	sst s2  }
0xb: {  	[smem:$0x3F9F] =	sst s3  }
0xc: {  	[smem:$0x3FA0] =	sst s4  }
0xd: {  	[smem:$0x3FA1] =	sst s5  }
0xe: {  	[smem:$0x3FA2] =	sst s6  }
0xf: {  	[smem:$0x3FA3] =	sst s7  }
0x10: {  	[smem:$0x3FA4] =	sst s8  }
0x11: {  	[smem:$0x3FA5] =	sst s9;
	s0 =	simm.s32 @!p0 $0x0  }
0x12: {  	s1 =	sld [smem:$0x3F8B];
	s0 =	simm.s32 @p0 $0x1  }
0x13: {  	[smem:$0x3FA6] =	sst s0;
	s0 =	simm.s32 @!p1 $0x0  }
0x14: {  	s2 =	sld [smem:$0x3F8A];
	s0 =	simm.s32 @p1 $0x1  }
0x15: {  	[smem:$0x3FA7] =	sst s0;
	s0 =	simm.s32 @!p2 $0x0  }
0x16: {  	s3 =	sld [smem:$0x3FDB];
	s0 =	simm.s32 @p2 $0x1  }
0x17: {  	s4 =	simm.s32 $0x1BF5;
	[smem:$0x3FA9] =	sst s0  }
0x18: {  	s0 =	sld [smem:$0x3F8C];
	_ =	swait.ge [sflag:s4], $0x0  }
0x19: {  	s7 =	sld [smem:$0x3F8D]  }
0x1a: {  	s8 =	sadd.s32 $0xFFFFE003, lr  }
0x1b: {  	s9 =	sadd.s32 $0xFFFFFEF7, lr;
	s5 =	simm.s32 $0xFFFFFFFF;
	p2 =	slt.u32 s8, $0xFFFFF086  }
0x1c: {  	p1 =	slt.u32 s9, $0xF7A;
	s5 =	simm.s32 @!p2 $0x0  }
0x1d: {  	s5 =	simm.s32 @p1 $0x1;
	p0 =	seq.s32 s7, s2  }
0x1e: {  	s7 =	smul.u32 @!p0 $0xF7A, s2;
	p2 =	seq.s32 @!p0 s5, $0x0  }
0x1f: {  	s9 =	smul.u32 $0xF7A, s1;
	s8 =	simm.s32 @!p0 $0x1BF5;
	p2 =	por !p2, p0  }
0x20: {  	[sflag:s8] =	ssyncset.s32 @!p0 $0xFFFFF086;
	s6 =	sadd.s32 @!p0 s3, s7;
	s7 =	simm.s32 @!p0 $0x108  }
0x21: {  	s3 =	sadd.s32 s3, s9;
	s6 =	sadd.s32 @!p0 $0x88, s6;
	s7 =	simm.s32 @p2 $0x1082  }
0x22: {  	[simem:s7], [sflag:s8] =	dma.local @!p0 [hbm:s6], $0xF7A  }
0x23: {  	s9 =	sor.u32 $0xD0000000, s2;
	s6 =	simm.s32 $0x108;
	_ =	swait.ge @!p0 [sflag:s8], $0x0  }
0x24: {  	s3 =	sadd.s32 $0x88, s3;
	s6 =	simm.s32 @!p1 $0x1082;
	[sflag:s4] =	ssyncset.s32 $0xFFFFF086  }
0x25: {  	[simem:s6], [sflag:s4] =	dma.local [hbm:s3], $0xF7A  }
0x26: {  	[smem:$0x3F8D] =	sst s1;
	(tag) =	ssettag s2;
	_ =	strace s9  }
0x27: {  	s1 =	sld [smem:$0x3F9D]  }
0x28: {  	s2 =	sld [smem:$0x3F9E]  }
0x29: {  	s4 =	sld [smem:$0x3FA0]  }
0x2a: {  	p0 =	seq.s32 s5, $0x0;
	s5 =	sld [smem:$0x3FA1]  }
0x2b: {  	s6 =	sld [smem:$0x3FA2]  }
0x2c: {  	s7 =	sld [smem:$0x3FA3]  }
0x2d: {  	s3 =	simm.s32 $0x108;
	s8 =	sld [smem:$0x3FA4]  }
0x2e: {  	s3 =	simm.s32 @!p0 $0x1082;
	s9 =	sld [smem:$0x3FA5]  }
0x2f: {  	lr =	sadd.s32 s0, s3;
	s0 =	sld [smem:$0x3F9C]  }
0x30: {  	s3 =	sld [smem:$0x3F9F]  }
0x31: {  	[smem:$0x3FA8] =	sst s10  }
0x32: {  	s10 =	sld [smem:$0x3FA6];
	_ =	sdelay $0x3  }
0x33: {  	p0 =	seq.s32 s10, $0x1;
	s10 =	sld [smem:$0x3FA8];
	_ =	sdelay $0x3  }
0x34: {  	[smem:$0x3FA8] =	sst s10  }
0x35: {  	s10 =	sld [smem:$0x3FA7];
	_ =	sdelay $0x3  }
0x36: {  	p1 =	seq.s32 s10, $0x1;
	s10 =	sld [smem:$0x3FA8];
	_ =	sdelay $0x3  }
0x37: {  	[smem:$0x3FA8] =	sst s10  }
0x38: {  	s10 =	sld [smem:$0x3FA9]  }
0x39: {  	_ = 	snop;
	(pc) =	sbr.ind lr, $3  }
0x3a: {  	_ = 	snop  }
0x3b: {  	_ = 	snop  }
0x3c: {  	p2 =	seq.s32 s10, $0x1;
	s10 =	sld [smem:$0x3FA8]  }
0x3d: {  	_ =	shalt  }
0x3e: {  	_ =	shalt  }
0x3f: {  	_ =	shalt  }
0x40: {  	_ =	shalt  }
0x41: {  	_ =	shalt  }
0x42: {  	_ =	shalt  }
0x43: {  	_ =	shalt  }
0x44: {  	_ =	shalt  }
0x45: {  	_ =	shalt  }
0x46: {  	_ =	shalt  }
0x47: {  	_ =	shalt  }
0x48: {  	_ =	shalt  }
0x49: {  	_ =	shalt  }
0x4a: {  	_ =	shalt  }
0x4b: {  	_ =	shalt  }
0x4c: {  	_ =	shalt  }
0x4d: {  	_ =	shalt  }
0x4e: {  	_ =	shalt  }
0x4f: {  	_ =	shalt  }
0x50: {  	_ =	shalt  }
0x51: {  	_ =	shalt  }
0x52: {  	_ =	shalt  }
0x53: {  	_ =	shalt  }
0x54: {  	_ =	shalt  }
0x55: {  	_ =	shalt  }
0x56: {  	_ =	shalt  }
0x57: {  	_ =	shalt  }
0x58: {  	_ =	shalt  }
0x59: {  	_ =	shalt  }
0x5a: {  	_ =	shalt  }
0x5b: {  	_ =	shalt  }
0x5c: {  	_ =	shalt  }
0x5d: {  	_ =	shalt  }
0x5e: {  	_ =	shalt  }
0x5f: {  	_ =	shalt  }
0x60: {  	_ =	shalt  }
0x61: {  	_ =	shalt  }
0x62: {  	_ =	shalt  }
0x63: {  	_ =	shalt  }
0x64: {  	_ =	shalt  }
0x65: {  	_ =	shalt  }
0x66: {  	_ =	shalt  }
0x67: {  	_ =	shalt  }
0x68: {  	_ =	shalt  }
0x69: {  	_ =	shalt  }
0x6a: {  	_ =	shalt  }
0x6b: {  	_ =	shalt  }
0x6c: {  	_ =	shalt  }
0x6d: {  	_ =	shalt  }
0x6e: {  	_ =	shalt  }
0x6f: {  	_ =	shalt  }
0x70: {  	_ =	shalt  }
0x71: {  	_ =	shalt  }
0x72: {  	_ =	shalt  }
0x73: {  	_ =	shalt  }
0x74: {  	_ =	shalt  }
0x75: {  	_ =	shalt  }
0x76: {  	_ =	shalt  }
0x77: {  	_ =	shalt  }
0x78: {  	_ =	shalt  }
0x79: {  	_ =	shalt  }
0x7a: {  	_ =	shalt  }
0x7b: {  	_ =	shalt  }
0x7c: {  	_ =	shalt  }
0x7d: {  	_ =	shalt  }
0x7e: {  	_ =	shalt  }
0x7f: {  	_ =	shalt  }
0x80: {  	_ =	shalt  }
0x81: {  	_ =	shalt  }
0x82: {  	_ =	shalt  }
0x83: {  	_ =	shalt  }
0x84: {  	_ =	shalt  }
0x85: {  	_ =	shalt  }
0x86: {  	_ =	shalt  }
0x87: {  	_ =	shalt  }
.Lfunc_end0:
.L_simem_size_0:
called_computation_lowered:
.L_overlay_start_0:
0x88: {  	s2 =	sld [smem:$0x3FD9]  }
0x89: {  	s3 =	sld [smem:$0x3FFE];
	_ =	sdelay $0x1  }
0x8a: {  	s1 =	srdreg.scid  }
0x8b: {  	s0 =	sand.u32 $0x1, s1  }
0x8c: {  	s17 =	sshll.u32 s0, $0xA;
	s2 =	sadd.s32 s3, s2  }
0x8d: {  	s2 =	sadd.s32 s2, s17  }
0x8e: {  	[smem:$0x3FB4] =	sst s2  }
0x8f: {  	_ = 	snop  }
0x90: {  	s2 =	sld [smem:$0x3FD0];
	(tm) =	ssettm $0x1  }
0x91: {  	s18 =	sld [smem:$0x3FFB];
	_ =	sdelay $0x3  }
0x92: {  	_ =	strace s18  }
0x93: {  	s3 =	sld [smem:$0x3FFC];
	_ =	sdelay $0x3  }
0x94: {  	_ =	strace s3  }
0x95: {  	s3 =	sld [smem:$0x3FFD];
	_ =	sdelay $0x3  }
0x96: {  	_ =	strace s3  }
0x97: {  	_ =	strace $0x8FFFFFFF  }
0x98: {  	s19 =	sld [smem:$0x3FDB];
	_ =	sdelay $0x1  }
0x99: {  	s4 =	simm.s32 $_scs_section_size  }
0x9a: {  	s5 =	simm.s32 $_size__tile_overlayer_lowered;
	s6 =	simm.s32 $_tile_overlayer_lowered  }
0x9b: {  	s22 =	simm.s32 $0x1BFF;
	s21 =	sshll.u32 s6, $0x1;
	s3 =	sadd.s32 s4, s19  }
0x9c: {  	s7 =	simm.s32 $0x0;
	s20 =	sshll.u32 s5, $0x1;
	s5 =	sadd.s32 s21, s3  }
0x9d: {  	[timem:s7], [sflag:s22] =	dma.local [hbm:s5], s20  }
0x9e: {  	_ =	swait.ge [sflag:s22], s20  }
0x9f: {  	s4 =	ssub.s32 $0x0, s20;
	[sflag:s22] =	ssyncset.done $0x0  }
0xa0: {  	[sflag:s22] =	ssyncadd.s32 s4;
	_ =	sdelay $0x1  }
0xa1: {  	s23 =	simm.s32 $0x1B8B  }
0xa2: {  	_ =	swait.ge [sflag:s23], $0x1  }
0xa3: {  	[sflag:s23] =	ssyncset.done $0x0  }
0xa4: {  	s25 =	simm.s32 $0x1B8E;
	s24 =	sld [smem:$0x3FFE];
	[sflag:s23] =	ssyncadd.s32 $0xFFFFFFFF  }
0xa5: {  	s26 =	simm.s32 $execute0_lowered;
	[smem:$0x3FD2] =	sst s25  }
0xa6: {  	s5 =	sshll.u32 s26, $0x1;
	_ =	strace $0x80000046;
	[dreg:$0x1] =	wrdreg $0xFFFFFFFF  }
0xa7: {  	s28 =	simm.s32 $_size_execute0_lowered;
	s3 =	sadd.s32 s3, s5;
	[dreg:$0x0] =	wrdreg $0x0  }
0xa8: {  	s5 =	sshll.u32 s28, $0x1;
	[dreg:$0x2] =	wrdreg s3  }
0xa9: {  	[dreg:$0x3] =	wrdreg s5  }
0xaa: {  	[dreg:$0x4] =	wrdreg $0xC0  }
0xab: {  	_ =	task [dreg:s7], $0x5FFFF  }
0xac: {  	[dreg:$0x1] =	wrdreg $0xFFFFFFFF  }
0xad: {  	[dreg:$0x0] =	wrdreg $0x60  }
0xae: {  	[dreg:$0x2] =	wrdreg s24  }
0xaf: {  	[dreg:$0x3] =	wrdreg s2  }
0xb0: {  	[dreg:$0x4] =	wrdreg $0x9  }
0xb1: {  	_ =	task.clear_ibuf [dreg:s7], $0x5FFFF;
	_ =	strace $0x90000046  }
0xb2: {  	s29 =	simm.s32 $0x9;
	_ =	strace $0x80000048  }
0xb3: {  	_ =	swait.ge [sflag:s29], $0x1  }
0xb4: {  	[sflag:s29] =	ssyncadd.s32 $0xFFFFFFFF  }
0xb5: {  	_ =	strace $0x90000048  }
0xb6: {  	_ =	sfence  }
0xb7: {  	s30 =	sld [smem:$0x0];
	_ =	sdelay $0x2  }
0xb8: {  	s31 =	sshll.u32 s1, $0xD;
	s1 =	sshrl.u32 s1, $0x2  }
0xb9: {  	s3 =	sand.u32 $0x4000, s31;
	s1 =	sadd.s32 s1, s30  }
0xba: {  	s0 =	sor.u32 s3, s0;
	s1 =	sshll.u32 s1, $0x11  }
0xbb: {  	s0 =	sor.u32 s1, s0  }
0xbc: {  	s0 =	sadd.s32 $0x8F2B, s0  }
0xbd: {  	[sflag:s0] =	ssyncadd.remote.s32 $0x1  }
0xbe: {  	_ =	sfence.sel $0xFFFF  }
0xbf: {  	[dreg:$0x0] =	wrdreg $0xFFFFFFFF;
	(pc) =	sbr.abs _section_cstart, $3  }
0xc0: {  	[dreg:$0x1] =	wrdreg $0xFFFFFFFF  }
0xc1: {  	_ =	task.clear_ibuf [dreg:s7], $0x2FFFF;
	_ =	strace $0x9FFFFFFF  }
0xc2: {  	(tm) =	ssettm $0x7FFFFFFF  }
0xc3: {  	_ =	shalt  }
tec
execute0_lowered:
.L_overlay_start_1:
0x0: {  	(tag) =	ssettag $0x1  }
0x1: {  	s0 =	rddreg [dreg:$0x0]  }
0x2: {  	s2 =	rddreg [dreg:$0x1];
	s1 =	simm.s32 $0x0;
	s5 =	srdreg.scid  }
0x3: {  	s11 =	stileid.u32;
	[smem:$0x7FF] =	sst s1  }
0x4: {  	s3 =	sadd.s32 $0x1E000, s0;
	s4 =	sadd.s32 $0xE1600, s0;
	s5 =	sand.u32 $0x1, s5  }
0x5: {  	s10 =	sshll.u32 s11, $0x5;
	s6 =	sshll.u32 s11, $0xC;
	s30 =	sshll.u32 s11, $0x1  }
0x6: {  	_ =	strace $0x80000047;
	s7 =	ssub.s32 $0x2, s5;
	s6 =	sadd.s32 s6, s0  }
0x7: {  	s9 =	sshll.u32 s5, $0xB;
	s0 =	sadd.s32 s10, s0;
	s10 =	sadd.s32 s10, s2  }
0x8: {  	s8 =	sshrl.u32 s7, $0x1;
	s29 =	sadd.s32 s9, s6;
	s0 =	sadd.s32 $0x5600, s0  }
0x9: {  	s7 =	ssub.s32 s7, s8;
	s6 =	sadd.s32 $0xE9D200, s29;
	s8 =	sshll.u32 s5, $0x4  }
0xa: {  	s5 =	sor.u32 s5, s30;
	[dreg:$0x4] =	wrdreg s0;
	s31 =	smax.u32 s7, $0x1  }
0xb: {  	s7 =	sadd.s32 $0x268200, s29;
	s11 =	sor.u32 $0x40, s5;
	[dreg:$0x3] =	wrdreg s31  }
.LBB2_1:
0xc: {  	s0 =	sadd.s32 $0xFFFFFFC0, s11  }
0xd: {  	p1 =	sgt.u32 s11, $0x1869;
	s2 =	sadd.s32 $0xFFFFFFE0, s11;
	s9 =	rddreg [dreg:$0x4]  }
0xe: {  	p3 =	sgt.u32 s0, $0x1869;
	s5 =	sadd.s32 @!p1 s10, s8;
	p2 =	sgt.u32 s2, $0x1869  }
0xf: {  	s12 =	sadd.s32 @!p3 s10, s8;
	s0 =	simm.s32 @!p3 $0x0;
	s14 =	simm.s32 @!p3 $0x180  }
0x10: {  	[tilespmem:s0], [sflag:$0x1] =	stream.linear.gather @!p3 [hbm4b:s12+s0], $0x80, $0x38;
	[tilespmem:$0x18300] =	vst v63  }
0x11: {  	s2 =	sadd.s32 @!p2 s10, s8;
	s13 =	sadd.s32 @!p2 s9, s8;
	s12 =	sadd.s32 @!p3 s9, s8  }
0x12: {  	[tilespmem:s14], [sflag:$0x1] =	stream.linear.gather @!p3 [hbm4b:s12+s0], $0x80, $0x38;
	[tilespmem:$0x18300] =	vst v63  }
0x13: {  	s15 =	simm.s32 @!p2 $0x80;
	s2 =	sadd.s32 @!p2 $0x200, s2;
	s12 =	simm.s32 @!p2 $0x0  }
0x14: {  	[tilespmem:s15], [sflag:$0x2] =	stream.linear.gather @!p2 [hbm4b:s2+s12], $0x80, $0x38;
	[tilespmem:$0x18300] =	vst v63  }
0x15: {  	s17 =	sadd.s32 @!p1 s9, s8;
	s16 =	simm.s32 @!p2 $0x200;
	s13 =	sadd.s32 @!p2 $0x200, s13  }
0x16: {  	[tilespmem:s16], [sflag:$0x2] =	stream.linear.gather @!p2 [hbm4b:s13+s12], $0x80, $0x38;
	[tilespmem:$0x18300] =	vst v63  }
0x17: {  	s5 =	sadd.s32 @!p1 $0x400, s5;
	s2 =	simm.s32 @!p1 $0x100;
	s13 =	simm.s32 @!p1 $0x0  }
0x18: {  	[tilespmem:s2], [sflag:$0x3] =	stream.linear.gather @!p1 [hbm4b:s5+s13], $0x80, $0x38;
	[tilespmem:$0x18300] =	vst v63  }
0x19: {  	s18 =	simm.s32 @!p3 $0x1;
	s5 =	sadd.s32 @!p1 $0x400, s17;
	s17 =	simm.s32 @!p1 $0x280  }
0x1a: {  	[tilespmem:s17], [sflag:$0x3] =	stream.linear.gather @!p1 [hbm4b:s5+s13], $0x80, $0x38;
	[tilespmem:$0x18300] =	vst v63  }
0x1b: {  	_ =	swait.ge @!p3 [sflag:s18], $0x80  }
0x1c: {  	[sflag:s18] =	ssyncset.done @!p3 $0x0  }
0x1d: {  	[sflag:s18] =	ssyncadd.s32 @!p3 $0xFFFFFF80  }
0x1e: {  	_ =	swait.ge @!p3 [sflag:s18], $0x80  }
0x1f: {  	[sflag:s18] =	ssyncset.done @!p3 $0x0  }
0x20: {  	s19 =	simm.s32 @!p3 $0x300;
	s5 =	simm.s32 @!p3 $0x80;
	[sflag:s18] =	ssyncadd.s32 @!p3 $0xFFFFFF80  }
0x21: {  	[tilespmem:s19], [sflag:$0x4] =	stream.indirect.gather @!p3 [hbm4b:s3+s5], $0x80, s0, s5, $0xb8;
	[tilespmem:$0x18300] =	vst v63  }
0x22: {  	s20 =	simm.s32 @!p3 $0xC300  }
0x23: {  	[tilespmem:s20], [sflag:$0x7] =	stream.indirect.gather @!p3 [hbm4b:s4+s5], $0x80, s14, s5, $0xb8;
	[tilespmem:$0x18300] =	vst v63  }
0x24: {  	s5 =	simm.s32 @!p2 $0x2  }
0x25: {  	_ =	swait.ge @!p2 [sflag:s5], $0x80  }
0x26: {  	[sflag:s5] =	ssyncset.done @!p2 $0x0  }
0x27: {  	[sflag:s5] =	ssyncadd.s32 @!p2 $0xFFFFFF80  }
0x28: {  	_ =	swait.ge @!p2 [sflag:s5], $0x80  }
0x29: {  	[sflag:s5] =	ssyncset.done @!p2 $0x0  }
0x2a: {  	s14 =	simm.s32 @!p2 $0x4300;
	[sflag:s5] =	ssyncadd.s32 @!p2 $0xFFFFFF80  }
0x2b: {  	[tilespmem:s14], [sflag:$0x5] =	stream.indirect.gather @!p2 [hbm4b:s3+s15], $0x80, s15, s15, $0xb8;
	[tilespmem:$0x18300] =	vst v63  }
0x2c: {  	p0 =	por p1, p1;
	s5 =	simm.s32 @!p2 $0x10300  }
0x2d: {  	[tilespmem:s5], [sflag:$0x8] =	stream.indirect.gather @!p2 [hbm4b:s4+s15], $0x80, s16, s15, $0xb8;
	[tilespmem:$0x18300] =	vst v63  }
0x2e: {  	s15 =	simm.s32 @!p0 $0x3  }
0x2f: {  	_ =	swait.ge @!p0 [sflag:s15], $0x80  }
0x30: {  	[sflag:s15] =	ssyncset.done @!p0 $0x0  }
0x31: {  	[sflag:s15] =	ssyncadd.s32 @!p0 $0xFFFFFF80  }
0x32: {  	_ =	swait.ge @!p0 [sflag:s15], $0x80  }
0x33: {  	[sflag:s15] =	ssyncset.done @!p0 $0x0  }
0x34: {  	s16 =	simm.s32 @!p0 $0x80;
	[sflag:s15] =	ssyncadd.s32 @!p0 $0xFFFFFF80;
	s15 =	simm.s32 @!p0 $0x8300  }
0x35: {  	[tilespmem:s15], [sflag:$0x6] =	stream.indirect.gather @!p0 [hbm4b:s3+s16], $0x80, s2, s16, $0xb8;
	[tilespmem:$0x18300] =	vst v63  }
0x36: {  	s18 =	simm.s32 @!p0 $0x14300;
	s2 =	simm.s32 @!p3 $0x4  }
0x37: {  	[tilespmem:s18], [sflag:$0x9] =	stream.indirect.gather @!p0 [hbm4b:s4+s16], $0x80, s17, s16, $0xb8;
	[tilespmem:$0x18300] =	vst v63  }
0x38: {  	_ =	swait.ge @!p3 [sflag:s2], $0x4000  }
0x39: {  	[sflag:s2] =	ssyncset.done @!p3 $0x0  }
0x3a: {  	[sflag:s2] =	ssyncadd.s32 @!p3 $0xFFFFC000;
	s2 =	simm.s32 @!p3 $0x7  }
0x3b: {  	_ =	swait.ge @!p3 [sflag:s2], $0x4000  }
0x3c: {  	[sflag:s2] =	ssyncset.done @!p3 $0x0  }
0x3d: {  	[sflag:s2] =	ssyncadd.s32 @!p3 $0xFFFFC000;
	s2 =	sadd.s32 @!p3 $0x0, s7  }
0x3e: {  	[hbm4b:s2+s0] =	stream.linear.scatter @!p3 [tilespmem:s19], [sflag:$0xB], $0x4000, $0x38;
	[tilespmem:$0x18300] =	vst v63  }
0x3f: {  	s2 =	simm.s32 @!p3 $0xB  }
0x40: {  	_ =	swait.ge @!p3 [sflag:s2], $0x4000  }
0x41: {  	[sflag:s2] =	ssyncset.done @!p3 $0x0  }
0x42: {  	s16 =	sadd.s32 @!p3 $0x0, s6;
	[sflag:s2] =	ssyncadd.s32 @!p3 $0xFFFFC000  }
0x43: {  	[hbm4b:s16+s0] =	stream.linear.scatter @!p3 [tilespmem:s20], [sflag:$0xB], $0x4000, $0x38;
	[tilespmem:$0x18300] =	vst v63  }
0x44: {  	_ =	swait.ge @!p3 [sflag:s2], $0x4000  }
0x45: {  	[sflag:s2] =	ssyncset.done @!p3 $0x0  }
0x46: {  	s0 =	simm.s32 @!p2 $0x5;
	[sflag:s2] =	ssyncadd.s32 @!p3 $0xFFFFC000  }
0x47: {  	_ =	swait.ge @!p2 [sflag:s0], $0x4000  }
0x48: {  	[sflag:s0] =	ssyncset.done @!p2 $0x0  }
0x49: {  	s2 =	simm.s32 @!p2 $0x8;
	[sflag:s0] =	ssyncadd.s32 @!p2 $0xFFFFC000  }
0x4a: {  	_ =	swait.ge @!p2 [sflag:s2], $0x4000  }
0x4b: {  	s0 =	sadd.s32 @!p2 $0x0, s7;
	[sflag:s2] =	ssyncset.done @!p2 $0x0  }
0x4c: {  	s16 =	simm.s32 @!p2 $0xB;
	s0 =	sadd.s32 @!p2 $0x10000, s0;
	[sflag:s2] =	ssyncadd.s32 @!p2 $0xFFFFC000  }
0x4d: {  	[hbm4b:s0+s12] =	stream.linear.scatter @!p2 [tilespmem:s14], [sflag:$0xB], $0x4000, $0x38;
	[tilespmem:$0x18300] =	vst v63  }
0x4e: {  	_ =	swait.ge @!p2 [sflag:s16], $0x4000  }
0x4f: {  	s0 =	sadd.s32 @!p2 $0x0, s6;
	[sflag:s16] =	ssyncset.done @!p2 $0x0  }
0x50: {  	s0 =	sadd.s32 @!p2 $0x10000, s0;
	[sflag:s16] =	ssyncadd.s32 @!p2 $0xFFFFC000  }
0x51: {  	[hbm4b:s0+s12] =	stream.linear.scatter @!p2 [tilespmem:s5], [sflag:$0xB], $0x4000, $0x38;
	[tilespmem:$0x18300] =	vst v63  }
0x52: {  	_ =	swait.ge @!p2 [sflag:s16], $0x4000  }
0x53: {  	[sflag:s16] =	ssyncset.done @!p2 $0x0  }
0x54: {  	s0 =	simm.s32 @!p0 $0x6;
	[sflag:s16] =	ssyncadd.s32 @!p2 $0xFFFFC000  }
0x55: {  	_ =	swait.ge @!p0 [sflag:s0], $0x4000  }
0x56: {  	[sflag:s0] =	ssyncset.done @!p0 $0x0  }
0x57: {  	s2 =	simm.s32 @!p0 $0x9;
	[sflag:s0] =	ssyncadd.s32 @!p0 $0xFFFFC000  }
0x58: {  	s17 =	simm.s32 $0x60000;
	s19 =	sadd.s32 @!p1 $0x0, s6;
	_ =	swait.ge @!p0 [sflag:s2], $0x4000  }
0x59: {  	s14 =	sadd.s32 $0x600, s9;
	s0 =	sadd.s32 @!p1 $0x0, s7;
	[sflag:s2] =	ssyncset.done @!p0 $0x0  }
0x5a: {  	s16 =	sadd.s32 $0x60, s11;
	s0 =	sadd.s32 @!p1 $0x20000, s0;
	[sflag:s2] =	ssyncadd.s32 @!p0 $0xFFFFC000  }
0x5b: {  	[hbm4b:s0+s13] =	stream.linear.scatter @!p0 [tilespmem:s15], [sflag:$0xB], $0x4000, $0x38;
	[tilespmem:$0x18300] =	vst v63  }
0x5c: {  	s12 =	simm.s32 $0x30000;
	s31 =	sadd.s32 $0xFFFFFFC0, s16;
	s0 =	simm.s32 @!p0 $0xB  }
0x5d: {  	p1 =	sgt.u32 s31, $0x1869;
	s15 =	sadd.s32 $0x600, s10;
	_ =	swait.ge @!p0 [sflag:s0], $0x4000  }
.LBB2_2:
0x5e: {  	s2 =	sadd.s32 $0xFFFFFFE0, s16  }
0x5f: {  	[sflag:s0] =	ssyncset.done @!p0 $0x0;
	s5 =	simm.s32 @!p0 $0xA;
	s21 =	smov.u32 s17  }
0x60: {  	p4 =	sgt.u32 s16, $0x1869;
	[sflag:s0] =	ssyncadd.s32 @!p0 $0xFFFFC000;
	s0 =	sadd.s32 @!p0 $0x20000, s19  }
0x61: {  	[hbm4b:s0+s13] =	stream.linear.scatter @!p0 [tilespmem:s18], [sflag:$0xA], $0x4000, $0x38;
	[tilespmem:$0x18300] =	vst v63  }
0x62: {  	s26 =	simm.s32 @!p4 $0x100;
	s0 =	sadd.s32 @!p4 s15, s8;
	_ =	swait.ge @!p0 [sflag:s5], $0x4000  }
0x63: {  	s23 =	simm.s32 @!p1 $0x0;
	s13 =	sadd.s32 @!p1 s15, s8;
	[sflag:s5] =	ssyncset.done @!p0 $0x0  }
0x64: {  	s28 =	simm.s32 @!p1 $0x180;
	p2 =	sgt.u32 s2, $0x1869;
	s0 =	sadd.s32 @!p4 $0x400, s0  }
0x65: {  	s2 =	sadd.s32 @!p2 s15, s8;
	s18 =	sadd.s32 @!p2 s14, s8;
	[sflag:s5] =	ssyncadd.s32 @!p0 $0xFFFFC000  }
0x66: {  	[tilespmem:s23], [sflag:$0x1] =	stream.linear.gather @!p1 [hbm4b:s13+s23], $0x80, $0x38;
	[tilespmem:$0x18300] =	vst v63  }
0x67: {  	s2 =	sadd.s32 @!p2 $0x200, s2;
	s5 =	sadd.s32 @!p1 s14, s8;
	s13 =	sadd.s32 @!p2 $0x200, s18  }
0x68: {  	[tilespmem:s28], [sflag:$0x1] =	stream.linear.gather @!p1 [hbm4b:s5+s23], $0x80, $0x38;
	[tilespmem:$0x18300] =	vst v63  }
0x69: {  	s20 =	simm.s32 @!p2 $0x0;
	s19 =	sadd.s32 @!p2 s12, s7;
	s18 =	simm.s32 @!p2 $0x80  }
0x6a: {  	[tilespmem:s18], [sflag:$0x2] =	stream.linear.gather @!p2 [hbm4b:s2+s20], $0x80, $0x38;
	[tilespmem:$0x18300] =	vst v63  }
0x6b: {  	s25 =	sadd.s32 @!p2 $0x10000, s19;
	s5 =	simm.s32 @!p2 $0x200;
	s2 =	sadd.s32 @!p2 s12, s6  }
0x6c: {  	[tilespmem:s5], [sflag:$0x2] =	stream.linear.gather @!p2 [hbm4b:s13+s20], $0x80, $0x38;
	[tilespmem:$0x18300] =	vst v63  }
0x6d: {  	s19 =	sadd.s32 @!p4 s14, s8;
	s24 =	sadd.s32 @!p2 $0x10000, s2;
	s13 =	simm.s32 @!p4 $0x0  }
0x6e: {  	[tilespmem:s26], [sflag:$0x3] =	stream.linear.gather @!p4 [hbm4b:s0+s13], $0x80, $0x38;
	[tilespmem:$0x18300] =	vst v63  }
0x6f: {  	s29 =	simm.s32 @!p1 $0x1;
	s2 =	simm.s32 @!p4 $0x280;
	s0 =	sadd.s32 @!p4 $0x400, s19  }
0x70: {  	[tilespmem:s2], [sflag:$0x3] =	stream.linear.gather @!p4 [hbm4b:s0+s13], $0x80, $0x38;
	[tilespmem:$0x18300] =	vst v63  }
0x71: {  	s30 =	simm.s32 @!p1 $0x80;
	s31 =	simm.s32 @!p1 $0x300;
	_ =	swait.ge @!p1 [sflag:s29], $0x80  }
0x72: {  	s19 =	sadd.s32 @!p4 s12, s6;
	s0 =	sadd.s32 @!p4 s12, s7;
	[sflag:s29] =	ssyncset.done @!p1 $0x0  }
0x73: {  	s17 =	sadd.s32 $0x30000, s17;
	s22 =	sadd.s32 @!p4 $0x20000, s0;
	[sflag:s29] =	ssyncadd.s32 @!p1 $0xFFFFFF80  }
0x74: {  	p3 =	sne.s32 s17, $0xC60000;
	p0 =	por p4, p4;
	_ =	swait.ge @!p1 [sflag:s29], $0x80  }
0x75: {  	s0 =	simm.s32 @!p1 $0xC300;
	[sflag:s29] =	ssyncset.done @!p1 $0x0  }
0x76: {  	[sflag:s29] =	ssyncadd.s32 @!p1 $0xFFFFFF80  }
0x77: {  	[tilespmem:s31], [sflag:$0x4] =	stream.indirect.gather @!p1 [hbm4b:s3+s30], $0x80, s23, s30, $0xb8;
	[tilespmem:$0x18300] =	vst v63  }
0x78: {  	s9 =	simm.s32 @!p2 $0x2  }
0x79: {  	[tilespmem:s0], [sflag:$0x7] =	stream.indirect.gather @!p1 [hbm4b:s4+s30], $0x80, s28, s30, $0xb8;
	[tilespmem:$0x18300] =	vst v63  }
0x7a: {  	s30 =	simm.s32 @!p2 $0x4300;
	_ =	swait.ge @!p2 [sflag:s9], $0x80  }
0x7b: {  	s29 =	simm.s32 @!p2 $0x10300;
	[sflag:s9] =	ssyncset.done @!p2 $0x0  }
0x7c: {  	[sflag:s9] =	ssyncadd.s32 @!p2 $0xFFFFFF80  }
0x7d: {  	_ =	swait.ge @!p2 [sflag:s9], $0x80  }
0x7e: {  	[sflag:s9] =	ssyncset.done @!p2 $0x0  }
0x7f: {  	[sflag:s9] =	ssyncadd.s32 @!p2 $0xFFFFFF80  }
0x80: {  	[tilespmem:s30], [sflag:$0x5] =	stream.indirect.gather @!p2 [hbm4b:s3+s18], $0x80, s18, s18, $0xb8;
	[tilespmem:$0x18300] =	vst v63  }
0x81: {  	s9 =	simm.s32 @!p0 $0x3  }
0x82: {  	[tilespmem:s29], [sflag:$0x8] =	stream.indirect.gather @!p2 [hbm4b:s4+s18], $0x80, s5, s18, $0xb8;
	[tilespmem:$0x18300] =	vst v63  }
0x83: {  	_ =	swait.ge @!p0 [sflag:s9], $0x80  }
0x84: {  	[sflag:s9] =	ssyncset.done @!p0 $0x0  }
0x85: {  	[sflag:s9] =	ssyncadd.s32 @!p0 $0xFFFFFF80  }
0x86: {  	s28 =	simm.s32 @!p0 $0x8300;
	s5 =	simm.s32 @!p0 $0x80;
	_ =	swait.ge @!p0 [sflag:s9], $0x80  }
0x87: {  	s18 =	simm.s32 @!p0 $0x14300;
	[sflag:s9] =	ssyncset.done @!p0 $0x0  }
0x88: {  	[sflag:s9] =	ssyncadd.s32 @!p0 $0xFFFFFF80  }
0x89: {  	[tilespmem:s28], [sflag:$0x6] =	stream.indirect.gather @!p0 [hbm4b:s3+s5], $0x80, s26, s5, $0xb8;
	[tilespmem:$0x18300] =	vst v63  }
0x8a: {  	s9 =	simm.s32 @!p1 $0x4  }
0x8b: {  	[tilespmem:s18], [sflag:$0x9] =	stream.indirect.gather @!p0 [hbm4b:s4+s5], $0x80, s2, s5, $0xb8;
	[tilespmem:$0x18300] =	vst v63  }
0x8c: {  	s2 =	sadd.s32 @!p1 s12, s7;
	s5 =	simm.s32 @!p1 $0xB;
	_ =	swait.ge @!p1 [sflag:s9], $0x4000  }
0x8d: {  	[sflag:s9] =	ssyncset.done @!p1 $0x0  }
0x8e: {  	[sflag:s9] =	ssyncadd.s32 @!p1 $0xFFFFC000;
	s9 =	simm.s32 @!p1 $0x7  }
0x8f: {  	_ =	swait.ge @!p1 [sflag:s9], $0x4000  }
0x90: {  	[sflag:s9] =	ssyncset.done @!p1 $0x0  }
0x91: {  	[sflag:s9] =	ssyncadd.s32 @!p1 $0xFFFFC000  }
0x92: {  	[hbm4b:s2+s23] =	stream.linear.scatter @!p1 [tilespmem:s31], [sflag:$0xB], $0x4000, $0x38;
	[tilespmem:$0x18300] =	vst v63  }
0x93: {  	s2 =	sadd.s32 @!p1 s12, s6;
	s12 =	smov.u32 s21;
	_ =	swait.ge @!p1 [sflag:s5], $0x4000  }
0x94: {  	[sflag:s5] =	ssyncset.done @!p1 $0x0  }
0x95: {  	[sflag:s5] =	ssyncadd.s32 @!p1 $0xFFFFC000  }
0x96: {  	[hbm4b:s2+s23] =	stream.linear.scatter @!p1 [tilespmem:s0], [sflag:$0xB], $0x4000, $0x38;
	[tilespmem:$0x18300] =	vst v63  }
0x97: {  	s0 =	simm.s32 @!p2 $0x8;
	_ =	swait.ge @!p1 [sflag:s5], $0x4000  }
0x98: {  	[sflag:s5] =	ssyncset.done @!p1 $0x0  }
0x99: {  	s2 =	simm.s32 @!p2 $0x5;
	[sflag:s5] =	ssyncadd.s32 @!p1 $0xFFFFC000  }
0x9a: {  	_ =	swait.ge @!p2 [sflag:s2], $0x4000  }
0x9b: {  	s5 =	simm.s32 @!p2 $0xB;
	[sflag:s2] =	ssyncset.done @!p2 $0x0  }
0x9c: {  	[sflag:s2] =	ssyncadd.s32 @!p2 $0xFFFFC000  }
0x9d: {  	_ =	swait.ge @!p2 [sflag:s0], $0x4000  }
0x9e: {  	[sflag:s0] =	ssyncset.done @!p2 $0x0  }
0x9f: {  	[sflag:s0] =	ssyncadd.s32 @!p2 $0xFFFFC000  }
0xa0: {  	[hbm4b:s25+s20] =	stream.linear.scatter @!p2 [tilespmem:s30], [sflag:$0xB], $0x4000, $0x38;
	[tilespmem:$0x18300] =	vst v63  }
0xa1: {  	_ =	swait.ge @!p2 [sflag:s5], $0x4000  }
0xa2: {  	[sflag:s5] =	ssyncset.done @!p2 $0x0  }
0xa3: {  	[sflag:s5] =	ssyncadd.s32 @!p2 $0xFFFFC000  }
0xa4: {  	[hbm4b:s24+s20] =	stream.linear.scatter @!p2 [tilespmem:s29], [sflag:$0xB], $0x4000, $0x38;
	[tilespmem:$0x18300] =	vst v63  }
0xa5: {  	s0 =	simm.s32 @!p0 $0x6;
	_ =	swait.ge @!p2 [sflag:s5], $0x4000  }
0xa6: {  	[sflag:s5] =	ssyncset.done @!p2 $0x0  }
0xa7: {  	[sflag:s5] =	ssyncadd.s32 @!p2 $0xFFFFC000  }
0xa8: {  	s2 =	simm.s32 @!p0 $0x9;
	_ =	swait.ge @!p0 [sflag:s0], $0x4000  }
0xa9: {  	[sflag:s0] =	ssyncset.done @!p0 $0x0  }
0xaa: {  	[sflag:s0] =	ssyncadd.s32 @!p0 $0xFFFFC000  }
.Ltmp0:
0xab: {  	_ =	swait.ge @!p0 [sflag:s2], $0x4000;
	(pc) =	sbr.rel @p3 .LBB2_2-.Ltmp0, $4  }
0xac: {  	s16 =	sadd.s32 $0x60, s16;
	s0 =	simm.s32 @!p0 $0xB;
	[sflag:s2] =	ssyncset.done @!p0 $0x0  }
0xad: {  	s14 =	sadd.s32 $0x600, s14;
	s5 =	sadd.s32 $0xFFFFFFC0, s16;
	[sflag:s2] =	ssyncadd.s32 @!p0 $0xFFFFC000  }
0xae: {  	[hbm4b:s22+s13] =	stream.linear.scatter @!p0 [tilespmem:s28], [sflag:$0xB], $0x4000, $0x38;
	[tilespmem:$0x18300] =	vst v63  }
0xaf: {  	s15 =	sadd.s32 $0x600, s15;
	p1 =	sgt.u32 s5, $0x1869;
	_ =	swait.ge @!p0 [sflag:s0], $0x4000  }
0xb0: {  	[sflag:s0] =	ssyncset.done @!p0 $0x0;
	s2 =	simm.s32 @!p0 $0xA  }
0xb1: {  	p2 =	sgt.u32 s16, $0x1869;
	[sflag:s0] =	ssyncadd.s32 @!p0 $0xFFFFC000;
	s0 =	sadd.s32 @!p0 $0x20000, s19  }
0xb2: {  	[hbm4b:s0+s13] =	stream.linear.scatter @!p0 [tilespmem:s18], [sflag:$0xA], $0x4000, $0x38;
	[tilespmem:$0x18300] =	vst v63  }
0xb3: {  	s5 =	sadd.s32 $0xFFFFFFE0, s16;
	s16 =	simm.s32 @!p1 $0x180;
	_ =	swait.ge @!p0 [sflag:s2], $0x4000  }
0xb4: {  	s9 =	sadd.s32 @!p2 s15, s8;
	p3 =	sgt.u32 s5, $0x1869;
	[sflag:s2] =	ssyncset.done @!p0 $0x0  }
0xb5: {  	s13 =	sadd.s32 @!p1 s15, s8;
	s0 =	simm.s32 @!p1 $0x0;
	[sflag:s2] =	ssyncadd.s32 @!p0 $0xFFFFC000  }
0xb6: {  	[tilespmem:s0], [sflag:$0x1] =	stream.linear.gather @!p1 [hbm4b:s13+s0], $0x80, $0x38;
	[tilespmem:$0x18300] =	vst v63  }
0xb7: {  	s5 =	sadd.s32 @!p3 s14, s8;
	s2 =	sadd.s32 @!p3 s15, s8;
	s13 =	sadd.s32 @!p1 s14, s8  }
0xb8: {  	[tilespmem:s16], [sflag:$0x1] =	stream.linear.gather @!p1 [hbm4b:s13+s0], $0x80, $0x38;
	[tilespmem:$0x18300] =	vst v63  }
0xb9: {  	s17 =	simm.s32 @!p3 $0x80;
	s15 =	simm.s32 @!p3 $0x0;
	s2 =	sadd.s32 @!p3 $0x200, s2  }
0xba: {  	[tilespmem:s17], [sflag:$0x2] =	stream.linear.gather @!p3 [hbm4b:s2+s15], $0x80, $0x38;
	[tilespmem:$0x18300] =	vst v63  }
0xbb: {  	s18 =	simm.s32 @!p3 $0x200;
	s5 =	sadd.s32 @!p3 $0x200, s5;
	s13 =	simm.s32 @!p2 $0x0  }
0xbc: {  	[tilespmem:s18], [sflag:$0x2] =	stream.linear.gather @!p3 [hbm4b:s5+s15], $0x80, $0x38;
	[tilespmem:$0x18300] =	vst v63  }
0xbd: {  	s2 =	simm.s32 @!p2 $0x100;
	s5 =	sadd.s32 @!p2 $0x400, s9;
	s9 =	sadd.s32 @!p2 s14, s8  }
0xbe: {  	[tilespmem:s2], [sflag:$0x3] =	stream.linear.gather @!p2 [hbm4b:s5+s13], $0x80, $0x38;
	[tilespmem:$0x18300] =	vst v63  }
0xbf: {  	s14 =	simm.s32 @!p1 $0x1;
	s5 =	sadd.s32 @!p2 $0x400, s9;
	s9 =	simm.s32 @!p2 $0x280  }
0xc0: {  	[tilespmem:s9], [sflag:$0x3] =	stream.linear.gather @!p2 [hbm4b:s5+s13], $0x80, $0x38;
	[tilespmem:$0x18300] =	vst v63  }
0xc1: {  	_ =	swait.ge @!p1 [sflag:s14], $0x80  }
0xc2: {  	[sflag:s14] =	ssyncset.done @!p1 $0x0  }
0xc3: {  	[sflag:s14] =	ssyncadd.s32 @!p1 $0xFFFFFF80  }
0xc4: {  	_ =	swait.ge @!p1 [sflag:s14], $0x80  }
0xc5: {  	[sflag:s14] =	ssyncset.done @!p1 $0x0  }
0xc6: {  	s19 =	simm.s32 @!p1 $0x300;
	s5 =	simm.s32 @!p1 $0x80;
	[sflag:s14] =	ssyncadd.s32 @!p1 $0xFFFFFF80  }
0xc7: {  	[tilespmem:s19], [sflag:$0x4] =	stream.indirect.gather @!p1 [hbm4b:s3+s5], $0x80, s0, s5, $0xb8;
	[tilespmem:$0x18300] =	vst v63  }
0xc8: {  	s20 =	simm.s32 @!p3 $0x2;
	s14 =	simm.s32 @!p1 $0xC300  }
0xc9: {  	[tilespmem:s14], [sflag:$0x7] =	stream.indirect.gather @!p1 [hbm4b:s4+s5], $0x80, s16, s5, $0xb8;
	[tilespmem:$0x18300] =	vst v63  }
0xca: {  	_ =	swait.ge @!p3 [sflag:s20], $0x80  }
0xcb: {  	[sflag:s20] =	ssyncset.done @!p3 $0x0  }
0xcc: {  	[sflag:s20] =	ssyncadd.s32 @!p3 $0xFFFFFF80  }
0xcd: {  	_ =	swait.ge @!p3 [sflag:s20], $0x80  }
0xce: {  	[sflag:s20] =	ssyncset.done @!p3 $0x0  }
0xcf: {  	p0 =	por p2, p2;
	s5 =	simm.s32 @!p3 $0x4300;
	[sflag:s20] =	ssyncadd.s32 @!p3 $0xFFFFFF80  }
0xd0: {  	[tilespmem:s5], [sflag:$0x5] =	stream.indirect.gather @!p3 [hbm4b:s3+s17], $0x80, s17, s17, $0xb8;
	[tilespmem:$0x18300] =	vst v63  }
0xd1: {  	s16 =	simm.s32 @!p3 $0x10300;
	s20 =	simm.s32 @!p0 $0x3  }
0xd2: {  	[tilespmem:s16], [sflag:$0x8] =	stream.indirect.gather @!p3 [hbm4b:s4+s17], $0x80, s18, s17, $0xb8;
	[tilespmem:$0x18300] =	vst v63  }
0xd3: {  	_ =	swait.ge @!p0 [sflag:s20], $0x80  }
0xd4: {  	[sflag:s20] =	ssyncset.done @!p0 $0x0  }
0xd5: {  	[sflag:s20] =	ssyncadd.s32 @!p0 $0xFFFFFF80  }
0xd6: {  	_ =	swait.ge @!p0 [sflag:s20], $0x80  }
0xd7: {  	[sflag:s20] =	ssyncset.done @!p0 $0x0  }
0xd8: {  	s17 =	simm.s32 @!p0 $0x80;
	s18 =	simm.s32 @!p0 $0x8300;
	[sflag:s20] =	ssyncadd.s32 @!p0 $0xFFFFFF80  }
0xd9: {  	[tilespmem:s18], [sflag:$0x6] =	stream.indirect.gather @!p0 [hbm4b:s3+s17], $0x80, s2, s17, $0xb8;
	[tilespmem:$0x18300] =	vst v63  }
0xda: {  	s20 =	simm.s32 @!p1 $0x4;
	s2 =	simm.s32 @!p0 $0x14300  }
0xdb: {  	[tilespmem:s2], [sflag:$0x9] =	stream.indirect.gather @!p0 [hbm4b:s4+s17], $0x80, s9, s17, $0xb8;
	[tilespmem:$0x18300] =	vst v63  }
0xdc: {  	_ =	swait.ge @!p1 [sflag:s20], $0x4000  }
0xdd: {  	[sflag:s20] =	ssyncset.done @!p1 $0x0  }
0xde: {  	s9 =	simm.s32 @!p1 $0x7;
	[sflag:s20] =	ssyncadd.s32 @!p1 $0xFFFFC000  }
0xdf: {  	_ =	swait.ge @!p1 [sflag:s9], $0x4000  }
0xe0: {  	[sflag:s9] =	ssyncset.done @!p1 $0x0  }
0xe1: {  	s17 =	sadd.s32 @!p1 s12, s7;
	s20 =	simm.s32 @!p1 $0xB;
	[sflag:s9] =	ssyncadd.s32 @!p1 $0xFFFFC000  }
0xe2: {  	[hbm4b:s17+s0] =	stream.linear.scatter @!p1 [tilespmem:s19], [sflag:$0xB], $0x4000, $0x38;
	[tilespmem:$0x18300] =	vst v63  }
0xe3: {  	_ =	swait.ge @!p1 [sflag:s20], $0x4000  }
0xe4: {  	[sflag:s20] =	ssyncset.done @!p1 $0x0  }
0xe5: {  	s9 =	sadd.s32 @!p1 s12, s6;
	[sflag:s20] =	ssyncadd.s32 @!p1 $0xFFFFC000  }
0xe6: {  	[hbm4b:s9+s0] =	stream.linear.scatter @!p1 [tilespmem:s14], [sflag:$0xB], $0x4000, $0x38;
	[tilespmem:$0x18300] =	vst v63  }
0xe7: {  	_ =	swait.ge @!p1 [sflag:s20], $0x4000  }
0xe8: {  	[sflag:s20] =	ssyncset.done @!p1 $0x0  }
0xe9: {  	s0 =	simm.s32 @!p3 $0x5;
	[sflag:s20] =	ssyncadd.s32 @!p1 $0xFFFFC000  }
0xea: {  	_ =	swait.ge @!p3 [sflag:s0], $0x4000  }
0xeb: {  	[sflag:s0] =	ssyncset.done @!p3 $0x0  }
0xec: {  	s9 =	simm.s32 @!p3 $0x8;
	[sflag:s0] =	ssyncadd.s32 @!p3 $0xFFFFC000  }
0xed: {  	_ =	swait.ge @!p3 [sflag:s9], $0x4000  }
0xee: {  	s0 =	sadd.s32 @!p3 s12, s7;
	[sflag:s9] =	ssyncset.done @!p3 $0x0  }
0xef: {  	s14 =	simm.s32 @!p3 $0xB;
	s0 =	sadd.s32 @!p3 $0x10000, s0;
	[sflag:s9] =	ssyncadd.s32 @!p3 $0xFFFFC000  }
0xf0: {  	[hbm4b:s0+s15] =	stream.linear.scatter @!p3 [tilespmem:s5], [sflag:$0xB], $0x4000, $0x38;
	[tilespmem:$0x18300] =	vst v63  }
0xf1: {  	_ =	swait.ge @!p3 [sflag:s14], $0x4000  }
0xf2: {  	s0 =	sadd.s32 @!p3 s12, s6;
	[sflag:s14] =	ssyncset.done @!p3 $0x0  }
0xf3: {  	s0 =	sadd.s32 @!p3 $0x10000, s0;
	[sflag:s14] =	ssyncadd.s32 @!p3 $0xFFFFC000  }
0xf4: {  	[hbm4b:s0+s15] =	stream.linear.scatter @!p3 [tilespmem:s16], [sflag:$0xB], $0x4000, $0x38;
	[tilespmem:$0x18300] =	vst v63  }
0xf5: {  	_ =	swait.ge @!p3 [sflag:s14], $0x4000  }
0xf6: {  	[sflag:s14] =	ssyncset.done @!p3 $0x0  }
0xf7: {  	s0 =	simm.s32 @!p0 $0x6;
	[sflag:s14] =	ssyncadd.s32 @!p3 $0xFFFFC000  }
0xf8: {  	_ =	swait.ge @!p0 [sflag:s0], $0x4000  }
0xf9: {  	[sflag:s0] =	ssyncset.done @!p0 $0x0  }
0xfa: {  	s5 =	simm.s32 @!p0 $0x9;
	[sflag:s0] =	ssyncadd.s32 @!p0 $0xFFFFC000  }
0xfb: {  	_ =	swait.ge @!p0 [sflag:s5], $0x4000  }
0xfc: {  	s0 =	sadd.s32 @!p2 s12, s7;
	[sflag:s5] =	ssyncset.done @!p0 $0x0  }
0xfd: {  	s9 =	simm.s32 @!p0 $0xB;
	s0 =	sadd.s32 @!p2 $0x20000, s0;
	[sflag:s5] =	ssyncadd.s32 @!p0 $0xFFFFC000  }
0xfe: {  	[hbm4b:s0+s13] =	stream.linear.scatter @!p0 [tilespmem:s18], [sflag:$0xB], $0x4000, $0x38;
	[tilespmem:$0x18300] =	vst v63  }
0xff: {  	_ =	swait.ge @!p0 [sflag:s9], $0x4000  }
0x100: {  	s0 =	sadd.s32 @!p2 s12, s6;
	[sflag:s9] =	ssyncset.done @!p0 $0x0  }
0x101: {  	s5 =	simm.s32 @!p0 $0xA;
	s0 =	sadd.s32 @!p0 $0x20000, s0;
	[sflag:s9] =	ssyncadd.s32 @!p0 $0xFFFFC000  }
0x102: {  	[hbm4b:s0+s13] =	stream.linear.scatter @!p0 [tilespmem:s2], [sflag:$0xA], $0x4000, $0x38;
	[tilespmem:$0x18300] =	vst v63  }
0x103: {  	_ =	swait.ge @!p0 [sflag:s5], $0x4000  }
0x104: {  	s1 =	sadd.s32 $0x1, s1;
	s31 =	rddreg [dreg:$0x3]  }
0x105: {  	p1 =	sne.s32 s1, s31  }
.Ltmp1:
0x106: {  	_ = 	snop;
	(pc) =	sbr.rel @p1 .LBB2_1-.Ltmp1, $3  }
0x107: {  	_ =	sdelay $0x1  }
0x108: {  	[sflag:s5] =	ssyncset.done @!p0 $0x0  }
0x109: {  	[sflag:s5] =	ssyncadd.s32 @!p0 $0xFFFFC000  }
0x10a: {  	_ =	sfence.sel $0x180000  }
0x10b: {  	[bflag:$0x0] =	sbarrier.arrive $0xFFFF  }
0x10c: {  	_ =	strace $0x90000047  }
0x10d: {  	s0 =	stileid.u32;
	[bflag:$0x2] =	sbarrier.arrive $0xFFFF  }
0x10e: {  	p0 =	sne.s32 s0, $0x0;
	s0 =	rddreg [dreg:$0x2]  }
0x10f: {  	s0 =	sadd.s32 @!p0 $0x100000, s0  }
0x110: {  	[sflag:s0] =	ssyncadd.tile.s32 @!p0 $0x1;
	_ =	shalt  }
.Lfunc_end2:
_tile_overlayer_lowered:
.L_overlay_start_2:
0x111: {  	(tag) =	ssettag $0x2  }
0x112: {  	s0 =	rddreg [dreg:$0x0];
	s2 =	stileid.u32  }
0x113: {  	s1 =	rddreg [dreg:$0x1];
	p0 =	sne.s32 s2, $0x0  }
0x114: {  	s3 =	rddreg [dreg:$0x2];
	[bflag:$0x3] =	sbarrier.arrive $0xFFFF;
	s2 =	simm.s32 @!p0 $0x1C0A  }
0x115: {  	[timem:s3], [sflag:s2] =	dma.local @!p0 [hbm:s0], s1  }
0x116: {  	s0 =	simm.s32 @!p0 $0xA  }
0x117: {  	_ =	swait.ge @!p0 [sflag:s0], s1  }
0x118: {  	s1 =	ssub.s32 @!p0 $0x0, s1;
	[sflag:s0] =	ssyncset.done @!p0 $0x0  }
0x119: {  	[sflag:s0] =	ssyncadd.s32 @!p0 s1  }
0x11a: {  	[bflag:$0x3] =	sbarrier.arrive $0xFFFF  }
0x11b: {  	_ =	shalt  }

// kernel: kernel.14.cloned.1.call-start
scs
__scs_entry_jumppad:
0x0: {  	(pc) =	sbr.rel $0x88, $3  }
0x1: {  	(tag) =	ssettag $0x0;
	lr =	simm.s32 $0x1  }
0x2: {  	[smem:$0x3F8D] =	sst lr;
	_ =	strace $0xD0000000  }
0x3: {  	_ = 	snop  }
0x4: {  	_ = 	snop  }
0x5: {  	_ = 	snop  }
0x6: {  	_ = 	snop  }
0x7: {  	_ = 	snop  }
__scs_overlays_trampoline_lowered:
0x8: {  	[smem:$0x3F9C] =	sst s0  }
0x9: {  	[smem:$0x3F9D] =	sst s1  }
0xa: {  	[smem:$0x3F9E] =	sst s2  }
0xb: {  	[smem:$0x3F9F] =	sst s3  }
0xc: {  	[smem:$0x3FA0] =	sst s4  }
0xd: {  	[smem:$0x3FA1] =	sst s5  }
0xe: {  	[smem:$0x3FA2] =	sst s6  }
0xf: {  	[smem:$0x3FA3] =	sst s7  }
0x10: {  	[smem:$0x3FA4] =	sst s8  }
0x11: {  	[smem:$0x3FA5] =	sst s9;
	s0 =	simm.s32 @!p0 $0x0  }
0x12: {  	s1 =	sld [smem:$0x3F8B];
	s0 =	simm.s32 @p0 $0x1  }
0x13: {  	[smem:$0x3FA6] =	sst s0;
	s0 =	simm.s32 @!p1 $0x0  }
0x14: {  	s2 =	sld [smem:$0x3F8A];
	s0 =	simm.s32 @p1 $0x1  }
0x15: {  	[smem:$0x3FA7] =	sst s0;
	s0 =	simm.s32 @!p2 $0x0  }
0x16: {  	s3 =	sld [smem:$0x3FDB];
	s0 =	simm.s32 @p2 $0x1  }
0x17: {  	s4 =	simm.s32 $0x1BF5;
	[smem:$0x3FA9] =	sst s0  }
0x18: {  	s0 =	sld [smem:$0x3F8C];
	_ =	swait.ge [sflag:s4], $0x0  }
0x19: {  	s7 =	sld [smem:$0x3F8D]  }
0x1a: {  	s8 =	sadd.s32 $0xFFFFE003, lr  }
0x1b: {  	s9 =	sadd.s32 $0xFFFFFEF7, lr;
	s5 =	simm.s32 $0xFFFFFFFF;
	p2 =	slt.u32 s8, $0xFFFFF086  }
0x1c: {  	p1 =	slt.u32 s9, $0xF7A;
	s5 =	simm.s32 @!p2 $0x0  }
0x1d: {  	s5 =	simm.s32 @p1 $0x1;
	p0 =	seq.s32 s7, s2  }
0x1e: {  	s7 =	smul.u32 @!p0 $0xF7A, s2;
	p2 =	seq.s32 @!p0 s5, $0x0  }
0x1f: {  	s9 =	smul.u32 $0xF7A, s1;
	s8 =	simm.s32 @!p0 $0x1BF5;
	p2 =	por !p2, p0  }
0x20: {  	[sflag:s8] =	ssyncset.s32 @!p0 $0xFFFFF086;
	s6 =	sadd.s32 @!p0 s3, s7;
	s7 =	simm.s32 @!p0 $0x108  }
0x21: {  	s3 =	sadd.s32 s3, s9;
	s6 =	sadd.s32 @!p0 $0x88, s6;
	s7 =	simm.s32 @p2 $0x1082  }
0x22: {  	[simem:s7], [sflag:s8] =	dma.local @!p0 [hbm:s6], $0xF7A  }
0x23: {  	s9 =	sor.u32 $0xD0000000, s2;
	s6 =	simm.s32 $0x108;
	_ =	swait.ge @!p0 [sflag:s8], $0x0  }
0x24: {  	s3 =	sadd.s32 $0x88, s3;
	s6 =	simm.s32 @!p1 $0x1082;
	[sflag:s4] =	ssyncset.s32 $0xFFFFF086  }
0x25: {  	[simem:s6], [sflag:s4] =	dma.local [hbm:s3], $0xF7A  }
0x26: {  	[smem:$0x3F8D] =	sst s1;
	(tag) =	ssettag s2;
	_ =	strace s9  }
0x27: {  	s1 =	sld [smem:$0x3F9D]  }
0x28: {  	s2 =	sld [smem:$0x3F9E]  }
0x29: {  	s4 =	sld [smem:$0x3FA0]  }
0x2a: {  	p0 =	seq.s32 s5, $0x0;
	s5 =	sld [smem:$0x3FA1]  }
0x2b: {  	s6 =	sld [smem:$0x3FA2]  }
0x2c: {  	s7 =	sld [smem:$0x3FA3]  }
0x2d: {  	s3 =	simm.s32 $0x108;
	s8 =	sld [smem:$0x3FA4]  }
0x2e: {  	s3 =	simm.s32 @!p0 $0x1082;
	s9 =	sld [smem:$0x3FA5]  }
0x2f: {  	lr =	sadd.s32 s0, s3;
	s0 =	sld [smem:$0x3F9C]  }
0x30: {  	s3 =	sld [smem:$0x3F9F]  }
0x31: {  	[smem:$0x3FA8] =	sst s10  }
0x32: {  	s10 =	sld [smem:$0x3FA6];
	_ =	sdelay $0x3  }
0x33: {  	p0 =	seq.s32 s10, $0x1;
	s10 =	sld [smem:$0x3FA8];
	_ =	sdelay $0x3  }
0x34: {  	[smem:$0x3FA8] =	sst s10  }
0x35: {  	s10 =	sld [smem:$0x3FA7];
	_ =	sdelay $0x3  }
0x36: {  	p1 =	seq.s32 s10, $0x1;
	s10 =	sld [smem:$0x3FA8];
	_ =	sdelay $0x3  }
0x37: {  	[smem:$0x3FA8] =	sst s10  }
0x38: {  	s10 =	sld [smem:$0x3FA9]  }
0x39: {  	_ = 	snop;
	(pc) =	sbr.ind lr, $3  }
0x3a: {  	_ = 	snop  }
0x3b: {  	_ = 	snop  }
0x3c: {  	p2 =	seq.s32 s10, $0x1;
	s10 =	sld [smem:$0x3FA8]  }
0x3d: {  	_ =	shalt  }
0x3e: {  	_ =	shalt  }
0x3f: {  	_ =	shalt  }
0x40: {  	_ =	shalt  }
0x41: {  	_ =	shalt  }
0x42: {  	_ =	shalt  }
0x43: {  	_ =	shalt  }
0x44: {  	_ =	shalt  }
0x45: {  	_ =	shalt  }
0x46: {  	_ =	shalt  }
0x47: {  	_ =	shalt  }
0x48: {  	_ =	shalt  }
0x49: {  	_ =	shalt  }
0x4a: {  	_ =	shalt  }
0x4b: {  	_ =	shalt  }
0x4c: {  	_ =	shalt  }
0x4d: {  	_ =	shalt  }
0x4e: {  	_ =	shalt  }
0x4f: {  	_ =	shalt  }
0x50: {  	_ =	shalt  }
0x51: {  	_ =	shalt  }
0x52: {  	_ =	shalt  }
0x53: {  	_ =	shalt  }
0x54: {  	_ =	shalt  }
0x55: {  	_ =	shalt  }
0x56: {  	_ =	shalt  }
0x57: {  	_ =	shalt  }
0x58: {  	_ =	shalt  }
0x59: {  	_ =	shalt  }
0x5a: {  	_ =	shalt  }
0x5b: {  	_ =	shalt  }
0x5c: {  	_ =	shalt  }
0x5d: {  	_ =	shalt  }
0x5e: {  	_ =	shalt  }
0x5f: {  	_ =	shalt  }
0x60: {  	_ =	shalt  }
0x61: {  	_ =	shalt  }
0x62: {  	_ =	shalt  }
0x63: {  	_ =	shalt  }
0x64: {  	_ =	shalt  }
0x65: {  	_ =	shalt  }
0x66: {  	_ =	shalt  }
0x67: {  	_ =	shalt  }
0x68: {  	_ =	shalt  }
0x69: {  	_ =	shalt  }
0x6a: {  	_ =	shalt  }
0x6b: {  	_ =	shalt  }
0x6c: {  	_ =	shalt  }
0x6d: {  	_ =	shalt  }
0x6e: {  	_ =	shalt  }
0x6f: {  	_ =	shalt  }
0x70: {  	_ =	shalt  }
0x71: {  	_ =	shalt  }
0x72: {  	_ =	shalt  }
0x73: {  	_ =	shalt  }
0x74: {  	_ =	shalt  }
0x75: {  	_ =	shalt  }
0x76: {  	_ =	shalt  }
0x77: {  	_ =	shalt  }
0x78: {  	_ =	shalt  }
0x79: {  	_ =	shalt  }
0x7a: {  	_ =	shalt  }
0x7b: {  	_ =	shalt  }
0x7c: {  	_ =	shalt  }
0x7d: {  	_ =	shalt  }
0x7e: {  	_ =	shalt  }
0x7f: {  	_ =	shalt  }
0x80: {  	_ =	shalt  }
0x81: {  	_ =	shalt  }
0x82: {  	_ =	shalt  }
0x83: {  	_ =	shalt  }
0x84: {  	_ =	shalt  }
0x85: {  	_ =	shalt  }
0x86: {  	_ =	shalt  }
0x87: {  	_ =	shalt  }
.Lfunc_end0:
.L_simem_size_0:
called_computation.1_lowered:
.L_overlay_start_0:
0x88: {  	s2 =	sld [smem:$0x3FD9]  }
0x89: {  	s3 =	sld [smem:$0x3FFE];
	_ =	sdelay $0x1  }
0x8a: {  	s1 =	srdreg.scid  }
0x8b: {  	s0 =	sand.u32 $0x1, s1  }
0x8c: {  	s17 =	sshll.u32 s0, $0xA;
	s2 =	sadd.s32 s3, s2  }
0x8d: {  	s2 =	sadd.s32 s2, s17  }
0x8e: {  	[smem:$0x3FB4] =	sst s2  }
0x8f: {  	_ = 	snop  }
0x90: {  	s2 =	sld [smem:$0x3FD0];
	(tm) =	ssettm $0x1  }
0x91: {  	s18 =	sld [smem:$0x3FFB];
	_ =	sdelay $0x3  }
0x92: {  	_ =	strace s18  }
0x93: {  	s3 =	sld [smem:$0x3FFC];
	_ =	sdelay $0x3  }
0x94: {  	_ =	strace s3  }
0x95: {  	s3 =	sld [smem:$0x3FFD];
	_ =	sdelay $0x3  }
0x96: {  	_ =	strace s3  }
0x97: {  	_ =	strace $0x8FFFFFFF  }
0x98: {  	s19 =	sld [smem:$0x3FDB];
	_ =	sdelay $0x1  }
0x99: {  	s4 =	simm.s32 $_scs_section_size  }
0x9a: {  	s5 =	simm.s32 $_size__tile_overlayer_lowered;
	s6 =	simm.s32 $_tile_overlayer_lowered  }
0x9b: {  	s22 =	simm.s32 $0x1BFF;
	s21 =	sshll.u32 s6, $0x1;
	s3 =	sadd.s32 s4, s19  }
0x9c: {  	s7 =	simm.s32 $0x0;
	s20 =	sshll.u32 s5, $0x1;
	s5 =	sadd.s32 s21, s3  }
0x9d: {  	[timem:s7], [sflag:s22] =	dma.local [hbm:s5], s20  }
0x9e: {  	_ =	swait.ge [sflag:s22], s20  }
0x9f: {  	s4 =	ssub.s32 $0x0, s20;
	[sflag:s22] =	ssyncset.done $0x0  }
0xa0: {  	[sflag:s22] =	ssyncadd.s32 s4;
	_ =	sdelay $0x1  }
0xa1: {  	s23 =	simm.s32 $0x1B8B  }
0xa2: {  	_ =	swait.ge [sflag:s23], $0x1  }
0xa3: {  	[sflag:s23] =	ssyncset.done $0x0  }
0xa4: {  	s25 =	simm.s32 $0x1B8E;
	s24 =	sld [smem:$0x3FFE];
	[sflag:s23] =	ssyncadd.s32 $0xFFFFFFFF  }
0xa5: {  	s26 =	simm.s32 $execute0_lowered;
	[smem:$0x3FD2] =	sst s25  }
0xa6: {  	s5 =	sshll.u32 s26, $0x1;
	_ =	strace $0x80000049;
	[dreg:$0x1] =	wrdreg $0xFFFFFFFF  }
0xa7: {  	s28 =	simm.s32 $_size_execute0_lowered;
	s3 =	sadd.s32 s3, s5;
	[dreg:$0x0] =	wrdreg $0x0  }
0xa8: {  	s5 =	sshll.u32 s28, $0x1;
	[dreg:$0x2] =	wrdreg s3  }
0xa9: {  	[dreg:$0x3] =	wrdreg s5  }
0xaa: {  	[dreg:$0x4] =	wrdreg $0xC0  }
0xab: {  	_ =	task [dreg:s7], $0x5FFFF  }
0xac: {  	[dreg:$0x1] =	wrdreg $0xFFFFFFFF  }
0xad: {  	[dreg:$0x0] =	wrdreg $0x60  }
0xae: {  	[dreg:$0x2] =	wrdreg s24  }
0xaf: {  	[dreg:$0x3] =	wrdreg s2  }
0xb0: {  	[dreg:$0x4] =	wrdreg $0x41000  }
0xb1: {  	[dreg:$0x5] =	wrdreg $0x9  }
0xb2: {  	_ =	task.clear_ibuf [dreg:s7], $0x6FFFF;
	_ =	strace $0x90000049  }
0xb3: {  	s29 =	simm.s32 $0x9;
	_ =	strace $0x8000004B  }
0xb4: {  	_ =	swait.ge [sflag:s29], $0x1  }
0xb5: {  	[sflag:s29] =	ssyncadd.s32 $0xFFFFFFFF  }
0xb6: {  	_ =	strace $0x9000004B  }
0xb7: {  	_ =	sfence  }
0xb8: {  	s30 =	sld [smem:$0x0];
	_ =	sdelay $0x2  }
0xb9: {  	s31 =	sshll.u32 s1, $0xD;
	s1 =	sshrl.u32 s1, $0x2  }
0xba: {  	s3 =	sand.u32 $0x4000, s31;
	s1 =	sadd.s32 s1, s30  }
0xbb: {  	s0 =	sor.u32 s3, s0;
	s1 =	sshll.u32 s1, $0x11  }
0xbc: {  	s0 =	sor.u32 s1, s0  }
0xbd: {  	s0 =	sadd.s32 $0x8F2B, s0  }
0xbe: {  	[sflag:s0] =	ssyncadd.remote.s32 $0x1  }
0xbf: {  	_ =	sfence.sel $0xFFFF  }
0xc0: {  	[dreg:$0x0] =	wrdreg $0xFFFFFFFF;
	(pc) =	sbr.abs _section_cstart, $3  }
0xc1: {  	[dreg:$0x1] =	wrdreg $0xFFFFFFFF  }
0xc2: {  	_ =	task.clear_ibuf [dreg:s7], $0x2FFFF;
	_ =	strace $0x9FFFFFFF  }
0xc3: {  	(tm) =	ssettm $0x7FFFFFFF  }
tec
execute0_lowered:
.L_overlay_start_1:
0x0: {  	(tag) =	ssettag $0x1  }
0x1: {  	s1 =	srdreg.scid;
	s3 =	rddreg [dreg:$0x0]  }
0x2: {  	s0 =	simm.s32 $0x0;
	s19 =	rddreg [dreg:$0x1];
	s2 =	sand.u32 $0x1, s1  }
0x3: {  	[smem:$0x7FF] =	sst s0;
	s4 =	smul.u32 $0x61C0, s2  }
0x4: {  	s1 =	stileid.u32;
	s7 =	sadd.s32 $0x1E800, s3;
	s6 =	smul.u32 $0x30E000, s2  }
0x5: {  	s2 =	ssub.s32 $0x2, s2;
	s20 =	sor.u32 $0x10, s1;
	s22 =	sor.u32 $0x20, s1  }
0x6: {  	s26 =	sor.u32 $0x30, s1;
	s28 =	sor.u32 $0x40, s1;
	s29 =	sor.u32 $0x50, s1  }
0x7: {  	s21 =	sshll.u32 s1, $0x4;
	p1 =	sne.s32 s1, $0x0;
	s8 =	sshrl.u32 s2, $0x1  }
0x8: {  	s14 =	sshll.u32 s20, $0xE;
	s15 =	sshll.u32 s22, $0xE;
	s16 =	sshll.u32 s26, $0xE  }
0x9: {  	s17 =	sshll.u32 s28, $0xE;
	s18 =	sshll.u32 s29, $0xE;
	s21 =	sadd.s32 s21, s19  }
0xa: {  	s20 =	sshll.u32 s20, $0xB;
	s22 =	sshll.u32 s22, $0xB;
	s5 =	sadd.s32 $0x30E0, s4  }
0xb: {  	s9 =	sshrl.u32 s6, $0x3;
	s12 =	ssub.s32 s2, s8;
	s24 =	sadd.s32 s6, s14  }
0xc: {  	s11 =	sadd.s32 s6, s15;
	s13 =	sadd.s32 s6, s16;
	v0 =	vmov s4;
	s4 =	simm.s32 $0x2  }
0xd: {  	s10 =	sshll.u32 s5, $0x4;
	s9 =	sadd.s32 s7, s9;
	s25 =	sshrl.u32 s11, $0x3  }
0xe: {  	s31 =	sshrl.u32 s13, $0x3;
	s13 =	sadd.s32 s6, s17;
	v1 =	vmov s5;
	s5 =	simm.s32 $0x3  }
0xf: {  	s2 =	sadd.s32 s7, s10;
	s10 =	sshll.u32 s1, $0xE;
	s11 =	sadd.s32 s7, s31  }
0x10: {  	s31 =	sadd.s32 $0x30800, s9;
	s23 =	sadd.s32 s6, s10;
	[dreg:$0x7] =	wrdreg s11  }
0x11: {  	s6 =	sadd.s32 s6, s18;
	s11 =	sadd.s32 $0x1E000, s3;
	s8 =	sshrl.u32 s23, $0x3  }
0x12: {  	s30 =	sadd.s32 $0x30000, s2;
	s6 =	sshrl.u32 s6, $0x3;
	s8 =	sadd.s32 s7, s8  }
0x13: {  	s23 =	sshll.u32 s1, $0xB;
	s6 =	sadd.s32 s7, s6;
	[dreg:$0x4] =	wrdreg s8  }
0x14: {  	s8 =	sshrl.u32 s24, $0x3;
	[dreg:$0x9] =	wrdreg s6;
	s24 =	smax.u32 s12, $0x1  }
0x15: {  	s12 =	sadd.s32 $0x30000, s9;
	s6 =	sadd.s32 s23, s2;
	s8 =	sadd.s32 s7, s8  }
0x16: {  	[dreg:$0x5] =	wrdreg s8;
	s8 =	sadd.s32 s7, s25;
	s25 =	sor.u32 $0x60, s1  }
0x17: {  	[dreg:$0x6] =	wrdreg s8;
	s8 =	sshrl.u32 s13, $0x3;
	p0 =	sgt.u32 s25, $0x61  }
0x18: {  	s8 =	sadd.s32 s7, s8;
	s7 =	sadd.s32 s23, s3;
	s3 =	sshll.u32 s25, $0xE  }
0x19: {  	s25 =	sadd.s32 s22, s2;
	s23 =	sshll.u32 s26, $0xB;
	[dreg:$0x8] =	wrdreg s8  }
0x1a: {  	s8 =	rddreg [dreg:$0x2];
	s26 =	sadd.s32 s23, s2;
	_ =	strace $0x8000004A  }
0x1b: {  	[dreg:$0xa] =	wrdreg s24;
	s13 =	sadd.s32 s10, s8;
	s14 =	sadd.s32 s14, s8  }
0x1c: {  	s15 =	sadd.s32 s15, s8;
	s16 =	sadd.s32 s16, s8;
	[dreg:$0xb] =	wrdreg s31  }
0x1d: {  	s17 =	sadd.s32 s17, s8;
	s18 =	sadd.s32 s18, s8;
	[dreg:$0xd] =	wrdreg s12  }
0x1e: {  	s19 =	sadd.s32 s3, s8;
	s10 =	sadd.s32 $0x61600, s9;
	[dreg:$0xe] =	wrdreg s6  }
0x1f: {  	s3 =	sadd.s32 s20, s2;
	s24 =	sshll.u32 s28, $0xB;
	s31 =	sshll.u32 s29, $0xB  }
0x20: {  	s20 =	sadd.s32 $0x1AD2600, s7;
	s6 =	sadd.s32 $0x184000, s8;
	[dreg:$0xc] =	wrdreg s10  }
0x21: {  	s7 =	simm.s32 $0x0;
	[dreg:$0xf] =	wrdreg s3;
	s28 =	sadd.s32 s24, s2  }
0x22: {  	s29 =	sadd.s32 s31, s2;
	s2 =	sadd.s32 $0x180000, s8;
	s3 =	simm.s32 $0x100  }
.LBB2_1:
0x23: {  	[tilespmem:s3], [sflag:$0x2] =	stream.linear.gather [hbm4b:s11+s0], $0x4000, $0x38;
	[tilespmem:$0x1C900] =	vst v63  }
0x24: {  	_ =	swait.ge [sflag:s4], $0x4000  }
0x25: {  	[sflag:s4] =	ssyncset.done $0x0  }
0x26: {  	[sflag:s4] =	ssyncadd.s32 $0xFFFFC000  }
0x27: {  	[spmem:s13] =	stream.linear.scatter [tilespmem:s3], [sflag:$0x2], $0x4000, $0x38;
	[tilespmem:$0x1C900] =	vst v63  }
0x28: {  	_ =	swait.ge [sflag:s4], $0x4000  }
0x29: {  	[sflag:s4] =	ssyncset.done $0x0  }
0x2a: {  	[sflag:s4] =	ssyncadd.s32 $0xFFFFC000  }
0x2b: {  	[spmem:s14] =	stream.linear.scatter [tilespmem:s3], [sflag:$0x2], $0x4000, $0x38;
	[tilespmem:$0x1C900] =	vst v63  }
0x2c: {  	_ =	swait.ge [sflag:s4], $0x4000  }
0x2d: {  	[sflag:s4] =	ssyncset.done $0x0  }
0x2e: {  	[sflag:s4] =	ssyncadd.s32 $0xFFFFC000  }
0x2f: {  	[spmem:s15] =	stream.linear.scatter [tilespmem:s3], [sflag:$0x2], $0x4000, $0x38;
	[tilespmem:$0x1C900] =	vst v63  }
0x30: {  	_ =	swait.ge [sflag:s4], $0x4000  }
0x31: {  	[sflag:s4] =	ssyncset.done $0x0  }
0x32: {  	[sflag:s4] =	ssyncadd.s32 $0xFFFFC000  }
0x33: {  	[spmem:s16] =	stream.linear.scatter [tilespmem:s3], [sflag:$0x2], $0x4000, $0x38;
	[tilespmem:$0x1C900] =	vst v63  }
0x34: {  	_ =	swait.ge [sflag:s4], $0x4000  }
0x35: {  	[sflag:s4] =	ssyncset.done $0x0  }
0x36: {  	[sflag:s4] =	ssyncadd.s32 $0xFFFFC000  }
0x37: {  	[spmem:s17] =	stream.linear.scatter [tilespmem:s3], [sflag:$0x2], $0x4000, $0x38;
	[tilespmem:$0x1C900] =	vst v63  }
0x38: {  	_ =	swait.ge [sflag:s4], $0x4000  }
0x39: {  	[sflag:s4] =	ssyncset.done $0x0  }
0x3a: {  	[sflag:s4] =	ssyncadd.s32 $0xFFFFC000  }
0x3b: {  	[spmem:s18] =	stream.linear.scatter [tilespmem:s3], [sflag:$0x2], $0x4000, $0x38;
	[tilespmem:$0x1C900] =	vst v63  }
0x3c: {  	_ =	swait.ge [sflag:s4], $0x4000  }
0x3d: {  	[sflag:s4] =	ssyncset.done $0x0  }
0x3e: {  	s9 =	simm.s32 @!p0 $0x100;
	[sflag:s4] =	ssyncadd.s32 $0xFFFFC000  }
0x3f: {  	[spmem:s19] =	stream.linear.scatter @!p0 [tilespmem:s9], [sflag:$0x2], $0x4000, $0x38;
	[tilespmem:$0x1C900] =	vst v63  }
0x40: {  	s9 =	simm.s32 @!p0 $0x2  }
0x41: {  	_ =	swait.ge @!p0 [sflag:s9], $0x4000  }
0x42: {  	s10 =	sadd.s32 $0x0, s1;
	[sflag:s9] =	ssyncset.done @!p0 $0x0  }
0x43: {  	p3 =	sgt.u32 s10, $0x1869;
	[sflag:s9] =	ssyncadd.s32 @!p0 $0xFFFFC000  }
0x44: {  	s10 =	simm.s32 @!p3 $0x0;
	s9 =	simm.s32 @!p3 $0x100;
	[bflag:$0x0] =	sbarrier.arrive $0xFFFF  }
0x45: {  	[tilespmem:s9], [sflag:$0x1] =	stream.linear.gather @!p3 [hbm4b:s20+s10], $0x4000, $0x38;
	[tilespmem:$0x1C900] =	vst v63  }
0x46: {  	s12 =	simm.s32 @!p3 $0x3;
	p2 =	por p3, p3  }
0x47: {  	[tilespmem:s10], [sflag:$0x3] =	stream.linear.gather @!p2 [hbm4b:s21+s10], $0x80, $0x38;
	[tilespmem:$0x1C900] =	vst v63  }
0x48: {  	_ =	swait.ge @!p2 [sflag:s12], $0x80  }
0x49: {  	[sflag:s12] =	ssyncset.done @!p2 $0x0  }
0x4a: {  	[sflag:s12] =	ssyncadd.s32 @!p2 $0xFFFFFF80  }
0x4b: {  	v2 =	vld @!p2 [tilespmem:$0x70]  }
0x4c: {  	v3 =	vld @!p2 [tilespmem:$0x60]  }
0x4d: {  	v4 =	vld @!p2 [tilespmem:$0x30]  }
0x4e: {  	v5 =	vld @!p2 [tilespmem:$0x20]  }
0x4f: {  	v6 =	vld @!p2 [tilespmem:$0x10]  }
0x50: {  	v7 =	vld @!p2 [tilespmem:$0x40];
	v2 =	vsub.s32 @!p2 v2, v0  }
0x51: {  	v8 =	vld @!p2 [tilespmem:$0x0];
	v3 =	vsub.s32 @!p2 v3, v0;
	v2 =	vmin.u32 @!p2 v2, $0x30E0  }
0x52: {  	v9 =	vld @!p2 [tilespmem:$0x50];
	v4 =	vsub.s32 @!p2 v4, v0;
	v3 =	vmin.u32 @!p2 v3, $0x30E0;
	[tilespmem:$0xF0] =	vst @!p2 v2  }
0x53: {  	v4 =	vmin.u32 @!p2 v4, $0x30E0;
	v2 =	vsub.s32 @!p2 v5, v0;
	[tilespmem:$0xE0] =	vst @!p2 v3  }
0x54: {  	v3 =	vsub.s32 @!p2 v6, v0;
	[tilespmem:$0xB0] =	vst @!p2 v4;
	v2 =	vmin.u32 @!p2 v2, $0x30E0  }
0x55: {  	v3 =	vmin.u32 @!p2 v3, $0x30E0;
	[tilespmem:$0xA0] =	vst @!p2 v2;
	v2 =	vsub.s32 @!p2 v7, v0  }
0x56: {  	v4 =	vsub.s32 @!p2 v8, v0;
	[tilespmem:$0x90] =	vst @!p2 v3;
	v2 =	vmin.u32 @!p2 v2, $0x30E0  }
0x57: {  	s31 =	smov.u32 s20;
	v3 =	vmin.u32 @!p2 v4, $0x30E0;
	[tilespmem:$0xC0] =	vst @!p2 v2;
	v2 =	vsub.s32 @!p2 v9, v0  }
0x58: {  	s22 =	simm.s32 @!p3 $0x1;
	s10 =	smov.u32 s21;
	s12 =	simm.s32 $0x10;
	[tilespmem:$0x80] =	vst @!p2 v3;
	v2 =	vmin.u32 @!p2 v2, $0x30E0  }
.LBB2_2:
0x59: {  	s31 =	sadd.s32 $0x8000, s31  }
0x5a: {  	[tilespmem:$0xD0] =	vst @!p2 v2;
	s10 =	sadd.s32 $0x100, s10;
	s23 =	smov.u32 s12;
	s12 =	sadd.s32 $0x10, s12  }
0x5b: {  	p3 =	sne.s32 s12, $0x1870;
	_ =	swait.ge @!p2 [sflag:s22], $0x4000  }
0x5c: {  	[sflag:s22] =	ssyncset.done @!p2 $0x0  }
0x5d: {  	s24 =	simm.s32 @!p2 $0x2;
	[sflag:s22] =	ssyncadd.s32 @!p2 $0xFFFFC000;
	s22 =	simm.s32 @!p2 $0x80  }
0x5e: {  	[spmem:s8] =	stream.indirect.scatter.add.f32 @!p2 [tilespmem:s9], [sflag:$0x2], $0x80, s22, s22, $0xb8;
	[tilespmem:$0x1C900] =	vst v63  }
0x5f: {  	s9 =	sadd.s32 s23, s1;
	_ =	swait.ge @!p2 [sflag:s24], $0x4000  }
0x60: {  	p4 =	sgt.u32 s9, $0x1869;
	[sflag:s24] =	ssyncset.done @!p2 $0x0  }
0x61: {  	s23 =	simm.s32 @!p4 $0x0;
	s9 =	simm.s32 @!p4 $0x100;
	[sflag:s24] =	ssyncadd.s32 @!p2 $0xFFFFC000  }
0x62: {  	[tilespmem:s9], [sflag:$0x1] =	stream.linear.gather @!p4 [hbm4b:s31+s23], $0x4000, $0x38;
	[tilespmem:$0x1C900] =	vst v63  }
0x63: {  	s22 =	simm.s32 @!p4 $0x1;
	s24 =	simm.s32 @!p4 $0x3;
	p2 =	por p4, p4  }
0x64: {  	[tilespmem:s23], [sflag:$0x3] =	stream.linear.gather @!p2 [hbm4b:s10+s23], $0x80, $0x38;
	[tilespmem:$0x1C900] =	vst v63  }
0x65: {  	_ =	swait.ge @!p2 [sflag:s24], $0x80  }
0x66: {  	[sflag:s24] =	ssyncset.done @!p2 $0x0  }
0x67: {  	[sflag:s24] =	ssyncadd.s32 @!p2 $0xFFFFFF80  }
0x68: {  	v2 =	vld @!p2 [tilespmem:$0x70]  }
0x69: {  	v3 =	vld @!p2 [tilespmem:$0x60]  }
0x6a: {  	v4 =	vld @!p2 [tilespmem:$0x30]  }
0x6b: {  	v5 =	vld @!p2 [tilespmem:$0x20]  }
0x6c: {  	v6 =	vld @!p2 [tilespmem:$0x10]  }
0x6d: {  	v7 =	vld @!p2 [tilespmem:$0x40];
	v2 =	vsub.s32 @!p2 v2, v0  }
0x6e: {  	v8 =	vld @!p2 [tilespmem:$0x0];
	v3 =	vsub.s32 @!p2 v3, v0;
	v2 =	vmin.u32 @!p2 v2, $0x30E0  }
0x6f: {  	v4 =	vsub.s32 @!p2 v4, v0;
	v9 =	vld @!p2 [tilespmem:$0x50];
	v3 =	vmin.u32 @!p2 v3, $0x30E0;
	[tilespmem:$0xF0] =	vst @!p2 v2  }
0x70: {  	v2 =	vsub.s32 @!p2 v5, v0;
	v4 =	vmin.u32 @!p2 v4, $0x30E0;
	[tilespmem:$0xE0] =	vst @!p2 v3  }
.Ltmp0:
0x71: {  	v3 =	vsub.s32 @!p2 v6, v0;
	v2 =	vmin.u32 @!p2 v2, $0x30E0;
	[tilespmem:$0xB0] =	vst @!p2 v4;
	(pc) =	sbr.rel @p3 .LBB2_2-.Ltmp0, $4  }
0x72: {  	v3 =	vmin.u32 @!p2 v3, $0x30E0;
	[tilespmem:$0xA0] =	vst @!p2 v2;
	v2 =	vsub.s32 @!p2 v7, v0  }
0x73: {  	v4 =	vsub.s32 @!p2 v8, v0;
	[tilespmem:$0x90] =	vst @!p2 v3;
	v2 =	vmin.u32 @!p2 v2, $0x30E0  }
0x74: {  	v3 =	vmin.u32 @!p2 v4, $0x30E0;
	[tilespmem:$0xC0] =	vst @!p2 v2;
	v2 =	vsub.s32 @!p2 v9, v0  }
0x75: {  	[tilespmem:$0x80] =	vst @!p2 v3;
	v2 =	vmin.u32 @!p2 v2, $0x30E0  }
0x76: {  	[tilespmem:$0xD0] =	vst @!p2 v2  }
0x77: {  	_ =	swait.ge @!p2 [sflag:s22], $0x4000  }
0x78: {  	[sflag:s22] =	ssyncset.done @!p2 $0x0  }
0x79: {  	s10 =	simm.s32 @!p2 $0x80;
	s12 =	simm.s32 @!p2 $0x2;
	[sflag:s22] =	ssyncadd.s32 @!p2 $0xFFFFC000  }
0x7a: {  	[spmem:s8] =	stream.indirect.scatter.add.f32 @!p2 [tilespmem:s9], [sflag:$0x2], $0x80, s10, s10, $0xb8;
	[tilespmem:$0x1C900] =	vst v63  }
0x7b: {  	_ =	swait.ge @!p2 [sflag:s12], $0x4000  }
0x7c: {  	[sflag:s12] =	ssyncset.done @!p2 $0x0  }
0x7d: {  	[sflag:s12] =	ssyncadd.s32 @!p2 $0xFFFFC000  }
0x7e: {  	[bflag:$0x0] =	sbarrier.arrive $0xFFFF  }
0x7f: {  	[tilespmem:s3], [sflag:$0x3] =	stream.linear.gather [spmem:s13], $0x4000, $0x38;
	[tilespmem:$0x1C900] =	vst v63  }
0x80: {  	_ =	swait.ge [sflag:s5], $0x4000  }
0x81: {  	[sflag:s5] =	ssyncset.done $0x0  }
0x82: {  	s23 =	rddreg [dreg:$0x4];
	[sflag:s5] =	ssyncadd.s32 $0xFFFFC000  }
0x83: {  	[hbm4b:s23+s0] =	stream.linear.scatter [tilespmem:s3], [sflag:$0x2], $0x4000, $0x38;
	[tilespmem:$0x1C900] =	vst v63  }
0x84: {  	_ =	swait.ge [sflag:s4], $0x4000  }
0x85: {  	[sflag:s4] =	ssyncset.done $0x0  }
0x86: {  	[sflag:s4] =	ssyncadd.s32 $0xFFFFC000  }
0x87: {  	[tilespmem:s3], [sflag:$0x3] =	stream.linear.gather [spmem:s14], $0x4000, $0x38;
	[tilespmem:$0x1C900] =	vst v63  }
0x88: {  	_ =	swait.ge [sflag:s5], $0x4000  }
0x89: {  	[sflag:s5] =	ssyncset.done $0x0  }
0x8a: {  	s24 =	rddreg [dreg:$0x5];
	[sflag:s5] =	ssyncadd.s32 $0xFFFFC000  }
0x8b: {  	[hbm4b:s24+s0] =	stream.linear.scatter [tilespmem:s3], [sflag:$0x2], $0x4000, $0x38;
	[tilespmem:$0x1C900] =	vst v63  }
0x8c: {  	_ =	swait.ge [sflag:s4], $0x4000  }
0x8d: {  	[sflag:s4] =	ssyncset.done $0x0  }
0x8e: {  	[sflag:s4] =	ssyncadd.s32 $0xFFFFC000  }
0x8f: {  	[tilespmem:s3], [sflag:$0x3] =	stream.linear.gather [spmem:s15], $0x4000, $0x38;
	[tilespmem:$0x1C900] =	vst v63  }
0x90: {  	_ =	swait.ge [sflag:s5], $0x4000  }
0x91: {  	[sflag:s5] =	ssyncset.done $0x0  }
0x92: {  	s10 =	rddreg [dreg:$0x6];
	[sflag:s5] =	ssyncadd.s32 $0xFFFFC000  }
0x93: {  	[hbm4b:s10+s0] =	stream.linear.scatter [tilespmem:s3], [sflag:$0x2], $0x4000, $0x38;
	[tilespmem:$0x1C900] =	vst v63  }
0x94: {  	_ =	swait.ge [sflag:s4], $0x4000  }
0x95: {  	[sflag:s4] =	ssyncset.done $0x0  }
0x96: {  	[sflag:s4] =	ssyncadd.s32 $0xFFFFC000  }
0x97: {  	[tilespmem:s3], [sflag:$0x3] =	stream.linear.gather [spmem:s16], $0x4000, $0x38;
	[tilespmem:$0x1C900] =	vst v63  }
0x98: {  	_ =	swait.ge [sflag:s5], $0x4000  }
0x99: {  	[sflag:s5] =	ssyncset.done $0x0  }
0x9a: {  	s12 =	rddreg [dreg:$0x7];
	[sflag:s5] =	ssyncadd.s32 $0xFFFFC000  }
0x9b: {  	[hbm4b:s12+s0] =	stream.linear.scatter [tilespmem:s3], [sflag:$0x2], $0x4000, $0x38;
	[tilespmem:$0x1C900] =	vst v63  }
0x9c: {  	_ =	swait.ge [sflag:s4], $0x4000  }
0x9d: {  	[sflag:s4] =	ssyncset.done $0x0  }
0x9e: {  	[sflag:s4] =	ssyncadd.s32 $0xFFFFC000  }
0x9f: {  	[tilespmem:s3], [sflag:$0x3] =	stream.linear.gather [spmem:s17], $0x4000, $0x38;
	[tilespmem:$0x1C900] =	vst v63  }
0xa0: {  	_ =	swait.ge [sflag:s5], $0x4000  }
0xa1: {  	[sflag:s5] =	ssyncset.done $0x0  }
0xa2: {  	s22 =	rddreg [dreg:$0x8];
	[sflag:s5] =	ssyncadd.s32 $0xFFFFC000  }
0xa3: {  	[hbm4b:s22+s0] =	stream.linear.scatter [tilespmem:s3], [sflag:$0x2], $0x4000, $0x38;
	[tilespmem:$0x1C900] =	vst v63  }
0xa4: {  	_ =	swait.ge [sflag:s4], $0x4000  }
0xa5: {  	[sflag:s4] =	ssyncset.done $0x0  }
0xa6: {  	[sflag:s4] =	ssyncadd.s32 $0xFFFFC000  }
0xa7: {  	[tilespmem:s3], [sflag:$0x3] =	stream.linear.gather [spmem:s18], $0x4000, $0x38;
	[tilespmem:$0x1C900] =	vst v63  }
0xa8: {  	_ =	swait.ge [sflag:s5], $0x4000  }
0xa9: {  	[sflag:s5] =	ssyncset.done $0x0  }
0xaa: {  	s23 =	rddreg [dreg:$0x9];
	[sflag:s5] =	ssyncadd.s32 $0xFFFFC000  }
0xab: {  	[hbm4b:s23+s0] =	stream.linear.scatter [tilespmem:s3], [sflag:$0x2], $0x4000, $0x38;
	[tilespmem:$0x1C900] =	vst v63  }
0xac: {  	_ =	swait.ge [sflag:s4], $0x4000  }
0xad: {  	[sflag:s4] =	ssyncset.done $0x0  }
0xae: {  	s9 =	simm.s32 @!p1 $0x100;
	s10 =	simm.s32 @!p1 $0x3;
	[sflag:s4] =	ssyncadd.s32 $0xFFFFC000  }
0xaf: {  	[tilespmem:s9], [sflag:$0x3] =	stream.linear.gather @!p1 [spmem:s2], $0x4000, $0x38;
	[tilespmem:$0x1C900] =	vst v63  }
0xb0: {  	_ =	swait.ge @!p1 [sflag:s10], $0x4000  }
0xb1: {  	[sflag:s10] =	ssyncset.done @!p1 $0x0  }
0xb2: {  	s12 =	rddreg [dreg:$0xd];
	[sflag:s10] =	ssyncadd.s32 @!p1 $0xFFFFC000;
	s10 =	simm.s32 @!p1 $0x0  }
0xb3: {  	[hbm4b:s12+s10] =	stream.linear.scatter @!p1 [tilespmem:s9], [sflag:$0x2], $0x4000, $0x38;
	[tilespmem:$0x1C900] =	vst v63  }
0xb4: {  	s12 =	simm.s32 @!p1 $0x2  }
0xb5: {  	_ =	swait.ge @!p1 [sflag:s12], $0x4000  }
0xb6: {  	[sflag:s12] =	ssyncset.done @!p1 $0x0  }
0xb7: {  	[sflag:s12] =	ssyncadd.s32 @!p1 $0xFFFFC000  }
0xb8: {  	[tilespmem:s9], [sflag:$0x2] =	stream.linear.gather @!p1 [spmem:s6], $0x3000, $0x38;
	[tilespmem:$0x1C900] =	vst v63  }
0xb9: {  	_ =	swait.ge @!p1 [sflag:s12], $0x3000  }
0xba: {  	[sflag:s12] =	ssyncset.done @!p1 $0x0  }
0xbb: {  	s22 =	rddreg [dreg:$0xb];
	[sflag:s12] =	ssyncadd.s32 @!p1 $0xFFFFD000  }
0xbc: {  	[hbm4b:s22+s10] =	stream.linear.scatter @!p1 [tilespmem:s9], [sflag:$0x2], $0x3000, $0x38;
	[tilespmem:$0x1C900] =	vst v63  }
0xbd: {  	_ =	swait.ge @!p1 [sflag:s12], $0x3000  }
0xbe: {  	[sflag:s12] =	ssyncset.done @!p1 $0x0  }
0xbf: {  	[sflag:s12] =	ssyncadd.s32 @!p1 $0xFFFFD000  }
0xc0: {  	[bflag:$0x0] =	sbarrier.arrive $0xFFFF  }
0xc1: {  	[tilespmem:s3], [sflag:$0x2] =	stream.linear.gather [hbm4b:s11+s0], $0x4000, $0x38;
	[tilespmem:$0x1C900] =	vst v63  }
0xc2: {  	_ =	swait.ge [sflag:s4], $0x4000  }
0xc3: {  	[sflag:s4] =	ssyncset.done $0x0  }
0xc4: {  	[sflag:s4] =	ssyncadd.s32 $0xFFFFC000  }
0xc5: {  	[spmem:s13] =	stream.linear.scatter [tilespmem:s3], [sflag:$0x2], $0x4000, $0x38;
	[tilespmem:$0x1C900] =	vst v63  }
0xc6: {  	_ =	swait.ge [sflag:s4], $0x4000  }
0xc7: {  	[sflag:s4] =	ssyncset.done $0x0  }
0xc8: {  	[sflag:s4] =	ssyncadd.s32 $0xFFFFC000  }
0xc9: {  	[spmem:s14] =	stream.linear.scatter [tilespmem:s3], [sflag:$0x2], $0x4000, $0x38;
	[tilespmem:$0x1C900] =	vst v63  }
0xca: {  	_ =	swait.ge [sflag:s4], $0x4000  }
0xcb: {  	[sflag:s4] =	ssyncset.done $0x0  }
0xcc: {  	[sflag:s4] =	ssyncadd.s32 $0xFFFFC000  }
0xcd: {  	[spmem:s15] =	stream.linear.scatter [tilespmem:s3], [sflag:$0x2], $0x4000, $0x38;
	[tilespmem:$0x1C900] =	vst v63  }
0xce: {  	_ =	swait.ge [sflag:s4], $0x4000  }
0xcf: {  	[sflag:s4] =	ssyncset.done $0x0  }
0xd0: {  	[sflag:s4] =	ssyncadd.s32 $0xFFFFC000  }
0xd1: {  	[spmem:s16] =	stream.linear.scatter [tilespmem:s3], [sflag:$0x2], $0x4000, $0x38;
	[tilespmem:$0x1C900] =	vst v63  }
0xd2: {  	_ =	swait.ge [sflag:s4], $0x4000  }
0xd3: {  	[sflag:s4] =	ssyncset.done $0x0  }
0xd4: {  	[sflag:s4] =	ssyncadd.s32 $0xFFFFC000  }
0xd5: {  	[spmem:s17] =	stream.linear.scatter [tilespmem:s3], [sflag:$0x2], $0x4000, $0x38;
	[tilespmem:$0x1C900] =	vst v63  }
0xd6: {  	_ =	swait.ge [sflag:s4], $0x4000  }
0xd7: {  	[sflag:s4] =	ssyncset.done $0x0  }
0xd8: {  	[sflag:s4] =	ssyncadd.s32 $0xFFFFC000  }
0xd9: {  	[spmem:s18] =	stream.linear.scatter [tilespmem:s3], [sflag:$0x2], $0x4000, $0x38;
	[tilespmem:$0x1C900] =	vst v63  }
0xda: {  	_ =	swait.ge [sflag:s4], $0x4000  }
0xdb: {  	[sflag:s4] =	ssyncset.done $0x0  }
0xdc: {  	s9 =	simm.s32 @!p0 $0x100;
	[sflag:s4] =	ssyncadd.s32 $0xFFFFC000  }
0xdd: {  	[spmem:s19] =	stream.linear.scatter @!p0 [tilespmem:s9], [sflag:$0x2], $0x4000, $0x38;
	[tilespmem:$0x1C900] =	vst v63  }
0xde: {  	s9 =	simm.s32 @!p0 $0x2  }
0xdf: {  	_ =	swait.ge @!p0 [sflag:s9], $0x4000  }
0xe0: {  	s24 =	sadd.s32 $0x0, s1;
	[sflag:s9] =	ssyncset.done @!p0 $0x0  }
0xe1: {  	p3 =	sgt.u32 s24, $0x1869;
	[sflag:s9] =	ssyncadd.s32 @!p0 $0xFFFFC000  }
0xe2: {  	s10 =	simm.s32 @!p3 $0x0;
	s9 =	simm.s32 @!p3 $0x100;
	[bflag:$0x0] =	sbarrier.arrive $0xFFFF  }
0xe3: {  	[tilespmem:s9], [sflag:$0x1] =	stream.linear.gather @!p3 [hbm4b:s20+s10], $0x4000, $0x38;
	[tilespmem:$0x1C900] =	vst v63  }
0xe4: {  	p2 =	por p3, p3;
	s12 =	simm.s32 @!p3 $0x3  }
0xe5: {  	[tilespmem:s10], [sflag:$0x3] =	stream.linear.gather @!p2 [hbm4b:s21+s10], $0x80, $0x38;
	[tilespmem:$0x1C900] =	vst v63  }
0xe6: {  	_ =	swait.ge @!p2 [sflag:s12], $0x80  }
0xe7: {  	[sflag:s12] =	ssyncset.done @!p2 $0x0  }
0xe8: {  	[sflag:s12] =	ssyncadd.s32 @!p2 $0xFFFFFF80  }
0xe9: {  	v2 =	vld @!p2 [tilespmem:$0x70]  }
0xea: {  	v3 =	vld @!p2 [tilespmem:$0x60]  }
0xeb: {  	v4 =	vld @!p2 [tilespmem:$0x30]  }
0xec: {  	v5 =	vld @!p2 [tilespmem:$0x20]  }
0xed: {  	v6 =	vld @!p2 [tilespmem:$0x10]  }
0xee: {  	v7 =	vld @!p2 [tilespmem:$0x40];
	v2 =	vsub.s32 @!p2 v2, v1  }
0xef: {  	v8 =	vld @!p2 [tilespmem:$0x0];
	v3 =	vsub.s32 @!p2 v3, v1;
	v2 =	vmin.u32 @!p2 v2, $0x30E0  }
0xf0: {  	v9 =	vld @!p2 [tilespmem:$0x50];
	v4 =	vsub.s32 @!p2 v4, v1;
	v3 =	vmin.u32 @!p2 v3, $0x30E0;
	[tilespmem:$0xF0] =	vst @!p2 v2  }
0xf1: {  	v4 =	vmin.u32 @!p2 v4, $0x30E0;
	v2 =	vsub.s32 @!p2 v5, v1;
	[tilespmem:$0xE0] =	vst @!p2 v3  }
0xf2: {  	v3 =	vsub.s32 @!p2 v6, v1;
	[tilespmem:$0xB0] =	vst @!p2 v4;
	v2 =	vmin.u32 @!p2 v2, $0x30E0  }
0xf3: {  	v3 =	vmin.u32 @!p2 v3, $0x30E0;
	[tilespmem:$0xA0] =	vst @!p2 v2;
	v2 =	vsub.s32 @!p2 v7, v1  }
0xf4: {  	v4 =	vsub.s32 @!p2 v8, v1;
	[tilespmem:$0x90] =	vst @!p2 v3;
	v2 =	vmin.u32 @!p2 v2, $0x30E0  }
0xf5: {  	s31 =	smov.u32 s20;
	v3 =	vmin.u32 @!p2 v4, $0x30E0;
	[tilespmem:$0xC0] =	vst @!p2 v2;
	v2 =	vsub.s32 @!p2 v9, v1  }
0xf6: {  	s22 =	simm.s32 @!p3 $0x1;
	s10 =	smov.u32 s21;
	s12 =	simm.s32 $0x10;
	[tilespmem:$0x80] =	vst @!p2 v3;
	v2 =	vmin.u32 @!p2 v2, $0x30E0  }
.LBB2_4:
0xf7: {  	s31 =	sadd.s32 $0x8000, s31  }
0xf8: {  	[tilespmem:$0xD0] =	vst @!p2 v2;
	s10 =	sadd.s32 $0x100, s10;
	s23 =	smov.u32 s12;
	s12 =	sadd.s32 $0x10, s12  }
0xf9: {  	p3 =	sne.s32 s12, $0x1870;
	_ =	swait.ge @!p2 [sflag:s22], $0x4000  }
0xfa: {  	[sflag:s22] =	ssyncset.done @!p2 $0x0  }
0xfb: {  	s24 =	simm.s32 @!p2 $0x2;
	[sflag:s22] =	ssyncadd.s32 @!p2 $0xFFFFC000;
	s22 =	simm.s32 @!p2 $0x80  }
0xfc: {  	[spmem:s8] =	stream.indirect.scatter.add.f32 @!p2 [tilespmem:s9], [sflag:$0x2], $0x80, s22, s22, $0xb8;
	[tilespmem:$0x1C900] =	vst v63  }
0xfd: {  	s9 =	sadd.s32 s23, s1;
	_ =	swait.ge @!p2 [sflag:s24], $0x4000  }
0xfe: {  	p4 =	sgt.u32 s9, $0x1869;
	[sflag:s24] =	ssyncset.done @!p2 $0x0  }
0xff: {  	s23 =	simm.s32 @!p4 $0x0;
	s9 =	simm.s32 @!p4 $0x100;
	[sflag:s24] =	ssyncadd.s32 @!p2 $0xFFFFC000  }
0x100: {  	[tilespmem:s9], [sflag:$0x1] =	stream.linear.gather @!p4 [hbm4b:s31+s23], $0x4000, $0x38;
	[tilespmem:$0x1C900] =	vst v63  }
0x101: {  	s22 =	simm.s32 @!p4 $0x1;
	s24 =	simm.s32 @!p4 $0x3;
	p2 =	por p4, p4  }
0x102: {  	[tilespmem:s23], [sflag:$0x3] =	stream.linear.gather @!p2 [hbm4b:s10+s23], $0x80, $0x38;
	[tilespmem:$0x1C900] =	vst v63  }
0x103: {  	_ =	swait.ge @!p2 [sflag:s24], $0x80  }
0x104: {  	[sflag:s24] =	ssyncset.done @!p2 $0x0  }
0x105: {  	[sflag:s24] =	ssyncadd.s32 @!p2 $0xFFFFFF80  }
0x106: {  	v2 =	vld @!p2 [tilespmem:$0x70]  }
0x107: {  	v3 =	vld @!p2 [tilespmem:$0x60]  }
0x108: {  	v4 =	vld @!p2 [tilespmem:$0x30]  }
0x109: {  	v5 =	vld @!p2 [tilespmem:$0x20]  }
0x10a: {  	v6 =	vld @!p2 [tilespmem:$0x10]  }
0x10b: {  	v7 =	vld @!p2 [tilespmem:$0x40];
	v2 =	vsub.s32 @!p2 v2, v1  }
0x10c: {  	v8 =	vld @!p2 [tilespmem:$0x0];
	v3 =	vsub.s32 @!p2 v3, v1;
	v2 =	vmin.u32 @!p2 v2, $0x30E0  }
0x10d: {  	v4 =	vsub.s32 @!p2 v4, v1;
	v9 =	vld @!p2 [tilespmem:$0x50];
	v3 =	vmin.u32 @!p2 v3, $0x30E0;
	[tilespmem:$0xF0] =	vst @!p2 v2  }
0x10e: {  	v2 =	vsub.s32 @!p2 v5, v1;
	v4 =	vmin.u32 @!p2 v4, $0x30E0;
	[tilespmem:$0xE0] =	vst @!p2 v3  }
.Ltmp1:
0x10f: {  	v3 =	vsub.s32 @!p2 v6, v1;
	v2 =	vmin.u32 @!p2 v2, $0x30E0;
	[tilespmem:$0xB0] =	vst @!p2 v4;
	(pc) =	sbr.rel @p3 .LBB2_4-.Ltmp1, $4  }
0x110: {  	v3 =	vmin.u32 @!p2 v3, $0x30E0;
	[tilespmem:$0xA0] =	vst @!p2 v2;
	v2 =	vsub.s32 @!p2 v7, v1  }
0x111: {  	v4 =	vsub.s32 @!p2 v8, v1;
	[tilespmem:$0x90] =	vst @!p2 v3;
	v2 =	vmin.u32 @!p2 v2, $0x30E0  }
0x112: {  	v3 =	vmin.u32 @!p2 v4, $0x30E0;
	[tilespmem:$0xC0] =	vst @!p2 v2;
	v2 =	vsub.s32 @!p2 v9, v1  }
0x113: {  	[tilespmem:$0x80] =	vst @!p2 v3;
	v2 =	vmin.u32 @!p2 v2, $0x30E0  }
0x114: {  	[tilespmem:$0xD0] =	vst @!p2 v2  }
0x115: {  	_ =	swait.ge @!p2 [sflag:s22], $0x4000  }
0x116: {  	[sflag:s22] =	ssyncset.done @!p2 $0x0  }
0x117: {  	s10 =	simm.s32 @!p2 $0x80;
	s12 =	simm.s32 @!p2 $0x2;
	[sflag:s22] =	ssyncadd.s32 @!p2 $0xFFFFC000  }
0x118: {  	[spmem:s8] =	stream.indirect.scatter.add.f32 @!p2 [tilespmem:s9], [sflag:$0x2], $0x80, s10, s10, $0xb8;
	[tilespmem:$0x1C900] =	vst v63  }
0x119: {  	_ =	swait.ge @!p2 [sflag:s12], $0x4000  }
0x11a: {  	[sflag:s12] =	ssyncset.done @!p2 $0x0  }
0x11b: {  	[sflag:s12] =	ssyncadd.s32 @!p2 $0xFFFFC000  }
0x11c: {  	[bflag:$0x0] =	sbarrier.arrive $0xFFFF  }
0x11d: {  	[tilespmem:s3], [sflag:$0x3] =	stream.linear.gather [spmem:s13], $0x4000, $0x38;
	[tilespmem:$0x1C900] =	vst v63  }
0x11e: {  	_ =	swait.ge [sflag:s5], $0x4000  }
0x11f: {  	[sflag:s5] =	ssyncset.done $0x0  }
0x120: {  	s23 =	rddreg [dreg:$0xe];
	[sflag:s5] =	ssyncadd.s32 $0xFFFFC000  }
0x121: {  	[hbm4b:s23+s0] =	stream.linear.scatter [tilespmem:s3], [sflag:$0x2], $0x4000, $0x38;
	[tilespmem:$0x1C900] =	vst v63  }
0x122: {  	_ =	swait.ge [sflag:s4], $0x4000  }
0x123: {  	[sflag:s4] =	ssyncset.done $0x0  }
0x124: {  	[sflag:s4] =	ssyncadd.s32 $0xFFFFC000  }
0x125: {  	[tilespmem:s3], [sflag:$0x3] =	stream.linear.gather [spmem:s14], $0x4000, $0x38;
	[tilespmem:$0x1C900] =	vst v63  }
0x126: {  	_ =	swait.ge [sflag:s5], $0x4000  }
0x127: {  	[sflag:s5] =	ssyncset.done $0x0  }
0x128: {  	s24 =	rddreg [dreg:$0xf];
	[sflag:s5] =	ssyncadd.s32 $0xFFFFC000  }
0x129: {  	[hbm4b:s24+s0] =	stream.linear.scatter [tilespmem:s3], [sflag:$0x2], $0x4000, $0x38;
	[tilespmem:$0x1C900] =	vst v63  }
0x12a: {  	_ =	swait.ge [sflag:s4], $0x4000  }
0x12b: {  	[sflag:s4] =	ssyncset.done $0x0  }
0x12c: {  	[sflag:s4] =	ssyncadd.s32 $0xFFFFC000  }
0x12d: {  	[tilespmem:s3], [sflag:$0x3] =	stream.linear.gather [spmem:s15], $0x4000, $0x38;
	[tilespmem:$0x1C900] =	vst v63  }
0x12e: {  	_ =	swait.ge [sflag:s5], $0x4000  }
0x12f: {  	[sflag:s5] =	ssyncset.done $0x0  }
0x130: {  	[sflag:s5] =	ssyncadd.s32 $0xFFFFC000  }
0x131: {  	[hbm4b:s25+s0] =	stream.linear.scatter [tilespmem:s3], [sflag:$0x2], $0x4000, $0x38;
	[tilespmem:$0x1C900] =	vst v63  }
0x132: {  	_ =	swait.ge [sflag:s4], $0x4000  }
0x133: {  	[sflag:s4] =	ssyncset.done $0x0  }
0x134: {  	[sflag:s4] =	ssyncadd.s32 $0xFFFFC000  }
0x135: {  	[tilespmem:s3], [sflag:$0x3] =	stream.linear.gather [spmem:s16], $0x4000, $0x38;
	[tilespmem:$0x1C900] =	vst v63  }
0x136: {  	_ =	swait.ge [sflag:s5], $0x4000  }
0x137: {  	[sflag:s5] =	ssyncset.done $0x0  }
0x138: {  	[sflag:s5] =	ssyncadd.s32 $0xFFFFC000  }
0x139: {  	[hbm4b:s26+s0] =	stream.linear.scatter [tilespmem:s3], [sflag:$0x2], $0x4000, $0x38;
	[tilespmem:$0x1C900] =	vst v63  }
0x13a: {  	_ =	swait.ge [sflag:s4], $0x4000  }
0x13b: {  	[sflag:s4] =	ssyncset.done $0x0  }
0x13c: {  	[sflag:s4] =	ssyncadd.s32 $0xFFFFC000  }
0x13d: {  	[tilespmem:s3], [sflag:$0x3] =	stream.linear.gather [spmem:s17], $0x4000, $0x38;
	[tilespmem:$0x1C900] =	vst v63  }
0x13e: {  	_ =	swait.ge [sflag:s5], $0x4000  }
0x13f: {  	[sflag:s5] =	ssyncset.done $0x0  }
0x140: {  	[sflag:s5] =	ssyncadd.s32 $0xFFFFC000  }
0x141: {  	[hbm4b:s28+s0] =	stream.linear.scatter [tilespmem:s3], [sflag:$0x2], $0x4000, $0x38;
	[tilespmem:$0x1C900] =	vst v63  }
0x142: {  	_ =	swait.ge [sflag:s4], $0x4000  }
0x143: {  	[sflag:s4] =	ssyncset.done $0x0  }
0x144: {  	[sflag:s4] =	ssyncadd.s32 $0xFFFFC000  }
0x145: {  	[tilespmem:s3], [sflag:$0x3] =	stream.linear.gather [spmem:s18], $0x4000, $0x38;
	[tilespmem:$0x1C900] =	vst v63  }
0x146: {  	_ =	swait.ge [sflag:s5], $0x4000  }
0x147: {  	[sflag:s5] =	ssyncset.done $0x0  }
0x148: {  	[sflag:s5] =	ssyncadd.s32 $0xFFFFC000  }
0x149: {  	[hbm4b:s29+s0] =	stream.linear.scatter [tilespmem:s3], [sflag:$0x2], $0x4000, $0x38;
	[tilespmem:$0x1C900] =	vst v63  }
0x14a: {  	_ =	swait.ge [sflag:s4], $0x4000  }
0x14b: {  	[sflag:s4] =	ssyncset.done $0x0  }
0x14c: {  	s9 =	simm.s32 @!p1 $0x100;
	s10 =	simm.s32 @!p1 $0x3;
	[sflag:s4] =	ssyncadd.s32 $0xFFFFC000  }
0x14d: {  	[tilespmem:s9], [sflag:$0x3] =	stream.linear.gather @!p1 [spmem:s2], $0x4000, $0x38;
	[tilespmem:$0x1C900] =	vst v63  }
0x14e: {  	_ =	swait.ge @!p1 [sflag:s10], $0x4000  }
0x14f: {  	[sflag:s10] =	ssyncset.done @!p1 $0x0  }
0x150: {  	s12 =	simm.s32 @!p1 $0x2;
	[sflag:s10] =	ssyncadd.s32 @!p1 $0xFFFFC000;
	s10 =	simm.s32 @!p1 $0x0  }
0x151: {  	[hbm4b:s30+s10] =	stream.linear.scatter @!p1 [tilespmem:s9], [sflag:$0x2], $0x4000, $0x38;
	[tilespmem:$0x1C900] =	vst v63  }
0x152: {  	_ =	swait.ge @!p1 [sflag:s12], $0x4000  }
0x153: {  	[sflag:s12] =	ssyncset.done @!p1 $0x0  }
0x154: {  	[sflag:s12] =	ssyncadd.s32 @!p1 $0xFFFFC000  }
0x155: {  	[tilespmem:s9], [sflag:$0x2] =	stream.linear.gather @!p1 [spmem:s6], $0x3000, $0x38;
	[tilespmem:$0x1C900] =	vst v63  }
0x156: {  	_ =	swait.ge @!p1 [sflag:s12], $0x3000  }
0x157: {  	[sflag:s12] =	ssyncset.done @!p1 $0x0  }
0x158: {  	s22 =	rddreg [dreg:$0xc];
	[sflag:s12] =	ssyncadd.s32 @!p1 $0xFFFFD000  }
0x159: {  	[hbm4b:s22+s10] =	stream.linear.scatter @!p1 [tilespmem:s9], [sflag:$0x2], $0x3000, $0x38;
	[tilespmem:$0x1C900] =	vst v63  }
0x15a: {  	_ =	swait.ge @!p1 [sflag:s12], $0x3000  }
0x15b: {  	s7 =	sadd.s32 $0x1, s7;
	s31 =	rddreg [dreg:$0xa]  }
0x15c: {  	p2 =	sne.s32 s7, s31  }
.Ltmp2:
0x15d: {  	_ = 	snop;
	(pc) =	sbr.rel @p2 .LBB2_1-.Ltmp2, $3  }
0x15e: {  	[sflag:s12] =	ssyncset.done @!p1 $0x0  }
0x15f: {  	[sflag:s12] =	ssyncadd.s32 @!p1 $0xFFFFD000  }
0x160: {  	[bflag:$0x0] =	sbarrier.arrive $0xFFFF;
	_ =	sdelay $0x1  }
0x161: {  	_ =	sfence.sel $0x180000  }
0x162: {  	[bflag:$0x0] =	sbarrier.arrive $0xFFFF  }
0x163: {  	_ =	strace $0x9000004A  }
0x164: {  	[bflag:$0x2] =	sbarrier.arrive $0xFFFF  }
0x165: {  	s0 =	rddreg [dreg:$0x3]  }
0x166: {  	s0 =	sadd.s32 @!p1 $0x100000, s0  }
0x167: {  	[sflag:s0] =	ssyncadd.tile.s32 @!p1 $0x1;
	_ =	shalt  }
.Lfunc_end2:
_tile_overlayer_lowered:
.L_overlay_start_2:
0x168: {  	(tag) =	ssettag $0x2  }
0x169: {  	s0 =	rddreg [dreg:$0x0];
	s2 =	stileid.u32  }
0x16a: {  	s1 =	rddreg [dreg:$0x1];
	p0 =	sne.s32 s2, $0x0  }
0x16b: {  	s3 =	rddreg [dreg:$0x2];
	[bflag:$0x3] =	sbarrier.arrive $0xFFFF;
	s2 =	simm.s32 @!p0 $0x1C02  }
0x16c: {  	[timem:s3], [sflag:s2] =	dma.local @!p0 [hbm:s0], s1  }
0x16d: {  	s0 =	simm.s32 @!p0 $0x2  }
0x16e: {  	_ =	swait.ge @!p0 [sflag:s0], s1  }
0x16f: {  	s1 =	ssub.s32 @!p0 $0x0, s1;
	[sflag:s0] =	ssyncset.done @!p0 $0x0  }
0x170: {  	[sflag:s0] =	ssyncadd.s32 @!p0 s1  }
0x171: {  	[bflag:$0x3] =	sbarrier.arrive $0xFFFF  }
0x172: {  	_ =	shalt  }

// kernel: kernel.17.cloned.1.call-start
scs
__scs_entry_jumppad:
0x0: {  	(pc) =	sbr.rel $0x88, $3  }
0x1: {  	(tag) =	ssettag $0x0;
	lr =	simm.s32 $0x1  }
0x2: {  	[smem:$0x3F8D] =	sst lr;
	_ =	strace $0xD0000000  }
0x3: {  	_ = 	snop  }
0x4: {  	_ = 	snop  }
0x5: {  	_ = 	snop  }
0x6: {  	_ = 	snop  }
0x7: {  	_ = 	snop  }
__scs_overlays_trampoline_lowered:
0x8: {  	[smem:$0x3F9C] =	sst s0  }
0x9: {  	[smem:$0x3F9D] =	sst s1  }
0xa: {  	[smem:$0x3F9E] =	sst s2  }
0xb: {  	[smem:$0x3F9F] =	sst s3  }
0xc: {  	[smem:$0x3FA0] =	sst s4  }
0xd: {  	[smem:$0x3FA1] =	sst s5  }
0xe: {  	[smem:$0x3FA2] =	sst s6  }
0xf: {  	[smem:$0x3FA3] =	sst s7  }
0x10: {  	[smem:$0x3FA4] =	sst s8  }
0x11: {  	[smem:$0x3FA5] =	sst s9;
	s0 =	simm.s32 @!p0 $0x0  }
0x12: {  	s1 =	sld [smem:$0x3F8B];
	s0 =	simm.s32 @p0 $0x1  }
0x13: {  	[smem:$0x3FA6] =	sst s0;
	s0 =	simm.s32 @!p1 $0x0  }
0x14: {  	s2 =	sld [smem:$0x3F8A];
	s0 =	simm.s32 @p1 $0x1  }
0x15: {  	[smem:$0x3FA7] =	sst s0;
	s0 =	simm.s32 @!p2 $0x0  }
0x16: {  	s3 =	sld [smem:$0x3FDB];
	s0 =	simm.s32 @p2 $0x1  }
0x17: {  	s4 =	simm.s32 $0x1BF5;
	[smem:$0x3FA9] =	sst s0  }
0x18: {  	s0 =	sld [smem:$0x3F8C];
	_ =	swait.ge [sflag:s4], $0x0  }
0x19: {  	s7 =	sld [smem:$0x3F8D]  }
0x1a: {  	s8 =	sadd.s32 $0xFFFFE003, lr  }
0x1b: {  	s9 =	sadd.s32 $0xFFFFFEF7, lr;
	s5 =	simm.s32 $0xFFFFFFFF;
	p2 =	slt.u32 s8, $0xFFFFF086  }
0x1c: {  	p1 =	slt.u32 s9, $0xF7A;
	s5 =	simm.s32 @!p2 $0x0  }
0x1d: {  	s5 =	simm.s32 @p1 $0x1;
	p0 =	seq.s32 s7, s2  }
0x1e: {  	s7 =	smul.u32 @!p0 $0xF7A, s2;
	p2 =	seq.s32 @!p0 s5, $0x0  }
0x1f: {  	s9 =	smul.u32 $0xF7A, s1;
	s8 =	simm.s32 @!p0 $0x1BF5;
	p2 =	por !p2, p0  }
0x20: {  	[sflag:s8] =	ssyncset.s32 @!p0 $0xFFFFF086;
	s6 =	sadd.s32 @!p0 s3, s7;
	s7 =	simm.s32 @!p0 $0x108  }
0x21: {  	s3 =	sadd.s32 s3, s9;
	s6 =	sadd.s32 @!p0 $0x88, s6;
	s7 =	simm.s32 @p2 $0x1082  }
0x22: {  	[simem:s7], [sflag:s8] =	dma.local @!p0 [hbm:s6], $0xF7A  }
0x23: {  	s9 =	sor.u32 $0xD0000000, s2;
	s6 =	simm.s32 $0x108;
	_ =	swait.ge @!p0 [sflag:s8], $0x0  }
0x24: {  	s3 =	sadd.s32 $0x88, s3;
	s6 =	simm.s32 @!p1 $0x1082;
	[sflag:s4] =	ssyncset.s32 $0xFFFFF086  }
0x25: {  	[simem:s6], [sflag:s4] =	dma.local [hbm:s3], $0xF7A  }
0x26: {  	[smem:$0x3F8D] =	sst s1;
	(tag) =	ssettag s2;
	_ =	strace s9  }
0x27: {  	s1 =	sld [smem:$0x3F9D]  }
0x28: {  	s2 =	sld [smem:$0x3F9E]  }
0x29: {  	s4 =	sld [smem:$0x3FA0]  }
0x2a: {  	p0 =	seq.s32 s5, $0x0;
	s5 =	sld [smem:$0x3FA1]  }
0x2b: {  	s6 =	sld [smem:$0x3FA2]  }
0x2c: {  	s7 =	sld [smem:$0x3FA3]  }
0x2d: {  	s3 =	simm.s32 $0x108;
	s8 =	sld [smem:$0x3FA4]  }
0x2e: {  	s3 =	simm.s32 @!p0 $0x1082;
	s9 =	sld [smem:$0x3FA5]  }
0x2f: {  	lr =	sadd.s32 s0, s3;
	s0 =	sld [smem:$0x3F9C]  }
0x30: {  	s3 =	sld [smem:$0x3F9F]  }
0x31: {  	[smem:$0x3FA8] =	sst s10  }
0x32: {  	s10 =	sld [smem:$0x3FA6];
	_ =	sdelay $0x3  }
0x33: {  	p0 =	seq.s32 s10, $0x1;
	s10 =	sld [smem:$0x3FA8];
	_ =	sdelay $0x3  }
0x34: {  	[smem:$0x3FA8] =	sst s10  }
0x35: {  	s10 =	sld [smem:$0x3FA7];
	_ =	sdelay $0x3  }
0x36: {  	p1 =	seq.s32 s10, $0x1;
	s10 =	sld [smem:$0x3FA8];
	_ =	sdelay $0x3  }
0x37: {  	[smem:$0x3FA8] =	sst s10  }
0x38: {  	s10 =	sld [smem:$0x3FA9]  }
0x39: {  	_ = 	snop;
	(pc) =	sbr.ind lr, $3  }
0x3a: {  	_ = 	snop  }
0x3b: {  	_ = 	snop  }
0x3c: {  	p2 =	seq.s32 s10, $0x1;
	s10 =	sld [smem:$0x3FA8]  }
0x3d: {  	_ =	shalt  }
0x3e: {  	_ =	shalt  }
0x3f: {  	_ =	shalt  }
0x40: {  	_ =	shalt  }
0x41: {  	_ =	shalt  }
0x42: {  	_ =	shalt  }
0x43: {  	_ =	shalt  }
0x44: {  	_ =	shalt  }
0x45: {  	_ =	shalt  }
0x46: {  	_ =	shalt  }
0x47: {  	_ =	shalt  }
0x48: {  	_ =	shalt  }
0x49: {  	_ =	shalt  }
0x4a: {  	_ =	shalt  }
0x4b: {  	_ =	shalt  }
0x4c: {  	_ =	shalt  }
0x4d: {  	_ =	shalt  }
0x4e: {  	_ =	shalt  }
0x4f: {  	_ =	shalt  }
0x50: {  	_ =	shalt  }
0x51: {  	_ =	shalt  }
0x52: {  	_ =	shalt  }
0x53: {  	_ =	shalt  }
0x54: {  	_ =	shalt  }
0x55: {  	_ =	shalt  }
0x56: {  	_ =	shalt  }
0x57: {  	_ =	shalt  }
0x58: {  	_ =	shalt  }
0x59: {  	_ =	shalt  }
0x5a: {  	_ =	shalt  }
0x5b: {  	_ =	shalt  }
0x5c: {  	_ =	shalt  }
0x5d: {  	_ =	shalt  }
0x5e: {  	_ =	shalt  }
0x5f: {  	_ =	shalt  }
0x60: {  	_ =	shalt  }
0x61: {  	_ =	shalt  }
0x62: {  	_ =	shalt  }
0x63: {  	_ =	shalt  }
0x64: {  	_ =	shalt  }
0x65: {  	_ =	shalt  }
0x66: {  	_ =	shalt  }
0x67: {  	_ =	shalt  }
0x68: {  	_ =	shalt  }
0x69: {  	_ =	shalt  }
0x6a: {  	_ =	shalt  }
0x6b: {  	_ =	shalt  }
0x6c: {  	_ =	shalt  }
0x6d: {  	_ =	shalt  }
0x6e: {  	_ =	shalt  }
0x6f: {  	_ =	shalt  }
0x70: {  	_ =	shalt  }
0x71: {  	_ =	shalt  }
0x72: {  	_ =	shalt  }
0x73: {  	_ =	shalt  }
0x74: {  	_ =	shalt  }
0x75: {  	_ =	shalt  }
0x76: {  	_ =	shalt  }
0x77: {  	_ =	shalt  }
0x78: {  	_ =	shalt  }
0x79: {  	_ =	shalt  }
0x7a: {  	_ =	shalt  }
0x7b: {  	_ =	shalt  }
0x7c: {  	_ =	shalt  }
0x7d: {  	_ =	shalt  }
0x7e: {  	_ =	shalt  }
0x7f: {  	_ =	shalt  }
0x80: {  	_ =	shalt  }
0x81: {  	_ =	shalt  }
0x82: {  	_ =	shalt  }
0x83: {  	_ =	shalt  }
0x84: {  	_ =	shalt  }
0x85: {  	_ =	shalt  }
0x86: {  	_ =	shalt  }
0x87: {  	_ =	shalt  }
.Lfunc_end0:
.L_simem_size_0:
called_computation.2_lowered:
.L_overlay_start_0:
0x88: {  	s2 =	sld [smem:$0x3FD9]  }
0x89: {  	s3 =	sld [smem:$0x3FFE];
	_ =	sdelay $0x1  }
0x8a: {  	s1 =	srdreg.scid  }
0x8b: {  	s0 =	sand.u32 $0x1, s1  }
0x8c: {  	s17 =	sshll.u32 s0, $0xA;
	s2 =	sadd.s32 s3, s2  }
0x8d: {  	s2 =	sadd.s32 s2, s17  }
0x8e: {  	[smem:$0x3FB4] =	sst s2  }
0x8f: {  	_ = 	snop  }
0x90: {  	s2 =	sld [smem:$0x3FD0];
	(tm) =	ssettm $0x1  }
0x91: {  	s18 =	sld [smem:$0x3FFB];
	_ =	sdelay $0x3  }
0x92: {  	_ =	strace s18  }
0x93: {  	s3 =	sld [smem:$0x3FFC];
	_ =	sdelay $0x3  }
0x94: {  	_ =	strace s3  }
0x95: {  	s3 =	sld [smem:$0x3FFD];
	_ =	sdelay $0x3  }
0x96: {  	_ =	strace s3  }
0x97: {  	_ =	strace $0x8FFFFFFF  }
0x98: {  	s19 =	sld [smem:$0x3FDB];
	_ =	sdelay $0x1  }
0x99: {  	s4 =	simm.s32 $_scs_section_size  }
0x9a: {  	s5 =	simm.s32 $_size__tile_overlayer_lowered;
	s6 =	simm.s32 $_tile_overlayer_lowered  }
0x9b: {  	s22 =	simm.s32 $0x1BFF;
	s21 =	sshll.u32 s6, $0x1;
	s3 =	sadd.s32 s4, s19  }
0x9c: {  	s7 =	simm.s32 $0x0;
	s20 =	sshll.u32 s5, $0x1;
	s5 =	sadd.s32 s21, s3  }
0x9d: {  	[timem:s7], [sflag:s22] =	dma.local [hbm:s5], s20  }
0x9e: {  	_ =	swait.ge [sflag:s22], s20  }
0x9f: {  	s4 =	ssub.s32 $0x0, s20;
	[sflag:s22] =	ssyncset.done $0x0  }
0xa0: {  	[sflag:s22] =	ssyncadd.s32 s4;
	_ =	sdelay $0x1  }
0xa1: {  	s23 =	simm.s32 $0x1B8B  }
0xa2: {  	_ =	swait.ge [sflag:s23], $0x1  }
0xa3: {  	[sflag:s23] =	ssyncset.done $0x0  }
0xa4: {  	s25 =	simm.s32 $0x1B8E;
	s24 =	sld [smem:$0x3FFE];
	[sflag:s23] =	ssyncadd.s32 $0xFFFFFFFF  }
0xa5: {  	s26 =	simm.s32 $execute0_lowered;
	[smem:$0x3FD2] =	sst s25  }
0xa6: {  	s5 =	sshll.u32 s26, $0x1;
	_ =	strace $0x8000004C;
	[dreg:$0x1] =	wrdreg $0xFFFFFFFF  }
0xa7: {  	s28 =	simm.s32 $_size_execute0_lowered;
	s3 =	sadd.s32 s3, s5;
	[dreg:$0x0] =	wrdreg $0x0  }
0xa8: {  	s5 =	sshll.u32 s28, $0x1;
	[dreg:$0x2] =	wrdreg s3  }
0xa9: {  	[dreg:$0x3] =	wrdreg s5  }
0xaa: {  	[dreg:$0x4] =	wrdreg $0xC0  }
0xab: {  	_ =	task [dreg:s7], $0x5FFFF  }
0xac: {  	[dreg:$0x1] =	wrdreg $0xFFFFFFFF  }
0xad: {  	[dreg:$0x0] =	wrdreg $0x60  }
0xae: {  	[dreg:$0x2] =	wrdreg s24  }
0xaf: {  	[dreg:$0x3] =	wrdreg s2  }
0xb0: {  	[dreg:$0x4] =	wrdreg $0x9  }
0xb1: {  	_ =	task.clear_ibuf [dreg:s7], $0x5FFFF;
	_ =	strace $0x9000004C  }
0xb2: {  	s29 =	simm.s32 $0x9;
	_ =	strace $0x8000004E  }
0xb3: {  	_ =	swait.ge [sflag:s29], $0x1  }
0xb4: {  	[sflag:s29] =	ssyncadd.s32 $0xFFFFFFFF  }
0xb5: {  	_ =	strace $0x9000004E  }
0xb6: {  	_ =	sfence  }
0xb7: {  	s30 =	sld [smem:$0x0];
	_ =	sdelay $0x2  }
0xb8: {  	s31 =	sshll.u32 s1, $0xD;
	s1 =	sshrl.u32 s1, $0x2  }
0xb9: {  	s3 =	sand.u32 $0x4000, s31;
	s1 =	sadd.s32 s1, s30  }
0xba: {  	s0 =	sor.u32 s3, s0;
	s1 =	sshll.u32 s1, $0x11  }
0xbb: {  	s0 =	sor.u32 s1, s0  }
0xbc: {  	s0 =	sadd.s32 $0x8F2B, s0  }
0xbd: {  	[sflag:s0] =	ssyncadd.remote.s32 $0x1  }
0xbe: {  	_ =	sfence.sel $0xFFFF  }
0xbf: {  	[dreg:$0x0] =	wrdreg $0xFFFFFFFF;
	(pc) =	sbr.abs _section_cstart, $3  }
0xc0: {  	[dreg:$0x1] =	wrdreg $0xFFFFFFFF  }
0xc1: {  	_ =	task.clear_ibuf [dreg:s7], $0x2FFFF;
	_ =	strace $0x9FFFFFFF  }
0xc2: {  	(tm) =	ssettm $0x7FFFFFFF  }
0xc3: {  	_ =	shalt  }
tec
execute0_lowered:
.L_overlay_start_1:
0x0: {  	(tag) =	ssettag $0x1  }
0x1: {  	s0 =	rddreg [dreg:$0x0]  }
0x2: {  	s2 =	rddreg [dreg:$0x1];
	s1 =	simm.s32 $0x0;
	s5 =	srdreg.scid  }
0x3: {  	s11 =	stileid.u32;
	[smem:$0x7FF] =	sst s1  }
0x4: {  	s3 =	sadd.s32 $0x1E800, s0;
	s4 =	sadd.s32 $0x32B800, s0;
	s5 =	sand.u32 $0x1, s5  }
0x5: {  	s10 =	sshll.u32 s11, $0x5;
	s6 =	sshll.u32 s11, $0xC;
	s30 =	sshll.u32 s11, $0x1  }
0x6: {  	_ =	strace $0x8000004D;
	s7 =	ssub.s32 $0x2, s5;
	s6 =	sadd.s32 s6, s0  }
0x7: {  	s9 =	sshll.u32 s5, $0xB;
	s0 =	sadd.s32 s10, s0;
	s10 =	sadd.s32 s10, s2  }
0x8: {  	s8 =	sshrl.u32 s7, $0x1;
	s29 =	sadd.s32 s9, s6;
	s0 =	sadd.s32 $0x5600, s0  }
0x9: {  	s7 =	ssub.s32 s7, s8;
	s6 =	sadd.s32 $0x1AD2600, s29;
	s8 =	sshll.u32 s5, $0x4  }
0xa: {  	s5 =	sor.u32 s5, s30;
	[dreg:$0x4] =	wrdreg s0;
	s31 =	smax.u32 s7, $0x1  }
0xb: {  	s7 =	sadd.s32 $0x4B2400, s29;
	s11 =	sor.u32 $0x40, s5;
	[dreg:$0x3] =	wrdreg s31  }
.LBB2_1:
0xc: {  	s0 =	sadd.s32 $0xFFFFFFC0, s11  }
0xd: {  	p1 =	sgt.u32 s11, $0x1869;
	s2 =	sadd.s32 $0xFFFFFFE0, s11;
	s9 =	rddreg [dreg:$0x4]  }
0xe: {  	p3 =	sgt.u32 s0, $0x1869;
	s5 =	sadd.s32 @!p1 s10, s8;
	p2 =	sgt.u32 s2, $0x1869  }
0xf: {  	s12 =	sadd.s32 @!p3 s10, s8;
	s0 =	simm.s32 @!p3 $0x0;
	s14 =	simm.s32 @!p3 $0x180  }
0x10: {  	[tilespmem:s0], [sflag:$0x1] =	stream.linear.gather @!p3 [hbm4b:s12+s0], $0x80, $0x38;
	[tilespmem:$0x18300] =	vst v63  }
0x11: {  	s2 =	sadd.s32 @!p2 s10, s8;
	s13 =	sadd.s32 @!p2 s9, s8;
	s12 =	sadd.s32 @!p3 s9, s8  }
0x12: {  	[tilespmem:s14], [sflag:$0x1] =	stream.linear.gather @!p3 [hbm4b:s12+s0], $0x80, $0x38;
	[tilespmem:$0x18300] =	vst v63  }
0x13: {  	s15 =	simm.s32 @!p2 $0x80;
	s2 =	sadd.s32 @!p2 $0x200, s2;
	s12 =	simm.s32 @!p2 $0x0  }
0x14: {  	[tilespmem:s15], [sflag:$0x2] =	stream.linear.gather @!p2 [hbm4b:s2+s12], $0x80, $0x38;
	[tilespmem:$0x18300] =	vst v63  }
0x15: {  	s17 =	sadd.s32 @!p1 s9, s8;
	s16 =	simm.s32 @!p2 $0x200;
	s13 =	sadd.s32 @!p2 $0x200, s13  }
0x16: {  	[tilespmem:s16], [sflag:$0x2] =	stream.linear.gather @!p2 [hbm4b:s13+s12], $0x80, $0x38;
	[tilespmem:$0x18300] =	vst v63  }
0x17: {  	s5 =	sadd.s32 @!p1 $0x400, s5;
	s2 =	simm.s32 @!p1 $0x100;
	s13 =	simm.s32 @!p1 $0x0  }
0x18: {  	[tilespmem:s2], [sflag:$0x3] =	stream.linear.gather @!p1 [hbm4b:s5+s13], $0x80, $0x38;
	[tilespmem:$0x18300] =	vst v63  }
0x19: {  	s18 =	simm.s32 @!p3 $0x1;
	s5 =	sadd.s32 @!p1 $0x400, s17;
	s17 =	simm.s32 @!p1 $0x280  }
0x1a: {  	[tilespmem:s17], [sflag:$0x3] =	stream.linear.gather @!p1 [hbm4b:s5+s13], $0x80, $0x38;
	[tilespmem:$0x18300] =	vst v63  }
0x1b: {  	_ =	swait.ge @!p3 [sflag:s18], $0x80  }
0x1c: {  	[sflag:s18] =	ssyncset.done @!p3 $0x0  }
0x1d: {  	[sflag:s18] =	ssyncadd.s32 @!p3 $0xFFFFFF80  }
0x1e: {  	_ =	swait.ge @!p3 [sflag:s18], $0x80  }
0x1f: {  	[sflag:s18] =	ssyncset.done @!p3 $0x0  }
0x20: {  	s19 =	simm.s32 @!p3 $0x300;
	s5 =	simm.s32 @!p3 $0x80;
	[sflag:s18] =	ssyncadd.s32 @!p3 $0xFFFFFF80  }
0x21: {  	[tilespmem:s19], [sflag:$0x4] =	stream.indirect.gather @!p3 [hbm4b:s3+s5], $0x80, s0, s5, $0xb8;
	[tilespmem:$0x18300] =	vst v63  }
0x22: {  	s20 =	simm.s32 @!p3 $0xC300  }
0x23: {  	[tilespmem:s20], [sflag:$0x7] =	stream.indirect.gather @!p3 [hbm4b:s4+s5], $0x80, s14, s5, $0xb8;
	[tilespmem:$0x18300] =	vst v63  }
0x24: {  	s5 =	simm.s32 @!p2 $0x2  }
0x25: {  	_ =	swait.ge @!p2 [sflag:s5], $0x80  }
0x26: {  	[sflag:s5] =	ssyncset.done @!p2 $0x0  }
0x27: {  	[sflag:s5] =	ssyncadd.s32 @!p2 $0xFFFFFF80  }
0x28: {  	_ =	swait.ge @!p2 [sflag:s5], $0x80  }
0x29: {  	[sflag:s5] =	ssyncset.done @!p2 $0x0  }
0x2a: {  	s14 =	simm.s32 @!p2 $0x4300;
	[sflag:s5] =	ssyncadd.s32 @!p2 $0xFFFFFF80  }
0x2b: {  	[tilespmem:s14], [sflag:$0x5] =	stream.indirect.gather @!p2 [hbm4b:s3+s15], $0x80, s15, s15, $0xb8;
	[tilespmem:$0x18300] =	vst v63  }
0x2c: {  	p0 =	por p1, p1;
	s5 =	simm.s32 @!p2 $0x10300  }
0x2d: {  	[tilespmem:s5], [sflag:$0x8] =	stream.indirect.gather @!p2 [hbm4b:s4+s15], $0x80, s16, s15, $0xb8;
	[tilespmem:$0x18300] =	vst v63  }
0x2e: {  	s15 =	simm.s32 @!p0 $0x3  }
0x2f: {  	_ =	swait.ge @!p0 [sflag:s15], $0x80  }
0x30: {  	[sflag:s15] =	ssyncset.done @!p0 $0x0  }
0x31: {  	[sflag:s15] =	ssyncadd.s32 @!p0 $0xFFFFFF80  }
0x32: {  	_ =	swait.ge @!p0 [sflag:s15], $0x80  }
0x33: {  	[sflag:s15] =	ssyncset.done @!p0 $0x0  }
0x34: {  	s16 =	simm.s32 @!p0 $0x80;
	[sflag:s15] =	ssyncadd.s32 @!p0 $0xFFFFFF80;
	s15 =	simm.s32 @!p0 $0x8300  }
0x35: {  	[tilespmem:s15], [sflag:$0x6] =	stream.indirect.gather @!p0 [hbm4b:s3+s16], $0x80, s2, s16, $0xb8;
	[tilespmem:$0x18300] =	vst v63  }
0x36: {  	s18 =	simm.s32 @!p0 $0x14300;
	s2 =	simm.s32 @!p3 $0x4  }
0x37: {  	[tilespmem:s18], [sflag:$0x9] =	stream.indirect.gather @!p0 [hbm4b:s4+s16], $0x80, s17, s16, $0xb8;
	[tilespmem:$0x18300] =	vst v63  }
0x38: {  	_ =	swait.ge @!p3 [sflag:s2], $0x4000  }
0x39: {  	[sflag:s2] =	ssyncset.done @!p3 $0x0  }
0x3a: {  	[sflag:s2] =	ssyncadd.s32 @!p3 $0xFFFFC000;
	s2 =	simm.s32 @!p3 $0x7  }
0x3b: {  	_ =	swait.ge @!p3 [sflag:s2], $0x4000  }
0x3c: {  	[sflag:s2] =	ssyncset.done @!p3 $0x0  }
0x3d: {  	[sflag:s2] =	ssyncadd.s32 @!p3 $0xFFFFC000;
	s2 =	sadd.s32 @!p3 $0x0, s7  }
0x3e: {  	[hbm4b:s2+s0] =	stream.linear.scatter @!p3 [tilespmem:s19], [sflag:$0xB], $0x4000, $0x38;
	[tilespmem:$0x18300] =	vst v63  }
0x3f: {  	s2 =	simm.s32 @!p3 $0xB  }
0x40: {  	_ =	swait.ge @!p3 [sflag:s2], $0x4000  }
0x41: {  	[sflag:s2] =	ssyncset.done @!p3 $0x0  }
0x42: {  	s16 =	sadd.s32 @!p3 $0x0, s6;
	[sflag:s2] =	ssyncadd.s32 @!p3 $0xFFFFC000  }
0x43: {  	[hbm4b:s16+s0] =	stream.linear.scatter @!p3 [tilespmem:s20], [sflag:$0xB], $0x4000, $0x38;
	[tilespmem:$0x18300] =	vst v63  }
0x44: {  	_ =	swait.ge @!p3 [sflag:s2], $0x4000  }
0x45: {  	[sflag:s2] =	ssyncset.done @!p3 $0x0  }
0x46: {  	s0 =	simm.s32 @!p2 $0x5;
	[sflag:s2] =	ssyncadd.s32 @!p3 $0xFFFFC000  }
0x47: {  	_ =	swait.ge @!p2 [sflag:s0], $0x4000  }
0x48: {  	[sflag:s0] =	ssyncset.done @!p2 $0x0  }
0x49: {  	s2 =	simm.s32 @!p2 $0x8;
	[sflag:s0] =	ssyncadd.s32 @!p2 $0xFFFFC000  }
0x4a: {  	_ =	swait.ge @!p2 [sflag:s2], $0x4000  }
0x4b: {  	s0 =	sadd.s32 @!p2 $0x0, s7;
	[sflag:s2] =	ssyncset.done @!p2 $0x0  }
0x4c: {  	s16 =	simm.s32 @!p2 $0xB;
	s0 =	sadd.s32 @!p2 $0x10000, s0;
	[sflag:s2] =	ssyncadd.s32 @!p2 $0xFFFFC000  }
0x4d: {  	[hbm4b:s0+s12] =	stream.linear.scatter @!p2 [tilespmem:s14], [sflag:$0xB], $0x4000, $0x38;
	[tilespmem:$0x18300] =	vst v63  }
0x4e: {  	_ =	swait.ge @!p2 [sflag:s16], $0x4000  }
0x4f: {  	s0 =	sadd.s32 @!p2 $0x0, s6;
	[sflag:s16] =	ssyncset.done @!p2 $0x0  }
0x50: {  	s0 =	sadd.s32 @!p2 $0x10000, s0;
	[sflag:s16] =	ssyncadd.s32 @!p2 $0xFFFFC000  }
0x51: {  	[hbm4b:s0+s12] =	stream.linear.scatter @!p2 [tilespmem:s5], [sflag:$0xB], $0x4000, $0x38;
	[tilespmem:$0x18300] =	vst v63  }
0x52: {  	_ =	swait.ge @!p2 [sflag:s16], $0x4000  }
0x53: {  	[sflag:s16] =	ssyncset.done @!p2 $0x0  }
0x54: {  	s0 =	simm.s32 @!p0 $0x6;
	[sflag:s16] =	ssyncadd.s32 @!p2 $0xFFFFC000  }
0x55: {  	_ =	swait.ge @!p0 [sflag:s0], $0x4000  }
0x56: {  	[sflag:s0] =	ssyncset.done @!p0 $0x0  }
0x57: {  	s2 =	simm.s32 @!p0 $0x9;
	[sflag:s0] =	ssyncadd.s32 @!p0 $0xFFFFC000  }
0x58: {  	s17 =	simm.s32 $0x60000;
	s19 =	sadd.s32 @!p1 $0x0, s6;
	_ =	swait.ge @!p0 [sflag:s2], $0x4000  }
0x59: {  	s14 =	sadd.s32 $0x600, s9;
	s0 =	sadd.s32 @!p1 $0x0, s7;
	[sflag:s2] =	ssyncset.done @!p0 $0x0  }
0x5a: {  	s16 =	sadd.s32 $0x60, s11;
	s0 =	sadd.s32 @!p1 $0x20000, s0;
	[sflag:s2] =	ssyncadd.s32 @!p0 $0xFFFFC000  }
0x5b: {  	[hbm4b:s0+s13] =	stream.linear.scatter @!p0 [tilespmem:s15], [sflag:$0xB], $0x4000, $0x38;
	[tilespmem:$0x18300] =	vst v63  }
0x5c: {  	s12 =	simm.s32 $0x30000;
	s31 =	sadd.s32 $0xFFFFFFC0, s16;
	s0 =	simm.s32 @!p0 $0xB  }
0x5d: {  	p1 =	sgt.u32 s31, $0x1869;
	s15 =	sadd.s32 $0x600, s10;
	_ =	swait.ge @!p0 [sflag:s0], $0x4000  }
.LBB2_2:
0x5e: {  	s2 =	sadd.s32 $0xFFFFFFE0, s16  }
0x5f: {  	[sflag:s0] =	ssyncset.done @!p0 $0x0;
	s5 =	simm.s32 @!p0 $0xA;
	s21 =	smov.u32 s17  }
0x60: {  	p4 =	sgt.u32 s16, $0x1869;
	[sflag:s0] =	ssyncadd.s32 @!p0 $0xFFFFC000;
	s0 =	sadd.s32 @!p0 $0x20000, s19  }
0x61: {  	[hbm4b:s0+s13] =	stream.linear.scatter @!p0 [tilespmem:s18], [sflag:$0xA], $0x4000, $0x38;
	[tilespmem:$0x18300] =	vst v63  }
0x62: {  	s26 =	simm.s32 @!p4 $0x100;
	s0 =	sadd.s32 @!p4 s15, s8;
	_ =	swait.ge @!p0 [sflag:s5], $0x4000  }
0x63: {  	s23 =	simm.s32 @!p1 $0x0;
	s13 =	sadd.s32 @!p1 s15, s8;
	[sflag:s5] =	ssyncset.done @!p0 $0x0  }
0x64: {  	s28 =	simm.s32 @!p1 $0x180;
	p2 =	sgt.u32 s2, $0x1869;
	s0 =	sadd.s32 @!p4 $0x400, s0  }
0x65: {  	s2 =	sadd.s32 @!p2 s15, s8;
	s18 =	sadd.s32 @!p2 s14, s8;
	[sflag:s5] =	ssyncadd.s32 @!p0 $0xFFFFC000  }
0x66: {  	[tilespmem:s23], [sflag:$0x1] =	stream.linear.gather @!p1 [hbm4b:s13+s23], $0x80, $0x38;
	[tilespmem:$0x18300] =	vst v63  }
0x67: {  	s2 =	sadd.s32 @!p2 $0x200, s2;
	s5 =	sadd.s32 @!p1 s14, s8;
	s13 =	sadd.s32 @!p2 $0x200, s18  }
0x68: {  	[tilespmem:s28], [sflag:$0x1] =	stream.linear.gather @!p1 [hbm4b:s5+s23], $0x80, $0x38;
	[tilespmem:$0x18300] =	vst v63  }
0x69: {  	s20 =	simm.s32 @!p2 $0x0;
	s19 =	sadd.s32 @!p2 s12, s7;
	s18 =	simm.s32 @!p2 $0x80  }
0x6a: {  	[tilespmem:s18], [sflag:$0x2] =	stream.linear.gather @!p2 [hbm4b:s2+s20], $0x80, $0x38;
	[tilespmem:$0x18300] =	vst v63  }
0x6b: {  	s25 =	sadd.s32 @!p2 $0x10000, s19;
	s5 =	simm.s32 @!p2 $0x200;
	s2 =	sadd.s32 @!p2 s12, s6  }
0x6c: {  	[tilespmem:s5], [sflag:$0x2] =	stream.linear.gather @!p2 [hbm4b:s13+s20], $0x80, $0x38;
	[tilespmem:$0x18300] =	vst v63  }
0x6d: {  	s19 =	sadd.s32 @!p4 s14, s8;
	s24 =	sadd.s32 @!p2 $0x10000, s2;
	s13 =	simm.s32 @!p4 $0x0  }
0x6e: {  	[tilespmem:s26], [sflag:$0x3] =	stream.linear.gather @!p4 [hbm4b:s0+s13], $0x80, $0x38;
	[tilespmem:$0x18300] =	vst v63  }
0x6f: {  	s29 =	simm.s32 @!p1 $0x1;
	s2 =	simm.s32 @!p4 $0x280;
	s0 =	sadd.s32 @!p4 $0x400, s19  }
0x70: {  	[tilespmem:s2], [sflag:$0x3] =	stream.linear.gather @!p4 [hbm4b:s0+s13], $0x80, $0x38;
	[tilespmem:$0x18300] =	vst v63  }
0x71: {  	s30 =	simm.s32 @!p1 $0x80;
	s31 =	simm.s32 @!p1 $0x300;
	_ =	swait.ge @!p1 [sflag:s29], $0x80  }
0x72: {  	s19 =	sadd.s32 @!p4 s12, s6;
	s0 =	sadd.s32 @!p4 s12, s7;
	[sflag:s29] =	ssyncset.done @!p1 $0x0  }
0x73: {  	s17 =	sadd.s32 $0x30000, s17;
	s22 =	sadd.s32 @!p4 $0x20000, s0;
	[sflag:s29] =	ssyncadd.s32 @!p1 $0xFFFFFF80  }
0x74: {  	p3 =	sne.s32 s17, $0xC60000;
	p0 =	por p4, p4;
	_ =	swait.ge @!p1 [sflag:s29], $0x80  }
0x75: {  	s0 =	simm.s32 @!p1 $0xC300;
	[sflag:s29] =	ssyncset.done @!p1 $0x0  }
0x76: {  	[sflag:s29] =	ssyncadd.s32 @!p1 $0xFFFFFF80  }
0x77: {  	[tilespmem:s31], [sflag:$0x4] =	stream.indirect.gather @!p1 [hbm4b:s3+s30], $0x80, s23, s30, $0xb8;
	[tilespmem:$0x18300] =	vst v63  }
0x78: {  	s9 =	simm.s32 @!p2 $0x2  }
0x79: {  	[tilespmem:s0], [sflag:$0x7] =	stream.indirect.gather @!p1 [hbm4b:s4+s30], $0x80, s28, s30, $0xb8;
	[tilespmem:$0x18300] =	vst v63  }
0x7a: {  	s30 =	simm.s32 @!p2 $0x4300;
	_ =	swait.ge @!p2 [sflag:s9], $0x80  }
0x7b: {  	s29 =	simm.s32 @!p2 $0x10300;
	[sflag:s9] =	ssyncset.done @!p2 $0x0  }
0x7c: {  	[sflag:s9] =	ssyncadd.s32 @!p2 $0xFFFFFF80  }
0x7d: {  	_ =	swait.ge @!p2 [sflag:s9], $0x80  }
0x7e: {  	[sflag:s9] =	ssyncset.done @!p2 $0x0  }
0x7f: {  	[sflag:s9] =	ssyncadd.s32 @!p2 $0xFFFFFF80  }
0x80: {  	[tilespmem:s30], [sflag:$0x5] =	stream.indirect.gather @!p2 [hbm4b:s3+s18], $0x80, s18, s18, $0xb8;
	[tilespmem:$0x18300] =	vst v63  }
0x81: {  	s9 =	simm.s32 @!p0 $0x3  }
0x82: {  	[tilespmem:s29], [sflag:$0x8] =	stream.indirect.gather @!p2 [hbm4b:s4+s18], $0x80, s5, s18, $0xb8;
	[tilespmem:$0x18300] =	vst v63  }
0x83: {  	_ =	swait.ge @!p0 [sflag:s9], $0x80  }
0x84: {  	[sflag:s9] =	ssyncset.done @!p0 $0x0  }
0x85: {  	[sflag:s9] =	ssyncadd.s32 @!p0 $0xFFFFFF80  }
0x86: {  	s28 =	simm.s32 @!p0 $0x8300;
	s5 =	simm.s32 @!p0 $0x80;
	_ =	swait.ge @!p0 [sflag:s9], $0x80  }
0x87: {  	s18 =	simm.s32 @!p0 $0x14300;
	[sflag:s9] =	ssyncset.done @!p0 $0x0  }
0x88: {  	[sflag:s9] =	ssyncadd.s32 @!p0 $0xFFFFFF80  }
0x89: {  	[tilespmem:s28], [sflag:$0x6] =	stream.indirect.gather @!p0 [hbm4b:s3+s5], $0x80, s26, s5, $0xb8;
	[tilespmem:$0x18300] =	vst v63  }
0x8a: {  	s9 =	simm.s32 @!p1 $0x4  }
0x8b: {  	[tilespmem:s18], [sflag:$0x9] =	stream.indirect.gather @!p0 [hbm4b:s4+s5], $0x80, s2, s5, $0xb8;
	[tilespmem:$0x18300] =	vst v63  }
0x8c: {  	s2 =	sadd.s32 @!p1 s12, s7;
	s5 =	simm.s32 @!p1 $0xB;
	_ =	swait.ge @!p1 [sflag:s9], $0x4000  }
0x8d: {  	[sflag:s9] =	ssyncset.done @!p1 $0x0  }
0x8e: {  	[sflag:s9] =	ssyncadd.s32 @!p1 $0xFFFFC000;
	s9 =	simm.s32 @!p1 $0x7  }
0x8f: {  	_ =	swait.ge @!p1 [sflag:s9], $0x4000  }
0x90: {  	[sflag:s9] =	ssyncset.done @!p1 $0x0  }
0x91: {  	[sflag:s9] =	ssyncadd.s32 @!p1 $0xFFFFC000  }
0x92: {  	[hbm4b:s2+s23] =	stream.linear.scatter @!p1 [tilespmem:s31], [sflag:$0xB], $0x4000, $0x38;
	[tilespmem:$0x18300] =	vst v63  }
0x93: {  	s2 =	sadd.s32 @!p1 s12, s6;
	s12 =	smov.u32 s21;
	_ =	swait.ge @!p1 [sflag:s5], $0x4000  }
0x94: {  	[sflag:s5] =	ssyncset.done @!p1 $0x0  }
0x95: {  	[sflag:s5] =	ssyncadd.s32 @!p1 $0xFFFFC000  }
0x96: {  	[hbm4b:s2+s23] =	stream.linear.scatter @!p1 [tilespmem:s0], [sflag:$0xB], $0x4000, $0x38;
	[tilespmem:$0x18300] =	vst v63  }
0x97: {  	s0 =	simm.s32 @!p2 $0x8;
	_ =	swait.ge @!p1 [sflag:s5], $0x4000  }
0x98: {  	[sflag:s5] =	ssyncset.done @!p1 $0x0  }
0x99: {  	s2 =	simm.s32 @!p2 $0x5;
	[sflag:s5] =	ssyncadd.s32 @!p1 $0xFFFFC000  }
0x9a: {  	_ =	swait.ge @!p2 [sflag:s2], $0x4000  }
0x9b: {  	s5 =	simm.s32 @!p2 $0xB;
	[sflag:s2] =	ssyncset.done @!p2 $0x0  }
0x9c: {  	[sflag:s2] =	ssyncadd.s32 @!p2 $0xFFFFC000  }
0x9d: {  	_ =	swait.ge @!p2 [sflag:s0], $0x4000  }
0x9e: {  	[sflag:s0] =	ssyncset.done @!p2 $0x0  }
0x9f: {  	[sflag:s0] =	ssyncadd.s32 @!p2 $0xFFFFC000  }
0xa0: {  	[hbm4b:s25+s20] =	stream.linear.scatter @!p2 [tilespmem:s30], [sflag:$0xB], $0x4000, $0x38;
	[tilespmem:$0x18300] =	vst v63  }
0xa1: {  	_ =	swait.ge @!p2 [sflag:s5], $0x4000  }
0xa2: {  	[sflag:s5] =	ssyncset.done @!p2 $0x0  }
0xa3: {  	[sflag:s5] =	ssyncadd.s32 @!p2 $0xFFFFC000  }
0xa4: {  	[hbm4b:s24+s20] =	stream.linear.scatter @!p2 [tilespmem:s29], [sflag:$0xB], $0x4000, $0x38;
	[tilespmem:$0x18300] =	vst v63  }
0xa5: {  	s0 =	simm.s32 @!p0 $0x6;
	_ =	swait.ge @!p2 [sflag:s5], $0x4000  }
0xa6: {  	[sflag:s5] =	ssyncset.done @!p2 $0x0  }
0xa7: {  	[sflag:s5] =	ssyncadd.s32 @!p2 $0xFFFFC000  }
0xa8: {  	s2 =	simm.s32 @!p0 $0x9;
	_ =	swait.ge @!p0 [sflag:s0], $0x4000  }
0xa9: {  	[sflag:s0] =	ssyncset.done @!p0 $0x0  }
0xaa: {  	[sflag:s0] =	ssyncadd.s32 @!p0 $0xFFFFC000  }
.Ltmp0:
0xab: {  	_ =	swait.ge @!p0 [sflag:s2], $0x4000;
	(pc) =	sbr.rel @p3 .LBB2_2-.Ltmp0, $4  }
0xac: {  	s16 =	sadd.s32 $0x60, s16;
	s0 =	simm.s32 @!p0 $0xB;
	[sflag:s2] =	ssyncset.done @!p0 $0x0  }
0xad: {  	s14 =	sadd.s32 $0x600, s14;
	s5 =	sadd.s32 $0xFFFFFFC0, s16;
	[sflag:s2] =	ssyncadd.s32 @!p0 $0xFFFFC000  }
0xae: {  	[hbm4b:s22+s13] =	stream.linear.scatter @!p0 [tilespmem:s28], [sflag:$0xB], $0x4000, $0x38;
	[tilespmem:$0x18300] =	vst v63  }
0xaf: {  	s15 =	sadd.s32 $0x600, s15;
	p1 =	sgt.u32 s5, $0x1869;
	_ =	swait.ge @!p0 [sflag:s0], $0x4000  }
0xb0: {  	[sflag:s0] =	ssyncset.done @!p0 $0x0;
	s2 =	simm.s32 @!p0 $0xA  }
0xb1: {  	p2 =	sgt.u32 s16, $0x1869;
	[sflag:s0] =	ssyncadd.s32 @!p0 $0xFFFFC000;
	s0 =	sadd.s32 @!p0 $0x20000, s19  }
0xb2: {  	[hbm4b:s0+s13] =	stream.linear.scatter @!p0 [tilespmem:s18], [sflag:$0xA], $0x4000, $0x38;
	[tilespmem:$0x18300] =	vst v63  }
0xb3: {  	s5 =	sadd.s32 $0xFFFFFFE0, s16;
	s16 =	simm.s32 @!p1 $0x180;
	_ =	swait.ge @!p0 [sflag:s2], $0x4000  }
0xb4: {  	s9 =	sadd.s32 @!p2 s15, s8;
	p3 =	sgt.u32 s5, $0x1869;
	[sflag:s2] =	ssyncset.done @!p0 $0x0  }
0xb5: {  	s13 =	sadd.s32 @!p1 s15, s8;
	s0 =	simm.s32 @!p1 $0x0;
	[sflag:s2] =	ssyncadd.s32 @!p0 $0xFFFFC000  }
0xb6: {  	[tilespmem:s0], [sflag:$0x1] =	stream.linear.gather @!p1 [hbm4b:s13+s0], $0x80, $0x38;
	[tilespmem:$0x18300] =	vst v63  }
0xb7: {  	s5 =	sadd.s32 @!p3 s14, s8;
	s2 =	sadd.s32 @!p3 s15, s8;
	s13 =	sadd.s32 @!p1 s14, s8  }
0xb8: {  	[tilespmem:s16], [sflag:$0x1] =	stream.linear.gather @!p1 [hbm4b:s13+s0], $0x80, $0x38;
	[tilespmem:$0x18300] =	vst v63  }
0xb9: {  	s17 =	simm.s32 @!p3 $0x80;
	s15 =	simm.s32 @!p3 $0x0;
	s2 =	sadd.s32 @!p3 $0x200, s2  }
0xba: {  	[tilespmem:s17], [sflag:$0x2] =	stream.linear.gather @!p3 [hbm4b:s2+s15], $0x80, $0x38;
	[tilespmem:$0x18300] =	vst v63  }
0xbb: {  	s18 =	simm.s32 @!p3 $0x200;
	s5 =	sadd.s32 @!p3 $0x200, s5;
	s13 =	simm.s32 @!p2 $0x0  }
0xbc: {  	[tilespmem:s18], [sflag:$0x2] =	stream.linear.gather @!p3 [hbm4b:s5+s15], $0x80, $0x38;
	[tilespmem:$0x18300] =	vst v63  }
0xbd: {  	s2 =	simm.s32 @!p2 $0x100;
	s5 =	sadd.s32 @!p2 $0x400, s9;
	s9 =	sadd.s32 @!p2 s14, s8  }
0xbe: {  	[tilespmem:s2], [sflag:$0x3] =	stream.linear.gather @!p2 [hbm4b:s5+s13], $0x80, $0x38;
	[tilespmem:$0x18300] =	vst v63  }
0xbf: {  	s14 =	simm.s32 @!p1 $0x1;
	s5 =	sadd.s32 @!p2 $0x400, s9;
	s9 =	simm.s32 @!p2 $0x280  }
0xc0: {  	[tilespmem:s9], [sflag:$0x3] =	stream.linear.gather @!p2 [hbm4b:s5+s13], $0x80, $0x38;
	[tilespmem:$0x18300] =	vst v63  }
0xc1: {  	_ =	swait.ge @!p1 [sflag:s14], $0x80  }
0xc2: {  	[sflag:s14] =	ssyncset.done @!p1 $0x0  }
0xc3: {  	[sflag:s14] =	ssyncadd.s32 @!p1 $0xFFFFFF80  }
0xc4: {  	_ =	swait.ge @!p1 [sflag:s14], $0x80  }
0xc5: {  	[sflag:s14] =	ssyncset.done @!p1 $0x0  }
0xc6: {  	s19 =	simm.s32 @!p1 $0x300;
	s5 =	simm.s32 @!p1 $0x80;
	[sflag:s14] =	ssyncadd.s32 @!p1 $0xFFFFFF80  }
0xc7: {  	[tilespmem:s19], [sflag:$0x4] =	stream.indirect.gather @!p1 [hbm4b:s3+s5], $0x80, s0, s5, $0xb8;
	[tilespmem:$0x18300] =	vst v63  }
0xc8: {  	s20 =	simm.s32 @!p3 $0x2;
	s14 =	simm.s32 @!p1 $0xC300  }
0xc9: {  	[tilespmem:s14], [sflag:$0x7] =	stream.indirect.gather @!p1 [hbm4b:s4+s5], $0x80, s16, s5, $0xb8;
	[tilespmem:$0x18300] =	vst v63  }
0xca: {  	_ =	swait.ge @!p3 [sflag:s20], $0x80  }
0xcb: {  	[sflag:s20] =	ssyncset.done @!p3 $0x0  }
0xcc: {  	[sflag:s20] =	ssyncadd.s32 @!p3 $0xFFFFFF80  }
0xcd: {  	_ =	swait.ge @!p3 [sflag:s20], $0x80  }
0xce: {  	[sflag:s20] =	ssyncset.done @!p3 $0x0  }
0xcf: {  	p0 =	por p2, p2;
	s5 =	simm.s32 @!p3 $0x4300;
	[sflag:s20] =	ssyncadd.s32 @!p3 $0xFFFFFF80  }
0xd0: {  	[tilespmem:s5], [sflag:$0x5] =	stream.indirect.gather @!p3 [hbm4b:s3+s17], $0x80, s17, s17, $0xb8;
	[tilespmem:$0x18300] =	vst v63  }
0xd1: {  	s16 =	simm.s32 @!p3 $0x10300;
	s20 =	simm.s32 @!p0 $0x3  }
0xd2: {  	[tilespmem:s16], [sflag:$0x8] =	stream.indirect.gather @!p3 [hbm4b:s4+s17], $0x80, s18, s17, $0xb8;
	[tilespmem:$0x18300] =	vst v63  }
0xd3: {  	_ =	swait.ge @!p0 [sflag:s20], $0x80  }
0xd4: {  	[sflag:s20] =	ssyncset.done @!p0 $0x0  }
0xd5: {  	[sflag:s20] =	ssyncadd.s32 @!p0 $0xFFFFFF80  }
0xd6: {  	_ =	swait.ge @!p0 [sflag:s20], $0x80  }
0xd7: {  	[sflag:s20] =	ssyncset.done @!p0 $0x0  }
0xd8: {  	s17 =	simm.s32 @!p0 $0x80;
	s18 =	simm.s32 @!p0 $0x8300;
	[sflag:s20] =	ssyncadd.s32 @!p0 $0xFFFFFF80  }
0xd9: {  	[tilespmem:s18], [sflag:$0x6] =	stream.indirect.gather @!p0 [hbm4b:s3+s17], $0x80, s2, s17, $0xb8;
	[tilespmem:$0x18300] =	vst v63  }
0xda: {  	s20 =	simm.s32 @!p1 $0x4;
	s2 =	simm.s32 @!p0 $0x14300  }
0xdb: {  	[tilespmem:s2], [sflag:$0x9] =	stream.indirect.gather @!p0 [hbm4b:s4+s17], $0x80, s9, s17, $0xb8;
	[tilespmem:$0x18300] =	vst v63  }
0xdc: {  	_ =	swait.ge @!p1 [sflag:s20], $0x4000  }
0xdd: {  	[sflag:s20] =	ssyncset.done @!p1 $0x0  }
0xde: {  	s9 =	simm.s32 @!p1 $0x7;
	[sflag:s20] =	ssyncadd.s32 @!p1 $0xFFFFC000  }
0xdf: {  	_ =	swait.ge @!p1 [sflag:s9], $0x4000  }
0xe0: {  	[sflag:s9] =	ssyncset.done @!p1 $0x0  }
0xe1: {  	s17 =	sadd.s32 @!p1 s12, s7;
	s20 =	simm.s32 @!p1 $0xB;
	[sflag:s9] =	ssyncadd.s32 @!p1 $0xFFFFC000  }
0xe2: {  	[hbm4b:s17+s0] =	stream.linear.scatter @!p1 [tilespmem:s19], [sflag:$0xB], $0x4000, $0x38;
	[tilespmem:$0x18300] =	vst v63  }
0xe3: {  	_ =	swait.ge @!p1 [sflag:s20], $0x4000  }
0xe4: {  	[sflag:s20] =	ssyncset.done @!p1 $0x0  }
0xe5: {  	s9 =	sadd.s32 @!p1 s12, s6;
	[sflag:s20] =	ssyncadd.s32 @!p1 $0xFFFFC000  }
0xe6: {  	[hbm4b:s9+s0] =	stream.linear.scatter @!p1 [tilespmem:s14], [sflag:$0xB], $0x4000, $0x38;
	[tilespmem:$0x18300] =	vst v63  }
0xe7: {  	_ =	swait.ge @!p1 [sflag:s20], $0x4000  }
0xe8: {  	[sflag:s20] =	ssyncset.done @!p1 $0x0  }
0xe9: {  	s0 =	simm.s32 @!p3 $0x5;
	[sflag:s20] =	ssyncadd.s32 @!p1 $0xFFFFC000  }
0xea: {  	_ =	swait.ge @!p3 [sflag:s0], $0x4000  }
0xeb: {  	[sflag:s0] =	ssyncset.done @!p3 $0x0  }
0xec: {  	s9 =	simm.s32 @!p3 $0x8;
	[sflag:s0] =	ssyncadd.s32 @!p3 $0xFFFFC000  }
0xed: {  	_ =	swait.ge @!p3 [sflag:s9], $0x4000  }
0xee: {  	s0 =	sadd.s32 @!p3 s12, s7;
	[sflag:s9] =	ssyncset.done @!p3 $0x0  }
0xef: {  	s14 =	simm.s32 @!p3 $0xB;
	s0 =	sadd.s32 @!p3 $0x10000, s0;
	[sflag:s9] =	ssyncadd.s32 @!p3 $0xFFFFC000  }
0xf0: {  	[hbm4b:s0+s15] =	stream.linear.scatter @!p3 [tilespmem:s5], [sflag:$0xB], $0x4000, $0x38;
	[tilespmem:$0x18300] =	vst v63  }
0xf1: {  	_ =	swait.ge @!p3 [sflag:s14], $0x4000  }
0xf2: {  	s0 =	sadd.s32 @!p3 s12, s6;
	[sflag:s14] =	ssyncset.done @!p3 $0x0  }
0xf3: {  	s0 =	sadd.s32 @!p3 $0x10000, s0;
	[sflag:s14] =	ssyncadd.s32 @!p3 $0xFFFFC000  }
0xf4: {  	[hbm4b:s0+s15] =	stream.linear.scatter @!p3 [tilespmem:s16], [sflag:$0xB], $0x4000, $0x38;
	[tilespmem:$0x18300] =	vst v63  }
0xf5: {  	_ =	swait.ge @!p3 [sflag:s14], $0x4000  }
0xf6: {  	[sflag:s14] =	ssyncset.done @!p3 $0x0  }
0xf7: {  	s0 =	simm.s32 @!p0 $0x6;
	[sflag:s14] =	ssyncadd.s32 @!p3 $0xFFFFC000  }
0xf8: {  	_ =	swait.ge @!p0 [sflag:s0], $0x4000  }
0xf9: {  	[sflag:s0] =	ssyncset.done @!p0 $0x0  }
0xfa: {  	s5 =	simm.s32 @!p0 $0x9;
	[sflag:s0] =	ssyncadd.s32 @!p0 $0xFFFFC000  }
0xfb: {  	_ =	swait.ge @!p0 [sflag:s5], $0x4000  }
0xfc: {  	s0 =	sadd.s32 @!p2 s12, s7;
	[sflag:s5] =	ssyncset.done @!p0 $0x0  }
0xfd: {  	s9 =	simm.s32 @!p0 $0xB;
	s0 =	sadd.s32 @!p2 $0x20000, s0;
	[sflag:s5] =	ssyncadd.s32 @!p0 $0xFFFFC000  }
0xfe: {  	[hbm4b:s0+s13] =	stream.linear.scatter @!p0 [tilespmem:s18], [sflag:$0xB], $0x4000, $0x38;
	[tilespmem:$0x18300] =	vst v63  }
0xff: {  	_ =	swait.ge @!p0 [sflag:s9], $0x4000  }
0x100: {  	s0 =	sadd.s32 @!p2 s12, s6;
	[sflag:s9] =	ssyncset.done @!p0 $0x0  }
0x101: {  	s5 =	simm.s32 @!p0 $0xA;
	s0 =	sadd.s32 @!p0 $0x20000, s0;
	[sflag:s9] =	ssyncadd.s32 @!p0 $0xFFFFC000  }
0x102: {  	[hbm4b:s0+s13] =	stream.linear.scatter @!p0 [tilespmem:s2], [sflag:$0xA], $0x4000, $0x38;
	[tilespmem:$0x18300] =	vst v63  }
0x103: {  	_ =	swait.ge @!p0 [sflag:s5], $0x4000  }
0x104: {  	s1 =	sadd.s32 $0x1, s1;
	s31 =	rddreg [dreg:$0x3]  }
0x105: {  	p1 =	sne.s32 s1, s31  }
.Ltmp1:
0x106: {  	_ = 	snop;
	(pc) =	sbr.rel @p1 .LBB2_1-.Ltmp1, $3  }
0x107: {  	_ =	sdelay $0x1  }
0x108: {  	[sflag:s5] =	ssyncset.done @!p0 $0x0  }
0x109: {  	[sflag:s5] =	ssyncadd.s32 @!p0 $0xFFFFC000  }
0x10a: {  	_ =	sfence.sel $0x180000  }
0x10b: {  	[bflag:$0x0] =	sbarrier.arrive $0xFFFF  }
0x10c: {  	_ =	strace $0x9000004D  }
0x10d: {  	s0 =	stileid.u32;
	[bflag:$0x2] =	sbarrier.arrive $0xFFFF  }
0x10e: {  	p0 =	sne.s32 s0, $0x0;
	s0 =	rddreg [dreg:$0x2]  }
0x10f: {  	s0 =	sadd.s32 @!p0 $0x100000, s0  }
0x110: {  	[sflag:s0] =	ssyncadd.tile.s32 @!p0 $0x1;
	_ =	shalt  }
.Lfunc_end2:
_tile_overlayer_lowered:
.L_overlay_start_2:
0x111: {  	(tag) =	ssettag $0x2  }
0x112: {  	s0 =	rddreg [dreg:$0x0];
	s2 =	stileid.u32  }
0x113: {  	s1 =	rddreg [dreg:$0x1];
	p0 =	sne.s32 s2, $0x0  }
0x114: {  	s3 =	rddreg [dreg:$0x2];
	[bflag:$0x3] =	sbarrier.arrive $0xFFFF;
	s2 =	simm.s32 @!p0 $0x1C0A  }
0x115: {  	[timem:s3], [sflag:s2] =	dma.local @!p0 [hbm:s0], s1  }
0x116: {  	s0 =	simm.s32 @!p0 $0xA  }
0x117: {  	_ =	swait.ge @!p0 [sflag:s0], s1  }
0x118: {  	s1 =	ssub.s32 @!p0 $0x0, s1;
	[sflag:s0] =	ssyncset.done @!p0 $0x0  }
0x119: {  	[sflag:s0] =	ssyncadd.s32 @!p0 s1  }
0x11a: {  	[bflag:$0x3] =	sbarrier.arrive $0xFFFF  }
0x11b: {  	_ =	shalt  }

// kernel: kernel.20.cloned.1.call-start
scs
__scs_entry_jumppad:
0x0: {  	(pc) =	sbr.rel $0x88, $3  }
0x1: {  	(tag) =	ssettag $0x0;
	lr =	simm.s32 $0x1  }
0x2: {  	[smem:$0x3F8D] =	sst lr;
	_ =	strace $0xD0000000  }
0x3: {  	_ = 	snop  }
0x4: {  	_ = 	snop  }
0x5: {  	_ = 	snop  }
0x6: {  	_ = 	snop  }
0x7: {  	_ = 	snop  }
__scs_overlays_trampoline_lowered:
0x8: {  	[smem:$0x3F9C] =	sst s0  }
0x9: {  	[smem:$0x3F9D] =	sst s1  }
0xa: {  	[smem:$0x3F9E] =	sst s2  }
0xb: {  	[smem:$0x3F9F] =	sst s3  }
0xc: {  	[smem:$0x3FA0] =	sst s4  }
0xd: {  	[smem:$0x3FA1] =	sst s5  }
0xe: {  	[smem:$0x3FA2] =	sst s6  }
0xf: {  	[smem:$0x3FA3] =	sst s7  }
0x10: {  	[smem:$0x3FA4] =	sst s8  }
0x11: {  	[smem:$0x3FA5] =	sst s9;
	s0 =	simm.s32 @!p0 $0x0  }
0x12: {  	s1 =	sld [smem:$0x3F8B];
	s0 =	simm.s32 @p0 $0x1  }
0x13: {  	[smem:$0x3FA6] =	sst s0;
	s0 =	simm.s32 @!p1 $0x0  }
0x14: {  	s2 =	sld [smem:$0x3F8A];
	s0 =	simm.s32 @p1 $0x1  }
0x15: {  	[smem:$0x3FA7] =	sst s0;
	s0 =	simm.s32 @!p2 $0x0  }
0x16: {  	s3 =	sld [smem:$0x3FDB];
	s0 =	simm.s32 @p2 $0x1  }
0x17: {  	s4 =	simm.s32 $0x1BF5;
	[smem:$0x3FA9] =	sst s0  }
0x18: {  	s0 =	sld [smem:$0x3F8C];
	_ =	swait.ge [sflag:s4], $0x0  }
0x19: {  	s7 =	sld [smem:$0x3F8D]  }
0x1a: {  	s8 =	sadd.s32 $0xFFFFE003, lr  }
0x1b: {  	s9 =	sadd.s32 $0xFFFFFEF7, lr;
	s5 =	simm.s32 $0xFFFFFFFF;
	p2 =	slt.u32 s8, $0xFFFFF086  }
0x1c: {  	p1 =	slt.u32 s9, $0xF7A;
	s5 =	simm.s32 @!p2 $0x0  }
0x1d: {  	s5 =	simm.s32 @p1 $0x1;
	p0 =	seq.s32 s7, s2  }
0x1e: {  	s7 =	smul.u32 @!p0 $0xF7A, s2;
	p2 =	seq.s32 @!p0 s5, $0x0  }
0x1f: {  	s9 =	smul.u32 $0xF7A, s1;
	s8 =	simm.s32 @!p0 $0x1BF5;
	p2 =	por !p2, p0  }
0x20: {  	[sflag:s8] =	ssyncset.s32 @!p0 $0xFFFFF086;
	s6 =	sadd.s32 @!p0 s3, s7;
	s7 =	simm.s32 @!p0 $0x108  }
0x21: {  	s3 =	sadd.s32 s3, s9;
	s6 =	sadd.s32 @!p0 $0x88, s6;
	s7 =	simm.s32 @p2 $0x1082  }
0x22: {  	[simem:s7], [sflag:s8] =	dma.local @!p0 [hbm:s6], $0xF7A  }
0x23: {  	s9 =	sor.u32 $0xD0000000, s2;
	s6 =	simm.s32 $0x108;
	_ =	swait.ge @!p0 [sflag:s8], $0x0  }
0x24: {  	s3 =	sadd.s32 $0x88, s3;
	s6 =	simm.s32 @!p1 $0x1082;
	[sflag:s4] =	ssyncset.s32 $0xFFFFF086  }
0x25: {  	[simem:s6], [sflag:s4] =	dma.local [hbm:s3], $0xF7A  }
0x26: {  	[smem:$0x3F8D] =	sst s1;
	(tag) =	ssettag s2;
	_ =	strace s9  }
0x27: {  	s1 =	sld [smem:$0x3F9D]  }
0x28: {  	s2 =	sld [smem:$0x3F9E]  }
0x29: {  	s4 =	sld [smem:$0x3FA0]  }
0x2a: {  	p0 =	seq.s32 s5, $0x0;
	s5 =	sld [smem:$0x3FA1]  }
0x2b: {  	s6 =	sld [smem:$0x3FA2]  }
0x2c: {  	s7 =	sld [smem:$0x3FA3]  }
0x2d: {  	s3 =	simm.s32 $0x108;
	s8 =	sld [smem:$0x3FA4]  }
0x2e: {  	s3 =	simm.s32 @!p0 $0x1082;
	s9 =	sld [smem:$0x3FA5]  }
0x2f: {  	lr =	sadd.s32 s0, s3;
	s0 =	sld [smem:$0x3F9C]  }
0x30: {  	s3 =	sld [smem:$0x3F9F]  }
0x31: {  	[smem:$0x3FA8] =	sst s10  }
0x32: {  	s10 =	sld [smem:$0x3FA6];
	_ =	sdelay $0x3  }
0x33: {  	p0 =	seq.s32 s10, $0x1;
	s10 =	sld [smem:$0x3FA8];
	_ =	sdelay $0x3  }
0x34: {  	[smem:$0x3FA8] =	sst s10  }
0x35: {  	s10 =	sld [smem:$0x3FA7];
	_ =	sdelay $0x3  }
0x36: {  	p1 =	seq.s32 s10, $0x1;
	s10 =	sld [smem:$0x3FA8];
	_ =	sdelay $0x3  }
0x37: {  	[smem:$0x3FA8] =	sst s10  }
0x38: {  	s10 =	sld [smem:$0x3FA9]  }
0x39: {  	_ = 	snop;
	(pc) =	sbr.ind lr, $3  }
0x3a: {  	_ = 	snop  }
0x3b: {  	_ = 	snop  }
0x3c: {  	p2 =	seq.s32 s10, $0x1;
	s10 =	sld [smem:$0x3FA8]  }
0x3d: {  	_ =	shalt  }
0x3e: {  	_ =	shalt  }
0x3f: {  	_ =	shalt  }
0x40: {  	_ =	shalt  }
0x41: {  	_ =	shalt  }
0x42: {  	_ =	shalt  }
0x43: {  	_ =	shalt  }
0x44: {  	_ =	shalt  }
0x45: {  	_ =	shalt  }
0x46: {  	_ =	shalt  }
0x47: {  	_ =	shalt  }
0x48: {  	_ =	shalt  }
0x49: {  	_ =	shalt  }
0x4a: {  	_ =	shalt  }
0x4b: {  	_ =	shalt  }
0x4c: {  	_ =	shalt  }
0x4d: {  	_ =	shalt  }
0x4e: {  	_ =	shalt  }
0x4f: {  	_ =	shalt  }
0x50: {  	_ =	shalt  }
0x51: {  	_ =	shalt  }
0x52: {  	_ =	shalt  }
0x53: {  	_ =	shalt  }
0x54: {  	_ =	shalt  }
0x55: {  	_ =	shalt  }
0x56: {  	_ =	shalt  }
0x57: {  	_ =	shalt  }
0x58: {  	_ =	shalt  }
0x59: {  	_ =	shalt  }
0x5a: {  	_ =	shalt  }
0x5b: {  	_ =	shalt  }
0x5c: {  	_ =	shalt  }
0x5d: {  	_ =	shalt  }
0x5e: {  	_ =	shalt  }
0x5f: {  	_ =	shalt  }
0x60: {  	_ =	shalt  }
0x61: {  	_ =	shalt  }
0x62: {  	_ =	shalt  }
0x63: {  	_ =	shalt  }
0x64: {  	_ =	shalt  }
0x65: {  	_ =	shalt  }
0x66: {  	_ =	shalt  }
0x67: {  	_ =	shalt  }
0x68: {  	_ =	shalt  }
0x69: {  	_ =	shalt  }
0x6a: {  	_ =	shalt  }
0x6b: {  	_ =	shalt  }
0x6c: {  	_ =	shalt  }
0x6d: {  	_ =	shalt  }
0x6e: {  	_ =	shalt  }
0x6f: {  	_ =	shalt  }
0x70: {  	_ =	shalt  }
0x71: {  	_ =	shalt  }
0x72: {  	_ =	shalt  }
0x73: {  	_ =	shalt  }
0x74: {  	_ =	shalt  }
0x75: {  	_ =	shalt  }
0x76: {  	_ =	shalt  }
0x77: {  	_ =	shalt  }
0x78: {  	_ =	shalt  }
0x79: {  	_ =	shalt  }
0x7a: {  	_ =	shalt  }
0x7b: {  	_ =	shalt  }
0x7c: {  	_ =	shalt  }
0x7d: {  	_ =	shalt  }
0x7e: {  	_ =	shalt  }
0x7f: {  	_ =	shalt  }
0x80: {  	_ =	shalt  }
0x81: {  	_ =	shalt  }
0x82: {  	_ =	shalt  }
0x83: {  	_ =	shalt  }
0x84: {  	_ =	shalt  }
0x85: {  	_ =	shalt  }
0x86: {  	_ =	shalt  }
0x87: {  	_ =	shalt  }
.Lfunc_end0:
.L_simem_size_0:
called_computation.3_lowered:
.L_overlay_start_0:
0x88: {  	s2 =	sld [smem:$0x3FD9]  }
0x89: {  	s3 =	sld [smem:$0x3FFE];
	_ =	sdelay $0x1  }
0x8a: {  	s1 =	srdreg.scid  }
0x8b: {  	s0 =	sand.u32 $0x1, s1  }
0x8c: {  	s17 =	sshll.u32 s0, $0xA;
	s2 =	sadd.s32 s3, s2  }
0x8d: {  	s2 =	sadd.s32 s2, s17  }
0x8e: {  	[smem:$0x3FB4] =	sst s2  }
0x8f: {  	_ = 	snop  }
0x90: {  	s2 =	sld [smem:$0x3FD0];
	(tm) =	ssettm $0x1  }
0x91: {  	s18 =	sld [smem:$0x3FFB];
	_ =	sdelay $0x3  }
0x92: {  	_ =	strace s18  }
0x93: {  	s3 =	sld [smem:$0x3FFC];
	_ =	sdelay $0x3  }
0x94: {  	_ =	strace s3  }
0x95: {  	s3 =	sld [smem:$0x3FFD];
	_ =	sdelay $0x3  }
0x96: {  	_ =	strace s3  }
0x97: {  	_ =	strace $0x8FFFFFFF  }
0x98: {  	s19 =	sld [smem:$0x3FDB];
	_ =	sdelay $0x1  }
0x99: {  	s4 =	simm.s32 $_scs_section_size  }
0x9a: {  	s5 =	simm.s32 $_size__tile_overlayer_lowered;
	s6 =	simm.s32 $_tile_overlayer_lowered  }
0x9b: {  	s22 =	simm.s32 $0x1BFF;
	s21 =	sshll.u32 s6, $0x1;
	s3 =	sadd.s32 s4, s19  }
0x9c: {  	s7 =	simm.s32 $0x0;
	s20 =	sshll.u32 s5, $0x1;
	s5 =	sadd.s32 s21, s3  }
0x9d: {  	[timem:s7], [sflag:s22] =	dma.local [hbm:s5], s20  }
0x9e: {  	_ =	swait.ge [sflag:s22], s20  }
0x9f: {  	s4 =	ssub.s32 $0x0, s20;
	[sflag:s22] =	ssyncset.done $0x0  }
0xa0: {  	[sflag:s22] =	ssyncadd.s32 s4;
	_ =	sdelay $0x1  }
0xa1: {  	s23 =	simm.s32 $0x1B8B  }
0xa2: {  	_ =	swait.ge [sflag:s23], $0x1  }
0xa3: {  	[sflag:s23] =	ssyncset.done $0x0  }
0xa4: {  	s25 =	simm.s32 $0x1B8E;
	s24 =	sld [smem:$0x3FFE];
	[sflag:s23] =	ssyncadd.s32 $0xFFFFFFFF  }
0xa5: {  	s26 =	simm.s32 $execute0_lowered;
	[smem:$0x3FD2] =	sst s25  }
0xa6: {  	s5 =	sshll.u32 s26, $0x1;
	_ =	strace $0x8000004F;
	[dreg:$0x1] =	wrdreg $0xFFFFFFFF  }
0xa7: {  	s28 =	simm.s32 $_size_execute0_lowered;
	s3 =	sadd.s32 s3, s5;
	[dreg:$0x0] =	wrdreg $0x0  }
0xa8: {  	s5 =	sshll.u32 s28, $0x1;
	[dreg:$0x2] =	wrdreg s3  }
0xa9: {  	[dreg:$0x3] =	wrdreg s5  }
0xaa: {  	[dreg:$0x4] =	wrdreg $0xC0  }
0xab: {  	_ =	task [dreg:s7], $0x5FFFF  }
0xac: {  	[dreg:$0x1] =	wrdreg $0xFFFFFFFF  }
0xad: {  	[dreg:$0x0] =	wrdreg $0x60  }
0xae: {  	[dreg:$0x2] =	wrdreg s24  }
0xaf: {  	[dreg:$0x3] =	wrdreg s2  }
0xb0: {  	[dreg:$0x4] =	wrdreg $0x41000  }
0xb1: {  	[dreg:$0x5] =	wrdreg $0x9  }
0xb2: {  	_ =	task.clear_ibuf [dreg:s7], $0x6FFFF;
	_ =	strace $0x9000004F  }
0xb3: {  	s29 =	simm.s32 $0x9;
	_ =	strace $0x80000051  }
0xb4: {  	_ =	swait.ge [sflag:s29], $0x1  }
0xb5: {  	[sflag:s29] =	ssyncadd.s32 $0xFFFFFFFF  }
0xb6: {  	_ =	strace $0x90000051  }
0xb7: {  	_ =	sfence  }
0xb8: {  	s30 =	sld [smem:$0x0];
	_ =	sdelay $0x2  }
0xb9: {  	s31 =	sshll.u32 s1, $0xD;
	s1 =	sshrl.u32 s1, $0x2  }
0xba: {  	s3 =	sand.u32 $0x4000, s31;
	s1 =	sadd.s32 s1, s30  }
0xbb: {  	s0 =	sor.u32 s3, s0;
	s1 =	sshll.u32 s1, $0x11  }
0xbc: {  	s0 =	sor.u32 s1, s0  }
0xbd: {  	s0 =	sadd.s32 $0x8F2B, s0  }
0xbe: {  	[sflag:s0] =	ssyncadd.remote.s32 $0x1  }
0xbf: {  	_ =	sfence.sel $0xFFFF  }
0xc0: {  	[dreg:$0x0] =	wrdreg $0xFFFFFFFF;
	(pc) =	sbr.abs _section_cstart, $3  }
0xc1: {  	[dreg:$0x1] =	wrdreg $0xFFFFFFFF  }
0xc2: {  	_ =	task.clear_ibuf [dreg:s7], $0x2FFFF;
	_ =	strace $0x9FFFFFFF  }
0xc3: {  	(tm) =	ssettm $0x7FFFFFFF  }
tec
execute0_lowered:
.L_overlay_start_1:
0x0: {  	(tag) =	ssettag $0x1  }
0x1: {  	s1 =	srdreg.scid;
	s3 =	rddreg [dreg:$0x0]  }
0x2: {  	s0 =	simm.s32 $0x0;
	s19 =	rddreg [dreg:$0x1];
	s2 =	sand.u32 $0x1, s1  }
0x3: {  	[smem:$0x7FF] =	sst s0;
	s4 =	smul.u32 $0x61C0, s2  }
0x4: {  	s1 =	stileid.u32;
	s7 =	sadd.s32 $0x1E800, s3;
	s6 =	smul.u32 $0x30E000, s2  }
0x5: {  	s2 =	ssub.s32 $0x2, s2;
	s20 =	sor.u32 $0x10, s1;
	s22 =	sor.u32 $0x20, s1  }
0x6: {  	s26 =	sor.u32 $0x30, s1;
	s28 =	sor.u32 $0x40, s1;
	s29 =	sor.u32 $0x50, s1  }
0x7: {  	s21 =	sshll.u32 s1, $0x4;
	p1 =	sne.s32 s1, $0x0;
	s8 =	sshrl.u32 s2, $0x1  }
0x8: {  	s14 =	sshll.u32 s20, $0xE;
	s15 =	sshll.u32 s22, $0xE;
	s16 =	sshll.u32 s26, $0xE  }
0x9: {  	s17 =	sshll.u32 s28, $0xE;
	s18 =	sshll.u32 s29, $0xE;
	s21 =	sadd.s32 s21, s19  }
0xa: {  	s20 =	sshll.u32 s20, $0xB;
	s22 =	sshll.u32 s22, $0xB;
	s5 =	sadd.s32 $0x30E0, s4  }
0xb: {  	s9 =	sshrl.u32 s6, $0x3;
	s12 =	ssub.s32 s2, s8;
	s24 =	sadd.s32 s6, s14  }
0xc: {  	s11 =	sadd.s32 s6, s15;
	s13 =	sadd.s32 s6, s16;
	v0 =	vmov s4;
	s4 =	simm.s32 $0x2  }
0xd: {  	s10 =	sshll.u32 s5, $0x4;
	s9 =	sadd.s32 s7, s9;
	s25 =	sshrl.u32 s11, $0x3  }
0xe: {  	s31 =	sshrl.u32 s13, $0x3;
	s13 =	sadd.s32 s6, s17;
	v1 =	vmov s5;
	s5 =	simm.s32 $0x3  }
0xf: {  	s2 =	sadd.s32 s7, s10;
	s10 =	sshll.u32 s1, $0xE;
	s11 =	sadd.s32 s7, s31  }
0x10: {  	s31 =	sadd.s32 $0x30800, s9;
	s23 =	sadd.s32 s6, s10;
	[dreg:$0x7] =	wrdreg s11  }
0x11: {  	s6 =	sadd.s32 s6, s18;
	s11 =	sadd.s32 $0x1E000, s3;
	s8 =	sshrl.u32 s23, $0x3  }
0x12: {  	s30 =	sadd.s32 $0x30000, s2;
	s6 =	sshrl.u32 s6, $0x3;
	s8 =	sadd.s32 s7, s8  }
0x13: {  	s23 =	sshll.u32 s1, $0xB;
	s6 =	sadd.s32 s7, s6;
	[dreg:$0x4] =	wrdreg s8  }
0x14: {  	s8 =	sshrl.u32 s24, $0x3;
	[dreg:$0x9] =	wrdreg s6;
	s24 =	smax.u32 s12, $0x1  }
0x15: {  	s12 =	sadd.s32 $0x30000, s9;
	s6 =	sadd.s32 s23, s2;
	s8 =	sadd.s32 s7, s8  }
0x16: {  	[dreg:$0x5] =	wrdreg s8;
	s8 =	sadd.s32 s7, s25;
	s25 =	sor.u32 $0x60, s1  }
0x17: {  	[dreg:$0x6] =	wrdreg s8;
	s8 =	sshrl.u32 s13, $0x3;
	p0 =	sgt.u32 s25, $0x61  }
0x18: {  	s8 =	sadd.s32 s7, s8;
	s7 =	sadd.s32 s23, s3;
	s3 =	sshll.u32 s25, $0xE  }
0x19: {  	s25 =	sadd.s32 s22, s2;
	s23 =	sshll.u32 s26, $0xB;
	[dreg:$0x8] =	wrdreg s8  }
0x1a: {  	s8 =	rddreg [dreg:$0x2];
	s26 =	sadd.s32 s23, s2;
	_ =	strace $0x80000050  }
0x1b: {  	[dreg:$0xa] =	wrdreg s24;
	s13 =	sadd.s32 s10, s8;
	s14 =	sadd.s32 s14, s8  }
0x1c: {  	s15 =	sadd.s32 s15, s8;
	s16 =	sadd.s32 s16, s8;
	[dreg:$0xb] =	wrdreg s31  }
0x1d: {  	s17 =	sadd.s32 s17, s8;
	s18 =	sadd.s32 s18, s8;
	[dreg:$0xd] =	wrdreg s12  }
0x1e: {  	s19 =	sadd.s32 s3, s8;
	s10 =	sadd.s32 $0x61600, s9;
	[dreg:$0xe] =	wrdreg s6  }
0x1f: {  	s3 =	sadd.s32 s20, s2;
	s24 =	sshll.u32 s28, $0xB;
	s31 =	sshll.u32 s29, $0xB  }
0x20: {  	s20 =	sadd.s32 $0x2707600, s7;
	s6 =	sadd.s32 $0x184000, s8;
	[dreg:$0xc] =	wrdreg s10  }
0x21: {  	s7 =	simm.s32 $0x0;
	[dreg:$0xf] =	wrdreg s3;
	s28 =	sadd.s32 s24, s2  }
0x22: {  	s29 =	sadd.s32 s31, s2;
	s2 =	sadd.s32 $0x180000, s8;
	s3 =	simm.s32 $0x100  }
.LBB2_1:
0x23: {  	[tilespmem:s3], [sflag:$0x2] =	stream.linear.gather [hbm4b:s11+s0], $0x4000, $0x38;
	[tilespmem:$0x1C900] =	vst v63  }
0x24: {  	_ =	swait.ge [sflag:s4], $0x4000  }
0x25: {  	[sflag:s4] =	ssyncset.done $0x0  }
0x26: {  	[sflag:s4] =	ssyncadd.s32 $0xFFFFC000  }
0x27: {  	[spmem:s13] =	stream.linear.scatter [tilespmem:s3], [sflag:$0x2], $0x4000, $0x38;
	[tilespmem:$0x1C900] =	vst v63  }
0x28: {  	_ =	swait.ge [sflag:s4], $0x4000  }
0x29: {  	[sflag:s4] =	ssyncset.done $0x0  }
0x2a: {  	[sflag:s4] =	ssyncadd.s32 $0xFFFFC000  }
0x2b: {  	[spmem:s14] =	stream.linear.scatter [tilespmem:s3], [sflag:$0x2], $0x4000, $0x38;
	[tilespmem:$0x1C900] =	vst v63  }
0x2c: {  	_ =	swait.ge [sflag:s4], $0x4000  }
0x2d: {  	[sflag:s4] =	ssyncset.done $0x0  }
0x2e: {  	[sflag:s4] =	ssyncadd.s32 $0xFFFFC000  }
0x2f: {  	[spmem:s15] =	stream.linear.scatter [tilespmem:s3], [sflag:$0x2], $0x4000, $0x38;
	[tilespmem:$0x1C900] =	vst v63  }
0x30: {  	_ =	swait.ge [sflag:s4], $0x4000  }
0x31: {  	[sflag:s4] =	ssyncset.done $0x0  }
0x32: {  	[sflag:s4] =	ssyncadd.s32 $0xFFFFC000  }
0x33: {  	[spmem:s16] =	stream.linear.scatter [tilespmem:s3], [sflag:$0x2], $0x4000, $0x38;
	[tilespmem:$0x1C900] =	vst v63  }
0x34: {  	_ =	swait.ge [sflag:s4], $0x4000  }
0x35: {  	[sflag:s4] =	ssyncset.done $0x0  }
0x36: {  	[sflag:s4] =	ssyncadd.s32 $0xFFFFC000  }
0x37: {  	[spmem:s17] =	stream.linear.scatter [tilespmem:s3], [sflag:$0x2], $0x4000, $0x38;
	[tilespmem:$0x1C900] =	vst v63  }
0x38: {  	_ =	swait.ge [sflag:s4], $0x4000  }
0x39: {  	[sflag:s4] =	ssyncset.done $0x0  }
0x3a: {  	[sflag:s4] =	ssyncadd.s32 $0xFFFFC000  }
0x3b: {  	[spmem:s18] =	stream.linear.scatter [tilespmem:s3], [sflag:$0x2], $0x4000, $0x38;
	[tilespmem:$0x1C900] =	vst v63  }
0x3c: {  	_ =	swait.ge [sflag:s4], $0x4000  }
0x3d: {  	[sflag:s4] =	ssyncset.done $0x0  }
0x3e: {  	s9 =	simm.s32 @!p0 $0x100;
	[sflag:s4] =	ssyncadd.s32 $0xFFFFC000  }
0x3f: {  	[spmem:s19] =	stream.linear.scatter @!p0 [tilespmem:s9], [sflag:$0x2], $0x4000, $0x38;
	[tilespmem:$0x1C900] =	vst v63  }
0x40: {  	s9 =	simm.s32 @!p0 $0x2  }
0x41: {  	_ =	swait.ge @!p0 [sflag:s9], $0x4000  }
0x42: {  	s10 =	sadd.s32 $0x0, s1;
	[sflag:s9] =	ssyncset.done @!p0 $0x0  }
0x43: {  	p3 =	sgt.u32 s10, $0x1869;
	[sflag:s9] =	ssyncadd.s32 @!p0 $0xFFFFC000  }
0x44: {  	s10 =	simm.s32 @!p3 $0x0;
	s9 =	simm.s32 @!p3 $0x100;
	[bflag:$0x0] =	sbarrier.arrive $0xFFFF  }
0x45: {  	[tilespmem:s9], [sflag:$0x1] =	stream.linear.gather @!p3 [hbm4b:s20+s10], $0x4000, $0x38;
	[tilespmem:$0x1C900] =	vst v63  }
0x46: {  	s12 =	simm.s32 @!p3 $0x3;
	p2 =	por p3, p3  }
0x47: {  	[tilespmem:s10], [sflag:$0x3] =	stream.linear.gather @!p2 [hbm4b:s21+s10], $0x80, $0x38;
	[tilespmem:$0x1C900] =	vst v63  }
0x48: {  	_ =	swait.ge @!p2 [sflag:s12], $0x80  }
0x49: {  	[sflag:s12] =	ssyncset.done @!p2 $0x0  }
0x4a: {  	[sflag:s12] =	ssyncadd.s32 @!p2 $0xFFFFFF80  }
0x4b: {  	v2 =	vld @!p2 [tilespmem:$0x70]  }
0x4c: {  	v3 =	vld @!p2 [tilespmem:$0x60]  }
0x4d: {  	v4 =	vld @!p2 [tilespmem:$0x30]  }
0x4e: {  	v5 =	vld @!p2 [tilespmem:$0x20]  }
0x4f: {  	v6 =	vld @!p2 [tilespmem:$0x10]  }
0x50: {  	v7 =	vld @!p2 [tilespmem:$0x40];
	v2 =	vsub.s32 @!p2 v2, v0  }
0x51: {  	v8 =	vld @!p2 [tilespmem:$0x0];
	v3 =	vsub.s32 @!p2 v3, v0;
	v2 =	vmin.u32 @!p2 v2, $0x30E0  }
0x52: {  	v9 =	vld @!p2 [tilespmem:$0x50];
	v4 =	vsub.s32 @!p2 v4, v0;
	v3 =	vmin.u32 @!p2 v3, $0x30E0;
	[tilespmem:$0xF0] =	vst @!p2 v2  }
0x53: {  	v4 =	vmin.u32 @!p2 v4, $0x30E0;
	v2 =	vsub.s32 @!p2 v5, v0;
	[tilespmem:$0xE0] =	vst @!p2 v3  }
0x54: {  	v3 =	vsub.s32 @!p2 v6, v0;
	[tilespmem:$0xB0] =	vst @!p2 v4;
	v2 =	vmin.u32 @!p2 v2, $0x30E0  }
0x55: {  	v3 =	vmin.u32 @!p2 v3, $0x30E0;
	[tilespmem:$0xA0] =	vst @!p2 v2;
	v2 =	vsub.s32 @!p2 v7, v0  }
0x56: {  	v4 =	vsub.s32 @!p2 v8, v0;
	[tilespmem:$0x90] =	vst @!p2 v3;
	v2 =	vmin.u32 @!p2 v2, $0x30E0  }
0x57: {  	s31 =	smov.u32 s20;
	v3 =	vmin.u32 @!p2 v4, $0x30E0;
	[tilespmem:$0xC0] =	vst @!p2 v2;
	v2 =	vsub.s32 @!p2 v9, v0  }
0x58: {  	s22 =	simm.s32 @!p3 $0x1;
	s10 =	smov.u32 s21;
	s12 =	simm.s32 $0x10;
	[tilespmem:$0x80] =	vst @!p2 v3;
	v2 =	vmin.u32 @!p2 v2, $0x30E0  }
.LBB2_2:
0x59: {  	s31 =	sadd.s32 $0x8000, s31  }
0x5a: {  	[tilespmem:$0xD0] =	vst @!p2 v2;
	s10 =	sadd.s32 $0x100, s10;
	s23 =	smov.u32 s12;
	s12 =	sadd.s32 $0x10, s12  }
0x5b: {  	p3 =	sne.s32 s12, $0x1870;
	_ =	swait.ge @!p2 [sflag:s22], $0x4000  }
0x5c: {  	[sflag:s22] =	ssyncset.done @!p2 $0x0  }
0x5d: {  	s24 =	simm.s32 @!p2 $0x2;
	[sflag:s22] =	ssyncadd.s32 @!p2 $0xFFFFC000;
	s22 =	simm.s32 @!p2 $0x80  }
0x5e: {  	[spmem:s8] =	stream.indirect.scatter.add.f32 @!p2 [tilespmem:s9], [sflag:$0x2], $0x80, s22, s22, $0xb8;
	[tilespmem:$0x1C900] =	vst v63  }
0x5f: {  	s9 =	sadd.s32 s23, s1;
	_ =	swait.ge @!p2 [sflag:s24], $0x4000  }
0x60: {  	p4 =	sgt.u32 s9, $0x1869;
	[sflag:s24] =	ssyncset.done @!p2 $0x0  }
0x61: {  	s23 =	simm.s32 @!p4 $0x0;
	s9 =	simm.s32 @!p4 $0x100;
	[sflag:s24] =	ssyncadd.s32 @!p2 $0xFFFFC000  }
0x62: {  	[tilespmem:s9], [sflag:$0x1] =	stream.linear.gather @!p4 [hbm4b:s31+s23], $0x4000, $0x38;
	[tilespmem:$0x1C900] =	vst v63  }
0x63: {  	s22 =	simm.s32 @!p4 $0x1;
	s24 =	simm.s32 @!p4 $0x3;
	p2 =	por p4, p4  }
0x64: {  	[tilespmem:s23], [sflag:$0x3] =	stream.linear.gather @!p2 [hbm4b:s10+s23], $0x80, $0x38;
	[tilespmem:$0x1C900] =	vst v63  }
0x65: {  	_ =	swait.ge @!p2 [sflag:s24], $0x80  }
0x66: {  	[sflag:s24] =	ssyncset.done @!p2 $0x0  }
0x67: {  	[sflag:s24] =	ssyncadd.s32 @!p2 $0xFFFFFF80  }
0x68: {  	v2 =	vld @!p2 [tilespmem:$0x70]  }
0x69: {  	v3 =	vld @!p2 [tilespmem:$0x60]  }
0x6a: {  	v4 =	vld @!p2 [tilespmem:$0x30]  }
0x6b: {  	v5 =	vld @!p2 [tilespmem:$0x20]  }
0x6c: {  	v6 =	vld @!p2 [tilespmem:$0x10]  }
0x6d: {  	v7 =	vld @!p2 [tilespmem:$0x40];
	v2 =	vsub.s32 @!p2 v2, v0  }
0x6e: {  	v8 =	vld @!p2 [tilespmem:$0x0];
	v3 =	vsub.s32 @!p2 v3, v0;
	v2 =	vmin.u32 @!p2 v2, $0x30E0  }
0x6f: {  	v4 =	vsub.s32 @!p2 v4, v0;
	v9 =	vld @!p2 [tilespmem:$0x50];
	v3 =	vmin.u32 @!p2 v3, $0x30E0;
	[tilespmem:$0xF0] =	vst @!p2 v2  }
0x70: {  	v2 =	vsub.s32 @!p2 v5, v0;
	v4 =	vmin.u32 @!p2 v4, $0x30E0;
	[tilespmem:$0xE0] =	vst @!p2 v3  }
.Ltmp0:
0x71: {  	v3 =	vsub.s32 @!p2 v6, v0;
	v2 =	vmin.u32 @!p2 v2, $0x30E0;
	[tilespmem:$0xB0] =	vst @!p2 v4;
	(pc) =	sbr.rel @p3 .LBB2_2-.Ltmp0, $4  }
0x72: {  	v3 =	vmin.u32 @!p2 v3, $0x30E0;
	[tilespmem:$0xA0] =	vst @!p2 v2;
	v2 =	vsub.s32 @!p2 v7, v0  }
0x73: {  	v4 =	vsub.s32 @!p2 v8, v0;
	[tilespmem:$0x90] =	vst @!p2 v3;
	v2 =	vmin.u32 @!p2 v2, $0x30E0  }
0x74: {  	v3 =	vmin.u32 @!p2 v4, $0x30E0;
	[tilespmem:$0xC0] =	vst @!p2 v2;
	v2 =	vsub.s32 @!p2 v9, v0  }
0x75: {  	[tilespmem:$0x80] =	vst @!p2 v3;
	v2 =	vmin.u32 @!p2 v2, $0x30E0  }
0x76: {  	[tilespmem:$0xD0] =	vst @!p2 v2  }
0x77: {  	_ =	swait.ge @!p2 [sflag:s22], $0x4000  }
0x78: {  	[sflag:s22] =	ssyncset.done @!p2 $0x0  }
0x79: {  	s10 =	simm.s32 @!p2 $0x80;
	s12 =	simm.s32 @!p2 $0x2;
	[sflag:s22] =	ssyncadd.s32 @!p2 $0xFFFFC000  }
0x7a: {  	[spmem:s8] =	stream.indirect.scatter.add.f32 @!p2 [tilespmem:s9], [sflag:$0x2], $0x80, s10, s10, $0xb8;
	[tilespmem:$0x1C900] =	vst v63  }
0x7b: {  	_ =	swait.ge @!p2 [sflag:s12], $0x4000  }
0x7c: {  	[sflag:s12] =	ssyncset.done @!p2 $0x0  }
0x7d: {  	[sflag:s12] =	ssyncadd.s32 @!p2 $0xFFFFC000  }
0x7e: {  	[bflag:$0x0] =	sbarrier.arrive $0xFFFF  }
0x7f: {  	[tilespmem:s3], [sflag:$0x3] =	stream.linear.gather [spmem:s13], $0x4000, $0x38;
	[tilespmem:$0x1C900] =	vst v63  }
0x80: {  	_ =	swait.ge [sflag:s5], $0x4000  }
0x81: {  	[sflag:s5] =	ssyncset.done $0x0  }
0x82: {  	s23 =	rddreg [dreg:$0x4];
	[sflag:s5] =	ssyncadd.s32 $0xFFFFC000  }
0x83: {  	[hbm4b:s23+s0] =	stream.linear.scatter [tilespmem:s3], [sflag:$0x2], $0x4000, $0x38;
	[tilespmem:$0x1C900] =	vst v63  }
0x84: {  	_ =	swait.ge [sflag:s4], $0x4000  }
0x85: {  	[sflag:s4] =	ssyncset.done $0x0  }
0x86: {  	[sflag:s4] =	ssyncadd.s32 $0xFFFFC000  }
0x87: {  	[tilespmem:s3], [sflag:$0x3] =	stream.linear.gather [spmem:s14], $0x4000, $0x38;
	[tilespmem:$0x1C900] =	vst v63  }
0x88: {  	_ =	swait.ge [sflag:s5], $0x4000  }
0x89: {  	[sflag:s5] =	ssyncset.done $0x0  }
0x8a: {  	s24 =	rddreg [dreg:$0x5];
	[sflag:s5] =	ssyncadd.s32 $0xFFFFC000  }
0x8b: {  	[hbm4b:s24+s0] =	stream.linear.scatter [tilespmem:s3], [sflag:$0x2], $0x4000, $0x38;
	[tilespmem:$0x1C900] =	vst v63  }
0x8c: {  	_ =	swait.ge [sflag:s4], $0x4000  }
0x8d: {  	[sflag:s4] =	ssyncset.done $0x0  }
0x8e: {  	[sflag:s4] =	ssyncadd.s32 $0xFFFFC000  }
0x8f: {  	[tilespmem:s3], [sflag:$0x3] =	stream.linear.gather [spmem:s15], $0x4000, $0x38;
	[tilespmem:$0x1C900] =	vst v63  }
0x90: {  	_ =	swait.ge [sflag:s5], $0x4000  }
0x91: {  	[sflag:s5] =	ssyncset.done $0x0  }
0x92: {  	s10 =	rddreg [dreg:$0x6];
	[sflag:s5] =	ssyncadd.s32 $0xFFFFC000  }
0x93: {  	[hbm4b:s10+s0] =	stream.linear.scatter [tilespmem:s3], [sflag:$0x2], $0x4000, $0x38;
	[tilespmem:$0x1C900] =	vst v63  }
0x94: {  	_ =	swait.ge [sflag:s4], $0x4000  }
0x95: {  	[sflag:s4] =	ssyncset.done $0x0  }
0x96: {  	[sflag:s4] =	ssyncadd.s32 $0xFFFFC000  }
0x97: {  	[tilespmem:s3], [sflag:$0x3] =	stream.linear.gather [spmem:s16], $0x4000, $0x38;
	[tilespmem:$0x1C900] =	vst v63  }
0x98: {  	_ =	swait.ge [sflag:s5], $0x4000  }
0x99: {  	[sflag:s5] =	ssyncset.done $0x0  }
0x9a: {  	s12 =	rddreg [dreg:$0x7];
	[sflag:s5] =	ssyncadd.s32 $0xFFFFC000  }
0x9b: {  	[hbm4b:s12+s0] =	stream.linear.scatter [tilespmem:s3], [sflag:$0x2], $0x4000, $0x38;
	[tilespmem:$0x1C900] =	vst v63  }
0x9c: {  	_ =	swait.ge [sflag:s4], $0x4000  }
0x9d: {  	[sflag:s4] =	ssyncset.done $0x0  }
0x9e: {  	[sflag:s4] =	ssyncadd.s32 $0xFFFFC000  }
0x9f: {  	[tilespmem:s3], [sflag:$0x3] =	stream.linear.gather [spmem:s17], $0x4000, $0x38;
	[tilespmem:$0x1C900] =	vst v63  }
0xa0: {  	_ =	swait.ge [sflag:s5], $0x4000  }
0xa1: {  	[sflag:s5] =	ssyncset.done $0x0  }
0xa2: {  	s22 =	rddreg [dreg:$0x8];
	[sflag:s5] =	ssyncadd.s32 $0xFFFFC000  }
0xa3: {  	[hbm4b:s22+s0] =	stream.linear.scatter [tilespmem:s3], [sflag:$0x2], $0x4000, $0x38;
	[tilespmem:$0x1C900] =	vst v63  }
0xa4: {  	_ =	swait.ge [sflag:s4], $0x4000  }
0xa5: {  	[sflag:s4] =	ssyncset.done $0x0  }
0xa6: {  	[sflag:s4] =	ssyncadd.s32 $0xFFFFC000  }
0xa7: {  	[tilespmem:s3], [sflag:$0x3] =	stream.linear.gather [spmem:s18], $0x4000, $0x38;
	[tilespmem:$0x1C900] =	vst v63  }
0xa8: {  	_ =	swait.ge [sflag:s5], $0x4000  }
0xa9: {  	[sflag:s5] =	ssyncset.done $0x0  }
0xaa: {  	s23 =	rddreg [dreg:$0x9];
	[sflag:s5] =	ssyncadd.s32 $0xFFFFC000  }
0xab: {  	[hbm4b:s23+s0] =	stream.linear.scatter [tilespmem:s3], [sflag:$0x2], $0x4000, $0x38;
	[tilespmem:$0x1C900] =	vst v63  }
0xac: {  	_ =	swait.ge [sflag:s4], $0x4000  }
0xad: {  	[sflag:s4] =	ssyncset.done $0x0  }
0xae: {  	s9 =	simm.s32 @!p1 $0x100;
	s10 =	simm.s32 @!p1 $0x3;
	[sflag:s4] =	ssyncadd.s32 $0xFFFFC000  }
0xaf: {  	[tilespmem:s9], [sflag:$0x3] =	stream.linear.gather @!p1 [spmem:s2], $0x4000, $0x38;
	[tilespmem:$0x1C900] =	vst v63  }
0xb0: {  	_ =	swait.ge @!p1 [sflag:s10], $0x4000  }
0xb1: {  	[sflag:s10] =	ssyncset.done @!p1 $0x0  }
0xb2: {  	s12 =	rddreg [dreg:$0xd];
	[sflag:s10] =	ssyncadd.s32 @!p1 $0xFFFFC000;
	s10 =	simm.s32 @!p1 $0x0  }
0xb3: {  	[hbm4b:s12+s10] =	stream.linear.scatter @!p1 [tilespmem:s9], [sflag:$0x2], $0x4000, $0x38;
	[tilespmem:$0x1C900] =	vst v63  }
0xb4: {  	s12 =	simm.s32 @!p1 $0x2  }
0xb5: {  	_ =	swait.ge @!p1 [sflag:s12], $0x4000  }
0xb6: {  	[sflag:s12] =	ssyncset.done @!p1 $0x0  }
0xb7: {  	[sflag:s12] =	ssyncadd.s32 @!p1 $0xFFFFC000  }
0xb8: {  	[tilespmem:s9], [sflag:$0x2] =	stream.linear.gather @!p1 [spmem:s6], $0x3000, $0x38;
	[tilespmem:$0x1C900] =	vst v63  }
0xb9: {  	_ =	swait.ge @!p1 [sflag:s12], $0x3000  }
0xba: {  	[sflag:s12] =	ssyncset.done @!p1 $0x0  }
0xbb: {  	s22 =	rddreg [dreg:$0xb];
	[sflag:s12] =	ssyncadd.s32 @!p1 $0xFFFFD000  }
0xbc: {  	[hbm4b:s22+s10] =	stream.linear.scatter @!p1 [tilespmem:s9], [sflag:$0x2], $0x3000, $0x38;
	[tilespmem:$0x1C900] =	vst v63  }
0xbd: {  	_ =	swait.ge @!p1 [sflag:s12], $0x3000  }
0xbe: {  	[sflag:s12] =	ssyncset.done @!p1 $0x0  }
0xbf: {  	[sflag:s12] =	ssyncadd.s32 @!p1 $0xFFFFD000  }
0xc0: {  	[bflag:$0x0] =	sbarrier.arrive $0xFFFF  }
0xc1: {  	[tilespmem:s3], [sflag:$0x2] =	stream.linear.gather [hbm4b:s11+s0], $0x4000, $0x38;
	[tilespmem:$0x1C900] =	vst v63  }
0xc2: {  	_ =	swait.ge [sflag:s4], $0x4000  }
0xc3: {  	[sflag:s4] =	ssyncset.done $0x0  }
0xc4: {  	[sflag:s4] =	ssyncadd.s32 $0xFFFFC000  }
0xc5: {  	[spmem:s13] =	stream.linear.scatter [tilespmem:s3], [sflag:$0x2], $0x4000, $0x38;
	[tilespmem:$0x1C900] =	vst v63  }
0xc6: {  	_ =	swait.ge [sflag:s4], $0x4000  }
0xc7: {  	[sflag:s4] =	ssyncset.done $0x0  }
0xc8: {  	[sflag:s4] =	ssyncadd.s32 $0xFFFFC000  }
0xc9: {  	[spmem:s14] =	stream.linear.scatter [tilespmem:s3], [sflag:$0x2], $0x4000, $0x38;
	[tilespmem:$0x1C900] =	vst v63  }
0xca: {  	_ =	swait.ge [sflag:s4], $0x4000  }
0xcb: {  	[sflag:s4] =	ssyncset.done $0x0  }
0xcc: {  	[sflag:s4] =	ssyncadd.s32 $0xFFFFC000  }
0xcd: {  	[spmem:s15] =	stream.linear.scatter [tilespmem:s3], [sflag:$0x2], $0x4000, $0x38;
	[tilespmem:$0x1C900] =	vst v63  }
0xce: {  	_ =	swait.ge [sflag:s4], $0x4000  }
0xcf: {  	[sflag:s4] =	ssyncset.done $0x0  }
0xd0: {  	[sflag:s4] =	ssyncadd.s32 $0xFFFFC000  }
0xd1: {  	[spmem:s16] =	stream.linear.scatter [tilespmem:s3], [sflag:$0x2], $0x4000, $0x38;
	[tilespmem:$0x1C900] =	vst v63  }
0xd2: {  	_ =	swait.ge [sflag:s4], $0x4000  }
0xd3: {  	[sflag:s4] =	ssyncset.done $0x0  }
0xd4: {  	[sflag:s4] =	ssyncadd.s32 $0xFFFFC000  }
0xd5: {  	[spmem:s17] =	stream.linear.scatter [tilespmem:s3], [sflag:$0x2], $0x4000, $0x38;
	[tilespmem:$0x1C900] =	vst v63  }
0xd6: {  	_ =	swait.ge [sflag:s4], $0x4000  }
0xd7: {  	[sflag:s4] =	ssyncset.done $0x0  }
0xd8: {  	[sflag:s4] =	ssyncadd.s32 $0xFFFFC000  }
0xd9: {  	[spmem:s18] =	stream.linear.scatter [tilespmem:s3], [sflag:$0x2], $0x4000, $0x38;
	[tilespmem:$0x1C900] =	vst v63  }
0xda: {  	_ =	swait.ge [sflag:s4], $0x4000  }
0xdb: {  	[sflag:s4] =	ssyncset.done $0x0  }
0xdc: {  	s9 =	simm.s32 @!p0 $0x100;
	[sflag:s4] =	ssyncadd.s32 $0xFFFFC000  }
0xdd: {  	[spmem:s19] =	stream.linear.scatter @!p0 [tilespmem:s9], [sflag:$0x2], $0x4000, $0x38;
	[tilespmem:$0x1C900] =	vst v63  }
0xde: {  	s9 =	simm.s32 @!p0 $0x2  }
0xdf: {  	_ =	swait.ge @!p0 [sflag:s9], $0x4000  }
0xe0: {  	s24 =	sadd.s32 $0x0, s1;
	[sflag:s9] =	ssyncset.done @!p0 $0x0  }
0xe1: {  	p3 =	sgt.u32 s24, $0x1869;
	[sflag:s9] =	ssyncadd.s32 @!p0 $0xFFFFC000  }
0xe2: {  	s10 =	simm.s32 @!p3 $0x0;
	s9 =	simm.s32 @!p3 $0x100;
	[bflag:$0x0] =	sbarrier.arrive $0xFFFF  }
0xe3: {  	[tilespmem:s9], [sflag:$0x1] =	stream.linear.gather @!p3 [hbm4b:s20+s10], $0x4000, $0x38;
	[tilespmem:$0x1C900] =	vst v63  }
0xe4: {  	p2 =	por p3, p3;
	s12 =	simm.s32 @!p3 $0x3  }
0xe5: {  	[tilespmem:s10], [sflag:$0x3] =	stream.linear.gather @!p2 [hbm4b:s21+s10], $0x80, $0x38;
	[tilespmem:$0x1C900] =	vst v63  }
0xe6: {  	_ =	swait.ge @!p2 [sflag:s12], $0x80  }
0xe7: {  	[sflag:s12] =	ssyncset.done @!p2 $0x0  }
0xe8: {  	[sflag:s12] =	ssyncadd.s32 @!p2 $0xFFFFFF80  }
0xe9: {  	v2 =	vld @!p2 [tilespmem:$0x70]  }
0xea: {  	v3 =	vld @!p2 [tilespmem:$0x60]  }
0xeb: {  	v4 =	vld @!p2 [tilespmem:$0x30]  }
0xec: {  	v5 =	vld @!p2 [tilespmem:$0x20]  }
0xed: {  	v6 =	vld @!p2 [tilespmem:$0x10]  }
0xee: {  	v7 =	vld @!p2 [tilespmem:$0x40];
	v2 =	vsub.s32 @!p2 v2, v1  }
0xef: {  	v8 =	vld @!p2 [tilespmem:$0x0];
	v3 =	vsub.s32 @!p2 v3, v1;
	v2 =	vmin.u32 @!p2 v2, $0x30E0  }
0xf0: {  	v9 =	vld @!p2 [tilespmem:$0x50];
	v4 =	vsub.s32 @!p2 v4, v1;
	v3 =	vmin.u32 @!p2 v3, $0x30E0;
	[tilespmem:$0xF0] =	vst @!p2 v2  }
0xf1: {  	v4 =	vmin.u32 @!p2 v4, $0x30E0;
	v2 =	vsub.s32 @!p2 v5, v1;
	[tilespmem:$0xE0] =	vst @!p2 v3  }
0xf2: {  	v3 =	vsub.s32 @!p2 v6, v1;
	[tilespmem:$0xB0] =	vst @!p2 v4;
	v2 =	vmin.u32 @!p2 v2, $0x30E0  }
0xf3: {  	v3 =	vmin.u32 @!p2 v3, $0x30E0;
	[tilespmem:$0xA0] =	vst @!p2 v2;
	v2 =	vsub.s32 @!p2 v7, v1  }
0xf4: {  	v4 =	vsub.s32 @!p2 v8, v1;
	[tilespmem:$0x90] =	vst @!p2 v3;
	v2 =	vmin.u32 @!p2 v2, $0x30E0  }
0xf5: {  	s31 =	smov.u32 s20;
	v3 =	vmin.u32 @!p2 v4, $0x30E0;
	[tilespmem:$0xC0] =	vst @!p2 v2;
	v2 =	vsub.s32 @!p2 v9, v1  }
0xf6: {  	s22 =	simm.s32 @!p3 $0x1;
	s10 =	smov.u32 s21;
	s12 =	simm.s32 $0x10;
	[tilespmem:$0x80] =	vst @!p2 v3;
	v2 =	vmin.u32 @!p2 v2, $0x30E0  }
.LBB2_4:
0xf7: {  	s31 =	sadd.s32 $0x8000, s31  }
0xf8: {  	[tilespmem:$0xD0] =	vst @!p2 v2;
	s10 =	sadd.s32 $0x100, s10;
	s23 =	smov.u32 s12;
	s12 =	sadd.s32 $0x10, s12  }
0xf9: {  	p3 =	sne.s32 s12, $0x1870;
	_ =	swait.ge @!p2 [sflag:s22], $0x4000  }
0xfa: {  	[sflag:s22] =	ssyncset.done @!p2 $0x0  }
0xfb: {  	s24 =	simm.s32 @!p2 $0x2;
	[sflag:s22] =	ssyncadd.s32 @!p2 $0xFFFFC000;
	s22 =	simm.s32 @!p2 $0x80  }
0xfc: {  	[spmem:s8] =	stream.indirect.scatter.add.f32 @!p2 [tilespmem:s9], [sflag:$0x2], $0x80, s22, s22, $0xb8;
	[tilespmem:$0x1C900] =	vst v63  }
0xfd: {  	s9 =	sadd.s32 s23, s1;
	_ =	swait.ge @!p2 [sflag:s24], $0x4000  }
0xfe: {  	p4 =	sgt.u32 s9, $0x1869;
	[sflag:s24] =	ssyncset.done @!p2 $0x0  }
0xff: {  	s23 =	simm.s32 @!p4 $0x0;
	s9 =	simm.s32 @!p4 $0x100;
	[sflag:s24] =	ssyncadd.s32 @!p2 $0xFFFFC000  }
0x100: {  	[tilespmem:s9], [sflag:$0x1] =	stream.linear.gather @!p4 [hbm4b:s31+s23], $0x4000, $0x38;
	[tilespmem:$0x1C900] =	vst v63  }
0x101: {  	s22 =	simm.s32 @!p4 $0x1;
	s24 =	simm.s32 @!p4 $0x3;
	p2 =	por p4, p4  }
0x102: {  	[tilespmem:s23], [sflag:$0x3] =	stream.linear.gather @!p2 [hbm4b:s10+s23], $0x80, $0x38;
	[tilespmem:$0x1C900] =	vst v63  }
0x103: {  	_ =	swait.ge @!p2 [sflag:s24], $0x80  }
0x104: {  	[sflag:s24] =	ssyncset.done @!p2 $0x0  }
0x105: {  	[sflag:s24] =	ssyncadd.s32 @!p2 $0xFFFFFF80  }
0x106: {  	v2 =	vld @!p2 [tilespmem:$0x70]  }
0x107: {  	v3 =	vld @!p2 [tilespmem:$0x60]  }
0x108: {  	v4 =	vld @!p2 [tilespmem:$0x30]  }
0x109: {  	v5 =	vld @!p2 [tilespmem:$0x20]  }
0x10a: {  	v6 =	vld @!p2 [tilespmem:$0x10]  }
0x10b: {  	v7 =	vld @!p2 [tilespmem:$0x40];
	v2 =	vsub.s32 @!p2 v2, v1  }
0x10c: {  	v8 =	vld @!p2 [tilespmem:$0x0];
	v3 =	vsub.s32 @!p2 v3, v1;
	v2 =	vmin.u32 @!p2 v2, $0x30E0  }
0x10d: {  	v4 =	vsub.s32 @!p2 v4, v1;
	v9 =	vld @!p2 [tilespmem:$0x50];
	v3 =	vmin.u32 @!p2 v3, $0x30E0;
	[tilespmem:$0xF0] =	vst @!p2 v2  }
0x10e: {  	v2 =	vsub.s32 @!p2 v5, v1;
	v4 =	vmin.u32 @!p2 v4, $0x30E0;
	[tilespmem:$0xE0] =	vst @!p2 v3  }
.Ltmp1:
0x10f: {  	v3 =	vsub.s32 @!p2 v6, v1;
	v2 =	vmin.u32 @!p2 v2, $0x30E0;
	[tilespmem:$0xB0] =	vst @!p2 v4;
	(pc) =	sbr.rel @p3 .LBB2_4-.Ltmp1, $4  }
0x110: {  	v3 =	vmin.u32 @!p2 v3, $0x30E0;
	[tilespmem:$0xA0] =	vst @!p2 v2;
	v2 =	vsub.s32 @!p2 v7, v1  }
0x111: {  	v4 =	vsub.s32 @!p2 v8, v1;
	[tilespmem:$0x90] =	vst @!p2 v3;
	v2 =	vmin.u32 @!p2 v2, $0x30E0  }
0x112: {  	v3 =	vmin.u32 @!p2 v4, $0x30E0;
	[tilespmem:$0xC0] =	vst @!p2 v2;
	v2 =	vsub.s32 @!p2 v9, v1  }
0x113: {  	[tilespmem:$0x80] =	vst @!p2 v3;
	v2 =	vmin.u32 @!p2 v2, $0x30E0  }
0x114: {  	[tilespmem:$0xD0] =	vst @!p2 v2  }
0x115: {  	_ =	swait.ge @!p2 [sflag:s22], $0x4000  }
0x116: {  	[sflag:s22] =	ssyncset.done @!p2 $0x0  }
0x117: {  	s10 =	simm.s32 @!p2 $0x80;
	s12 =	simm.s32 @!p2 $0x2;
	[sflag:s22] =	ssyncadd.s32 @!p2 $0xFFFFC000  }
0x118: {  	[spmem:s8] =	stream.indirect.scatter.add.f32 @!p2 [tilespmem:s9], [sflag:$0x2], $0x80, s10, s10, $0xb8;
	[tilespmem:$0x1C900] =	vst v63  }
0x119: {  	_ =	swait.ge @!p2 [sflag:s12], $0x4000  }
0x11a: {  	[sflag:s12] =	ssyncset.done @!p2 $0x0  }
0x11b: {  	[sflag:s12] =	ssyncadd.s32 @!p2 $0xFFFFC000  }
0x11c: {  	[bflag:$0x0] =	sbarrier.arrive $0xFFFF  }
0x11d: {  	[tilespmem:s3], [sflag:$0x3] =	stream.linear.gather [spmem:s13], $0x4000, $0x38;
	[tilespmem:$0x1C900] =	vst v63  }
0x11e: {  	_ =	swait.ge [sflag:s5], $0x4000  }
0x11f: {  	[sflag:s5] =	ssyncset.done $0x0  }
0x120: {  	s23 =	rddreg [dreg:$0xe];
	[sflag:s5] =	ssyncadd.s32 $0xFFFFC000  }
0x121: {  	[hbm4b:s23+s0] =	stream.linear.scatter [tilespmem:s3], [sflag:$0x2], $0x4000, $0x38;
	[tilespmem:$0x1C900] =	vst v63  }
0x122: {  	_ =	swait.ge [sflag:s4], $0x4000  }
0x123: {  	[sflag:s4] =	ssyncset.done $0x0  }
0x124: {  	[sflag:s4] =	ssyncadd.s32 $0xFFFFC000  }
0x125: {  	[tilespmem:s3], [sflag:$0x3] =	stream.linear.gather [spmem:s14], $0x4000, $0x38;
	[tilespmem:$0x1C900] =	vst v63  }
0x126: {  	_ =	swait.ge [sflag:s5], $0x4000  }
0x127: {  	[sflag:s5] =	ssyncset.done $0x0  }
0x128: {  	s24 =	rddreg [dreg:$0xf];
	[sflag:s5] =	ssyncadd.s32 $0xFFFFC000  }
0x129: {  	[hbm4b:s24+s0] =	stream.linear.scatter [tilespmem:s3], [sflag:$0x2], $0x4000, $0x38;
	[tilespmem:$0x1C900] =	vst v63  }
0x12a: {  	_ =	swait.ge [sflag:s4], $0x4000  }
0x12b: {  	[sflag:s4] =	ssyncset.done $0x0  }
0x12c: {  	[sflag:s4] =	ssyncadd.s32 $0xFFFFC000  }
0x12d: {  	[tilespmem:s3], [sflag:$0x3] =	stream.linear.gather [spmem:s15], $0x4000, $0x38;
	[tilespmem:$0x1C900] =	vst v63  }
0x12e: {  	_ =	swait.ge [sflag:s5], $0x4000  }
0x12f: {  	[sflag:s5] =	ssyncset.done $0x0  }
0x130: {  	[sflag:s5] =	ssyncadd.s32 $0xFFFFC000  }
0x131: {  	[hbm4b:s25+s0] =	stream.linear.scatter [tilespmem:s3], [sflag:$0x2], $0x4000, $0x38;
	[tilespmem:$0x1C900] =	vst v63  }
0x132: {  	_ =	swait.ge [sflag:s4], $0x4000  }
0x133: {  	[sflag:s4] =	ssyncset.done $0x0  }
0x134: {  	[sflag:s4] =	ssyncadd.s32 $0xFFFFC000  }
0x135: {  	[tilespmem:s3], [sflag:$0x3] =	stream.linear.gather [spmem:s16], $0x4000, $0x38;
	[tilespmem:$0x1C900] =	vst v63  }
0x136: {  	_ =	swait.ge [sflag:s5], $0x4000  }
0x137: {  	[sflag:s5] =	ssyncset.done $0x0  }
0x138: {  	[sflag:s5] =	ssyncadd.s32 $0xFFFFC000  }
0x139: {  	[hbm4b:s26+s0] =	stream.linear.scatter [tilespmem:s3], [sflag:$0x2], $0x4000, $0x38;
	[tilespmem:$0x1C900] =	vst v63  }
0x13a: {  	_ =	swait.ge [sflag:s4], $0x4000  }
0x13b: {  	[sflag:s4] =	ssyncset.done $0x0  }
0x13c: {  	[sflag:s4] =	ssyncadd.s32 $0xFFFFC000  }
0x13d: {  	[tilespmem:s3], [sflag:$0x3] =	stream.linear.gather [spmem:s17], $0x4000, $0x38;
	[tilespmem:$0x1C900] =	vst v63  }
0x13e: {  	_ =	swait.ge [sflag:s5], $0x4000  }
0x13f: {  	[sflag:s5] =	ssyncset.done $0x0  }
0x140: {  	[sflag:s5] =	ssyncadd.s32 $0xFFFFC000  }
0x141: {  	[hbm4b:s28+s0] =	stream.linear.scatter [tilespmem:s3], [sflag:$0x2], $0x4000, $0x38;
	[tilespmem:$0x1C900] =	vst v63  }
0x142: {  	_ =	swait.ge [sflag:s4], $0x4000  }
0x143: {  	[sflag:s4] =	ssyncset.done $0x0  }
0x144: {  	[sflag:s4] =	ssyncadd.s32 $0xFFFFC000  }
0x145: {  	[tilespmem:s3], [sflag:$0x3] =	stream.linear.gather [spmem:s18], $0x4000, $0x38;
	[tilespmem:$0x1C900] =	vst v63  }
0x146: {  	_ =	swait.ge [sflag:s5], $0x4000  }
0x147: {  	[sflag:s5] =	ssyncset.done $0x0  }
0x148: {  	[sflag:s5] =	ssyncadd.s32 $0xFFFFC000  }
0x149: {  	[hbm4b:s29+s0] =	stream.linear.scatter [tilespmem:s3], [sflag:$0x2], $0x4000, $0x38;
	[tilespmem:$0x1C900] =	vst v63  }
0x14a: {  	_ =	swait.ge [sflag:s4], $0x4000  }
0x14b: {  	[sflag:s4] =	ssyncset.done $0x0  }
0x14c: {  	s9 =	simm.s32 @!p1 $0x100;
	s10 =	simm.s32 @!p1 $0x3;
	[sflag:s4] =	ssyncadd.s32 $0xFFFFC000  }
0x14d: {  	[tilespmem:s9], [sflag:$0x3] =	stream.linear.gather @!p1 [spmem:s2], $0x4000, $0x38;
	[tilespmem:$0x1C900] =	vst v63  }
0x14e: {  	_ =	swait.ge @!p1 [sflag:s10], $0x4000  }
0x14f: {  	[sflag:s10] =	ssyncset.done @!p1 $0x0  }
0x150: {  	s12 =	simm.s32 @!p1 $0x2;
	[sflag:s10] =	ssyncadd.s32 @!p1 $0xFFFFC000;
	s10 =	simm.s32 @!p1 $0x0  }
0x151: {  	[hbm4b:s30+s10] =	stream.linear.scatter @!p1 [tilespmem:s9], [sflag:$0x2], $0x4000, $0x38;
	[tilespmem:$0x1C900] =	vst v63  }
0x152: {  	_ =	swait.ge @!p1 [sflag:s12], $0x4000  }
0x153: {  	[sflag:s12] =	ssyncset.done @!p1 $0x0  }
0x154: {  	[sflag:s12] =	ssyncadd.s32 @!p1 $0xFFFFC000  }
0x155: {  	[tilespmem:s9], [sflag:$0x2] =	stream.linear.gather @!p1 [spmem:s6], $0x3000, $0x38;
	[tilespmem:$0x1C900] =	vst v63  }
0x156: {  	_ =	swait.ge @!p1 [sflag:s12], $0x3000  }
0x157: {  	[sflag:s12] =	ssyncset.done @!p1 $0x0  }
0x158: {  	s22 =	rddreg [dreg:$0xc];
	[sflag:s12] =	ssyncadd.s32 @!p1 $0xFFFFD000  }
0x159: {  	[hbm4b:s22+s10] =	stream.linear.scatter @!p1 [tilespmem:s9], [sflag:$0x2], $0x3000, $0x38;
	[tilespmem:$0x1C900] =	vst v63  }
0x15a: {  	_ =	swait.ge @!p1 [sflag:s12], $0x3000  }
0x15b: {  	s7 =	sadd.s32 $0x1, s7;
	s31 =	rddreg [dreg:$0xa]  }
0x15c: {  	p2 =	sne.s32 s7, s31  }
.Ltmp2:
0x15d: {  	_ = 	snop;
	(pc) =	sbr.rel @p2 .LBB2_1-.Ltmp2, $3  }
0x15e: {  	[sflag:s12] =	ssyncset.done @!p1 $0x0  }
0x15f: {  	[sflag:s12] =	ssyncadd.s32 @!p1 $0xFFFFD000  }
0x160: {  	[bflag:$0x0] =	sbarrier.arrive $0xFFFF;
	_ =	sdelay $0x1  }
0x161: {  	_ =	sfence.sel $0x180000  }
0x162: {  	[bflag:$0x0] =	sbarrier.arrive $0xFFFF  }
0x163: {  	_ =	strace $0x90000050  }
0x164: {  	[bflag:$0x2] =	sbarrier.arrive $0xFFFF  }
0x165: {  	s0 =	rddreg [dreg:$0x3]  }
0x166: {  	s0 =	sadd.s32 @!p1 $0x100000, s0  }
0x167: {  	[sflag:s0] =	ssyncadd.tile.s32 @!p1 $0x1;
	_ =	shalt  }
.Lfunc_end2:
_tile_overlayer_lowered:
.L_overlay_start_2:
0x168: {  	(tag) =	ssettag $0x2  }
0x169: {  	s0 =	rddreg [dreg:$0x0];
	s2 =	stileid.u32  }
0x16a: {  	s1 =	rddreg [dreg:$0x1];
	p0 =	sne.s32 s2, $0x0  }
0x16b: {  	s3 =	rddreg [dreg:$0x2];
	[bflag:$0x3] =	sbarrier.arrive $0xFFFF;
	s2 =	simm.s32 @!p0 $0x1C02  }
0x16c: {  	[timem:s3], [sflag:s2] =	dma.local @!p0 [hbm:s0], s1  }
0x16d: {  	s0 =	simm.s32 @!p0 $0x2  }
0x16e: {  	_ =	swait.ge @!p0 [sflag:s0], s1  }
0x16f: {  	s1 =	ssub.s32 @!p0 $0x0, s1;
	[sflag:s0] =	ssyncset.done @!p0 $0x0  }
0x170: {  	[sflag:s0] =	ssyncadd.s32 @!p0 s1  }
0x171: {  	[bflag:$0x3] =	sbarrier.arrive $0xFFFF  }
0x172: {  	_ =	shalt  }

</sc_bundles>
